<compile_context>
chip_gen: v7x
topology: tpu7x:2x2x1
jax: 0.10.2.dev20260603
libtpu: 0.0.44.dev20260713+nightly
codegen_flags: <defaults>
</compile_context>

<pallas_src>
import jax
import jax.numpy as jnp
from jax import lax
from jax.experimental import pallas as pl
from jax.experimental.pallas import tpu as pltpu
from jax.experimental.pallas import tpu_sc as plsc

VOCAB = 1000000
HIDDEN = 32
NUM_FIELD = 26
BATCH = 16384

N_TOT = BATCH * NUM_FIELD
NW = 32
PER_W = N_TOT // NW
CHUNK = 416
ROWS_PER_FIELD = CHUNK // NUM_FIELD
NPAIR = PER_W // (2 * CHUNK)
SUB = 104
NSUB = CHUNK // SUB

_LANES = 16


def _sc_body(x_hbm, mask_hbm, w_hbm, cb_hbm, out_hbm,
             xv, cbv, wbuf, mbuf, obuf, gsemA, gsemB, osemA, osemB):
  wid = lax.axis_index("c") * 16 + lax.axis_index("s")
  base = wid * PER_W

  pltpu.sync_copy(x_hbm.at[pl.ds(base, PER_W)], xv)
  pltpu.sync_copy(cb_hbm, cbv)

  fzero = jnp.zeros((_LANES,), jnp.float32)
  gsems = (gsemA, gsemB)
  osems = (osemA, osemB)

  def start_gather(c, p):
    for s in range(NSUB):
      idx = xv.at[pl.ds(c * CHUNK + s * SUB, SUB)]
      pltpu.async_copy(w_hbm.at[idx], wbuf.at[p, pl.ds(s * SUB, SUB)],
                       gsems[p])
      pltpu.async_copy(mask_hbm.at[idx], mbuf.at[p, pl.ds(s * SUB, SUB)],
                       gsems[p])

  def wait_gather(p):
    pltpu.make_async_copy(w_hbm.at[pl.ds(0, CHUNK)], wbuf.at[p],
                          gsems[p]).wait()
    pltpu.make_async_copy(mask_hbm.at[pl.ds(0, CHUNK)], mbuf.at[p],
                          gsems[p]).wait()

  def start_write(c, p):
    pltpu.async_copy(obuf.at[p],
                     out_hbm.at[pl.ds(base + c * CHUNK, CHUNK)], osems[p])

  def wait_write(p):
    pltpu.make_async_copy(obuf.at[p], out_hbm.at[pl.ds(0, CHUNK)],
                          osems[p]).wait()

  def compute(p):
    for j in range(NUM_FIELD):
      cb0 = cbv[j, pl.ds(0, _LANES)]
      cb1 = cbv[j, pl.ds(_LANES, _LANES)]

      def row_body(i, _, cb0=cb0, cb1=cb1, j=j):
        r = j + NUM_FIELD * i
        s0 = mbuf[p, r, pl.ds(0, _LANES)] != fzero
        s1 = mbuf[p, r, pl.ds(_LANES, _LANES)] != fzero
        w0 = wbuf[p, r, pl.ds(0, _LANES)]
        w1 = wbuf[p, r, pl.ds(_LANES, _LANES)]
        obuf[p, r, pl.ds(0, _LANES)] = jnp.where(s0, cb0, w0)
        obuf[p, r, pl.ds(_LANES, _LANES)] = jnp.where(s1, cb1, w1)
        return 0

      lax.fori_loop(0, ROWS_PER_FIELD, row_body, 0)

  def pair_body(k, _):
    cA = 2 * k
    cB = 2 * k + 1

    @pl.when(k > 0)
    def _():
      wait_write(0)
    start_gather(cB, 1)
    wait_gather(0)
    compute(0)
    start_write(cA, 0)

    @pl.when(k > 0)
    def _():
      wait_write(1)

    @pl.when(k < NPAIR - 1)
    def _():
      start_gather(cA + 2, 0)
    wait_gather(1)
    compute(1)
    start_write(cB, 1)
    return 0

  start_gather(0, 0)
  lax.fori_loop(0, NPAIR, pair_body, 0)
  wait_write(0)
  wait_write(1)


@jax.jit
def kernel(x, codebook_mask, weight, codebook):
  x_flat = x.reshape(N_TOT).astype(jnp.int32)
  mask_f = codebook_mask.astype(jnp.float32)

  mesh = plsc.VectorSubcoreMesh(core_axis_name="c", subcore_axis_name="s")
  out = pl.kernel(
      _sc_body,
      out_type=jax.ShapeDtypeStruct((N_TOT, HIDDEN), jnp.float32),
      mesh=mesh,
      compiler_params=pltpu.CompilerParams(
          use_tc_tiling_on_sc=False, needs_layout_passes=False),
      scratch_types=[
          pltpu.VMEM((PER_W,), jnp.int32),
          pltpu.VMEM((NUM_FIELD, HIDDEN), jnp.float32),
          pltpu.VMEM((2, CHUNK, HIDDEN), jnp.float32),
          pltpu.VMEM((2, CHUNK, HIDDEN), jnp.float32),
          pltpu.VMEM((2, CHUNK, HIDDEN), jnp.float32),
          pltpu.SemaphoreType.DMA,
          pltpu.SemaphoreType.DMA,
          pltpu.SemaphoreType.DMA,
          pltpu.SemaphoreType.DMA,
      ],
  )(x_flat, mask_f, weight, codebook)
  return out.reshape(BATCH, NUM_FIELD, HIDDEN)

# --- scband reference (transcript-rebuilt; emitter-appended) ---
"""Pipeline reference for scband-codebook-emb-84241488543760 (READ-ONLY COPY).

The authoritative reference and input builder live on the scoring server;
editing this copy changes nothing except your own understanding.
"""

import jax, jax.numpy as jnp
import numpy as np

VOCAB = 1000000
HIDDEN = 32
NUM_FIELD = 26
BATCH = 16384

def setup_inputs(seed: int = 0) -> dict:
    key = jax.random.key(seed)
    k1, k2, k3, k4 = jax.random.split(key, 4)
    x = jax.random.randint(k1, (BATCH, NUM_FIELD), 0, VOCAB, dtype=jnp.int64 if jax.config.jax_enable_x64 else jnp.int32)
    codebook_mask = jax.random.bernoulli(k2, 0.5, (VOCAB, HIDDEN))
    weight = jax.random.normal(k3, (VOCAB, HIDDEN), dtype=jnp.float32) * 0.02
    codebook = jax.random.normal(k4, (NUM_FIELD, HIDDEN), dtype=jnp.float32) * 0.02
    return {"x": x, "codebook_mask": codebook_mask, "weight": weight, "codebook": codebook}

def reference(x, codebook_mask, weight, codebook):
    # mask = F.embedding(x, codebook_mask) -> gather rows of bool mask table
    mask = jnp.take(codebook_mask, x, axis=0)            # (B, F, H) bool
    # w1 = F.embedding(x, weight) -> gather rows of weight table
    w1 = jnp.take(weight, x, axis=0)                     # (B, F, H) float32
    not_mask = jnp.logical_not(mask)
    # codebook is (NumField, Hidden); broadcasts against (B, F, H)
    emb = not_mask.astype(w1.dtype) * w1 + mask.astype(codebook.dtype) * codebook
    return emb

if __name__ == "__main__":
    import jax
    _d = setup_inputs()
    print(jax.jit(kernel)(*tuple(_d.values())))

</pallas_src>

<mosaic_0001>
#map = affine_map<(d0, d1) -> (0)>
#map1 = affine_map<(d0, d1) -> (0, 0)>
module attributes {stable_mosaic.version = 14 : i64} {
  func.func @_sc_body(%arg0: i32, %arg1: i32, %arg2: memref<425984xi32, #tpu.memory_space<hbm>>, %arg3: memref<1000000x32xf32, #tpu.memory_space<hbm>>, %arg4: memref<1000000x32xf32, #tpu.memory_space<hbm>>, %arg5: memref<26x32xf32, #tpu.memory_space<hbm>>, %arg6: memref<425984x32xf32, #tpu.memory_space<hbm>>, %arg7: memref<13312xi32, #tpu.memory_space<vmem>>, %arg8: memref<26x32xf32, #tpu.memory_space<vmem>>, %arg9: memref<2x416x32xf32, #tpu.memory_space<vmem>>, %arg10: memref<2x416x32xf32, #tpu.memory_space<vmem>>, %arg11: memref<2x416x32xf32, #tpu.memory_space<vmem>>, %arg12: memref<!tpu.dma_semaphore, #tpu.memory_space<semaphore_mem>>, %arg13: memref<!tpu.dma_semaphore, #tpu.memory_space<semaphore_mem>>, %arg14: memref<!tpu.dma_semaphore, #tpu.memory_space<semaphore_mem>>, %arg15: memref<!tpu.dma_semaphore, #tpu.memory_space<semaphore_mem>>) attributes {dimension_semantics = [#tpu.dimension_semantics<core_parallel>, #tpu.dimension_semantics<subcore_parallel>], iteration_bounds = array<i64: 2, 16>, scalar_prefetch = 0 : i64, scratch_operands = 9 : i64, tpu.core_type = #tpu.core_type<sc_vector_subcore>, window_params = [{transform_indices = #map}, {transform_indices = #map1}, {transform_indices = #map1}, {transform_indices = #map1}, {transform_indices = #map1}]} {
    %mul3A = arith.constant 16 : i32
    %mul3A_0 = arith.muli %arg0, %mul3A : i32
    %add3A = arith.addi %mul3A_0, %arg1 : i32
    %mul3A_1 = arith.constant 13312 : i32
    %mul3A_2 = arith.muli %add3A, %mul3A_1 : i32
    "tpu.region"() ({
      %run_scoped3A = tpu.sem_alloc : memref<!tpu.dma_semaphore, #tpu.memory_space<semaphore_mem>>
      %dma_start3A_118 = tpu.memref_slice %arg2[%mul3A_2] : memref<425984xi32, #tpu.memory_space<hbm>> -> memref<13312xi32, #tpu.memory_space<hbm>>
      %dma_start3A_119 = tpu.memref_slice %arg2[%mul3A_2] : memref<425984xi32, #tpu.memory_space<hbm>> -> memref<13312xi32, #tpu.memory_space<hbm>>
      tpu.enqueue_dma source(%dma_start3A_119 : memref<13312xi32, #tpu.memory_space<hbm>>) target(%arg7 : memref<13312xi32, #tpu.memory_space<vmem>>) target_semaphore(%run_scoped3A : memref<!tpu.dma_semaphore, #tpu.memory_space<semaphore_mem>>)
      %dma_wait3A_120 = tpu.memref_slice %arg2[%mul3A_2] : memref<425984xi32, #tpu.memory_space<hbm>> -> memref<13312xi32, #tpu.memory_space<hbm>>
      %dma_wait3A_121 = tpu.memref_slice %arg2[%mul3A_2] : memref<425984xi32, #tpu.memory_space<hbm>> -> memref<13312xi32, #tpu.memory_space<hbm>>
      tpu.wait_dma2 semaphore(%run_scoped3A : memref<!tpu.dma_semaphore, #tpu.memory_space<semaphore_mem>>) src(%dma_wait3A_121 : memref<13312xi32, #tpu.memory_space<hbm>>) dst(%arg7 : memref<13312xi32, #tpu.memory_space<vmem>>)
      tpu.yield
    }) : () -> ()
    "tpu.region"() ({
      %run_scoped3A = tpu.sem_alloc : memref<!tpu.dma_semaphore, #tpu.memory_space<semaphore_mem>>
      tpu.enqueue_dma source(%arg5 : memref<26x32xf32, #tpu.memory_space<hbm>>) target(%arg8 : memref<26x32xf32, #tpu.memory_space<vmem>>) target_semaphore(%run_scoped3A : memref<!tpu.dma_semaphore, #tpu.memory_space<semaphore_mem>>)
      tpu.wait_dma2 semaphore(%run_scoped3A : memref<!tpu.dma_semaphore, #tpu.memory_space<semaphore_mem>>) src(%arg5 : memref<26x32xf32, #tpu.memory_space<hbm>>) dst(%arg8 : memref<26x32xf32, #tpu.memory_space<vmem>>)
      tpu.yield
    }) : () -> ()
    %broadcast_in_dim3A = arith.constant 0.000000e+00 : f32
    %broadcast_in_dim3A_3 = vector.broadcast %broadcast_in_dim3A : f32 to vector<16xf32>
    %dma_start3A = arith.constant 0 : i32
    %dma_start3A_4 = arith.constant 0 : i32
    %dma_start3A_5 = arith.constant 0 : i32
    %dma_start3A_6 = tpu.memref_slice %arg9[%dma_start3A, %dma_start3A_4, %dma_start3A_5] : memref<2x416x32xf32, #tpu.memory_space<vmem>> -> memref<1x104x32xf32, #tpu.memory_space<vmem>>
    %dma_start3A_7 = tpu.memref_squeeze %dma_start3A_6 : memref<1x104x32xf32, #tpu.memory_space<vmem>> -> memref<104x32xf32, #tpu.memory_space<vmem>>
    %dma_start3A_8 = arith.constant 0 : i32
    %dma_start3A_9 = tpu.memref_slice %arg7[%dma_start3A_8] : memref<13312xi32, #tpu.memory_space<vmem>> -> memref<104xi32, #tpu.memory_space<vmem>>
    %dma_start3A_10 = arith.constant 0 : i32
    %dma_start3A_11 = arith.constant 0 : i32
    %dma_start3A_12 = tpu.memref_slice %arg4[%dma_start3A_10, %dma_start3A_11] : memref<1000000x32xf32, #tpu.memory_space<hbm>> -> memref<1000000x32xf32, #tpu.memory_space<hbm>>
    tpu.enqueue_indirect_dma source(%dma_start3A_12 : memref<1000000x32xf32, #tpu.memory_space<hbm>>) target(%dma_start3A_7 : memref<104x32xf32, #tpu.memory_space<vmem>>) offsets(%dma_start3A_9 : memref<104xi32, #tpu.memory_space<vmem>>) semaphore(%arg12 : memref<!tpu.dma_semaphore, #tpu.memory_space<semaphore_mem>>)
    %dma_start3A_13 = arith.constant 0 : i32
    %dma_start3A_14 = arith.constant 0 : i32
    %dma_start3A_15 = arith.constant 0 : i32
    %dma_start3A_16 = tpu.memref_slice %arg10[%dma_start3A_13, %dma_start3A_14, %dma_start3A_15] : memref<2x416x32xf32, #tpu.memory_space<vmem>> -> memref<1x104x32xf32, #tpu.memory_space<vmem>>
    %dma_start3A_17 = tpu.memref_squeeze %dma_start3A_16 : memref<1x104x32xf32, #tpu.memory_space<vmem>> -> memref<104x32xf32, #tpu.memory_space<vmem>>
    %dma_start3A_18 = arith.constant 0 : i32
    %dma_start3A_19 = tpu.memref_slice %arg7[%dma_start3A_18] : memref<13312xi32, #tpu.memory_space<vmem>> -> memref<104xi32, #tpu.memory_space<vmem>>
    %dma_start3A_20 = arith.constant 0 : i32
    %dma_start3A_21 = arith.constant 0 : i32
    %dma_start3A_22 = tpu.memref_slice %arg3[%dma_start3A_20, %dma_start3A_21] : memref<1000000x32xf32, #tpu.memory_space<hbm>> -> memref<1000000x32xf32, #tpu.memory_space<hbm>>
    tpu.enqueue_indirect_dma source(%dma_start3A_22 : memref<1000000x32xf32, #tpu.memory_space<hbm>>) target(%dma_start3A_17 : memref<104x32xf32, #tpu.memory_space<vmem>>) offsets(%dma_start3A_19 : memref<104xi32, #tpu.memory_space<vmem>>) semaphore(%arg12 : memref<!tpu.dma_semaphore, #tpu.memory_space<semaphore_mem>>)
    %dma_start3A_23 = arith.constant 0 : i32
    %dma_start3A_24 = arith.constant 104 : i32
    %dma_start3A_25 = arith.constant 0 : i32
    %dma_start3A_26 = tpu.memref_slice %arg9[%dma_start3A_23, %dma_start3A_24, %dma_start3A_25] : memref<2x416x32xf32, #tpu.memory_space<vmem>> -> memref<1x104x32xf32, #tpu.memory_space<vmem>>
    %dma_start3A_27 = tpu.memref_squeeze %dma_start3A_26 : memref<1x104x32xf32, #tpu.memory_space<vmem>> -> memref<104x32xf32, #tpu.memory_space<vmem>>
    %dma_start3A_28 = arith.constant 104 : i32
    %dma_start3A_29 = tpu.memref_slice %arg7[%dma_start3A_28] : memref<13312xi32, #tpu.memory_space<vmem>> -> memref<104xi32, #tpu.memory_space<vmem>>
    %dma_start3A_30 = arith.constant 0 : i32
    %dma_start3A_31 = arith.constant 0 : i32
    %dma_start3A_32 = tpu.memref_slice %arg4[%dma_start3A_30, %dma_start3A_31] : memref<1000000x32xf32, #tpu.memory_space<hbm>> -> memref<1000000x32xf32, #tpu.memory_space<hbm>>
    tpu.enqueue_indirect_dma source(%dma_start3A_32 : memref<1000000x32xf32, #tpu.memory_space<hbm>>) target(%dma_start3A_27 : memref<104x32xf32, #tpu.memory_space<vmem>>) offsets(%dma_start3A_29 : memref<104xi32, #tpu.memory_space<vmem>>) semaphore(%arg12 : memref<!tpu.dma_semaphore, #tpu.memory_space<semaphore_mem>>)
    %dma_start3A_33 = arith.constant 0 : i32
    %dma_start3A_34 = arith.constant 104 : i32
    %dma_start3A_35 = arith.constant 0 : i32
    %dma_start3A_36 = tpu.memref_slice %arg10[%dma_start3A_33, %dma_start3A_34, %dma_start3A_35] : memref<2x416x32xf32, #tpu.memory_space<vmem>> -> memref<1x104x32xf32, #tpu.memory_space<vmem>>
    %dma_start3A_37 = tpu.memref_squeeze %dma_start3A_36 : memref<1x104x32xf32, #tpu.memory_space<vmem>> -> memref<104x32xf32, #tpu.memory_space<vmem>>
    %dma_start3A_38 = arith.constant 104 : i32
    %dma_start3A_39 = tpu.memref_slice %arg7[%dma_start3A_38] : memref<13312xi32, #tpu.memory_space<vmem>> -> memref<104xi32, #tpu.memory_space<vmem>>
    %dma_start3A_40 = arith.constant 0 : i32
    %dma_start3A_41 = arith.constant 0 : i32
    %dma_start3A_42 = tpu.memref_slice %arg3[%dma_start3A_40, %dma_start3A_41] : memref<1000000x32xf32, #tpu.memory_space<hbm>> -> memref<1000000x32xf32, #tpu.memory_space<hbm>>
    tpu.enqueue_indirect_dma source(%dma_start3A_42 : memref<1000000x32xf32, #tpu.memory_space<hbm>>) target(%dma_start3A_37 : memref<104x32xf32, #tpu.memory_space<vmem>>) offsets(%dma_start3A_39 : memref<104xi32, #tpu.memory_space<vmem>>) semaphore(%arg12 : memref<!tpu.dma_semaphore, #tpu.memory_space<semaphore_mem>>)
    %dma_start3A_43 = arith.constant 0 : i32
    %dma_start3A_44 = arith.constant 208 : i32
    %dma_start3A_45 = arith.constant 0 : i32
    %dma_start3A_46 = tpu.memref_slice %arg9[%dma_start3A_43, %dma_start3A_44, %dma_start3A_45] : memref<2x416x32xf32, #tpu.memory_space<vmem>> -> memref<1x104x32xf32, #tpu.memory_space<vmem>>
    %dma_start3A_47 = tpu.memref_squeeze %dma_start3A_46 : memref<1x104x32xf32, #tpu.memory_space<vmem>> -> memref<104x32xf32, #tpu.memory_space<vmem>>
    %dma_start3A_48 = arith.constant 208 : i32
    %dma_start3A_49 = tpu.memref_slice %arg7[%dma_start3A_48] : memref<13312xi32, #tpu.memory_space<vmem>> -> memref<104xi32, #tpu.memory_space<vmem>>
    %dma_start3A_50 = arith.constant 0 : i32
    %dma_start3A_51 = arith.constant 0 : i32
    %dma_start3A_52 = tpu.memref_slice %arg4[%dma_start3A_50, %dma_start3A_51] : memref<1000000x32xf32, #tpu.memory_space<hbm>> -> memref<1000000x32xf32, #tpu.memory_space<hbm>>
    tpu.enqueue_indirect_dma source(%dma_start3A_52 : memref<1000000x32xf32, #tpu.memory_space<hbm>>) target(%dma_start3A_47 : memref<104x32xf32, #tpu.memory_space<vmem>>) offsets(%dma_start3A_49 : memref<104xi32, #tpu.memory_space<vmem>>) semaphore(%arg12 : memref<!tpu.dma_semaphore, #tpu.memory_space<semaphore_mem>>)
    %dma_start3A_53 = arith.constant 0 : i32
    %dma_start3A_54 = arith.constant 208 : i32
    %dma_start3A_55 = arith.constant 0 : i32
    %dma_start3A_56 = tpu.memref_slice %arg10[%dma_start3A_53, %dma_start3A_54, %dma_start3A_55] : memref<2x416x32xf32, #tpu.memory_space<vmem>> -> memref<1x104x32xf32, #tpu.memory_space<vmem>>
    %dma_start3A_57 = tpu.memref_squeeze %dma_start3A_56 : memref<1x104x32xf32, #tpu.memory_space<vmem>> -> memref<104x32xf32, #tpu.memory_space<vmem>>
    %dma_start3A_58 = arith.constant 208 : i32
    %dma_start3A_59 = tpu.memref_slice %arg7[%dma_start3A_58] : memref<13312xi32, #tpu.memory_space<vmem>> -> memref<104xi32, #tpu.memory_space<vmem>>
    %dma_start3A_60 = arith.constant 0 : i32
    %dma_start3A_61 = arith.constant 0 : i32
    %dma_start3A_62 = tpu.memref_slice %arg3[%dma_start3A_60, %dma_start3A_61] : memref<1000000x32xf32, #tpu.memory_space<hbm>> -> memref<1000000x32xf32, #tpu.memory_space<hbm>>
    tpu.enqueue_indirect_dma source(%dma_start3A_62 : memref<1000000x32xf32, #tpu.memory_space<hbm>>) target(%dma_start3A_57 : memref<104x32xf32, #tpu.memory_space<vmem>>) offsets(%dma_start3A_59 : memref<104xi32, #tpu.memory_space<vmem>>) semaphore(%arg12 : memref<!tpu.dma_semaphore, #tpu.memory_space<semaphore_mem>>)
    %dma_start3A_63 = arith.constant 0 : i32
    %dma_start3A_64 = arith.constant 312 : i32
    %dma_start3A_65 = arith.constant 0 : i32
    %dma_start3A_66 = tpu.memref_slice %arg9[%dma_start3A_63, %dma_start3A_64, %dma_start3A_65] : memref<2x416x32xf32, #tpu.memory_space<vmem>> -> memref<1x104x32xf32, #tpu.memory_space<vmem>>
    %dma_start3A_67 = tpu.memref_squeeze %dma_start3A_66 : memref<1x104x32xf32, #tpu.memory_space<vmem>> -> memref<104x32xf32, #tpu.memory_space<vmem>>
    %dma_start3A_68 = arith.constant 312 : i32
    %dma_start3A_69 = tpu.memref_slice %arg7[%dma_start3A_68] : memref<13312xi32, #tpu.memory_space<vmem>> -> memref<104xi32, #tpu.memory_space<vmem>>
    %dma_start3A_70 = arith.constant 0 : i32
    %dma_start3A_71 = arith.constant 0 : i32
    %dma_start3A_72 = tpu.memref_slice %arg4[%dma_start3A_70, %dma_start3A_71] : memref<1000000x32xf32, #tpu.memory_space<hbm>> -> memref<1000000x32xf32, #tpu.memory_space<hbm>>
    tpu.enqueue_indirect_dma source(%dma_start3A_72 : memref<1000000x32xf32, #tpu.memory_space<hbm>>) target(%dma_start3A_67 : memref<104x32xf32, #tpu.memory_space<vmem>>) offsets(%dma_start3A_69 : memref<104xi32, #tpu.memory_space<vmem>>) semaphore(%arg12 : memref<!tpu.dma_semaphore, #tpu.memory_space<semaphore_mem>>)
    %dma_start3A_73 = arith.constant 0 : i32
    %dma_start3A_74 = arith.constant 312 : i32
    %dma_start3A_75 = arith.constant 0 : i32
    %dma_start3A_76 = tpu.memref_slice %arg10[%dma_start3A_73, %dma_start3A_74, %dma_start3A_75] : memref<2x416x32xf32, #tpu.memory_space<vmem>> -> memref<1x104x32xf32, #tpu.memory_space<vmem>>
    %dma_start3A_77 = tpu.memref_squeeze %dma_start3A_76 : memref<1x104x32xf32, #tpu.memory_space<vmem>> -> memref<104x32xf32, #tpu.memory_space<vmem>>
    %dma_start3A_78 = arith.constant 312 : i32
    %dma_start3A_79 = tpu.memref_slice %arg7[%dma_start3A_78] : memref<13312xi32, #tpu.memory_space<vmem>> -> memref<104xi32, #tpu.memory_space<vmem>>
    %dma_start3A_80 = arith.constant 0 : i32
    %dma_start3A_81 = arith.constant 0 : i32
    %dma_start3A_82 = tpu.memref_slice %arg3[%dma_start3A_80, %dma_start3A_81] : memref<1000000x32xf32, #tpu.memory_space<hbm>> -> memref<1000000x32xf32, #tpu.memory_space<hbm>>
    tpu.enqueue_indirect_dma source(%dma_start3A_82 : memref<1000000x32xf32, #tpu.memory_space<hbm>>) target(%dma_start3A_77 : memref<104x32xf32, #tpu.memory_space<vmem>>) offsets(%dma_start3A_79 : memref<104xi32, #tpu.memory_space<vmem>>) semaphore(%arg12 : memref<!tpu.dma_semaphore, #tpu.memory_space<semaphore_mem>>)
    %scan3A = arith.constant 0 : i32
    %scan3A_83 = arith.constant 0 : i32
    %scan3A_84 = arith.constant 16 : i32
    %scan3A_85 = arith.addi %scan3A_83, %scan3A_84 : i32
    %scan3A_86 = arith.constant 1 : i32
    %scan3A_87 = scf.for %scan3A_118 = %scan3A_83 to %scan3A_85 step %scan3A_86 iter_args(%scan3A_119 = %scan3A) -> (i32)  : i32 {
      %mul3A_120 = arith.constant 2 : i32
      %mul3A_121 = arith.muli %mul3A_120, %scan3A_118 : i32
      %mul3A_122 = arith.constant 2 : i32
      %mul3A_123 = arith.muli %mul3A_122, %scan3A_118 : i32
      %add3A_124 = arith.constant 1 : i32
      %add3A_125 = arith.addi %mul3A_123, %add3A_124 : i32
      %gt3A = arith.constant 0 : i32
      %gt3A_126 = arith.cmpi sgt, %scan3A_118, %gt3A : i32
      %convert_element_type3A = arith.extui %gt3A_126 : i1 to i32
      %cond3A = arith.constant 0 : i32
      %cond3A_127 = arith.cmpi ne, %convert_element_type3A, %cond3A : i32
      scf.if %cond3A_127 {
        %dma_wait3A_1097 = arith.constant 0 : i32
        %dma_wait3A_1098 = arith.constant 0 : i32
        %dma_wait3A_1099 = arith.constant 0 : i32
        %dma_wait3A_1100 = tpu.memref_slice %arg11[%dma_wait3A_1097, %dma_wait3A_1098, %dma_wait3A_1099] : memref<2x416x32xf32, #tpu.memory_space<vmem>> -> memref<1x416x32xf32, #tpu.memory_space<vmem>>
        %dma_wait3A_1101 = tpu.memref_squeeze %dma_wait3A_1100 : memref<1x416x32xf32, #tpu.memory_space<vmem>> -> memref<416x32xf32, #tpu.memory_space<vmem>>
        %dma_wait3A_1102 = arith.constant 0 : i32
        %dma_wait3A_1103 = arith.constant 0 : i32
        %dma_wait3A_1104 = tpu.memref_slice %arg6[%dma_wait3A_1102, %dma_wait3A_1103] : memref<425984x32xf32, #tpu.memory_space<hbm>> -> memref<416x32xf32, #tpu.memory_space<hbm>>
        %dma_wait3A_1105 = arith.constant 0 : i32
        %dma_wait3A_1106 = arith.constant 0 : i32
        %dma_wait3A_1107 = tpu.memref_slice %arg6[%dma_wait3A_1105, %dma_wait3A_1106] : memref<425984x32xf32, #tpu.memory_space<hbm>> -> memref<416x32xf32, #tpu.memory_space<hbm>>
        %dma_wait3A_1108 = arith.constant 0 : i32
        %dma_wait3A_1109 = arith.constant 0 : i32
        %dma_wait3A_1110 = tpu.memref_slice %arg11[%dma_wait3A_1097, %dma_wait3A_1108, %dma_wait3A_1109] : memref<2x416x32xf32, #tpu.memory_space<vmem>> -> memref<1x416x32xf32, #tpu.memory_space<vmem>>
        %dma_wait3A_1111 = tpu.memref_squeeze %dma_wait3A_1110 : memref<1x416x32xf32, #tpu.memory_space<vmem>> -> memref<416x32xf32, #tpu.memory_space<vmem>>
        tpu.wait_dma2 semaphore(%arg14 : memref<!tpu.dma_semaphore, #tpu.memory_space<semaphore_mem>>) src(%dma_wait3A_1111 : memref<416x32xf32, #tpu.memory_space<vmem>>) dst(%dma_wait3A_1107 : memref<416x32xf32, #tpu.memory_space<hbm>>)
      } else {
      }
      %mul3A_128 = arith.constant 416 : i32
      %mul3A_129 = arith.muli %add3A_125, %mul3A_128 : i32
      %add3A_130 = arith.constant 0 : i32
      %add3A_131 = arith.addi %mul3A_129, %add3A_130 : i32
      %dma_start3A_132 = arith.constant 1 : i32
      %dma_start3A_133 = arith.constant 0 : i32
      %dma_start3A_134 = arith.constant 0 : i32
      %dma_start3A_135 = tpu.memref_slice %arg9[%dma_start3A_132, %dma_start3A_133, %dma_start3A_134] : memref<2x416x32xf32, #tpu.memory_space<vmem>> -> memref<1x104x32xf32, #tpu.memory_space<vmem>>
      %dma_start3A_136 = tpu.memref_squeeze %dma_start3A_135 : memref<1x104x32xf32, #tpu.memory_space<vmem>> -> memref<104x32xf32, #tpu.memory_space<vmem>>
      %dma_start3A_137 = tpu.memref_slice %arg7[%add3A_131] : memref<13312xi32, #tpu.memory_space<vmem>> -> memref<104xi32, #tpu.memory_space<vmem>>
      %dma_start3A_138 = arith.constant 0 : i32
      %dma_start3A_139 = arith.constant 0 : i32
      %dma_start3A_140 = tpu.memref_slice %arg4[%dma_start3A_138, %dma_start3A_139] : memref<1000000x32xf32, #tpu.memory_space<hbm>> -> memref<1000000x32xf32, #tpu.memory_space<hbm>>
      tpu.enqueue_indirect_dma source(%dma_start3A_140 : memref<1000000x32xf32, #tpu.memory_space<hbm>>) target(%dma_start3A_136 : memref<104x32xf32, #tpu.memory_space<vmem>>) offsets(%dma_start3A_137 : memref<104xi32, #tpu.memory_space<vmem>>) semaphore(%arg13 : memref<!tpu.dma_semaphore, #tpu.memory_space<semaphore_mem>>)
      %dma_start3A_141 = arith.constant 1 : i32
      %dma_start3A_142 = arith.constant 0 : i32
      %dma_start3A_143 = arith.constant 0 : i32
      %dma_start3A_144 = tpu.memref_slice %arg10[%dma_start3A_141, %dma_start3A_142, %dma_start3A_143] : memref<2x416x32xf32, #tpu.memory_space<vmem>> -> memref<1x104x32xf32, #tpu.memory_space<vmem>>
      %dma_start3A_145 = tpu.memref_squeeze %dma_start3A_144 : memref<1x104x32xf32, #tpu.memory_space<vmem>> -> memref<104x32xf32, #tpu.memory_space<vmem>>
      %dma_start3A_146 = tpu.memref_slice %arg7[%add3A_131] : memref<13312xi32, #tpu.memory_space<vmem>> -> memref<104xi32, #tpu.memory_space<vmem>>
      %dma_start3A_147 = arith.constant 0 : i32
      %dma_start3A_148 = arith.constant 0 : i32
      %dma_start3A_149 = tpu.memref_slice %arg3[%dma_start3A_147, %dma_start3A_148] : memref<1000000x32xf32, #tpu.memory_space<hbm>> -> memref<1000000x32xf32, #tpu.memory_space<hbm>>
      tpu.enqueue_indirect_dma source(%dma_start3A_149 : memref<1000000x32xf32, #tpu.memory_space<hbm>>) target(%dma_start3A_145 : memref<104x32xf32, #tpu.memory_space<vmem>>) offsets(%dma_start3A_146 : memref<104xi32, #tpu.memory_space<vmem>>) semaphore(%arg13 : memref<!tpu.dma_semaphore, #tpu.memory_space<semaphore_mem>>)
      %mul3A_150 = arith.constant 416 : i32
      %mul3A_151 = arith.muli %add3A_125, %mul3A_150 : i32
      %add3A_152 = arith.constant 104 : i32
      %add3A_153 = arith.addi %mul3A_151, %add3A_152 : i32
      %dma_start3A_154 = arith.constant 1 : i32
      %dma_start3A_155 = arith.constant 104 : i32
      %dma_start3A_156 = arith.constant 0 : i32
      %dma_start3A_157 = tpu.memref_slice %arg9[%dma_start3A_154, %dma_start3A_155, %dma_start3A_156] : memref<2x416x32xf32, #tpu.memory_space<vmem>> -> memref<1x104x32xf32, #tpu.memory_space<vmem>>
      %dma_start3A_158 = tpu.memref_squeeze %dma_start3A_157 : memref<1x104x32xf32, #tpu.memory_space<vmem>> -> memref<104x32xf32, #tpu.memory_space<vmem>>
      %dma_start3A_159 = tpu.memref_slice %arg7[%add3A_153] : memref<13312xi32, #tpu.memory_space<vmem>> -> memref<104xi32, #tpu.memory_space<vmem>>
      %dma_start3A_160 = arith.constant 0 : i32
      %dma_start3A_161 = arith.constant 0 : i32
      %dma_start3A_162 = tpu.memref_slice %arg4[%dma_start3A_160, %dma_start3A_161] : memref<1000000x32xf32, #tpu.memory_space<hbm>> -> memref<1000000x32xf32, #tpu.memory_space<hbm>>
      tpu.enqueue_indirect_dma source(%dma_start3A_162 : memref<1000000x32xf32, #tpu.memory_space<hbm>>) target(%dma_start3A_158 : memref<104x32xf32, #tpu.memory_space<vmem>>) offsets(%dma_start3A_159 : memref<104xi32, #tpu.memory_space<vmem>>) semaphore(%arg13 : memref<!tpu.dma_semaphore, #tpu.memory_space<semaphore_mem>>)
      %dma_start3A_163 = arith.constant 1 : i32
      %dma_start3A_164 = arith.constant 104 : i32
      %dma_start3A_165 = arith.constant 0 : i32
      %dma_start3A_166 = tpu.memref_slice %arg10[%dma_start3A_163, %dma_start3A_164, %dma_start3A_165] : memref<2x416x32xf32, #tpu.memory_space<vmem>> -> memref<1x104x32xf32, #tpu.memory_space<vmem>>
      %dma_start3A_167 = tpu.memref_squeeze %dma_start3A_166 : memref<1x104x32xf32, #tpu.memory_space<vmem>> -> memref<104x32xf32, #tpu.memory_space<vmem>>
      %dma_start3A_168 = tpu.memref_slice %arg7[%add3A_153] : memref<13312xi32, #tpu.memory_space<vmem>> -> memref<104xi32, #tpu.memory_space<vmem>>
      %dma_start3A_169 = arith.constant 0 : i32
      %dma_start3A_170 = arith.constant 0 : i32
      %dma_start3A_171 = tpu.memref_slice %arg3[%dma_start3A_169, %dma_start3A_170] : memref<1000000x32xf32, #tpu.memory_space<hbm>> -> memref<1000000x32xf32, #tpu.memory_space<hbm>>
      tpu.enqueue_indirect_dma source(%dma_start3A_171 : memref<1000000x32xf32, #tpu.memory_space<hbm>>) target(%dma_start3A_167 : memref<104x32xf32, #tpu.memory_space<vmem>>) offsets(%dma_start3A_168 : memref<104xi32, #tpu.memory_space<vmem>>) semaphore(%arg13 : memref<!tpu.dma_semaphore, #tpu.memory_space<semaphore_mem>>)
      %mul3A_172 = arith.constant 416 : i32
      %mul3A_173 = arith.muli %add3A_125, %mul3A_172 : i32
      %add3A_174 = arith.constant 208 : i32
      %add3A_175 = arith.addi %mul3A_173, %add3A_174 : i32
      %dma_start3A_176 = arith.constant 1 : i32
      %dma_start3A_177 = arith.constant 208 : i32
      %dma_start3A_178 = arith.constant 0 : i32
      %dma_start3A_179 = tpu.memref_slice %arg9[%dma_start3A_176, %dma_start3A_177, %dma_start3A_178] : memref<2x416x32xf32, #tpu.memory_space<vmem>> -> memref<1x104x32xf32, #tpu.memory_space<vmem>>
      %dma_start3A_180 = tpu.memref_squeeze %dma_start3A_179 : memref<1x104x32xf32, #tpu.memory_space<vmem>> -> memref<104x32xf32, #tpu.memory_space<vmem>>
      %dma_start3A_181 = tpu.memref_slice %arg7[%add3A_175] : memref<13312xi32, #tpu.memory_space<vmem>> -> memref<104xi32, #tpu.memory_space<vmem>>
      %dma_start3A_182 = arith.constant 0 : i32
      %dma_start3A_183 = arith.constant 0 : i32
      %dma_start3A_184 = tpu.memref_slice %arg4[%dma_start3A_182, %dma_start3A_183] : memref<1000000x32xf32, #tpu.memory_space<hbm>> -> memref<1000000x32xf32, #tpu.memory_space<hbm>>
      tpu.enqueue_indirect_dma source(%dma_start3A_184 : memref<1000000x32xf32, #tpu.memory_space<hbm>>) target(%dma_start3A_180 : memref<104x32xf32, #tpu.memory_space<vmem>>) offsets(%dma_start3A_181 : memref<104xi32, #tpu.memory_space<vmem>>) semaphore(%arg13 : memref<!tpu.dma_semaphore, #tpu.memory_space<semaphore_mem>>)
      %dma_start3A_185 = arith.constant 1 : i32
      %dma_start3A_186 = arith.constant 208 : i32
      %dma_start3A_187 = arith.constant 0 : i32
      %dma_start3A_188 = tpu.memref_slice %arg10[%dma_start3A_185, %dma_start3A_186, %dma_start3A_187] : memref<2x416x32xf32, #tpu.memory_space<vmem>> -> memref<1x104x32xf32, #tpu.memory_space<vmem>>
      %dma_start3A_189 = tpu.memref_squeeze %dma_start3A_188 : memref<1x104x32xf32, #tpu.memory_space<vmem>> -> memref<104x32xf32, #tpu.memory_space<vmem>>
      %dma_start3A_190 = tpu.memref_slice %arg7[%add3A_175] : memref<13312xi32, #tpu.memory_space<vmem>> -> memref<104xi32, #tpu.memory_space<vmem>>
      %dma_start3A_191 = arith.constant 0 : i32
      %dma_start3A_192 = arith.constant 0 : i32
      %dma_start3A_193 = tpu.memref_slice %arg3[%dma_start3A_191, %dma_start3A_192] : memref<1000000x32xf32, #tpu.memory_space<hbm>> -> memref<1000000x32xf32, #tpu.memory_space<hbm>>
      tpu.enqueue_indirect_dma source(%dma_start3A_193 : memref<1000000x32xf32, #tpu.memory_space<hbm>>) target(%dma_start3A_189 : memref<104x32xf32, #tpu.memory_space<vmem>>) offsets(%dma_start3A_190 : memref<104xi32, #tpu.memory_space<vmem>>) semaphore(%arg13 : memref<!tpu.dma_semaphore, #tpu.memory_space<semaphore_mem>>)
      %mul3A_194 = arith.constant 416 : i32
      %mul3A_195 = arith.muli %add3A_125, %mul3A_194 : i32
      %add3A_196 = arith.constant 312 : i32
      %add3A_197 = arith.addi %mul3A_195, %add3A_196 : i32
      %dma_start3A_198 = arith.constant 1 : i32
      %dma_start3A_199 = arith.constant 312 : i32
      %dma_start3A_200 = arith.constant 0 : i32
      %dma_start3A_201 = tpu.memref_slice %arg9[%dma_start3A_198, %dma_start3A_199, %dma_start3A_200] : memref<2x416x32xf32, #tpu.memory_space<vmem>> -> memref<1x104x32xf32, #tpu.memory_space<vmem>>
      %dma_start3A_202 = tpu.memref_squeeze %dma_start3A_201 : memref<1x104x32xf32, #tpu.memory_space<vmem>> -> memref<104x32xf32, #tpu.memory_space<vmem>>
      %dma_start3A_203 = tpu.memref_slice %arg7[%add3A_197] : memref<13312xi32, #tpu.memory_space<vmem>> -> memref<104xi32, #tpu.memory_space<vmem>>
      %dma_start3A_204 = arith.constant 0 : i32
      %dma_start3A_205 = arith.constant 0 : i32
      %dma_start3A_206 = tpu.memref_slice %arg4[%dma_start3A_204, %dma_start3A_205] : memref<1000000x32xf32, #tpu.memory_space<hbm>> -> memref<1000000x32xf32, #tpu.memory_space<hbm>>
      tpu.enqueue_indirect_dma source(%dma_start3A_206 : memref<1000000x32xf32, #tpu.memory_space<hbm>>) target(%dma_start3A_202 : memref<104x32xf32, #tpu.memory_space<vmem>>) offsets(%dma_start3A_203 : memref<104xi32, #tpu.memory_space<vmem>>) semaphore(%arg13 : memref<!tpu.dma_semaphore, #tpu.memory_space<semaphore_mem>>)
      %dma_start3A_207 = arith.constant 1 : i32
      %dma_start3A_208 = arith.constant 312 : i32
      %dma_start3A_209 = arith.constant 0 : i32
      %dma_start3A_210 = tpu.memref_slice %arg10[%dma_start3A_207, %dma_start3A_208, %dma_start3A_209] : memref<2x416x32xf32, #tpu.memory_space<vmem>> -> memref<1x104x32xf32, #tpu.memory_space<vmem>>
      %dma_start3A_211 = tpu.memref_squeeze %dma_start3A_210 : memref<1x104x32xf32, #tpu.memory_space<vmem>> -> memref<104x32xf32, #tpu.memory_space<vmem>>
      %dma_start3A_212 = tpu.memref_slice %arg7[%add3A_197] : memref<13312xi32, #tpu.memory_space<vmem>> -> memref<104xi32, #tpu.memory_space<vmem>>
      %dma_start3A_213 = arith.constant 0 : i32
      %dma_start3A_214 = arith.constant 0 : i32
      %dma_start3A_215 = tpu.memref_slice %arg3[%dma_start3A_213, %dma_start3A_214] : memref<1000000x32xf32, #tpu.memory_space<hbm>> -> memref<1000000x32xf32, #tpu.memory_space<hbm>>
      tpu.enqueue_indirect_dma source(%dma_start3A_215 : memref<1000000x32xf32, #tpu.memory_space<hbm>>) target(%dma_start3A_211 : memref<104x32xf32, #tpu.memory_space<vmem>>) offsets(%dma_start3A_212 : memref<104xi32, #tpu.memory_space<vmem>>) semaphore(%arg13 : memref<!tpu.dma_semaphore, #tpu.memory_space<semaphore_mem>>)
      %dma_wait3A_216 = arith.constant 0 : i32
      %dma_wait3A_217 = arith.constant 0 : i32
      %dma_wait3A_218 = arith.constant 0 : i32
      %dma_wait3A_219 = tpu.memref_slice %arg9[%dma_wait3A_216, %dma_wait3A_217, %dma_wait3A_218] : memref<2x416x32xf32, #tpu.memory_space<vmem>> -> memref<1x416x32xf32, #tpu.memory_space<vmem>>
      %dma_wait3A_220 = tpu.memref_squeeze %dma_wait3A_219 : memref<1x416x32xf32, #tpu.memory_space<vmem>> -> memref<416x32xf32, #tpu.memory_space<vmem>>
      %dma_wait3A_221 = arith.constant 0 : i32
      %dma_wait3A_222 = arith.constant 0 : i32
      %dma_wait3A_223 = tpu.memref_slice %arg4[%dma_wait3A_221, %dma_wait3A_222] : memref<1000000x32xf32, #tpu.memory_space<hbm>> -> memref<416x32xf32, #tpu.memory_space<hbm>>
      %dma_wait3A_224 = arith.constant 0 : i32
      %dma_wait3A_225 = arith.constant 0 : i32
      %dma_wait3A_226 = tpu.memref_slice %arg9[%dma_wait3A_216, %dma_wait3A_224, %dma_wait3A_225] : memref<2x416x32xf32, #tpu.memory_space<vmem>> -> memref<1x416x32xf32, #tpu.memory_space<vmem>>
      %dma_wait3A_227 = tpu.memref_squeeze %dma_wait3A_226 : memref<1x416x32xf32, #tpu.memory_space<vmem>> -> memref<416x32xf32, #tpu.memory_space<vmem>>
      %dma_wait3A_228 = arith.constant 0 : i32
      %dma_wait3A_229 = arith.constant 0 : i32
      %dma_wait3A_230 = tpu.memref_slice %arg4[%dma_wait3A_228, %dma_wait3A_229] : memref<1000000x32xf32, #tpu.memory_space<hbm>> -> memref<416x32xf32, #tpu.memory_space<hbm>>
      tpu.wait_dma2 semaphore(%arg12 : memref<!tpu.dma_semaphore, #tpu.memory_space<semaphore_mem>>) src(%dma_wait3A_230 : memref<416x32xf32, #tpu.memory_space<hbm>>) dst(%dma_wait3A_227 : memref<416x32xf32, #tpu.memory_space<vmem>>)
      %dma_wait3A_231 = arith.constant 0 : i32
      %dma_wait3A_232 = arith.constant 0 : i32
      %dma_wait3A_233 = arith.constant 0 : i32
      %dma_wait3A_234 = tpu.memref_slice %arg10[%dma_wait3A_231, %dma_wait3A_232, %dma_wait3A_233] : memref<2x416x32xf32, #tpu.memory_space<vmem>> -> memref<1x416x32xf32, #tpu.memory_space<vmem>>
      %dma_wait3A_235 = tpu.memref_squeeze %dma_wait3A_234 : memref<1x416x32xf32, #tpu.memory_space<vmem>> -> memref<416x32xf32, #tpu.memory_space<vmem>>
      %dma_wait3A_236 = arith.constant 0 : i32
      %dma_wait3A_237 = arith.constant 0 : i32
      %dma_wait3A_238 = tpu.memref_slice %arg3[%dma_wait3A_236, %dma_wait3A_237] : memref<1000000x32xf32, #tpu.memory_space<hbm>> -> memref<416x32xf32, #tpu.memory_space<hbm>>
      %dma_wait3A_239 = arith.constant 0 : i32
      %dma_wait3A_240 = arith.constant 0 : i32
      %dma_wait3A_241 = tpu.memref_slice %arg10[%dma_wait3A_231, %dma_wait3A_239, %dma_wait3A_240] : memref<2x416x32xf32, #tpu.memory_space<vmem>> -> memref<1x416x32xf32, #tpu.memory_space<vmem>>
      %dma_wait3A_242 = tpu.memref_squeeze %dma_wait3A_241 : memref<1x416x32xf32, #tpu.memory_space<vmem>> -> memref<416x32xf32, #tpu.memory_space<vmem>>
      %dma_wait3A_243 = arith.constant 0 : i32
      %dma_wait3A_244 = arith.constant 0 : i32
      %dma_wait3A_245 = tpu.memref_slice %arg3[%dma_wait3A_243, %dma_wait3A_244] : memref<1000000x32xf32, #tpu.memory_space<hbm>> -> memref<416x32xf32, #tpu.memory_space<hbm>>
      tpu.wait_dma2 semaphore(%arg12 : memref<!tpu.dma_semaphore, #tpu.memory_space<semaphore_mem>>) src(%dma_wait3A_245 : memref<416x32xf32, #tpu.memory_space<hbm>>) dst(%dma_wait3A_242 : memref<416x32xf32, #tpu.memory_space<vmem>>)
      %get3A = arith.constant 0 : i32
      %get3A_246 = arith.index_cast %get3A : i32 to index
      %get3A_247 = arith.constant 0 : index
      %get3A_248 = tpu.vector_load %arg8[%get3A_246, %get3A_247] {strides = array<i32>} : memref<26x32xf32, #tpu.memory_space<vmem>>, vector<16xf32>,
      %get3A_249 = arith.constant 0 : i32
      %get3A_250 = arith.index_cast %get3A_249 : i32 to index
      %get3A_251 = arith.constant 16 : index
      %get3A_252 = tpu.vector_load %arg8[%get3A_250, %get3A_251] {strides = array<i32>} : memref<26x32xf32, #tpu.memory_space<vmem>>, vector<16xf32>,
      %scan3A_253 = arith.constant 0 : i32
      %scan3A_254 = arith.constant 0 : i32
      %scan3A_255 = arith.constant 16 : i32
      %scan3A_256 = arith.addi %scan3A_254, %scan3A_255 : i32
      %scan3A_257 = arith.constant 1 : i32
      %scan3A_258 = scf.for %scan3A_1097 = %scan3A_254 to %scan3A_256 step %scan3A_257 iter_args(%scan3A_1098 = %scan3A_253) -> (i32)  : i32 {
        %mul3A_1099 = arith.constant 26 : i32
        %mul3A_1100 = arith.muli %mul3A_1099, %scan3A_1097 : i32
        %add3A_1101 = arith.constant 0 : i32
        %add3A_1102 = arith.addi %add3A_1101, %mul3A_1100 : i32
        %get3A_1103 = arith.constant 0 : i32
        %get3A_1104 = arith.index_cast %get3A_1103 : i32 to index
        %get3A_1105 = arith.index_cast %add3A_1102 : i32 to index
        %get3A_1106 = arith.constant 0 : index
        %get3A_1107 = tpu.vector_load %arg10[%get3A_1104, %get3A_1105, %get3A_1106] {strides = array<i32>} : memref<2x416x32xf32, #tpu.memory_space<vmem>>, vector<16xf32>,
        %ne3A = arith.cmpf one, %get3A_1107, %broadcast_in_dim3A_3 : vector<16xf32>
        %get3A_1108 = arith.constant 0 : i32
        %get3A_1109 = arith.index_cast %get3A_1108 : i32 to index
        %get3A_1110 = arith.index_cast %add3A_1102 : i32 to index
        %get3A_1111 = arith.constant 16 : index
        %get3A_1112 = tpu.vector_load %arg10[%get3A_1109, %get3A_1110, %get3A_1111] {strides = array<i32>} : memref<2x416x32xf32, #tpu.memory_space<vmem>>, vector<16xf32>,
        %ne3A_1113 = arith.cmpf one, %get3A_1112, %broadcast_in_dim3A_3 : vector<16xf32>
        %get3A_1114 = arith.constant 0 : i32
        %get3A_1115 = arith.index_cast %get3A_1114 : i32 to index
        %get3A_1116 = arith.index_cast %add3A_1102 : i32 to index
        %get3A_1117 = arith.constant 0 : index
        %get3A_1118 = tpu.vector_load %arg9[%get3A_1115, %get3A_1116, %get3A_1117] {strides = array<i32>} : memref<2x416x32xf32, #tpu.memory_space<vmem>>, vector<16xf32>,
        %get3A_1119 = arith.constant 0 : i32
        %get3A_1120 = arith.index_cast %get3A_1119 : i32 to index
        %get3A_1121 = arith.index_cast %add3A_1102 : i32 to index
        %get3A_1122 = arith.constant 16 : index
        %get3A_1123 = tpu.vector_load %arg9[%get3A_1120, %get3A_1121, %get3A_1122] {strides = array<i32>} : memref<2x416x32xf32, #tpu.memory_space<vmem>>, vector<16xf32>,
        %select_n3A = arith.select %ne3A, %get3A_248, %get3A_1118 : vector<16xi1>, vector<16xf32>
        %swap3A = arith.constant 0 : i32
        %swap3A_1124 = arith.index_cast %swap3A : i32 to index
        %swap3A_1125 = arith.index_cast %add3A_1102 : i32 to index
        %swap3A_1126 = arith.constant 0 : index
        %swap3A_1127 = tpu.vector_load %arg11[%swap3A_1124, %swap3A_1125, %swap3A_1126] {strides = array<i32>} : memref<2x416x32xf32, #tpu.memory_space<vmem>>, vector<16xf32>,
        tpu.vector_store %arg11[%swap3A_1124, %swap3A_1125, %swap3A_1126], %select_n3A {strides = array<i32>} : memref<2x416x32xf32, #tpu.memory_space<vmem>>, vector<16xf32>,
        %select_n3A_1128 = arith.select %ne3A_1113, %get3A_252, %get3A_1123 : vector<16xi1>, vector<16xf32>
        %swap3A_1129 = arith.constant 0 : i32
        %swap3A_1130 = arith.index_cast %swap3A_1129 : i32 to index
        %swap3A_1131 = arith.index_cast %add3A_1102 : i32 to index
        %swap3A_1132 = arith.constant 16 : index
        %swap3A_1133 = tpu.vector_load %arg11[%swap3A_1130, %swap3A_1131, %swap3A_1132] {strides = array<i32>} : memref<2x416x32xf32, #tpu.memory_space<vmem>>, vector<16xf32>,
        tpu.vector_store %arg11[%swap3A_1130, %swap3A_1131, %swap3A_1132], %select_n3A_1128 {strides = array<i32>} : memref<2x416x32xf32, #tpu.memory_space<vmem>>, vector<16xf32>,
        %scan3A_1134 = arith.constant 0 : i32
        scf.yield %scan3A_1134 : i32
      }
      %scan3A_259 = arith.constant 16 : i32
      %get3A_260 = arith.constant 1 : i32
      %get3A_261 = arith.index_cast %get3A_260 : i32 to index
      %get3A_262 = arith.constant 0 : index
      %get3A_263 = tpu.vector_load %arg8[%get3A_261, %get3A_262] {strides = array<i32>} : memref<26x32xf32, #tpu.memory_space<vmem>>, vector<16xf32>,
      %get3A_264 = arith.constant 1 : i32
      %get3A_265 = arith.index_cast %get3A_264 : i32 to index
      %get3A_266 = arith.constant 16 : index
      %get3A_267 = tpu.vector_load %arg8[%get3A_265, %get3A_266] {strides = array<i32>} : memref<26x32xf32, #tpu.memory_space<vmem>>, vector<16xf32>,
      %scan3A_268 = arith.constant 0 : i32
      %scan3A_269 = arith.constant 0 : i32
      %scan3A_270 = arith.constant 16 : i32
      %scan3A_271 = arith.addi %scan3A_269, %scan3A_270 : i32
      %scan3A_272 = arith.constant 1 : i32
      %scan3A_273 = scf.for %scan3A_1097 = %scan3A_269 to %scan3A_271 step %scan3A_272 iter_args(%scan3A_1098 = %scan3A_268) -> (i32)  : i32 {
        %mul3A_1099 = arith.constant 26 : i32
        %mul3A_1100 = arith.muli %mul3A_1099, %scan3A_1097 : i32
        %add3A_1101 = arith.constant 1 : i32
        %add3A_1102 = arith.addi %add3A_1101, %mul3A_1100 : i32
        %get3A_1103 = arith.constant 0 : i32
        %get3A_1104 = arith.index_cast %get3A_1103 : i32 to index
        %get3A_1105 = arith.index_cast %add3A_1102 : i32 to index
        %get3A_1106 = arith.constant 0 : index
        %get3A_1107 = tpu.vector_load %arg10[%get3A_1104, %get3A_1105, %get3A_1106] {strides = array<i32>} : memref<2x416x32xf32, #tpu.memory_space<vmem>>, vector<16xf32>,
        %ne3A = arith.cmpf one, %get3A_1107, %broadcast_in_dim3A_3 : vector<16xf32>
        %get3A_1108 = arith.constant 0 : i32
        %get3A_1109 = arith.index_cast %get3A_1108 : i32 to index
        %get3A_1110 = arith.index_cast %add3A_1102 : i32 to index
        %get3A_1111 = arith.constant 16 : index
        %get3A_1112 = tpu.vector_load %arg10[%get3A_1109, %get3A_1110, %get3A_1111] {strides = array<i32>} : memref<2x416x32xf32, #tpu.memory_space<vmem>>, vector<16xf32>,
        %ne3A_1113 = arith.cmpf one, %get3A_1112, %broadcast_in_dim3A_3 : vector<16xf32>
        %get3A_1114 = arith.constant 0 : i32
        %get3A_1115 = arith.index_cast %get3A_1114 : i32 to index
        %get3A_1116 = arith.index_cast %add3A_1102 : i32 to index
        %get3A_1117 = arith.constant 0 : index
        %get3A_1118 = tpu.vector_load %arg9[%get3A_1115, %get3A_1116, %get3A_1117] {strides = array<i32>} : memref<2x416x32xf32, #tpu.memory_space<vmem>>, vector<16xf32>,
        %get3A_1119 = arith.constant 0 : i32
        %get3A_1120 = arith.index_cast %get3A_1119 : i32 to index
        %get3A_1121 = arith.index_cast %add3A_1102 : i32 to index
        %get3A_1122 = arith.constant 16 : index
        %get3A_1123 = tpu.vector_load %arg9[%get3A_1120, %get3A_1121, %get3A_1122] {strides = array<i32>} : memref<2x416x32xf32, #tpu.memory_space<vmem>>, vector<16xf32>,
        %select_n3A = arith.select %ne3A, %get3A_263, %get3A_1118 : vector<16xi1>, vector<16xf32>
        %swap3A = arith.constant 0 : i32
        %swap3A_1124 = arith.index_cast %swap3A : i32 to index
        %swap3A_1125 = arith.index_cast %add3A_1102 : i32 to index
        %swap3A_1126 = arith.constant 0 : index
        %swap3A_1127 = tpu.vector_load %arg11[%swap3A_1124, %swap3A_1125, %swap3A_1126] {strides = array<i32>} : memref<2x416x32xf32, #tpu.memory_space<vmem>>, vector<16xf32>,
        tpu.vector_store %arg11[%swap3A_1124, %swap3A_1125, %swap3A_1126], %select_n3A {strides = array<i32>} : memref<2x416x32xf32, #tpu.memory_space<vmem>>, vector<16xf32>,
        %select_n3A_1128 = arith.select %ne3A_1113, %get3A_267, %get3A_1123 : vector<16xi1>, vector<16xf32>
        %swap3A_1129 = arith.constant 0 : i32
        %swap3A_1130 = arith.index_cast %swap3A_1129 : i32 to index
        %swap3A_1131 = arith.index_cast %add3A_1102 : i32 to index
        %swap3A_1132 = arith.constant 16 : index
        %swap3A_1133 = tpu.vector_load %arg11[%swap3A_1130, %swap3A_1131, %swap3A_1132] {strides = array<i32>} : memref<2x416x32xf32, #tpu.memory_space<vmem>>, vector<16xf32>,
        tpu.vector_store %arg11[%swap3A_1130, %swap3A_1131, %swap3A_1132], %select_n3A_1128 {strides = array<i32>} : memref<2x416x32xf32, #tpu.memory_space<vmem>>, vector<16xf32>,
        %scan3A_1134 = arith.constant 0 : i32
        scf.yield %scan3A_1134 : i32
      }
      %scan3A_274 = arith.constant 16 : i32
      %get3A_275 = arith.constant 2 : i32
      %get3A_276 = arith.index_cast %get3A_275 : i32 to index
      %get3A_277 = arith.constant 0 : index
      %get3A_278 = tpu.vector_load %arg8[%get3A_276, %get3A_277] {strides = array<i32>} : memref<26x32xf32, #tpu.memory_space<vmem>>, vector<16xf32>,
      %get3A_279 = arith.constant 2 : i32
      %get3A_280 = arith.index_cast %get3A_279 : i32 to index
      %get3A_281 = arith.constant 16 : index
      %get3A_282 = tpu.vector_load %arg8[%get3A_280, %get3A_281] {strides = array<i32>} : memref<26x32xf32, #tpu.memory_space<vmem>>, vector<16xf32>,
      %scan3A_283 = arith.constant 0 : i32
      %scan3A_284 = arith.constant 0 : i32
      %scan3A_285 = arith.constant 16 : i32
      %scan3A_286 = arith.addi %scan3A_284, %scan3A_285 : i32
      %scan3A_287 = arith.constant 1 : i32
      %scan3A_288 = scf.for %scan3A_1097 = %scan3A_284 to %scan3A_286 step %scan3A_287 iter_args(%scan3A_1098 = %scan3A_283) -> (i32)  : i32 {
        %mul3A_1099 = arith.constant 26 : i32
        %mul3A_1100 = arith.muli %mul3A_1099, %scan3A_1097 : i32
        %add3A_1101 = arith.constant 2 : i32
        %add3A_1102 = arith.addi %add3A_1101, %mul3A_1100 : i32
        %get3A_1103 = arith.constant 0 : i32
        %get3A_1104 = arith.index_cast %get3A_1103 : i32 to index
        %get3A_1105 = arith.index_cast %add3A_1102 : i32 to index
        %get3A_1106 = arith.constant 0 : index
        %get3A_1107 = tpu.vector_load %arg10[%get3A_1104, %get3A_1105, %get3A_1106] {strides = array<i32>} : memref<2x416x32xf32, #tpu.memory_space<vmem>>, vector<16xf32>,
        %ne3A = arith.cmpf one, %get3A_1107, %broadcast_in_dim3A_3 : vector<16xf32>
        %get3A_1108 = arith.constant 0 : i32
        %get3A_1109 = arith.index_cast %get3A_1108 : i32 to index
        %get3A_1110 = arith.index_cast %add3A_1102 : i32 to index
        %get3A_1111 = arith.constant 16 : index
        %get3A_1112 = tpu.vector_load %arg10[%get3A_1109, %get3A_1110, %get3A_1111] {strides = array<i32>} : memref<2x416x32xf32, #tpu.memory_space<vmem>>, vector<16xf32>,
        %ne3A_1113 = arith.cmpf one, %get3A_1112, %broadcast_in_dim3A_3 : vector<16xf32>
        %get3A_1114 = arith.constant 0 : i32
        %get3A_1115 = arith.index_cast %get3A_1114 : i32 to index
        %get3A_1116 = arith.index_cast %add3A_1102 : i32 to index
        %get3A_1117 = arith.constant 0 : index
        %get3A_1118 = tpu.vector_load %arg9[%get3A_1115, %get3A_1116, %get3A_1117] {strides = array<i32>} : memref<2x416x32xf32, #tpu.memory_space<vmem>>, vector<16xf32>,
        %get3A_1119 = arith.constant 0 : i32
        %get3A_1120 = arith.index_cast %get3A_1119 : i32 to index
        %get3A_1121 = arith.index_cast %add3A_1102 : i32 to index
        %get3A_1122 = arith.constant 16 : index
        %get3A_1123 = tpu.vector_load %arg9[%get3A_1120, %get3A_1121, %get3A_1122] {strides = array<i32>} : memref<2x416x32xf32, #tpu.memory_space<vmem>>, vector<16xf32>,
        %select_n3A = arith.select %ne3A, %get3A_278, %get3A_1118 : vector<16xi1>, vector<16xf32>
        %swap3A = arith.constant 0 : i32
        %swap3A_1124 = arith.index_cast %swap3A : i32 to index
        %swap3A_1125 = arith.index_cast %add3A_1102 : i32 to index
        %swap3A_1126 = arith.constant 0 : index
        %swap3A_1127 = tpu.vector_load %arg11[%swap3A_1124, %swap3A_1125, %swap3A_1126] {strides = array<i32>} : memref<2x416x32xf32, #tpu.memory_space<vmem>>, vector<16xf32>,
        tpu.vector_store %arg11[%swap3A_1124, %swap3A_1125, %swap3A_1126], %select_n3A {strides = array<i32>} : memref<2x416x32xf32, #tpu.memory_space<vmem>>, vector<16xf32>,
        %select_n3A_1128 = arith.select %ne3A_1113, %get3A_282, %get3A_1123 : vector<16xi1>, vector<16xf32>
        %swap3A_1129 = arith.constant 0 : i32
        %swap3A_1130 = arith.index_cast %swap3A_1129 : i32 to index
        %swap3A_1131 = arith.index_cast %add3A_1102 : i32 to index
        %swap3A_1132 = arith.constant 16 : index
        %swap3A_1133 = tpu.vector_load %arg11[%swap3A_1130, %swap3A_1131, %swap3A_1132] {strides = array<i32>} : memref<2x416x32xf32, #tpu.memory_space<vmem>>, vector<16xf32>,
        tpu.vector_store %arg11[%swap3A_1130, %swap3A_1131, %swap3A_1132], %select_n3A_1128 {strides = array<i32>} : memref<2x416x32xf32, #tpu.memory_space<vmem>>, vector<16xf32>,
        %scan3A_1134 = arith.constant 0 : i32
        scf.yield %scan3A_1134 : i32
      }
      %scan3A_289 = arith.constant 16 : i32
      %get3A_290 = arith.constant 3 : i32
      %get3A_291 = arith.index_cast %get3A_290 : i32 to index
      %get3A_292 = arith.constant 0 : index
      %get3A_293 = tpu.vector_load %arg8[%get3A_291, %get3A_292] {strides = array<i32>} : memref<26x32xf32, #tpu.memory_space<vmem>>, vector<16xf32>,
      %get3A_294 = arith.constant 3 : i32
      %get3A_295 = arith.index_cast %get3A_294 : i32 to index
      %get3A_296 = arith.constant 16 : index
      %get3A_297 = tpu.vector_load %arg8[%get3A_295, %get3A_296] {strides = array<i32>} : memref<26x32xf32, #tpu.memory_space<vmem>>, vector<16xf32>,
      %scan3A_298 = arith.constant 0 : i32
      %scan3A_299 = arith.constant 0 : i32
      %scan3A_300 = arith.constant 16 : i32
      %scan3A_301 = arith.addi %scan3A_299, %scan3A_300 : i32
      %scan3A_302 = arith.constant 1 : i32
      %scan3A_303 = scf.for %scan3A_1097 = %scan3A_299 to %scan3A_301 step %scan3A_302 iter_args(%scan3A_1098 = %scan3A_298) -> (i32)  : i32 {
        %mul3A_1099 = arith.constant 26 : i32
        %mul3A_1100 = arith.muli %mul3A_1099, %scan3A_1097 : i32
        %add3A_1101 = arith.constant 3 : i32
        %add3A_1102 = arith.addi %add3A_1101, %mul3A_1100 : i32
        %get3A_1103 = arith.constant 0 : i32
        %get3A_1104 = arith.index_cast %get3A_1103 : i32 to index
        %get3A_1105 = arith.index_cast %add3A_1102 : i32 to index
        %get3A_1106 = arith.constant 0 : index
        %get3A_1107 = tpu.vector_load %arg10[%get3A_1104, %get3A_1105, %get3A_1106] {strides = array<i32>} : memref<2x416x32xf32, #tpu.memory_space<vmem>>, vector<16xf32>,
        %ne3A = arith.cmpf one, %get3A_1107, %broadcast_in_dim3A_3 : vector<16xf32>
        %get3A_1108 = arith.constant 0 : i32
        %get3A_1109 = arith.index_cast %get3A_1108 : i32 to index
        %get3A_1110 = arith.index_cast %add3A_1102 : i32 to index
        %get3A_1111 = arith.constant 16 : index
        %get3A_1112 = tpu.vector_load %arg10[%get3A_1109, %get3A_1110, %get3A_1111] {strides = array<i32>} : memref<2x416x32xf32, #tpu.memory_space<vmem>>, vector<16xf32>,
        %ne3A_1113 = arith.cmpf one, %get3A_1112, %broadcast_in_dim3A_3 : vector<16xf32>
        %get3A_1114 = arith.constant 0 : i32
        %get3A_1115 = arith.index_cast %get3A_1114 : i32 to index
        %get3A_1116 = arith.index_cast %add3A_1102 : i32 to index
        %get3A_1117 = arith.constant 0 : index
        %get3A_1118 = tpu.vector_load %arg9[%get3A_1115, %get3A_1116, %get3A_1117] {strides = array<i32>} : memref<2x416x32xf32, #tpu.memory_space<vmem>>, vector<16xf32>,
        %get3A_1119 = arith.constant 0 : i32
        %get3A_1120 = arith.index_cast %get3A_1119 : i32 to index
        %get3A_1121 = arith.index_cast %add3A_1102 : i32 to index
        %get3A_1122 = arith.constant 16 : index
        %get3A_1123 = tpu.vector_load %arg9[%get3A_1120, %get3A_1121, %get3A_1122] {strides = array<i32>} : memref<2x416x32xf32, #tpu.memory_space<vmem>>, vector<16xf32>,
        %select_n3A = arith.select %ne3A, %get3A_293, %get3A_1118 : vector<16xi1>, vector<16xf32>
        %swap3A = arith.constant 0 : i32
        %swap3A_1124 = arith.index_cast %swap3A : i32 to index
        %swap3A_1125 = arith.index_cast %add3A_1102 : i32 to index
        %swap3A_1126 = arith.constant 0 : index
        %swap3A_1127 = tpu.vector_load %arg11[%swap3A_1124, %swap3A_1125, %swap3A_1126] {strides = array<i32>} : memref<2x416x32xf32, #tpu.memory_space<vmem>>, vector<16xf32>,
        tpu.vector_store %arg11[%swap3A_1124, %swap3A_1125, %swap3A_1126], %select_n3A {strides = array<i32>} : memref<2x416x32xf32, #tpu.memory_space<vmem>>, vector<16xf32>,
        %select_n3A_1128 = arith.select %ne3A_1113, %get3A_297, %get3A_1123 : vector<16xi1>, vector<16xf32>
        %swap3A_1129 = arith.constant 0 : i32
        %swap3A_1130 = arith.index_cast %swap3A_1129 : i32 to index
        %swap3A_1131 = arith.index_cast %add3A_1102 : i32 to index
        %swap3A_1132 = arith.constant 16 : index
        %swap3A_1133 = tpu.vector_load %arg11[%swap3A_1130, %swap3A_1131, %swap3A_1132] {strides = array<i32>} : memref<2x416x32xf32, #tpu.memory_space<vmem>>, vector<16xf32>,
        tpu.vector_store %arg11[%swap3A_1130, %swap3A_1131, %swap3A_1132], %select_n3A_1128 {strides = array<i32>} : memref<2x416x32xf32, #tpu.memory_space<vmem>>, vector<16xf32>,
        %scan3A_1134 = arith.constant 0 : i32
        scf.yield %scan3A_1134 : i32
      }
      %scan3A_304 = arith.constant 16 : i32
      %get3A_305 = arith.constant 4 : i32
      %get3A_306 = arith.index_cast %get3A_305 : i32 to index
      %get3A_307 = arith.constant 0 : index
      %get3A_308 = tpu.vector_load %arg8[%get3A_306, %get3A_307] {strides = array<i32>} : memref<26x32xf32, #tpu.memory_space<vmem>>, vector<16xf32>,
      %get3A_309 = arith.constant 4 : i32
      %get3A_310 = arith.index_cast %get3A_309 : i32 to index
      %get3A_311 = arith.constant 16 : index
      %get3A_312 = tpu.vector_load %arg8[%get3A_310, %get3A_311] {strides = array<i32>} : memref<26x32xf32, #tpu.memory_space<vmem>>, vector<16xf32>,
      %scan3A_313 = arith.constant 0 : i32
      %scan3A_314 = arith.constant 0 : i32
      %scan3A_315 = arith.constant 16 : i32
      %scan3A_316 = arith.addi %scan3A_314, %scan3A_315 : i32
      %scan3A_317 = arith.constant 1 : i32
      %scan3A_318 = scf.for %scan3A_1097 = %scan3A_314 to %scan3A_316 step %scan3A_317 iter_args(%scan3A_1098 = %scan3A_313) -> (i32)  : i32 {
        %mul3A_1099 = arith.constant 26 : i32
        %mul3A_1100 = arith.muli %mul3A_1099, %scan3A_1097 : i32
        %add3A_1101 = arith.constant 4 : i32
        %add3A_1102 = arith.addi %add3A_1101, %mul3A_1100 : i32
        %get3A_1103 = arith.constant 0 : i32
        %get3A_1104 = arith.index_cast %get3A_1103 : i32 to index
        %get3A_1105 = arith.index_cast %add3A_1102 : i32 to index
        %get3A_1106 = arith.constant 0 : index
        %get3A_1107 = tpu.vector_load %arg10[%get3A_1104, %get3A_1105, %get3A_1106] {strides = array<i32>} : memref<2x416x32xf32, #tpu.memory_space<vmem>>, vector<16xf32>,
        %ne3A = arith.cmpf one, %get3A_1107, %broadcast_in_dim3A_3 : vector<16xf32>
        %get3A_1108 = arith.constant 0 : i32
        %get3A_1109 = arith.index_cast %get3A_1108 : i32 to index
        %get3A_1110 = arith.index_cast %add3A_1102 : i32 to index
        %get3A_1111 = arith.constant 16 : index
        %get3A_1112 = tpu.vector_load %arg10[%get3A_1109, %get3A_1110, %get3A_1111] {strides = array<i32>} : memref<2x416x32xf32, #tpu.memory_space<vmem>>, vector<16xf32>,
        %ne3A_1113 = arith.cmpf one, %get3A_1112, %broadcast_in_dim3A_3 : vector<16xf32>
        %get3A_1114 = arith.constant 0 : i32
        %get3A_1115 = arith.index_cast %get3A_1114 : i32 to index
        %get3A_1116 = arith.index_cast %add3A_1102 : i32 to index
        %get3A_1117 = arith.constant 0 : index
        %get3A_1118 = tpu.vector_load %arg9[%get3A_1115, %get3A_1116, %get3A_1117] {strides = array<i32>} : memref<2x416x32xf32, #tpu.memory_space<vmem>>, vector<16xf32>,
        %get3A_1119 = arith.constant 0 : i32
        %get3A_1120 = arith.index_cast %get3A_1119 : i32 to index
        %get3A_1121 = arith.index_cast %add3A_1102 : i32 to index
        %get3A_1122 = arith.constant 16 : index
        %get3A_1123 = tpu.vector_load %arg9[%get3A_1120, %get3A_1121, %get3A_1122] {strides = array<i32>} : memref<2x416x32xf32, #tpu.memory_space<vmem>>, vector<16xf32>,
        %select_n3A = arith.select %ne3A, %get3A_308, %get3A_1118 : vector<16xi1>, vector<16xf32>
        %swap3A = arith.constant 0 : i32
        %swap3A_1124 = arith.index_cast %swap3A : i32 to index
        %swap3A_1125 = arith.index_cast %add3A_1102 : i32 to index
        %swap3A_1126 = arith.constant 0 : index
        %swap3A_1127 = tpu.vector_load %arg11[%swap3A_1124, %swap3A_1125, %swap3A_1126] {strides = array<i32>} : memref<2x416x32xf32, #tpu.memory_space<vmem>>, vector<16xf32>,
        tpu.vector_store %arg11[%swap3A_1124, %swap3A_1125, %swap3A_1126], %select_n3A {strides = array<i32>} : memref<2x416x32xf32, #tpu.memory_space<vmem>>, vector<16xf32>,
        %select_n3A_1128 = arith.select %ne3A_1113, %get3A_312, %get3A_1123 : vector<16xi1>, vector<16xf32>
        %swap3A_1129 = arith.constant 0 : i32
        %swap3A_1130 = arith.index_cast %swap3A_1129 : i32 to index
        %swap3A_1131 = arith.index_cast %add3A_1102 : i32 to index
        %swap3A_1132 = arith.constant 16 : index
        %swap3A_1133 = tpu.vector_load %arg11[%swap3A_1130, %swap3A_1131, %swap3A_1132] {strides = array<i32>} : memref<2x416x32xf32, #tpu.memory_space<vmem>>, vector<16xf32>,
        tpu.vector_store %arg11[%swap3A_1130, %swap3A_1131, %swap3A_1132], %select_n3A_1128 {strides = array<i32>} : memref<2x416x32xf32, #tpu.memory_space<vmem>>, vector<16xf32>,
        %scan3A_1134 = arith.constant 0 : i32
        scf.yield %scan3A_1134 : i32
      }
      %scan3A_319 = arith.constant 16 : i32
      %get3A_320 = arith.constant 5 : i32
      %get3A_321 = arith.index_cast %get3A_320 : i32 to index
      %get3A_322 = arith.constant 0 : index
      %get3A_323 = tpu.vector_load %arg8[%get3A_321, %get3A_322] {strides = array<i32>} : memref<26x32xf32, #tpu.memory_space<vmem>>, vector<16xf32>,
      %get3A_324 = arith.constant 5 : i32
      %get3A_325 = arith.index_cast %get3A_324 : i32 to index
      %get3A_326 = arith.constant 16 : index
      %get3A_327 = tpu.vector_load %arg8[%get3A_325, %get3A_326] {strides = array<i32>} : memref<26x32xf32, #tpu.memory_space<vmem>>, vector<16xf32>,
      %scan3A_328 = arith.constant 0 : i32
      %scan3A_329 = arith.constant 0 : i32
      %scan3A_330 = arith.constant 16 : i32
      %scan3A_331 = arith.addi %scan3A_329, %scan3A_330 : i32
      %scan3A_332 = arith.constant 1 : i32
      %scan3A_333 = scf.for %scan3A_1097 = %scan3A_329 to %scan3A_331 step %scan3A_332 iter_args(%scan3A_1098 = %scan3A_328) -> (i32)  : i32 {
        %mul3A_1099 = arith.constant 26 : i32
        %mul3A_1100 = arith.muli %mul3A_1099, %scan3A_1097 : i32
        %add3A_1101 = arith.constant 5 : i32
        %add3A_1102 = arith.addi %add3A_1101, %mul3A_1100 : i32
        %get3A_1103 = arith.constant 0 : i32
        %get3A_1104 = arith.index_cast %get3A_1103 : i32 to index
        %get3A_1105 = arith.index_cast %add3A_1102 : i32 to index
        %get3A_1106 = arith.constant 0 : index
        %get3A_1107 = tpu.vector_load %arg10[%get3A_1104, %get3A_1105, %get3A_1106] {strides = array<i32>} : memref<2x416x32xf32, #tpu.memory_space<vmem>>, vector<16xf32>,
        %ne3A = arith.cmpf one, %get3A_1107, %broadcast_in_dim3A_3 : vector<16xf32>
        %get3A_1108 = arith.constant 0 : i32
        %get3A_1109 = arith.index_cast %get3A_1108 : i32 to index
        %get3A_1110 = arith.index_cast %add3A_1102 : i32 to index
        %get3A_1111 = arith.constant 16 : index
        %get3A_1112 = tpu.vector_load %arg10[%get3A_1109, %get3A_1110, %get3A_1111] {strides = array<i32>} : memref<2x416x32xf32, #tpu.memory_space<vmem>>, vector<16xf32>,
        %ne3A_1113 = arith.cmpf one, %get3A_1112, %broadcast_in_dim3A_3 : vector<16xf32>
        %get3A_1114 = arith.constant 0 : i32
        %get3A_1115 = arith.index_cast %get3A_1114 : i32 to index
        %get3A_1116 = arith.index_cast %add3A_1102 : i32 to index
        %get3A_1117 = arith.constant 0 : index
        %get3A_1118 = tpu.vector_load %arg9[%get3A_1115, %get3A_1116, %get3A_1117] {strides = array<i32>} : memref<2x416x32xf32, #tpu.memory_space<vmem>>, vector<16xf32>,
        %get3A_1119 = arith.constant 0 : i32
        %get3A_1120 = arith.index_cast %get3A_1119 : i32 to index
        %get3A_1121 = arith.index_cast %add3A_1102 : i32 to index
        %get3A_1122 = arith.constant 16 : index
        %get3A_1123 = tpu.vector_load %arg9[%get3A_1120, %get3A_1121, %get3A_1122] {strides = array<i32>} : memref<2x416x32xf32, #tpu.memory_space<vmem>>, vector<16xf32>,
        %select_n3A = arith.select %ne3A, %get3A_323, %get3A_1118 : vector<16xi1>, vector<16xf32>
        %swap3A = arith.constant 0 : i32
        %swap3A_1124 = arith.index_cast %swap3A : i32 to index
        %swap3A_1125 = arith.index_cast %add3A_1102 : i32 to index
        %swap3A_1126 = arith.constant 0 : index
        %swap3A_1127 = tpu.vector_load %arg11[%swap3A_1124, %swap3A_1125, %swap3A_1126] {strides = array<i32>} : memref<2x416x32xf32, #tpu.memory_space<vmem>>, vector<16xf32>,
        tpu.vector_store %arg11[%swap3A_1124, %swap3A_1125, %swap3A_1126], %select_n3A {strides = array<i32>} : memref<2x416x32xf32, #tpu.memory_space<vmem>>, vector<16xf32>,
        %select_n3A_1128 = arith.select %ne3A_1113, %get3A_327, %get3A_1123 : vector<16xi1>, vector<16xf32>
        %swap3A_1129 = arith.constant 0 : i32
        %swap3A_1130 = arith.index_cast %swap3A_1129 : i32 to index
        %swap3A_1131 = arith.index_cast %add3A_1102 : i32 to index
        %swap3A_1132 = arith.constant 16 : index
        %swap3A_1133 = tpu.vector_load %arg11[%swap3A_1130, %swap3A_1131, %swap3A_1132] {strides = array<i32>} : memref<2x416x32xf32, #tpu.memory_space<vmem>>, vector<16xf32>,
        tpu.vector_store %arg11[%swap3A_1130, %swap3A_1131, %swap3A_1132], %select_n3A_1128 {strides = array<i32>} : memref<2x416x32xf32, #tpu.memory_space<vmem>>, vector<16xf32>,
        %scan3A_1134 = arith.constant 0 : i32
        scf.yield %scan3A_1134 : i32
      }
      %scan3A_334 = arith.constant 16 : i32
      %get3A_335 = arith.constant 6 : i32
      %get3A_336 = arith.index_cast %get3A_335 : i32 to index
      %get3A_337 = arith.constant 0 : index
      %get3A_338 = tpu.vector_load %arg8[%get3A_336, %get3A_337] {strides = array<i32>} : memref<26x32xf32, #tpu.memory_space<vmem>>, vector<16xf32>,
      %get3A_339 = arith.constant 6 : i32
      %get3A_340 = arith.index_cast %get3A_339 : i32 to index
      %get3A_341 = arith.constant 16 : index
      %get3A_342 = tpu.vector_load %arg8[%get3A_340, %get3A_341] {strides = array<i32>} : memref<26x32xf32, #tpu.memory_space<vmem>>, vector<16xf32>,
      %scan3A_343 = arith.constant 0 : i32
      %scan3A_344 = arith.constant 0 : i32
      %scan3A_345 = arith.constant 16 : i32
      %scan3A_346 = arith.addi %scan3A_344, %scan3A_345 : i32
      %scan3A_347 = arith.constant 1 : i32
      %scan3A_348 = scf.for %scan3A_1097 = %scan3A_344 to %scan3A_346 step %scan3A_347 iter_args(%scan3A_1098 = %scan3A_343) -> (i32)  : i32 {
        %mul3A_1099 = arith.constant 26 : i32
        %mul3A_1100 = arith.muli %mul3A_1099, %scan3A_1097 : i32
        %add3A_1101 = arith.constant 6 : i32
        %add3A_1102 = arith.addi %add3A_1101, %mul3A_1100 : i32
        %get3A_1103 = arith.constant 0 : i32
        %get3A_1104 = arith.index_cast %get3A_1103 : i32 to index
        %get3A_1105 = arith.index_cast %add3A_1102 : i32 to index
        %get3A_1106 = arith.constant 0 : index
        %get3A_1107 = tpu.vector_load %arg10[%get3A_1104, %get3A_1105, %get3A_1106] {strides = array<i32>} : memref<2x416x32xf32, #tpu.memory_space<vmem>>, vector<16xf32>,
        %ne3A = arith.cmpf one, %get3A_1107, %broadcast_in_dim3A_3 : vector<16xf32>
        %get3A_1108 = arith.constant 0 : i32
        %get3A_1109 = arith.index_cast %get3A_1108 : i32 to index
        %get3A_1110 = arith.index_cast %add3A_1102 : i32 to index
        %get3A_1111 = arith.constant 16 : index
        %get3A_1112 = tpu.vector_load %arg10[%get3A_1109, %get3A_1110, %get3A_1111] {strides = array<i32>} : memref<2x416x32xf32, #tpu.memory_space<vmem>>, vector<16xf32>,
        %ne3A_1113 = arith.cmpf one, %get3A_1112, %broadcast_in_dim3A_3 : vector<16xf32>
        %get3A_1114 = arith.constant 0 : i32
        %get3A_1115 = arith.index_cast %get3A_1114 : i32 to index
        %get3A_1116 = arith.index_cast %add3A_1102 : i32 to index
        %get3A_1117 = arith.constant 0 : index
        %get3A_1118 = tpu.vector_load %arg9[%get3A_1115, %get3A_1116, %get3A_1117] {strides = array<i32>} : memref<2x416x32xf32, #tpu.memory_space<vmem>>, vector<16xf32>,
        %get3A_1119 = arith.constant 0 : i32
        %get3A_1120 = arith.index_cast %get3A_1119 : i32 to index
        %get3A_1121 = arith.index_cast %add3A_1102 : i32 to index
        %get3A_1122 = arith.constant 16 : index
        %get3A_1123 = tpu.vector_load %arg9[%get3A_1120, %get3A_1121, %get3A_1122] {strides = array<i32>} : memref<2x416x32xf32, #tpu.memory_space<vmem>>, vector<16xf32>,
        %select_n3A = arith.select %ne3A, %get3A_338, %get3A_1118 : vector<16xi1>, vector<16xf32>
        %swap3A = arith.constant 0 : i32
        %swap3A_1124 = arith.index_cast %swap3A : i32 to index
        %swap3A_1125 = arith.index_cast %add3A_1102 : i32 to index
        %swap3A_1126 = arith.constant 0 : index
        %swap3A_1127 = tpu.vector_load %arg11[%swap3A_1124, %swap3A_1125, %swap3A_1126] {strides = array<i32>} : memref<2x416x32xf32, #tpu.memory_space<vmem>>, vector<16xf32>,
        tpu.vector_store %arg11[%swap3A_1124, %swap3A_1125, %swap3A_1126], %select_n3A {strides = array<i32>} : memref<2x416x32xf32, #tpu.memory_space<vmem>>, vector<16xf32>,
        %select_n3A_1128 = arith.select %ne3A_1113, %get3A_342, %get3A_1123 : vector<16xi1>, vector<16xf32>
        %swap3A_1129 = arith.constant 0 : i32
        %swap3A_1130 = arith.index_cast %swap3A_1129 : i32 to index
        %swap3A_1131 = arith.index_cast %add3A_1102 : i32 to index
        %swap3A_1132 = arith.constant 16 : index
        %swap3A_1133 = tpu.vector_load %arg11[%swap3A_1130, %swap3A_1131, %swap3A_1132] {strides = array<i32>} : memref<2x416x32xf32, #tpu.memory_space<vmem>>, vector<16xf32>,
        tpu.vector_store %arg11[%swap3A_1130, %swap3A_1131, %swap3A_1132], %select_n3A_1128 {strides = array<i32>} : memref<2x416x32xf32, #tpu.memory_space<vmem>>, vector<16xf32>,
        %scan3A_1134 = arith.constant 0 : i32
        scf.yield %scan3A_1134 : i32
      }
      %scan3A_349 = arith.constant 16 : i32
      %get3A_350 = arith.constant 7 : i32
      %get3A_351 = arith.index_cast %get3A_350 : i32 to index
      %get3A_352 = arith.constant 0 : index
      %get3A_353 = tpu.vector_load %arg8[%get3A_351, %get3A_352] {strides = array<i32>} : memref<26x32xf32, #tpu.memory_space<vmem>>, vector<16xf32>,
      %get3A_354 = arith.constant 7 : i32
      %get3A_355 = arith.index_cast %get3A_354 : i32 to index
      %get3A_356 = arith.constant 16 : index
      %get3A_357 = tpu.vector_load %arg8[%get3A_355, %get3A_356] {strides = array<i32>} : memref<26x32xf32, #tpu.memory_space<vmem>>, vector<16xf32>,
      %scan3A_358 = arith.constant 0 : i32
      %scan3A_359 = arith.constant 0 : i32
      %scan3A_360 = arith.constant 16 : i32
      %scan3A_361 = arith.addi %scan3A_359, %scan3A_360 : i32
      %scan3A_362 = arith.constant 1 : i32
      %scan3A_363 = scf.for %scan3A_1097 = %scan3A_359 to %scan3A_361 step %scan3A_362 iter_args(%scan3A_1098 = %scan3A_358) -> (i32)  : i32 {
        %mul3A_1099 = arith.constant 26 : i32
        %mul3A_1100 = arith.muli %mul3A_1099, %scan3A_1097 : i32
        %add3A_1101 = arith.constant 7 : i32
        %add3A_1102 = arith.addi %add3A_1101, %mul3A_1100 : i32
        %get3A_1103 = arith.constant 0 : i32
        %get3A_1104 = arith.index_cast %get3A_1103 : i32 to index
        %get3A_1105 = arith.index_cast %add3A_1102 : i32 to index
        %get3A_1106 = arith.constant 0 : index
        %get3A_1107 = tpu.vector_load %arg10[%get3A_1104, %get3A_1105, %get3A_1106] {strides = array<i32>} : memref<2x416x32xf32, #tpu.memory_space<vmem>>, vector<16xf32>,
        %ne3A = arith.cmpf one, %get3A_1107, %broadcast_in_dim3A_3 : vector<16xf32>
        %get3A_1108 = arith.constant 0 : i32
        %get3A_1109 = arith.index_cast %get3A_1108 : i32 to index
        %get3A_1110 = arith.index_cast %add3A_1102 : i32 to index
        %get3A_1111 = arith.constant 16 : index
        %get3A_1112 = tpu.vector_load %arg10[%get3A_1109, %get3A_1110, %get3A_1111] {strides = array<i32>} : memref<2x416x32xf32, #tpu.memory_space<vmem>>, vector<16xf32>,
        %ne3A_1113 = arith.cmpf one, %get3A_1112, %broadcast_in_dim3A_3 : vector<16xf32>
        %get3A_1114 = arith.constant 0 : i32
        %get3A_1115 = arith.index_cast %get3A_1114 : i32 to index
        %get3A_1116 = arith.index_cast %add3A_1102 : i32 to index
        %get3A_1117 = arith.constant 0 : index
        %get3A_1118 = tpu.vector_load %arg9[%get3A_1115, %get3A_1116, %get3A_1117] {strides = array<i32>} : memref<2x416x32xf32, #tpu.memory_space<vmem>>, vector<16xf32>,
        %get3A_1119 = arith.constant 0 : i32
        %get3A_1120 = arith.index_cast %get3A_1119 : i32 to index
        %get3A_1121 = arith.index_cast %add3A_1102 : i32 to index
        %get3A_1122 = arith.constant 16 : index
        %get3A_1123 = tpu.vector_load %arg9[%get3A_1120, %get3A_1121, %get3A_1122] {strides = array<i32>} : memref<2x416x32xf32, #tpu.memory_space<vmem>>, vector<16xf32>,
        %select_n3A = arith.select %ne3A, %get3A_353, %get3A_1118 : vector<16xi1>, vector<16xf32>
        %swap3A = arith.constant 0 : i32
        %swap3A_1124 = arith.index_cast %swap3A : i32 to index
        %swap3A_1125 = arith.index_cast %add3A_1102 : i32 to index
        %swap3A_1126 = arith.constant 0 : index
        %swap3A_1127 = tpu.vector_load %arg11[%swap3A_1124, %swap3A_1125, %swap3A_1126] {strides = array<i32>} : memref<2x416x32xf32, #tpu.memory_space<vmem>>, vector<16xf32>,
        tpu.vector_store %arg11[%swap3A_1124, %swap3A_1125, %swap3A_1126], %select_n3A {strides = array<i32>} : memref<2x416x32xf32, #tpu.memory_space<vmem>>, vector<16xf32>,
        %select_n3A_1128 = arith.select %ne3A_1113, %get3A_357, %get3A_1123 : vector<16xi1>, vector<16xf32>
        %swap3A_1129 = arith.constant 0 : i32
        %swap3A_1130 = arith.index_cast %swap3A_1129 : i32 to index
        %swap3A_1131 = arith.index_cast %add3A_1102 : i32 to index
        %swap3A_1132 = arith.constant 16 : index
        %swap3A_1133 = tpu.vector_load %arg11[%swap3A_1130, %swap3A_1131, %swap3A_1132] {strides = array<i32>} : memref<2x416x32xf32, #tpu.memory_space<vmem>>, vector<16xf32>,
        tpu.vector_store %arg11[%swap3A_1130, %swap3A_1131, %swap3A_1132], %select_n3A_1128 {strides = array<i32>} : memref<2x416x32xf32, #tpu.memory_space<vmem>>, vector<16xf32>,
        %scan3A_1134 = arith.constant 0 : i32
        scf.yield %scan3A_1134 : i32
      }
      %scan3A_364 = arith.constant 16 : i32
      %get3A_365 = arith.constant 8 : i32
      %get3A_366 = arith.index_cast %get3A_365 : i32 to index
      %get3A_367 = arith.constant 0 : index
      %get3A_368 = tpu.vector_load %arg8[%get3A_366, %get3A_367] {strides = array<i32>} : memref<26x32xf32, #tpu.memory_space<vmem>>, vector<16xf32>,
      %get3A_369 = arith.constant 8 : i32
      %get3A_370 = arith.index_cast %get3A_369 : i32 to index
      %get3A_371 = arith.constant 16 : index
      %get3A_372 = tpu.vector_load %arg8[%get3A_370, %get3A_371] {strides = array<i32>} : memref<26x32xf32, #tpu.memory_space<vmem>>, vector<16xf32>,
      %scan3A_373 = arith.constant 0 : i32
      %scan3A_374 = arith.constant 0 : i32
      %scan3A_375 = arith.constant 16 : i32
      %scan3A_376 = arith.addi %scan3A_374, %scan3A_375 : i32
      %scan3A_377 = arith.constant 1 : i32
      %scan3A_378 = scf.for %scan3A_1097 = %scan3A_374 to %scan3A_376 step %scan3A_377 iter_args(%scan3A_1098 = %scan3A_373) -> (i32)  : i32 {
        %mul3A_1099 = arith.constant 26 : i32
        %mul3A_1100 = arith.muli %mul3A_1099, %scan3A_1097 : i32
        %add3A_1101 = arith.constant 8 : i32
        %add3A_1102 = arith.addi %add3A_1101, %mul3A_1100 : i32
        %get3A_1103 = arith.constant 0 : i32
        %get3A_1104 = arith.index_cast %get3A_1103 : i32 to index
        %get3A_1105 = arith.index_cast %add3A_1102 : i32 to index
        %get3A_1106 = arith.constant 0 : index
        %get3A_1107 = tpu.vector_load %arg10[%get3A_1104, %get3A_1105, %get3A_1106] {strides = array<i32>} : memref<2x416x32xf32, #tpu.memory_space<vmem>>, vector<16xf32>,
        %ne3A = arith.cmpf one, %get3A_1107, %broadcast_in_dim3A_3 : vector<16xf32>
        %get3A_1108 = arith.constant 0 : i32
        %get3A_1109 = arith.index_cast %get3A_1108 : i32 to index
        %get3A_1110 = arith.index_cast %add3A_1102 : i32 to index
        %get3A_1111 = arith.constant 16 : index
        %get3A_1112 = tpu.vector_load %arg10[%get3A_1109, %get3A_1110, %get3A_1111] {strides = array<i32>} : memref<2x416x32xf32, #tpu.memory_space<vmem>>, vector<16xf32>,
        %ne3A_1113 = arith.cmpf one, %get3A_1112, %broadcast_in_dim3A_3 : vector<16xf32>
        %get3A_1114 = arith.constant 0 : i32
        %get3A_1115 = arith.index_cast %get3A_1114 : i32 to index
        %get3A_1116 = arith.index_cast %add3A_1102 : i32 to index
        %get3A_1117 = arith.constant 0 : index
        %get3A_1118 = tpu.vector_load %arg9[%get3A_1115, %get3A_1116, %get3A_1117] {strides = array<i32>} : memref<2x416x32xf32, #tpu.memory_space<vmem>>, vector<16xf32>,
        %get3A_1119 = arith.constant 0 : i32
        %get3A_1120 = arith.index_cast %get3A_1119 : i32 to index
        %get3A_1121 = arith.index_cast %add3A_1102 : i32 to index
        %get3A_1122 = arith.constant 16 : index
        %get3A_1123 = tpu.vector_load %arg9[%get3A_1120, %get3A_1121, %get3A_1122] {strides = array<i32>} : memref<2x416x32xf32, #tpu.memory_space<vmem>>, vector<16xf32>,
        %select_n3A = arith.select %ne3A, %get3A_368, %get3A_1118 : vector<16xi1>, vector<16xf32>
        %swap3A = arith.constant 0 : i32
        %swap3A_1124 = arith.index_cast %swap3A : i32 to index
        %swap3A_1125 = arith.index_cast %add3A_1102 : i32 to index
        %swap3A_1126 = arith.constant 0 : index
        %swap3A_1127 = tpu.vector_load %arg11[%swap3A_1124, %swap3A_1125, %swap3A_1126] {strides = array<i32>} : memref<2x416x32xf32, #tpu.memory_space<vmem>>, vector<16xf32>,
        tpu.vector_store %arg11[%swap3A_1124, %swap3A_1125, %swap3A_1126], %select_n3A {strides = array<i32>} : memref<2x416x32xf32, #tpu.memory_space<vmem>>, vector<16xf32>,
        %select_n3A_1128 = arith.select %ne3A_1113, %get3A_372, %get3A_1123 : vector<16xi1>, vector<16xf32>
        %swap3A_1129 = arith.constant 0 : i32
        %swap3A_1130 = arith.index_cast %swap3A_1129 : i32 to index
        %swap3A_1131 = arith.index_cast %add3A_1102 : i32 to index
        %swap3A_1132 = arith.constant 16 : index
        %swap3A_1133 = tpu.vector_load %arg11[%swap3A_1130, %swap3A_1131, %swap3A_1132] {strides = array<i32>} : memref<2x416x32xf32, #tpu.memory_space<vmem>>, vector<16xf32>,
        tpu.vector_store %arg11[%swap3A_1130, %swap3A_1131, %swap3A_1132], %select_n3A_1128 {strides = array<i32>} : memref<2x416x32xf32, #tpu.memory_space<vmem>>, vector<16xf32>,
        %scan3A_1134 = arith.constant 0 : i32
        scf.yield %scan3A_1134 : i32
      }
      %scan3A_379 = arith.constant 16 : i32
      %get3A_380 = arith.constant 9 : i32
      %get3A_381 = arith.index_cast %get3A_380 : i32 to index
      %get3A_382 = arith.constant 0 : index
      %get3A_383 = tpu.vector_load %arg8[%get3A_381, %get3A_382] {strides = array<i32>} : memref<26x32xf32, #tpu.memory_space<vmem>>, vector<16xf32>,
      %get3A_384 = arith.constant 9 : i32
      %get3A_385 = arith.index_cast %get3A_384 : i32 to index
      %get3A_386 = arith.constant 16 : index
      %get3A_387 = tpu.vector_load %arg8[%get3A_385, %get3A_386] {strides = array<i32>} : memref<26x32xf32, #tpu.memory_space<vmem>>, vector<16xf32>,
      %scan3A_388 = arith.constant 0 : i32
      %scan3A_389 = arith.constant 0 : i32
      %scan3A_390 = arith.constant 16 : i32
      %scan3A_391 = arith.addi %scan3A_389, %scan3A_390 : i32
      %scan3A_392 = arith.constant 1 : i32
      %scan3A_393 = scf.for %scan3A_1097 = %scan3A_389 to %scan3A_391 step %scan3A_392 iter_args(%scan3A_1098 = %scan3A_388) -> (i32)  : i32 {
        %mul3A_1099 = arith.constant 26 : i32
        %mul3A_1100 = arith.muli %mul3A_1099, %scan3A_1097 : i32
        %add3A_1101 = arith.constant 9 : i32
        %add3A_1102 = arith.addi %add3A_1101, %mul3A_1100 : i32
        %get3A_1103 = arith.constant 0 : i32
        %get3A_1104 = arith.index_cast %get3A_1103 : i32 to index
        %get3A_1105 = arith.index_cast %add3A_1102 : i32 to index
        %get3A_1106 = arith.constant 0 : index
        %get3A_1107 = tpu.vector_load %arg10[%get3A_1104, %get3A_1105, %get3A_1106] {strides = array<i32>} : memref<2x416x32xf32, #tpu.memory_space<vmem>>, vector<16xf32>,
        %ne3A = arith.cmpf one, %get3A_1107, %broadcast_in_dim3A_3 : vector<16xf32>
        %get3A_1108 = arith.constant 0 : i32
        %get3A_1109 = arith.index_cast %get3A_1108 : i32 to index
        %get3A_1110 = arith.index_cast %add3A_1102 : i32 to index
        %get3A_1111 = arith.constant 16 : index
        %get3A_1112 = tpu.vector_load %arg10[%get3A_1109, %get3A_1110, %get3A_1111] {strides = array<i32>} : memref<2x416x32xf32, #tpu.memory_space<vmem>>, vector<16xf32>,
        %ne3A_1113 = arith.cmpf one, %get3A_1112, %broadcast_in_dim3A_3 : vector<16xf32>
        %get3A_1114 = arith.constant 0 : i32
        %get3A_1115 = arith.index_cast %get3A_1114 : i32 to index
        %get3A_1116 = arith.index_cast %add3A_1102 : i32 to index
        %get3A_1117 = arith.constant 0 : index
        %get3A_1118 = tpu.vector_load %arg9[%get3A_1115, %get3A_1116, %get3A_1117] {strides = array<i32>} : memref<2x416x32xf32, #tpu.memory_space<vmem>>, vector<16xf32>,
        %get3A_1119 = arith.constant 0 : i32
        %get3A_1120 = arith.index_cast %get3A_1119 : i32 to index
        %get3A_1121 = arith.index_cast %add3A_1102 : i32 to index
        %get3A_1122 = arith.constant 16 : index
        %get3A_1123 = tpu.vector_load %arg9[%get3A_1120, %get3A_1121, %get3A_1122] {strides = array<i32>} : memref<2x416x32xf32, #tpu.memory_space<vmem>>, vector<16xf32>,
        %select_n3A = arith.select %ne3A, %get3A_383, %get3A_1118 : vector<16xi1>, vector<16xf32>
        %swap3A = arith.constant 0 : i32
        %swap3A_1124 = arith.index_cast %swap3A : i32 to index
        %swap3A_1125 = arith.index_cast %add3A_1102 : i32 to index
        %swap3A_1126 = arith.constant 0 : index
        %swap3A_1127 = tpu.vector_load %arg11[%swap3A_1124, %swap3A_1125, %swap3A_1126] {strides = array<i32>} : memref<2x416x32xf32, #tpu.memory_space<vmem>>, vector<16xf32>,
        tpu.vector_store %arg11[%swap3A_1124, %swap3A_1125, %swap3A_1126], %select_n3A {strides = array<i32>} : memref<2x416x32xf32, #tpu.memory_space<vmem>>, vector<16xf32>,
        %select_n3A_1128 = arith.select %ne3A_1113, %get3A_387, %get3A_1123 : vector<16xi1>, vector<16xf32>
        %swap3A_1129 = arith.constant 0 : i32
        %swap3A_1130 = arith.index_cast %swap3A_1129 : i32 to index
        %swap3A_1131 = arith.index_cast %add3A_1102 : i32 to index
        %swap3A_1132 = arith.constant 16 : index
        %swap3A_1133 = tpu.vector_load %arg11[%swap3A_1130, %swap3A_1131, %swap3A_1132] {strides = array<i32>} : memref<2x416x32xf32, #tpu.memory_space<vmem>>, vector<16xf32>,
        tpu.vector_store %arg11[%swap3A_1130, %swap3A_1131, %swap3A_1132], %select_n3A_1128 {strides = array<i32>} : memref<2x416x32xf32, #tpu.memory_space<vmem>>, vector<16xf32>,
        %scan3A_1134 = arith.constant 0 : i32
        scf.yield %scan3A_1134 : i32
      }
      %scan3A_394 = arith.constant 16 : i32
      %get3A_395 = arith.constant 10 : i32
      %get3A_396 = arith.index_cast %get3A_395 : i32 to index
      %get3A_397 = arith.constant 0 : index
      %get3A_398 = tpu.vector_load %arg8[%get3A_396, %get3A_397] {strides = array<i32>} : memref<26x32xf32, #tpu.memory_space<vmem>>, vector<16xf32>,
      %get3A_399 = arith.constant 10 : i32
      %get3A_400 = arith.index_cast %get3A_399 : i32 to index
      %get3A_401 = arith.constant 16 : index
      %get3A_402 = tpu.vector_load %arg8[%get3A_400, %get3A_401] {strides = array<i32>} : memref<26x32xf32, #tpu.memory_space<vmem>>, vector<16xf32>,
      %scan3A_403 = arith.constant 0 : i32
      %scan3A_404 = arith.constant 0 : i32
      %scan3A_405 = arith.constant 16 : i32
      %scan3A_406 = arith.addi %scan3A_404, %scan3A_405 : i32
      %scan3A_407 = arith.constant 1 : i32
      %scan3A_408 = scf.for %scan3A_1097 = %scan3A_404 to %scan3A_406 step %scan3A_407 iter_args(%scan3A_1098 = %scan3A_403) -> (i32)  : i32 {
        %mul3A_1099 = arith.constant 26 : i32
        %mul3A_1100 = arith.muli %mul3A_1099, %scan3A_1097 : i32
        %add3A_1101 = arith.constant 10 : i32
        %add3A_1102 = arith.addi %add3A_1101, %mul3A_1100 : i32
        %get3A_1103 = arith.constant 0 : i32
        %get3A_1104 = arith.index_cast %get3A_1103 : i32 to index
        %get3A_1105 = arith.index_cast %add3A_1102 : i32 to index
        %get3A_1106 = arith.constant 0 : index
        %get3A_1107 = tpu.vector_load %arg10[%get3A_1104, %get3A_1105, %get3A_1106] {strides = array<i32>} : memref<2x416x32xf32, #tpu.memory_space<vmem>>, vector<16xf32>,
        %ne3A = arith.cmpf one, %get3A_1107, %broadcast_in_dim3A_3 : vector<16xf32>
        %get3A_1108 = arith.constant 0 : i32
        %get3A_1109 = arith.index_cast %get3A_1108 : i32 to index
        %get3A_1110 = arith.index_cast %add3A_1102 : i32 to index
        %get3A_1111 = arith.constant 16 : index
        %get3A_1112 = tpu.vector_load %arg10[%get3A_1109, %get3A_1110, %get3A_1111] {strides = array<i32>} : memref<2x416x32xf32, #tpu.memory_space<vmem>>, vector<16xf32>,
        %ne3A_1113 = arith.cmpf one, %get3A_1112, %broadcast_in_dim3A_3 : vector<16xf32>
        %get3A_1114 = arith.constant 0 : i32
        %get3A_1115 = arith.index_cast %get3A_1114 : i32 to index
        %get3A_1116 = arith.index_cast %add3A_1102 : i32 to index
        %get3A_1117 = arith.constant 0 : index
        %get3A_1118 = tpu.vector_load %arg9[%get3A_1115, %get3A_1116, %get3A_1117] {strides = array<i32>} : memref<2x416x32xf32, #tpu.memory_space<vmem>>, vector<16xf32>,
        %get3A_1119 = arith.constant 0 : i32
        %get3A_1120 = arith.index_cast %get3A_1119 : i32 to index
        %get3A_1121 = arith.index_cast %add3A_1102 : i32 to index
        %get3A_1122 = arith.constant 16 : index
        %get3A_1123 = tpu.vector_load %arg9[%get3A_1120, %get3A_1121, %get3A_1122] {strides = array<i32>} : memref<2x416x32xf32, #tpu.memory_space<vmem>>, vector<16xf32>,
        %select_n3A = arith.select %ne3A, %get3A_398, %get3A_1118 : vector<16xi1>, vector<16xf32>
        %swap3A = arith.constant 0 : i32
        %swap3A_1124 = arith.index_cast %swap3A : i32 to index
        %swap3A_1125 = arith.index_cast %add3A_1102 : i32 to index
        %swap3A_1126 = arith.constant 0 : index
        %swap3A_1127 = tpu.vector_load %arg11[%swap3A_1124, %swap3A_1125, %swap3A_1126] {strides = array<i32>} : memref<2x416x32xf32, #tpu.memory_space<vmem>>, vector<16xf32>,
        tpu.vector_store %arg11[%swap3A_1124, %swap3A_1125, %swap3A_1126], %select_n3A {strides = array<i32>} : memref<2x416x32xf32, #tpu.memory_space<vmem>>, vector<16xf32>,
        %select_n3A_1128 = arith.select %ne3A_1113, %get3A_402, %get3A_1123 : vector<16xi1>, vector<16xf32>
        %swap3A_1129 = arith.constant 0 : i32
        %swap3A_1130 = arith.index_cast %swap3A_1129 : i32 to index
        %swap3A_1131 = arith.index_cast %add3A_1102 : i32 to index
        %swap3A_1132 = arith.constant 16 : index
        %swap3A_1133 = tpu.vector_load %arg11[%swap3A_1130, %swap3A_1131, %swap3A_1132] {strides = array<i32>} : memref<2x416x32xf32, #tpu.memory_space<vmem>>, vector<16xf32>,
        tpu.vector_store %arg11[%swap3A_1130, %swap3A_1131, %swap3A_1132], %select_n3A_1128 {strides = array<i32>} : memref<2x416x32xf32, #tpu.memory_space<vmem>>, vector<16xf32>,
        %scan3A_1134 = arith.constant 0 : i32
        scf.yield %scan3A_1134 : i32
      }
      %scan3A_409 = arith.constant 16 : i32
      %get3A_410 = arith.constant 11 : i32
      %get3A_411 = arith.index_cast %get3A_410 : i32 to index
      %get3A_412 = arith.constant 0 : index
      %get3A_413 = tpu.vector_load %arg8[%get3A_411, %get3A_412] {strides = array<i32>} : memref<26x32xf32, #tpu.memory_space<vmem>>, vector<16xf32>,
      %get3A_414 = arith.constant 11 : i32
      %get3A_415 = arith.index_cast %get3A_414 : i32 to index
      %get3A_416 = arith.constant 16 : index
      %get3A_417 = tpu.vector_load %arg8[%get3A_415, %get3A_416] {strides = array<i32>} : memref<26x32xf32, #tpu.memory_space<vmem>>, vector<16xf32>,
      %scan3A_418 = arith.constant 0 : i32
      %scan3A_419 = arith.constant 0 : i32
      %scan3A_420 = arith.constant 16 : i32
      %scan3A_421 = arith.addi %scan3A_419, %scan3A_420 : i32
      %scan3A_422 = arith.constant 1 : i32
      %scan3A_423 = scf.for %scan3A_1097 = %scan3A_419 to %scan3A_421 step %scan3A_422 iter_args(%scan3A_1098 = %scan3A_418) -> (i32)  : i32 {
        %mul3A_1099 = arith.constant 26 : i32
        %mul3A_1100 = arith.muli %mul3A_1099, %scan3A_1097 : i32
        %add3A_1101 = arith.constant 11 : i32
        %add3A_1102 = arith.addi %add3A_1101, %mul3A_1100 : i32
        %get3A_1103 = arith.constant 0 : i32
        %get3A_1104 = arith.index_cast %get3A_1103 : i32 to index
        %get3A_1105 = arith.index_cast %add3A_1102 : i32 to index
        %get3A_1106 = arith.constant 0 : index
        %get3A_1107 = tpu.vector_load %arg10[%get3A_1104, %get3A_1105, %get3A_1106] {strides = array<i32>} : memref<2x416x32xf32, #tpu.memory_space<vmem>>, vector<16xf32>,
        %ne3A = arith.cmpf one, %get3A_1107, %broadcast_in_dim3A_3 : vector<16xf32>
        %get3A_1108 = arith.constant 0 : i32
        %get3A_1109 = arith.index_cast %get3A_1108 : i32 to index
        %get3A_1110 = arith.index_cast %add3A_1102 : i32 to index
        %get3A_1111 = arith.constant 16 : index
        %get3A_1112 = tpu.vector_load %arg10[%get3A_1109, %get3A_1110, %get3A_1111] {strides = array<i32>} : memref<2x416x32xf32, #tpu.memory_space<vmem>>, vector<16xf32>,
        %ne3A_1113 = arith.cmpf one, %get3A_1112, %broadcast_in_dim3A_3 : vector<16xf32>
        %get3A_1114 = arith.constant 0 : i32
        %get3A_1115 = arith.index_cast %get3A_1114 : i32 to index
        %get3A_1116 = arith.index_cast %add3A_1102 : i32 to index
        %get3A_1117 = arith.constant 0 : index
        %get3A_1118 = tpu.vector_load %arg9[%get3A_1115, %get3A_1116, %get3A_1117] {strides = array<i32>} : memref<2x416x32xf32, #tpu.memory_space<vmem>>, vector<16xf32>,
        %get3A_1119 = arith.constant 0 : i32
        %get3A_1120 = arith.index_cast %get3A_1119 : i32 to index
        %get3A_1121 = arith.index_cast %add3A_1102 : i32 to index
        %get3A_1122 = arith.constant 16 : index
        %get3A_1123 = tpu.vector_load %arg9[%get3A_1120, %get3A_1121, %get3A_1122] {strides = array<i32>} : memref<2x416x32xf32, #tpu.memory_space<vmem>>, vector<16xf32>,
        %select_n3A = arith.select %ne3A, %get3A_413, %get3A_1118 : vector<16xi1>, vector<16xf32>
        %swap3A = arith.constant 0 : i32
        %swap3A_1124 = arith.index_cast %swap3A : i32 to index
        %swap3A_1125 = arith.index_cast %add3A_1102 : i32 to index
        %swap3A_1126 = arith.constant 0 : index
        %swap3A_1127 = tpu.vector_load %arg11[%swap3A_1124, %swap3A_1125, %swap3A_1126] {strides = array<i32>} : memref<2x416x32xf32, #tpu.memory_space<vmem>>, vector<16xf32>,
        tpu.vector_store %arg11[%swap3A_1124, %swap3A_1125, %swap3A_1126], %select_n3A {strides = array<i32>} : memref<2x416x32xf32, #tpu.memory_space<vmem>>, vector<16xf32>,
        %select_n3A_1128 = arith.select %ne3A_1113, %get3A_417, %get3A_1123 : vector<16xi1>, vector<16xf32>
        %swap3A_1129 = arith.constant 0 : i32
        %swap3A_1130 = arith.index_cast %swap3A_1129 : i32 to index
        %swap3A_1131 = arith.index_cast %add3A_1102 : i32 to index
        %swap3A_1132 = arith.constant 16 : index
        %swap3A_1133 = tpu.vector_load %arg11[%swap3A_1130, %swap3A_1131, %swap3A_1132] {strides = array<i32>} : memref<2x416x32xf32, #tpu.memory_space<vmem>>, vector<16xf32>,
        tpu.vector_store %arg11[%swap3A_1130, %swap3A_1131, %swap3A_1132], %select_n3A_1128 {strides = array<i32>} : memref<2x416x32xf32, #tpu.memory_space<vmem>>, vector<16xf32>,
        %scan3A_1134 = arith.constant 0 : i32
        scf.yield %scan3A_1134 : i32
      }
      %scan3A_424 = arith.constant 16 : i32
      %get3A_425 = arith.constant 12 : i32
      %get3A_426 = arith.index_cast %get3A_425 : i32 to index
      %get3A_427 = arith.constant 0 : index
      %get3A_428 = tpu.vector_load %arg8[%get3A_426, %get3A_427] {strides = array<i32>} : memref<26x32xf32, #tpu.memory_space<vmem>>, vector<16xf32>,
      %get3A_429 = arith.constant 12 : i32
      %get3A_430 = arith.index_cast %get3A_429 : i32 to index
      %get3A_431 = arith.constant 16 : index
      %get3A_432 = tpu.vector_load %arg8[%get3A_430, %get3A_431] {strides = array<i32>} : memref<26x32xf32, #tpu.memory_space<vmem>>, vector<16xf32>,
      %scan3A_433 = arith.constant 0 : i32
      %scan3A_434 = arith.constant 0 : i32
      %scan3A_435 = arith.constant 16 : i32
      %scan3A_436 = arith.addi %scan3A_434, %scan3A_435 : i32
      %scan3A_437 = arith.constant 1 : i32
      %scan3A_438 = scf.for %scan3A_1097 = %scan3A_434 to %scan3A_436 step %scan3A_437 iter_args(%scan3A_1098 = %scan3A_433) -> (i32)  : i32 {
        %mul3A_1099 = arith.constant 26 : i32
        %mul3A_1100 = arith.muli %mul3A_1099, %scan3A_1097 : i32
        %add3A_1101 = arith.constant 12 : i32
        %add3A_1102 = arith.addi %add3A_1101, %mul3A_1100 : i32
        %get3A_1103 = arith.constant 0 : i32
        %get3A_1104 = arith.index_cast %get3A_1103 : i32 to index
        %get3A_1105 = arith.index_cast %add3A_1102 : i32 to index
        %get3A_1106 = arith.constant 0 : index
        %get3A_1107 = tpu.vector_load %arg10[%get3A_1104, %get3A_1105, %get3A_1106] {strides = array<i32>} : memref<2x416x32xf32, #tpu.memory_space<vmem>>, vector<16xf32>,
        %ne3A = arith.cmpf one, %get3A_1107, %broadcast_in_dim3A_3 : vector<16xf32>
        %get3A_1108 = arith.constant 0 : i32
        %get3A_1109 = arith.index_cast %get3A_1108 : i32 to index
        %get3A_1110 = arith.index_cast %add3A_1102 : i32 to index
        %get3A_1111 = arith.constant 16 : index
        %get3A_1112 = tpu.vector_load %arg10[%get3A_1109, %get3A_1110, %get3A_1111] {strides = array<i32>} : memref<2x416x32xf32, #tpu.memory_space<vmem>>, vector<16xf32>,
        %ne3A_1113 = arith.cmpf one, %get3A_1112, %broadcast_in_dim3A_3 : vector<16xf32>
        %get3A_1114 = arith.constant 0 : i32
        %get3A_1115 = arith.index_cast %get3A_1114 : i32 to index
        %get3A_1116 = arith.index_cast %add3A_1102 : i32 to index
        %get3A_1117 = arith.constant 0 : index
        %get3A_1118 = tpu.vector_load %arg9[%get3A_1115, %get3A_1116, %get3A_1117] {strides = array<i32>} : memref<2x416x32xf32, #tpu.memory_space<vmem>>, vector<16xf32>,
        %get3A_1119 = arith.constant 0 : i32
        %get3A_1120 = arith.index_cast %get3A_1119 : i32 to index
        %get3A_1121 = arith.index_cast %add3A_1102 : i32 to index
        %get3A_1122 = arith.constant 16 : index
        %get3A_1123 = tpu.vector_load %arg9[%get3A_1120, %get3A_1121, %get3A_1122] {strides = array<i32>} : memref<2x416x32xf32, #tpu.memory_space<vmem>>, vector<16xf32>,
        %select_n3A = arith.select %ne3A, %get3A_428, %get3A_1118 : vector<16xi1>, vector<16xf32>
        %swap3A = arith.constant 0 : i32
        %swap3A_1124 = arith.index_cast %swap3A : i32 to index
        %swap3A_1125 = arith.index_cast %add3A_1102 : i32 to index
        %swap3A_1126 = arith.constant 0 : index
        %swap3A_1127 = tpu.vector_load %arg11[%swap3A_1124, %swap3A_1125, %swap3A_1126] {strides = array<i32>} : memref<2x416x32xf32, #tpu.memory_space<vmem>>, vector<16xf32>,
        tpu.vector_store %arg11[%swap3A_1124, %swap3A_1125, %swap3A_1126], %select_n3A {strides = array<i32>} : memref<2x416x32xf32, #tpu.memory_space<vmem>>, vector<16xf32>,
        %select_n3A_1128 = arith.select %ne3A_1113, %get3A_432, %get3A_1123 : vector<16xi1>, vector<16xf32>
        %swap3A_1129 = arith.constant 0 : i32
        %swap3A_1130 = arith.index_cast %swap3A_1129 : i32 to index
        %swap3A_1131 = arith.index_cast %add3A_1102 : i32 to index
        %swap3A_1132 = arith.constant 16 : index
        %swap3A_1133 = tpu.vector_load %arg11[%swap3A_1130, %swap3A_1131, %swap3A_1132] {strides = array<i32>} : memref<2x416x32xf32, #tpu.memory_space<vmem>>, vector<16xf32>,
        tpu.vector_store %arg11[%swap3A_1130, %swap3A_1131, %swap3A_1132], %select_n3A_1128 {strides = array<i32>} : memref<2x416x32xf32, #tpu.memory_space<vmem>>, vector<16xf32>,
        %scan3A_1134 = arith.constant 0 : i32
        scf.yield %scan3A_1134 : i32
      }
      %scan3A_439 = arith.constant 16 : i32
      %get3A_440 = arith.constant 13 : i32
      %get3A_441 = arith.index_cast %get3A_440 : i32 to index
      %get3A_442 = arith.constant 0 : index
      %get3A_443 = tpu.vector_load %arg8[%get3A_441, %get3A_442] {strides = array<i32>} : memref<26x32xf32, #tpu.memory_space<vmem>>, vector<16xf32>,
      %get3A_444 = arith.constant 13 : i32
      %get3A_445 = arith.index_cast %get3A_444 : i32 to index
      %get3A_446 = arith.constant 16 : index
      %get3A_447 = tpu.vector_load %arg8[%get3A_445, %get3A_446] {strides = array<i32>} : memref<26x32xf32, #tpu.memory_space<vmem>>, vector<16xf32>,
      %scan3A_448 = arith.constant 0 : i32
      %scan3A_449 = arith.constant 0 : i32
      %scan3A_450 = arith.constant 16 : i32
      %scan3A_451 = arith.addi %scan3A_449, %scan3A_450 : i32
      %scan3A_452 = arith.constant 1 : i32
      %scan3A_453 = scf.for %scan3A_1097 = %scan3A_449 to %scan3A_451 step %scan3A_452 iter_args(%scan3A_1098 = %scan3A_448) -> (i32)  : i32 {
        %mul3A_1099 = arith.constant 26 : i32
        %mul3A_1100 = arith.muli %mul3A_1099, %scan3A_1097 : i32
        %add3A_1101 = arith.constant 13 : i32
        %add3A_1102 = arith.addi %add3A_1101, %mul3A_1100 : i32
        %get3A_1103 = arith.constant 0 : i32
        %get3A_1104 = arith.index_cast %get3A_1103 : i32 to index
        %get3A_1105 = arith.index_cast %add3A_1102 : i32 to index
        %get3A_1106 = arith.constant 0 : index
        %get3A_1107 = tpu.vector_load %arg10[%get3A_1104, %get3A_1105, %get3A_1106] {strides = array<i32>} : memref<2x416x32xf32, #tpu.memory_space<vmem>>, vector<16xf32>,
        %ne3A = arith.cmpf one, %get3A_1107, %broadcast_in_dim3A_3 : vector<16xf32>
        %get3A_1108 = arith.constant 0 : i32
        %get3A_1109 = arith.index_cast %get3A_1108 : i32 to index
        %get3A_1110 = arith.index_cast %add3A_1102 : i32 to index
        %get3A_1111 = arith.constant 16 : index
        %get3A_1112 = tpu.vector_load %arg10[%get3A_1109, %get3A_1110, %get3A_1111] {strides = array<i32>} : memref<2x416x32xf32, #tpu.memory_space<vmem>>, vector<16xf32>,
        %ne3A_1113 = arith.cmpf one, %get3A_1112, %broadcast_in_dim3A_3 : vector<16xf32>
        %get3A_1114 = arith.constant 0 : i32
        %get3A_1115 = arith.index_cast %get3A_1114 : i32 to index
        %get3A_1116 = arith.index_cast %add3A_1102 : i32 to index
        %get3A_1117 = arith.constant 0 : index
        %get3A_1118 = tpu.vector_load %arg9[%get3A_1115, %get3A_1116, %get3A_1117] {strides = array<i32>} : memref<2x416x32xf32, #tpu.memory_space<vmem>>, vector<16xf32>,
        %get3A_1119 = arith.constant 0 : i32
        %get3A_1120 = arith.index_cast %get3A_1119 : i32 to index
        %get3A_1121 = arith.index_cast %add3A_1102 : i32 to index
        %get3A_1122 = arith.constant 16 : index
        %get3A_1123 = tpu.vector_load %arg9[%get3A_1120, %get3A_1121, %get3A_1122] {strides = array<i32>} : memref<2x416x32xf32, #tpu.memory_space<vmem>>, vector<16xf32>,
        %select_n3A = arith.select %ne3A, %get3A_443, %get3A_1118 : vector<16xi1>, vector<16xf32>
        %swap3A = arith.constant 0 : i32
        %swap3A_1124 = arith.index_cast %swap3A : i32 to index
        %swap3A_1125 = arith.index_cast %add3A_1102 : i32 to index
        %swap3A_1126 = arith.constant 0 : index
        %swap3A_1127 = tpu.vector_load %arg11[%swap3A_1124, %swap3A_1125, %swap3A_1126] {strides = array<i32>} : memref<2x416x32xf32, #tpu.memory_space<vmem>>, vector<16xf32>,
        tpu.vector_store %arg11[%swap3A_1124, %swap3A_1125, %swap3A_1126], %select_n3A {strides = array<i32>} : memref<2x416x32xf32, #tpu.memory_space<vmem>>, vector<16xf32>,
        %select_n3A_1128 = arith.select %ne3A_1113, %get3A_447, %get3A_1123 : vector<16xi1>, vector<16xf32>
        %swap3A_1129 = arith.constant 0 : i32
        %swap3A_1130 = arith.index_cast %swap3A_1129 : i32 to index
        %swap3A_1131 = arith.index_cast %add3A_1102 : i32 to index
        %swap3A_1132 = arith.constant 16 : index
        %swap3A_1133 = tpu.vector_load %arg11[%swap3A_1130, %swap3A_1131, %swap3A_1132] {strides = array<i32>} : memref<2x416x32xf32, #tpu.memory_space<vmem>>, vector<16xf32>,
        tpu.vector_store %arg11[%swap3A_1130, %swap3A_1131, %swap3A_1132], %select_n3A_1128 {strides = array<i32>} : memref<2x416x32xf32, #tpu.memory_space<vmem>>, vector<16xf32>,
        %scan3A_1134 = arith.constant 0 : i32
        scf.yield %scan3A_1134 : i32
      }
      %scan3A_454 = arith.constant 16 : i32
      %get3A_455 = arith.constant 14 : i32
      %get3A_456 = arith.index_cast %get3A_455 : i32 to index
      %get3A_457 = arith.constant 0 : index
      %get3A_458 = tpu.vector_load %arg8[%get3A_456, %get3A_457] {strides = array<i32>} : memref<26x32xf32, #tpu.memory_space<vmem>>, vector<16xf32>,
      %get3A_459 = arith.constant 14 : i32
      %get3A_460 = arith.index_cast %get3A_459 : i32 to index
      %get3A_461 = arith.constant 16 : index
      %get3A_462 = tpu.vector_load %arg8[%get3A_460, %get3A_461] {strides = array<i32>} : memref<26x32xf32, #tpu.memory_space<vmem>>, vector<16xf32>,
      %scan3A_463 = arith.constant 0 : i32
      %scan3A_464 = arith.constant 0 : i32
      %scan3A_465 = arith.constant 16 : i32
      %scan3A_466 = arith.addi %scan3A_464, %scan3A_465 : i32
      %scan3A_467 = arith.constant 1 : i32
      %scan3A_468 = scf.for %scan3A_1097 = %scan3A_464 to %scan3A_466 step %scan3A_467 iter_args(%scan3A_1098 = %scan3A_463) -> (i32)  : i32 {
        %mul3A_1099 = arith.constant 26 : i32
        %mul3A_1100 = arith.muli %mul3A_1099, %scan3A_1097 : i32
        %add3A_1101 = arith.constant 14 : i32
        %add3A_1102 = arith.addi %add3A_1101, %mul3A_1100 : i32
        %get3A_1103 = arith.constant 0 : i32
        %get3A_1104 = arith.index_cast %get3A_1103 : i32 to index
        %get3A_1105 = arith.index_cast %add3A_1102 : i32 to index
        %get3A_1106 = arith.constant 0 : index
        %get3A_1107 = tpu.vector_load %arg10[%get3A_1104, %get3A_1105, %get3A_1106] {strides = array<i32>} : memref<2x416x32xf32, #tpu.memory_space<vmem>>, vector<16xf32>,
        %ne3A = arith.cmpf one, %get3A_1107, %broadcast_in_dim3A_3 : vector<16xf32>
        %get3A_1108 = arith.constant 0 : i32
        %get3A_1109 = arith.index_cast %get3A_1108 : i32 to index
        %get3A_1110 = arith.index_cast %add3A_1102 : i32 to index
        %get3A_1111 = arith.constant 16 : index
        %get3A_1112 = tpu.vector_load %arg10[%get3A_1109, %get3A_1110, %get3A_1111] {strides = array<i32>} : memref<2x416x32xf32, #tpu.memory_space<vmem>>, vector<16xf32>,
        %ne3A_1113 = arith.cmpf one, %get3A_1112, %broadcast_in_dim3A_3 : vector<16xf32>
        %get3A_1114 = arith.constant 0 : i32
        %get3A_1115 = arith.index_cast %get3A_1114 : i32 to index
        %get3A_1116 = arith.index_cast %add3A_1102 : i32 to index
        %get3A_1117 = arith.constant 0 : index
        %get3A_1118 = tpu.vector_load %arg9[%get3A_1115, %get3A_1116, %get3A_1117] {strides = array<i32>} : memref<2x416x32xf32, #tpu.memory_space<vmem>>, vector<16xf32>,
        %get3A_1119 = arith.constant 0 : i32
        %get3A_1120 = arith.index_cast %get3A_1119 : i32 to index
        %get3A_1121 = arith.index_cast %add3A_1102 : i32 to index
        %get3A_1122 = arith.constant 16 : index
        %get3A_1123 = tpu.vector_load %arg9[%get3A_1120, %get3A_1121, %get3A_1122] {strides = array<i32>} : memref<2x416x32xf32, #tpu.memory_space<vmem>>, vector<16xf32>,
        %select_n3A = arith.select %ne3A, %get3A_458, %get3A_1118 : vector<16xi1>, vector<16xf32>
        %swap3A = arith.constant 0 : i32
        %swap3A_1124 = arith.index_cast %swap3A : i32 to index
        %swap3A_1125 = arith.index_cast %add3A_1102 : i32 to index
        %swap3A_1126 = arith.constant 0 : index
        %swap3A_1127 = tpu.vector_load %arg11[%swap3A_1124, %swap3A_1125, %swap3A_1126] {strides = array<i32>} : memref<2x416x32xf32, #tpu.memory_space<vmem>>, vector<16xf32>,
        tpu.vector_store %arg11[%swap3A_1124, %swap3A_1125, %swap3A_1126], %select_n3A {strides = array<i32>} : memref<2x416x32xf32, #tpu.memory_space<vmem>>, vector<16xf32>,
        %select_n3A_1128 = arith.select %ne3A_1113, %get3A_462, %get3A_1123 : vector<16xi1>, vector<16xf32>
        %swap3A_1129 = arith.constant 0 : i32
        %swap3A_1130 = arith.index_cast %swap3A_1129 : i32 to index
        %swap3A_1131 = arith.index_cast %add3A_1102 : i32 to index
        %swap3A_1132 = arith.constant 16 : index
        %swap3A_1133 = tpu.vector_load %arg11[%swap3A_1130, %swap3A_1131, %swap3A_1132] {strides = array<i32>} : memref<2x416x32xf32, #tpu.memory_space<vmem>>, vector<16xf32>,
        tpu.vector_store %arg11[%swap3A_1130, %swap3A_1131, %swap3A_1132], %select_n3A_1128 {strides = array<i32>} : memref<2x416x32xf32, #tpu.memory_space<vmem>>, vector<16xf32>,
        %scan3A_1134 = arith.constant 0 : i32
        scf.yield %scan3A_1134 : i32
      }
      %scan3A_469 = arith.constant 16 : i32
      %get3A_470 = arith.constant 15 : i32
      %get3A_471 = arith.index_cast %get3A_470 : i32 to index
      %get3A_472 = arith.constant 0 : index
      %get3A_473 = tpu.vector_load %arg8[%get3A_471, %get3A_472] {strides = array<i32>} : memref<26x32xf32, #tpu.memory_space<vmem>>, vector<16xf32>,
      %get3A_474 = arith.constant 15 : i32
      %get3A_475 = arith.index_cast %get3A_474 : i32 to index
      %get3A_476 = arith.constant 16 : index
      %get3A_477 = tpu.vector_load %arg8[%get3A_475, %get3A_476] {strides = array<i32>} : memref<26x32xf32, #tpu.memory_space<vmem>>, vector<16xf32>,
      %scan3A_478 = arith.constant 0 : i32
      %scan3A_479 = arith.constant 0 : i32
      %scan3A_480 = arith.constant 16 : i32
      %scan3A_481 = arith.addi %scan3A_479, %scan3A_480 : i32
      %scan3A_482 = arith.constant 1 : i32
      %scan3A_483 = scf.for %scan3A_1097 = %scan3A_479 to %scan3A_481 step %scan3A_482 iter_args(%scan3A_1098 = %scan3A_478) -> (i32)  : i32 {
        %mul3A_1099 = arith.constant 26 : i32
        %mul3A_1100 = arith.muli %mul3A_1099, %scan3A_1097 : i32
        %add3A_1101 = arith.constant 15 : i32
        %add3A_1102 = arith.addi %add3A_1101, %mul3A_1100 : i32
        %get3A_1103 = arith.constant 0 : i32
        %get3A_1104 = arith.index_cast %get3A_1103 : i32 to index
        %get3A_1105 = arith.index_cast %add3A_1102 : i32 to index
        %get3A_1106 = arith.constant 0 : index
        %get3A_1107 = tpu.vector_load %arg10[%get3A_1104, %get3A_1105, %get3A_1106] {strides = array<i32>} : memref<2x416x32xf32, #tpu.memory_space<vmem>>, vector<16xf32>,
        %ne3A = arith.cmpf one, %get3A_1107, %broadcast_in_dim3A_3 : vector<16xf32>
        %get3A_1108 = arith.constant 0 : i32
        %get3A_1109 = arith.index_cast %get3A_1108 : i32 to index
        %get3A_1110 = arith.index_cast %add3A_1102 : i32 to index
        %get3A_1111 = arith.constant 16 : index
        %get3A_1112 = tpu.vector_load %arg10[%get3A_1109, %get3A_1110, %get3A_1111] {strides = array<i32>} : memref<2x416x32xf32, #tpu.memory_space<vmem>>, vector<16xf32>,
        %ne3A_1113 = arith.cmpf one, %get3A_1112, %broadcast_in_dim3A_3 : vector<16xf32>
        %get3A_1114 = arith.constant 0 : i32
        %get3A_1115 = arith.index_cast %get3A_1114 : i32 to index
        %get3A_1116 = arith.index_cast %add3A_1102 : i32 to index
        %get3A_1117 = arith.constant 0 : index
        %get3A_1118 = tpu.vector_load %arg9[%get3A_1115, %get3A_1116, %get3A_1117] {strides = array<i32>} : memref<2x416x32xf32, #tpu.memory_space<vmem>>, vector<16xf32>,
        %get3A_1119 = arith.constant 0 : i32
        %get3A_1120 = arith.index_cast %get3A_1119 : i32 to index
        %get3A_1121 = arith.index_cast %add3A_1102 : i32 to index
        %get3A_1122 = arith.constant 16 : index
        %get3A_1123 = tpu.vector_load %arg9[%get3A_1120, %get3A_1121, %get3A_1122] {strides = array<i32>} : memref<2x416x32xf32, #tpu.memory_space<vmem>>, vector<16xf32>,
        %select_n3A = arith.select %ne3A, %get3A_473, %get3A_1118 : vector<16xi1>, vector<16xf32>
        %swap3A = arith.constant 0 : i32
        %swap3A_1124 = arith.index_cast %swap3A : i32 to index
        %swap3A_1125 = arith.index_cast %add3A_1102 : i32 to index
        %swap3A_1126 = arith.constant 0 : index
        %swap3A_1127 = tpu.vector_load %arg11[%swap3A_1124, %swap3A_1125, %swap3A_1126] {strides = array<i32>} : memref<2x416x32xf32, #tpu.memory_space<vmem>>, vector<16xf32>,
        tpu.vector_store %arg11[%swap3A_1124, %swap3A_1125, %swap3A_1126], %select_n3A {strides = array<i32>} : memref<2x416x32xf32, #tpu.memory_space<vmem>>, vector<16xf32>,
        %select_n3A_1128 = arith.select %ne3A_1113, %get3A_477, %get3A_1123 : vector<16xi1>, vector<16xf32>
        %swap3A_1129 = arith.constant 0 : i32
        %swap3A_1130 = arith.index_cast %swap3A_1129 : i32 to index
        %swap3A_1131 = arith.index_cast %add3A_1102 : i32 to index
        %swap3A_1132 = arith.constant 16 : index
        %swap3A_1133 = tpu.vector_load %arg11[%swap3A_1130, %swap3A_1131, %swap3A_1132] {strides = array<i32>} : memref<2x416x32xf32, #tpu.memory_space<vmem>>, vector<16xf32>,
        tpu.vector_store %arg11[%swap3A_1130, %swap3A_1131, %swap3A_1132], %select_n3A_1128 {strides = array<i32>} : memref<2x416x32xf32, #tpu.memory_space<vmem>>, vector<16xf32>,
        %scan3A_1134 = arith.constant 0 : i32
        scf.yield %scan3A_1134 : i32
      }
      %scan3A_484 = arith.constant 16 : i32
      %get3A_485 = arith.constant 16 : i32
      %get3A_486 = arith.index_cast %get3A_485 : i32 to index
      %get3A_487 = arith.constant 0 : index
      %get3A_488 = tpu.vector_load %arg8[%get3A_486, %get3A_487] {strides = array<i32>} : memref<26x32xf32, #tpu.memory_space<vmem>>, vector<16xf32>,
      %get3A_489 = arith.constant 16 : i32
      %get3A_490 = arith.index_cast %get3A_489 : i32 to index
      %get3A_491 = arith.constant 16 : index
      %get3A_492 = tpu.vector_load %arg8[%get3A_490, %get3A_491] {strides = array<i32>} : memref<26x32xf32, #tpu.memory_space<vmem>>, vector<16xf32>,
      %scan3A_493 = arith.constant 0 : i32
      %scan3A_494 = arith.constant 0 : i32
      %scan3A_495 = arith.constant 16 : i32
      %scan3A_496 = arith.addi %scan3A_494, %scan3A_495 : i32
      %scan3A_497 = arith.constant 1 : i32
      %scan3A_498 = scf.for %scan3A_1097 = %scan3A_494 to %scan3A_496 step %scan3A_497 iter_args(%scan3A_1098 = %scan3A_493) -> (i32)  : i32 {
        %mul3A_1099 = arith.constant 26 : i32
        %mul3A_1100 = arith.muli %mul3A_1099, %scan3A_1097 : i32
        %add3A_1101 = arith.constant 16 : i32
        %add3A_1102 = arith.addi %add3A_1101, %mul3A_1100 : i32
        %get3A_1103 = arith.constant 0 : i32
        %get3A_1104 = arith.index_cast %get3A_1103 : i32 to index
        %get3A_1105 = arith.index_cast %add3A_1102 : i32 to index
        %get3A_1106 = arith.constant 0 : index
        %get3A_1107 = tpu.vector_load %arg10[%get3A_1104, %get3A_1105, %get3A_1106] {strides = array<i32>} : memref<2x416x32xf32, #tpu.memory_space<vmem>>, vector<16xf32>,
        %ne3A = arith.cmpf one, %get3A_1107, %broadcast_in_dim3A_3 : vector<16xf32>
        %get3A_1108 = arith.constant 0 : i32
        %get3A_1109 = arith.index_cast %get3A_1108 : i32 to index
        %get3A_1110 = arith.index_cast %add3A_1102 : i32 to index
        %get3A_1111 = arith.constant 16 : index
        %get3A_1112 = tpu.vector_load %arg10[%get3A_1109, %get3A_1110, %get3A_1111] {strides = array<i32>} : memref<2x416x32xf32, #tpu.memory_space<vmem>>, vector<16xf32>,
        %ne3A_1113 = arith.cmpf one, %get3A_1112, %broadcast_in_dim3A_3 : vector<16xf32>
        %get3A_1114 = arith.constant 0 : i32
        %get3A_1115 = arith.index_cast %get3A_1114 : i32 to index
        %get3A_1116 = arith.index_cast %add3A_1102 : i32 to index
        %get3A_1117 = arith.constant 0 : index
        %get3A_1118 = tpu.vector_load %arg9[%get3A_1115, %get3A_1116, %get3A_1117] {strides = array<i32>} : memref<2x416x32xf32, #tpu.memory_space<vmem>>, vector<16xf32>,
        %get3A_1119 = arith.constant 0 : i32
        %get3A_1120 = arith.index_cast %get3A_1119 : i32 to index
        %get3A_1121 = arith.index_cast %add3A_1102 : i32 to index
        %get3A_1122 = arith.constant 16 : index
        %get3A_1123 = tpu.vector_load %arg9[%get3A_1120, %get3A_1121, %get3A_1122] {strides = array<i32>} : memref<2x416x32xf32, #tpu.memory_space<vmem>>, vector<16xf32>,
        %select_n3A = arith.select %ne3A, %get3A_488, %get3A_1118 : vector<16xi1>, vector<16xf32>
        %swap3A = arith.constant 0 : i32
        %swap3A_1124 = arith.index_cast %swap3A : i32 to index
        %swap3A_1125 = arith.index_cast %add3A_1102 : i32 to index
        %swap3A_1126 = arith.constant 0 : index
        %swap3A_1127 = tpu.vector_load %arg11[%swap3A_1124, %swap3A_1125, %swap3A_1126] {strides = array<i32>} : memref<2x416x32xf32, #tpu.memory_space<vmem>>, vector<16xf32>,
        tpu.vector_store %arg11[%swap3A_1124, %swap3A_1125, %swap3A_1126], %select_n3A {strides = array<i32>} : memref<2x416x32xf32, #tpu.memory_space<vmem>>, vector<16xf32>,
        %select_n3A_1128 = arith.select %ne3A_1113, %get3A_492, %get3A_1123 : vector<16xi1>, vector<16xf32>
        %swap3A_1129 = arith.constant 0 : i32
        %swap3A_1130 = arith.index_cast %swap3A_1129 : i32 to index
        %swap3A_1131 = arith.index_cast %add3A_1102 : i32 to index
        %swap3A_1132 = arith.constant 16 : index
        %swap3A_1133 = tpu.vector_load %arg11[%swap3A_1130, %swap3A_1131, %swap3A_1132] {strides = array<i32>} : memref<2x416x32xf32, #tpu.memory_space<vmem>>, vector<16xf32>,
        tpu.vector_store %arg11[%swap3A_1130, %swap3A_1131, %swap3A_1132], %select_n3A_1128 {strides = array<i32>} : memref<2x416x32xf32, #tpu.memory_space<vmem>>, vector<16xf32>,
        %scan3A_1134 = arith.constant 0 : i32
        scf.yield %scan3A_1134 : i32
      }
      %scan3A_499 = arith.constant 16 : i32
      %get3A_500 = arith.constant 17 : i32
      %get3A_501 = arith.index_cast %get3A_500 : i32 to index
      %get3A_502 = arith.constant 0 : index
      %get3A_503 = tpu.vector_load %arg8[%get3A_501, %get3A_502] {strides = array<i32>} : memref<26x32xf32, #tpu.memory_space<vmem>>, vector<16xf32>,
      %get3A_504 = arith.constant 17 : i32
      %get3A_505 = arith.index_cast %get3A_504 : i32 to index
      %get3A_506 = arith.constant 16 : index
      %get3A_507 = tpu.vector_load %arg8[%get3A_505, %get3A_506] {strides = array<i32>} : memref<26x32xf32, #tpu.memory_space<vmem>>, vector<16xf32>,
      %scan3A_508 = arith.constant 0 : i32
      %scan3A_509 = arith.constant 0 : i32
      %scan3A_510 = arith.constant 16 : i32
      %scan3A_511 = arith.addi %scan3A_509, %scan3A_510 : i32
      %scan3A_512 = arith.constant 1 : i32
      %scan3A_513 = scf.for %scan3A_1097 = %scan3A_509 to %scan3A_511 step %scan3A_512 iter_args(%scan3A_1098 = %scan3A_508) -> (i32)  : i32 {
        %mul3A_1099 = arith.constant 26 : i32
        %mul3A_1100 = arith.muli %mul3A_1099, %scan3A_1097 : i32
        %add3A_1101 = arith.constant 17 : i32
        %add3A_1102 = arith.addi %add3A_1101, %mul3A_1100 : i32
        %get3A_1103 = arith.constant 0 : i32
        %get3A_1104 = arith.index_cast %get3A_1103 : i32 to index
        %get3A_1105 = arith.index_cast %add3A_1102 : i32 to index
        %get3A_1106 = arith.constant 0 : index
        %get3A_1107 = tpu.vector_load %arg10[%get3A_1104, %get3A_1105, %get3A_1106] {strides = array<i32>} : memref<2x416x32xf32, #tpu.memory_space<vmem>>, vector<16xf32>,
        %ne3A = arith.cmpf one, %get3A_1107, %broadcast_in_dim3A_3 : vector<16xf32>
        %get3A_1108 = arith.constant 0 : i32
        %get3A_1109 = arith.index_cast %get3A_1108 : i32 to index
        %get3A_1110 = arith.index_cast %add3A_1102 : i32 to index
        %get3A_1111 = arith.constant 16 : index
        %get3A_1112 = tpu.vector_load %arg10[%get3A_1109, %get3A_1110, %get3A_1111] {strides = array<i32>} : memref<2x416x32xf32, #tpu.memory_space<vmem>>, vector<16xf32>,
        %ne3A_1113 = arith.cmpf one, %get3A_1112, %broadcast_in_dim3A_3 : vector<16xf32>
        %get3A_1114 = arith.constant 0 : i32
        %get3A_1115 = arith.index_cast %get3A_1114 : i32 to index
        %get3A_1116 = arith.index_cast %add3A_1102 : i32 to index
        %get3A_1117 = arith.constant 0 : index
        %get3A_1118 = tpu.vector_load %arg9[%get3A_1115, %get3A_1116, %get3A_1117] {strides = array<i32>} : memref<2x416x32xf32, #tpu.memory_space<vmem>>, vector<16xf32>,
        %get3A_1119 = arith.constant 0 : i32
        %get3A_1120 = arith.index_cast %get3A_1119 : i32 to index
        %get3A_1121 = arith.index_cast %add3A_1102 : i32 to index
        %get3A_1122 = arith.constant 16 : index
        %get3A_1123 = tpu.vector_load %arg9[%get3A_1120, %get3A_1121, %get3A_1122] {strides = array<i32>} : memref<2x416x32xf32, #tpu.memory_space<vmem>>, vector<16xf32>,
        %select_n3A = arith.select %ne3A, %get3A_503, %get3A_1118 : vector<16xi1>, vector<16xf32>
        %swap3A = arith.constant 0 : i32
        %swap3A_1124 = arith.index_cast %swap3A : i32 to index
        %swap3A_1125 = arith.index_cast %add3A_1102 : i32 to index
        %swap3A_1126 = arith.constant 0 : index
        %swap3A_1127 = tpu.vector_load %arg11[%swap3A_1124, %swap3A_1125, %swap3A_1126] {strides = array<i32>} : memref<2x416x32xf32, #tpu.memory_space<vmem>>, vector<16xf32>,
        tpu.vector_store %arg11[%swap3A_1124, %swap3A_1125, %swap3A_1126], %select_n3A {strides = array<i32>} : memref<2x416x32xf32, #tpu.memory_space<vmem>>, vector<16xf32>,
        %select_n3A_1128 = arith.select %ne3A_1113, %get3A_507, %get3A_1123 : vector<16xi1>, vector<16xf32>
        %swap3A_1129 = arith.constant 0 : i32
        %swap3A_1130 = arith.index_cast %swap3A_1129 : i32 to index
        %swap3A_1131 = arith.index_cast %add3A_1102 : i32 to index
        %swap3A_1132 = arith.constant 16 : index
        %swap3A_1133 = tpu.vector_load %arg11[%swap3A_1130, %swap3A_1131, %swap3A_1132] {strides = array<i32>} : memref<2x416x32xf32, #tpu.memory_space<vmem>>, vector<16xf32>,
        tpu.vector_store %arg11[%swap3A_1130, %swap3A_1131, %swap3A_1132], %select_n3A_1128 {strides = array<i32>} : memref<2x416x32xf32, #tpu.memory_space<vmem>>, vector<16xf32>,
        %scan3A_1134 = arith.constant 0 : i32
        scf.yield %scan3A_1134 : i32
      }
      %scan3A_514 = arith.constant 16 : i32
      %get3A_515 = arith.constant 18 : i32
      %get3A_516 = arith.index_cast %get3A_515 : i32 to index
      %get3A_517 = arith.constant 0 : index
      %get3A_518 = tpu.vector_load %arg8[%get3A_516, %get3A_517] {strides = array<i32>} : memref<26x32xf32, #tpu.memory_space<vmem>>, vector<16xf32>,
      %get3A_519 = arith.constant 18 : i32
      %get3A_520 = arith.index_cast %get3A_519 : i32 to index
      %get3A_521 = arith.constant 16 : index
      %get3A_522 = tpu.vector_load %arg8[%get3A_520, %get3A_521] {strides = array<i32>} : memref<26x32xf32, #tpu.memory_space<vmem>>, vector<16xf32>,
      %scan3A_523 = arith.constant 0 : i32
      %scan3A_524 = arith.constant 0 : i32
      %scan3A_525 = arith.constant 16 : i32
      %scan3A_526 = arith.addi %scan3A_524, %scan3A_525 : i32
      %scan3A_527 = arith.constant 1 : i32
      %scan3A_528 = scf.for %scan3A_1097 = %scan3A_524 to %scan3A_526 step %scan3A_527 iter_args(%scan3A_1098 = %scan3A_523) -> (i32)  : i32 {
        %mul3A_1099 = arith.constant 26 : i32
        %mul3A_1100 = arith.muli %mul3A_1099, %scan3A_1097 : i32
        %add3A_1101 = arith.constant 18 : i32
        %add3A_1102 = arith.addi %add3A_1101, %mul3A_1100 : i32
        %get3A_1103 = arith.constant 0 : i32
        %get3A_1104 = arith.index_cast %get3A_1103 : i32 to index
        %get3A_1105 = arith.index_cast %add3A_1102 : i32 to index
        %get3A_1106 = arith.constant 0 : index
        %get3A_1107 = tpu.vector_load %arg10[%get3A_1104, %get3A_1105, %get3A_1106] {strides = array<i32>} : memref<2x416x32xf32, #tpu.memory_space<vmem>>, vector<16xf32>,
        %ne3A = arith.cmpf one, %get3A_1107, %broadcast_in_dim3A_3 : vector<16xf32>
        %get3A_1108 = arith.constant 0 : i32
        %get3A_1109 = arith.index_cast %get3A_1108 : i32 to index
        %get3A_1110 = arith.index_cast %add3A_1102 : i32 to index
        %get3A_1111 = arith.constant 16 : index
        %get3A_1112 = tpu.vector_load %arg10[%get3A_1109, %get3A_1110, %get3A_1111] {strides = array<i32>} : memref<2x416x32xf32, #tpu.memory_space<vmem>>, vector<16xf32>,
        %ne3A_1113 = arith.cmpf one, %get3A_1112, %broadcast_in_dim3A_3 : vector<16xf32>
        %get3A_1114 = arith.constant 0 : i32
        %get3A_1115 = arith.index_cast %get3A_1114 : i32 to index
        %get3A_1116 = arith.index_cast %add3A_1102 : i32 to index
        %get3A_1117 = arith.constant 0 : index
        %get3A_1118 = tpu.vector_load %arg9[%get3A_1115, %get3A_1116, %get3A_1117] {strides = array<i32>} : memref<2x416x32xf32, #tpu.memory_space<vmem>>, vector<16xf32>,
        %get3A_1119 = arith.constant 0 : i32
        %get3A_1120 = arith.index_cast %get3A_1119 : i32 to index
        %get3A_1121 = arith.index_cast %add3A_1102 : i32 to index
        %get3A_1122 = arith.constant 16 : index
        %get3A_1123 = tpu.vector_load %arg9[%get3A_1120, %get3A_1121, %get3A_1122] {strides = array<i32>} : memref<2x416x32xf32, #tpu.memory_space<vmem>>, vector<16xf32>,
        %select_n3A = arith.select %ne3A, %get3A_518, %get3A_1118 : vector<16xi1>, vector<16xf32>
        %swap3A = arith.constant 0 : i32
        %swap3A_1124 = arith.index_cast %swap3A : i32 to index
        %swap3A_1125 = arith.index_cast %add3A_1102 : i32 to index
        %swap3A_1126 = arith.constant 0 : index
        %swap3A_1127 = tpu.vector_load %arg11[%swap3A_1124, %swap3A_1125, %swap3A_1126] {strides = array<i32>} : memref<2x416x32xf32, #tpu.memory_space<vmem>>, vector<16xf32>,
        tpu.vector_store %arg11[%swap3A_1124, %swap3A_1125, %swap3A_1126], %select_n3A {strides = array<i32>} : memref<2x416x32xf32, #tpu.memory_space<vmem>>, vector<16xf32>,
        %select_n3A_1128 = arith.select %ne3A_1113, %get3A_522, %get3A_1123 : vector<16xi1>, vector<16xf32>
        %swap3A_1129 = arith.constant 0 : i32
        %swap3A_1130 = arith.index_cast %swap3A_1129 : i32 to index
        %swap3A_1131 = arith.index_cast %add3A_1102 : i32 to index
        %swap3A_1132 = arith.constant 16 : index
        %swap3A_1133 = tpu.vector_load %arg11[%swap3A_1130, %swap3A_1131, %swap3A_1132] {strides = array<i32>} : memref<2x416x32xf32, #tpu.memory_space<vmem>>, vector<16xf32>,
        tpu.vector_store %arg11[%swap3A_1130, %swap3A_1131, %swap3A_1132], %select_n3A_1128 {strides = array<i32>} : memref<2x416x32xf32, #tpu.memory_space<vmem>>, vector<16xf32>,
        %scan3A_1134 = arith.constant 0 : i32
        scf.yield %scan3A_1134 : i32
      }
      %scan3A_529 = arith.constant 16 : i32
      %get3A_530 = arith.constant 19 : i32
      %get3A_531 = arith.index_cast %get3A_530 : i32 to index
      %get3A_532 = arith.constant 0 : index
      %get3A_533 = tpu.vector_load %arg8[%get3A_531, %get3A_532] {strides = array<i32>} : memref<26x32xf32, #tpu.memory_space<vmem>>, vector<16xf32>,
      %get3A_534 = arith.constant 19 : i32
      %get3A_535 = arith.index_cast %get3A_534 : i32 to index
      %get3A_536 = arith.constant 16 : index
      %get3A_537 = tpu.vector_load %arg8[%get3A_535, %get3A_536] {strides = array<i32>} : memref<26x32xf32, #tpu.memory_space<vmem>>, vector<16xf32>,
      %scan3A_538 = arith.constant 0 : i32
      %scan3A_539 = arith.constant 0 : i32
      %scan3A_540 = arith.constant 16 : i32
      %scan3A_541 = arith.addi %scan3A_539, %scan3A_540 : i32
      %scan3A_542 = arith.constant 1 : i32
      %scan3A_543 = scf.for %scan3A_1097 = %scan3A_539 to %scan3A_541 step %scan3A_542 iter_args(%scan3A_1098 = %scan3A_538) -> (i32)  : i32 {
        %mul3A_1099 = arith.constant 26 : i32
        %mul3A_1100 = arith.muli %mul3A_1099, %scan3A_1097 : i32
        %add3A_1101 = arith.constant 19 : i32
        %add3A_1102 = arith.addi %add3A_1101, %mul3A_1100 : i32
        %get3A_1103 = arith.constant 0 : i32
        %get3A_1104 = arith.index_cast %get3A_1103 : i32 to index
        %get3A_1105 = arith.index_cast %add3A_1102 : i32 to index
        %get3A_1106 = arith.constant 0 : index
        %get3A_1107 = tpu.vector_load %arg10[%get3A_1104, %get3A_1105, %get3A_1106] {strides = array<i32>} : memref<2x416x32xf32, #tpu.memory_space<vmem>>, vector<16xf32>,
        %ne3A = arith.cmpf one, %get3A_1107, %broadcast_in_dim3A_3 : vector<16xf32>
        %get3A_1108 = arith.constant 0 : i32
        %get3A_1109 = arith.index_cast %get3A_1108 : i32 to index
        %get3A_1110 = arith.index_cast %add3A_1102 : i32 to index
        %get3A_1111 = arith.constant 16 : index
        %get3A_1112 = tpu.vector_load %arg10[%get3A_1109, %get3A_1110, %get3A_1111] {strides = array<i32>} : memref<2x416x32xf32, #tpu.memory_space<vmem>>, vector<16xf32>,
        %ne3A_1113 = arith.cmpf one, %get3A_1112, %broadcast_in_dim3A_3 : vector<16xf32>
        %get3A_1114 = arith.constant 0 : i32
        %get3A_1115 = arith.index_cast %get3A_1114 : i32 to index
        %get3A_1116 = arith.index_cast %add3A_1102 : i32 to index
        %get3A_1117 = arith.constant 0 : index
        %get3A_1118 = tpu.vector_load %arg9[%get3A_1115, %get3A_1116, %get3A_1117] {strides = array<i32>} : memref<2x416x32xf32, #tpu.memory_space<vmem>>, vector<16xf32>,
        %get3A_1119 = arith.constant 0 : i32
        %get3A_1120 = arith.index_cast %get3A_1119 : i32 to index
        %get3A_1121 = arith.index_cast %add3A_1102 : i32 to index
        %get3A_1122 = arith.constant 16 : index
        %get3A_1123 = tpu.vector_load %arg9[%get3A_1120, %get3A_1121, %get3A_1122] {strides = array<i32>} : memref<2x416x32xf32, #tpu.memory_space<vmem>>, vector<16xf32>,
        %select_n3A = arith.select %ne3A, %get3A_533, %get3A_1118 : vector<16xi1>, vector<16xf32>
        %swap3A = arith.constant 0 : i32
        %swap3A_1124 = arith.index_cast %swap3A : i32 to index
        %swap3A_1125 = arith.index_cast %add3A_1102 : i32 to index
        %swap3A_1126 = arith.constant 0 : index
        %swap3A_1127 = tpu.vector_load %arg11[%swap3A_1124, %swap3A_1125, %swap3A_1126] {strides = array<i32>} : memref<2x416x32xf32, #tpu.memory_space<vmem>>, vector<16xf32>,
        tpu.vector_store %arg11[%swap3A_1124, %swap3A_1125, %swap3A_1126], %select_n3A {strides = array<i32>} : memref<2x416x32xf32, #tpu.memory_space<vmem>>, vector<16xf32>,
        %select_n3A_1128 = arith.select %ne3A_1113, %get3A_537, %get3A_1123 : vector<16xi1>, vector<16xf32>
        %swap3A_1129 = arith.constant 0 : i32
        %swap3A_1130 = arith.index_cast %swap3A_1129 : i32 to index
        %swap3A_1131 = arith.index_cast %add3A_1102 : i32 to index
        %swap3A_1132 = arith.constant 16 : index
        %swap3A_1133 = tpu.vector_load %arg11[%swap3A_1130, %swap3A_1131, %swap3A_1132] {strides = array<i32>} : memref<2x416x32xf32, #tpu.memory_space<vmem>>, vector<16xf32>,
        tpu.vector_store %arg11[%swap3A_1130, %swap3A_1131, %swap3A_1132], %select_n3A_1128 {strides = array<i32>} : memref<2x416x32xf32, #tpu.memory_space<vmem>>, vector<16xf32>,
        %scan3A_1134 = arith.constant 0 : i32
        scf.yield %scan3A_1134 : i32
      }
      %scan3A_544 = arith.constant 16 : i32
      %get3A_545 = arith.constant 20 : i32
      %get3A_546 = arith.index_cast %get3A_545 : i32 to index
      %get3A_547 = arith.constant 0 : index
      %get3A_548 = tpu.vector_load %arg8[%get3A_546, %get3A_547] {strides = array<i32>} : memref<26x32xf32, #tpu.memory_space<vmem>>, vector<16xf32>,
      %get3A_549 = arith.constant 20 : i32
      %get3A_550 = arith.index_cast %get3A_549 : i32 to index
      %get3A_551 = arith.constant 16 : index
      %get3A_552 = tpu.vector_load %arg8[%get3A_550, %get3A_551] {strides = array<i32>} : memref<26x32xf32, #tpu.memory_space<vmem>>, vector<16xf32>,
      %scan3A_553 = arith.constant 0 : i32
      %scan3A_554 = arith.constant 0 : i32
      %scan3A_555 = arith.constant 16 : i32
      %scan3A_556 = arith.addi %scan3A_554, %scan3A_555 : i32
      %scan3A_557 = arith.constant 1 : i32
      %scan3A_558 = scf.for %scan3A_1097 = %scan3A_554 to %scan3A_556 step %scan3A_557 iter_args(%scan3A_1098 = %scan3A_553) -> (i32)  : i32 {
        %mul3A_1099 = arith.constant 26 : i32
        %mul3A_1100 = arith.muli %mul3A_1099, %scan3A_1097 : i32
        %add3A_1101 = arith.constant 20 : i32
        %add3A_1102 = arith.addi %add3A_1101, %mul3A_1100 : i32
        %get3A_1103 = arith.constant 0 : i32
        %get3A_1104 = arith.index_cast %get3A_1103 : i32 to index
        %get3A_1105 = arith.index_cast %add3A_1102 : i32 to index
        %get3A_1106 = arith.constant 0 : index
        %get3A_1107 = tpu.vector_load %arg10[%get3A_1104, %get3A_1105, %get3A_1106] {strides = array<i32>} : memref<2x416x32xf32, #tpu.memory_space<vmem>>, vector<16xf32>,
        %ne3A = arith.cmpf one, %get3A_1107, %broadcast_in_dim3A_3 : vector<16xf32>
        %get3A_1108 = arith.constant 0 : i32
        %get3A_1109 = arith.index_cast %get3A_1108 : i32 to index
        %get3A_1110 = arith.index_cast %add3A_1102 : i32 to index
        %get3A_1111 = arith.constant 16 : index
        %get3A_1112 = tpu.vector_load %arg10[%get3A_1109, %get3A_1110, %get3A_1111] {strides = array<i32>} : memref<2x416x32xf32, #tpu.memory_space<vmem>>, vector<16xf32>,
        %ne3A_1113 = arith.cmpf one, %get3A_1112, %broadcast_in_dim3A_3 : vector<16xf32>
        %get3A_1114 = arith.constant 0 : i32
        %get3A_1115 = arith.index_cast %get3A_1114 : i32 to index
        %get3A_1116 = arith.index_cast %add3A_1102 : i32 to index
        %get3A_1117 = arith.constant 0 : index
        %get3A_1118 = tpu.vector_load %arg9[%get3A_1115, %get3A_1116, %get3A_1117] {strides = array<i32>} : memref<2x416x32xf32, #tpu.memory_space<vmem>>, vector<16xf32>,
        %get3A_1119 = arith.constant 0 : i32
        %get3A_1120 = arith.index_cast %get3A_1119 : i32 to index
        %get3A_1121 = arith.index_cast %add3A_1102 : i32 to index
        %get3A_1122 = arith.constant 16 : index
        %get3A_1123 = tpu.vector_load %arg9[%get3A_1120, %get3A_1121, %get3A_1122] {strides = array<i32>} : memref<2x416x32xf32, #tpu.memory_space<vmem>>, vector<16xf32>,
        %select_n3A = arith.select %ne3A, %get3A_548, %get3A_1118 : vector<16xi1>, vector<16xf32>
        %swap3A = arith.constant 0 : i32
        %swap3A_1124 = arith.index_cast %swap3A : i32 to index
        %swap3A_1125 = arith.index_cast %add3A_1102 : i32 to index
        %swap3A_1126 = arith.constant 0 : index
        %swap3A_1127 = tpu.vector_load %arg11[%swap3A_1124, %swap3A_1125, %swap3A_1126] {strides = array<i32>} : memref<2x416x32xf32, #tpu.memory_space<vmem>>, vector<16xf32>,
        tpu.vector_store %arg11[%swap3A_1124, %swap3A_1125, %swap3A_1126], %select_n3A {strides = array<i32>} : memref<2x416x32xf32, #tpu.memory_space<vmem>>, vector<16xf32>,
        %select_n3A_1128 = arith.select %ne3A_1113, %get3A_552, %get3A_1123 : vector<16xi1>, vector<16xf32>
        %swap3A_1129 = arith.constant 0 : i32
        %swap3A_1130 = arith.index_cast %swap3A_1129 : i32 to index
        %swap3A_1131 = arith.index_cast %add3A_1102 : i32 to index
        %swap3A_1132 = arith.constant 16 : index
        %swap3A_1133 = tpu.vector_load %arg11[%swap3A_1130, %swap3A_1131, %swap3A_1132] {strides = array<i32>} : memref<2x416x32xf32, #tpu.memory_space<vmem>>, vector<16xf32>,
        tpu.vector_store %arg11[%swap3A_1130, %swap3A_1131, %swap3A_1132], %select_n3A_1128 {strides = array<i32>} : memref<2x416x32xf32, #tpu.memory_space<vmem>>, vector<16xf32>,
        %scan3A_1134 = arith.constant 0 : i32
        scf.yield %scan3A_1134 : i32
      }
      %scan3A_559 = arith.constant 16 : i32
      %get3A_560 = arith.constant 21 : i32
      %get3A_561 = arith.index_cast %get3A_560 : i32 to index
      %get3A_562 = arith.constant 0 : index
      %get3A_563 = tpu.vector_load %arg8[%get3A_561, %get3A_562] {strides = array<i32>} : memref<26x32xf32, #tpu.memory_space<vmem>>, vector<16xf32>,
      %get3A_564 = arith.constant 21 : i32
      %get3A_565 = arith.index_cast %get3A_564 : i32 to index
      %get3A_566 = arith.constant 16 : index
      %get3A_567 = tpu.vector_load %arg8[%get3A_565, %get3A_566] {strides = array<i32>} : memref<26x32xf32, #tpu.memory_space<vmem>>, vector<16xf32>,
      %scan3A_568 = arith.constant 0 : i32
      %scan3A_569 = arith.constant 0 : i32
      %scan3A_570 = arith.constant 16 : i32
      %scan3A_571 = arith.addi %scan3A_569, %scan3A_570 : i32
      %scan3A_572 = arith.constant 1 : i32
      %scan3A_573 = scf.for %scan3A_1097 = %scan3A_569 to %scan3A_571 step %scan3A_572 iter_args(%scan3A_1098 = %scan3A_568) -> (i32)  : i32 {
        %mul3A_1099 = arith.constant 26 : i32
        %mul3A_1100 = arith.muli %mul3A_1099, %scan3A_1097 : i32
        %add3A_1101 = arith.constant 21 : i32
        %add3A_1102 = arith.addi %add3A_1101, %mul3A_1100 : i32
        %get3A_1103 = arith.constant 0 : i32
        %get3A_1104 = arith.index_cast %get3A_1103 : i32 to index
        %get3A_1105 = arith.index_cast %add3A_1102 : i32 to index
        %get3A_1106 = arith.constant 0 : index
        %get3A_1107 = tpu.vector_load %arg10[%get3A_1104, %get3A_1105, %get3A_1106] {strides = array<i32>} : memref<2x416x32xf32, #tpu.memory_space<vmem>>, vector<16xf32>,
        %ne3A = arith.cmpf one, %get3A_1107, %broadcast_in_dim3A_3 : vector<16xf32>
        %get3A_1108 = arith.constant 0 : i32
        %get3A_1109 = arith.index_cast %get3A_1108 : i32 to index
        %get3A_1110 = arith.index_cast %add3A_1102 : i32 to index
        %get3A_1111 = arith.constant 16 : index
        %get3A_1112 = tpu.vector_load %arg10[%get3A_1109, %get3A_1110, %get3A_1111] {strides = array<i32>} : memref<2x416x32xf32, #tpu.memory_space<vmem>>, vector<16xf32>,
        %ne3A_1113 = arith.cmpf one, %get3A_1112, %broadcast_in_dim3A_3 : vector<16xf32>
        %get3A_1114 = arith.constant 0 : i32
        %get3A_1115 = arith.index_cast %get3A_1114 : i32 to index
        %get3A_1116 = arith.index_cast %add3A_1102 : i32 to index
        %get3A_1117 = arith.constant 0 : index
        %get3A_1118 = tpu.vector_load %arg9[%get3A_1115, %get3A_1116, %get3A_1117] {strides = array<i32>} : memref<2x416x32xf32, #tpu.memory_space<vmem>>, vector<16xf32>,
        %get3A_1119 = arith.constant 0 : i32
        %get3A_1120 = arith.index_cast %get3A_1119 : i32 to index
        %get3A_1121 = arith.index_cast %add3A_1102 : i32 to index
        %get3A_1122 = arith.constant 16 : index
        %get3A_1123 = tpu.vector_load %arg9[%get3A_1120, %get3A_1121, %get3A_1122] {strides = array<i32>} : memref<2x416x32xf32, #tpu.memory_space<vmem>>, vector<16xf32>,
        %select_n3A = arith.select %ne3A, %get3A_563, %get3A_1118 : vector<16xi1>, vector<16xf32>
        %swap3A = arith.constant 0 : i32
        %swap3A_1124 = arith.index_cast %swap3A : i32 to index
        %swap3A_1125 = arith.index_cast %add3A_1102 : i32 to index
        %swap3A_1126 = arith.constant 0 : index
        %swap3A_1127 = tpu.vector_load %arg11[%swap3A_1124, %swap3A_1125, %swap3A_1126] {strides = array<i32>} : memref<2x416x32xf32, #tpu.memory_space<vmem>>, vector<16xf32>,
        tpu.vector_store %arg11[%swap3A_1124, %swap3A_1125, %swap3A_1126], %select_n3A {strides = array<i32>} : memref<2x416x32xf32, #tpu.memory_space<vmem>>, vector<16xf32>,
        %select_n3A_1128 = arith.select %ne3A_1113, %get3A_567, %get3A_1123 : vector<16xi1>, vector<16xf32>
        %swap3A_1129 = arith.constant 0 : i32
        %swap3A_1130 = arith.index_cast %swap3A_1129 : i32 to index
        %swap3A_1131 = arith.index_cast %add3A_1102 : i32 to index
        %swap3A_1132 = arith.constant 16 : index
        %swap3A_1133 = tpu.vector_load %arg11[%swap3A_1130, %swap3A_1131, %swap3A_1132] {strides = array<i32>} : memref<2x416x32xf32, #tpu.memory_space<vmem>>, vector<16xf32>,
        tpu.vector_store %arg11[%swap3A_1130, %swap3A_1131, %swap3A_1132], %select_n3A_1128 {strides = array<i32>} : memref<2x416x32xf32, #tpu.memory_space<vmem>>, vector<16xf32>,
        %scan3A_1134 = arith.constant 0 : i32
        scf.yield %scan3A_1134 : i32
      }
      %scan3A_574 = arith.constant 16 : i32
      %get3A_575 = arith.constant 22 : i32
      %get3A_576 = arith.index_cast %get3A_575 : i32 to index
      %get3A_577 = arith.constant 0 : index
      %get3A_578 = tpu.vector_load %arg8[%get3A_576, %get3A_577] {strides = array<i32>} : memref<26x32xf32, #tpu.memory_space<vmem>>, vector<16xf32>,
      %get3A_579 = arith.constant 22 : i32
      %get3A_580 = arith.index_cast %get3A_579 : i32 to index
      %get3A_581 = arith.constant 16 : index
      %get3A_582 = tpu.vector_load %arg8[%get3A_580, %get3A_581] {strides = array<i32>} : memref<26x32xf32, #tpu.memory_space<vmem>>, vector<16xf32>,
      %scan3A_583 = arith.constant 0 : i32
      %scan3A_584 = arith.constant 0 : i32
      %scan3A_585 = arith.constant 16 : i32
      %scan3A_586 = arith.addi %scan3A_584, %scan3A_585 : i32
      %scan3A_587 = arith.constant 1 : i32
      %scan3A_588 = scf.for %scan3A_1097 = %scan3A_584 to %scan3A_586 step %scan3A_587 iter_args(%scan3A_1098 = %scan3A_583) -> (i32)  : i32 {
        %mul3A_1099 = arith.constant 26 : i32
        %mul3A_1100 = arith.muli %mul3A_1099, %scan3A_1097 : i32
        %add3A_1101 = arith.constant 22 : i32
        %add3A_1102 = arith.addi %add3A_1101, %mul3A_1100 : i32
        %get3A_1103 = arith.constant 0 : i32
        %get3A_1104 = arith.index_cast %get3A_1103 : i32 to index
        %get3A_1105 = arith.index_cast %add3A_1102 : i32 to index
        %get3A_1106 = arith.constant 0 : index
        %get3A_1107 = tpu.vector_load %arg10[%get3A_1104, %get3A_1105, %get3A_1106] {strides = array<i32>} : memref<2x416x32xf32, #tpu.memory_space<vmem>>, vector<16xf32>,
        %ne3A = arith.cmpf one, %get3A_1107, %broadcast_in_dim3A_3 : vector<16xf32>
        %get3A_1108 = arith.constant 0 : i32
        %get3A_1109 = arith.index_cast %get3A_1108 : i32 to index
        %get3A_1110 = arith.index_cast %add3A_1102 : i32 to index
        %get3A_1111 = arith.constant 16 : index
        %get3A_1112 = tpu.vector_load %arg10[%get3A_1109, %get3A_1110, %get3A_1111] {strides = array<i32>} : memref<2x416x32xf32, #tpu.memory_space<vmem>>, vector<16xf32>,
        %ne3A_1113 = arith.cmpf one, %get3A_1112, %broadcast_in_dim3A_3 : vector<16xf32>
        %get3A_1114 = arith.constant 0 : i32
        %get3A_1115 = arith.index_cast %get3A_1114 : i32 to index
        %get3A_1116 = arith.index_cast %add3A_1102 : i32 to index
        %get3A_1117 = arith.constant 0 : index
        %get3A_1118 = tpu.vector_load %arg9[%get3A_1115, %get3A_1116, %get3A_1117] {strides = array<i32>} : memref<2x416x32xf32, #tpu.memory_space<vmem>>, vector<16xf32>,
        %get3A_1119 = arith.constant 0 : i32
        %get3A_1120 = arith.index_cast %get3A_1119 : i32 to index
        %get3A_1121 = arith.index_cast %add3A_1102 : i32 to index
        %get3A_1122 = arith.constant 16 : index
        %get3A_1123 = tpu.vector_load %arg9[%get3A_1120, %get3A_1121, %get3A_1122] {strides = array<i32>} : memref<2x416x32xf32, #tpu.memory_space<vmem>>, vector<16xf32>,
        %select_n3A = arith.select %ne3A, %get3A_578, %get3A_1118 : vector<16xi1>, vector<16xf32>
        %swap3A = arith.constant 0 : i32
        %swap3A_1124 = arith.index_cast %swap3A : i32 to index
        %swap3A_1125 = arith.index_cast %add3A_1102 : i32 to index
        %swap3A_1126 = arith.constant 0 : index
        %swap3A_1127 = tpu.vector_load %arg11[%swap3A_1124, %swap3A_1125, %swap3A_1126] {strides = array<i32>} : memref<2x416x32xf32, #tpu.memory_space<vmem>>, vector<16xf32>,
        tpu.vector_store %arg11[%swap3A_1124, %swap3A_1125, %swap3A_1126], %select_n3A {strides = array<i32>} : memref<2x416x32xf32, #tpu.memory_space<vmem>>, vector<16xf32>,
        %select_n3A_1128 = arith.select %ne3A_1113, %get3A_582, %get3A_1123 : vector<16xi1>, vector<16xf32>
        %swap3A_1129 = arith.constant 0 : i32
        %swap3A_1130 = arith.index_cast %swap3A_1129 : i32 to index
        %swap3A_1131 = arith.index_cast %add3A_1102 : i32 to index
        %swap3A_1132 = arith.constant 16 : index
        %swap3A_1133 = tpu.vector_load %arg11[%swap3A_1130, %swap3A_1131, %swap3A_1132] {strides = array<i32>} : memref<2x416x32xf32, #tpu.memory_space<vmem>>, vector<16xf32>,
        tpu.vector_store %arg11[%swap3A_1130, %swap3A_1131, %swap3A_1132], %select_n3A_1128 {strides = array<i32>} : memref<2x416x32xf32, #tpu.memory_space<vmem>>, vector<16xf32>,
        %scan3A_1134 = arith.constant 0 : i32
        scf.yield %scan3A_1134 : i32
      }
      %scan3A_589 = arith.constant 16 : i32
      %get3A_590 = arith.constant 23 : i32
      %get3A_591 = arith.index_cast %get3A_590 : i32 to index
      %get3A_592 = arith.constant 0 : index
      %get3A_593 = tpu.vector_load %arg8[%get3A_591, %get3A_592] {strides = array<i32>} : memref<26x32xf32, #tpu.memory_space<vmem>>, vector<16xf32>,
      %get3A_594 = arith.constant 23 : i32
      %get3A_595 = arith.index_cast %get3A_594 : i32 to index
      %get3A_596 = arith.constant 16 : index
      %get3A_597 = tpu.vector_load %arg8[%get3A_595, %get3A_596] {strides = array<i32>} : memref<26x32xf32, #tpu.memory_space<vmem>>, vector<16xf32>,
      %scan3A_598 = arith.constant 0 : i32
      %scan3A_599 = arith.constant 0 : i32
      %scan3A_600 = arith.constant 16 : i32
      %scan3A_601 = arith.addi %scan3A_599, %scan3A_600 : i32
      %scan3A_602 = arith.constant 1 : i32
      %scan3A_603 = scf.for %scan3A_1097 = %scan3A_599 to %scan3A_601 step %scan3A_602 iter_args(%scan3A_1098 = %scan3A_598) -> (i32)  : i32 {
        %mul3A_1099 = arith.constant 26 : i32
        %mul3A_1100 = arith.muli %mul3A_1099, %scan3A_1097 : i32
        %add3A_1101 = arith.constant 23 : i32
        %add3A_1102 = arith.addi %add3A_1101, %mul3A_1100 : i32
        %get3A_1103 = arith.constant 0 : i32
        %get3A_1104 = arith.index_cast %get3A_1103 : i32 to index
        %get3A_1105 = arith.index_cast %add3A_1102 : i32 to index
        %get3A_1106 = arith.constant 0 : index
        %get3A_1107 = tpu.vector_load %arg10[%get3A_1104, %get3A_1105, %get3A_1106] {strides = array<i32>} : memref<2x416x32xf32, #tpu.memory_space<vmem>>, vector<16xf32>,
        %ne3A = arith.cmpf one, %get3A_1107, %broadcast_in_dim3A_3 : vector<16xf32>
        %get3A_1108 = arith.constant 0 : i32
        %get3A_1109 = arith.index_cast %get3A_1108 : i32 to index
        %get3A_1110 = arith.index_cast %add3A_1102 : i32 to index
        %get3A_1111 = arith.constant 16 : index
        %get3A_1112 = tpu.vector_load %arg10[%get3A_1109, %get3A_1110, %get3A_1111] {strides = array<i32>} : memref<2x416x32xf32, #tpu.memory_space<vmem>>, vector<16xf32>,
        %ne3A_1113 = arith.cmpf one, %get3A_1112, %broadcast_in_dim3A_3 : vector<16xf32>
        %get3A_1114 = arith.constant 0 : i32
        %get3A_1115 = arith.index_cast %get3A_1114 : i32 to index
        %get3A_1116 = arith.index_cast %add3A_1102 : i32 to index
        %get3A_1117 = arith.constant 0 : index
        %get3A_1118 = tpu.vector_load %arg9[%get3A_1115, %get3A_1116, %get3A_1117] {strides = array<i32>} : memref<2x416x32xf32, #tpu.memory_space<vmem>>, vector<16xf32>,
        %get3A_1119 = arith.constant 0 : i32
        %get3A_1120 = arith.index_cast %get3A_1119 : i32 to index
        %get3A_1121 = arith.index_cast %add3A_1102 : i32 to index
        %get3A_1122 = arith.constant 16 : index
        %get3A_1123 = tpu.vector_load %arg9[%get3A_1120, %get3A_1121, %get3A_1122] {strides = array<i32>} : memref<2x416x32xf32, #tpu.memory_space<vmem>>, vector<16xf32>,
        %select_n3A = arith.select %ne3A, %get3A_593, %get3A_1118 : vector<16xi1>, vector<16xf32>
        %swap3A = arith.constant 0 : i32
        %swap3A_1124 = arith.index_cast %swap3A : i32 to index
        %swap3A_1125 = arith.index_cast %add3A_1102 : i32 to index
        %swap3A_1126 = arith.constant 0 : index
        %swap3A_1127 = tpu.vector_load %arg11[%swap3A_1124, %swap3A_1125, %swap3A_1126] {strides = array<i32>} : memref<2x416x32xf32, #tpu.memory_space<vmem>>, vector<16xf32>,
        tpu.vector_store %arg11[%swap3A_1124, %swap3A_1125, %swap3A_1126], %select_n3A {strides = array<i32>} : memref<2x416x32xf32, #tpu.memory_space<vmem>>, vector<16xf32>,
        %select_n3A_1128 = arith.select %ne3A_1113, %get3A_597, %get3A_1123 : vector<16xi1>, vector<16xf32>
        %swap3A_1129 = arith.constant 0 : i32
        %swap3A_1130 = arith.index_cast %swap3A_1129 : i32 to index
        %swap3A_1131 = arith.index_cast %add3A_1102 : i32 to index
        %swap3A_1132 = arith.constant 16 : index
        %swap3A_1133 = tpu.vector_load %arg11[%swap3A_1130, %swap3A_1131, %swap3A_1132] {strides = array<i32>} : memref<2x416x32xf32, #tpu.memory_space<vmem>>, vector<16xf32>,
        tpu.vector_store %arg11[%swap3A_1130, %swap3A_1131, %swap3A_1132], %select_n3A_1128 {strides = array<i32>} : memref<2x416x32xf32, #tpu.memory_space<vmem>>, vector<16xf32>,
        %scan3A_1134 = arith.constant 0 : i32
        scf.yield %scan3A_1134 : i32
      }
      %scan3A_604 = arith.constant 16 : i32
      %get3A_605 = arith.constant 24 : i32
      %get3A_606 = arith.index_cast %get3A_605 : i32 to index
      %get3A_607 = arith.constant 0 : index
      %get3A_608 = tpu.vector_load %arg8[%get3A_606, %get3A_607] {strides = array<i32>} : memref<26x32xf32, #tpu.memory_space<vmem>>, vector<16xf32>,
      %get3A_609 = arith.constant 24 : i32
      %get3A_610 = arith.index_cast %get3A_609 : i32 to index
      %get3A_611 = arith.constant 16 : index
      %get3A_612 = tpu.vector_load %arg8[%get3A_610, %get3A_611] {strides = array<i32>} : memref<26x32xf32, #tpu.memory_space<vmem>>, vector<16xf32>,
      %scan3A_613 = arith.constant 0 : i32
      %scan3A_614 = arith.constant 0 : i32
      %scan3A_615 = arith.constant 16 : i32
      %scan3A_616 = arith.addi %scan3A_614, %scan3A_615 : i32
      %scan3A_617 = arith.constant 1 : i32
      %scan3A_618 = scf.for %scan3A_1097 = %scan3A_614 to %scan3A_616 step %scan3A_617 iter_args(%scan3A_1098 = %scan3A_613) -> (i32)  : i32 {
        %mul3A_1099 = arith.constant 26 : i32
        %mul3A_1100 = arith.muli %mul3A_1099, %scan3A_1097 : i32
        %add3A_1101 = arith.constant 24 : i32
        %add3A_1102 = arith.addi %add3A_1101, %mul3A_1100 : i32
        %get3A_1103 = arith.constant 0 : i32
        %get3A_1104 = arith.index_cast %get3A_1103 : i32 to index
        %get3A_1105 = arith.index_cast %add3A_1102 : i32 to index
        %get3A_1106 = arith.constant 0 : index
        %get3A_1107 = tpu.vector_load %arg10[%get3A_1104, %get3A_1105, %get3A_1106] {strides = array<i32>} : memref<2x416x32xf32, #tpu.memory_space<vmem>>, vector<16xf32>,
        %ne3A = arith.cmpf one, %get3A_1107, %broadcast_in_dim3A_3 : vector<16xf32>
        %get3A_1108 = arith.constant 0 : i32
        %get3A_1109 = arith.index_cast %get3A_1108 : i32 to index
        %get3A_1110 = arith.index_cast %add3A_1102 : i32 to index
        %get3A_1111 = arith.constant 16 : index
        %get3A_1112 = tpu.vector_load %arg10[%get3A_1109, %get3A_1110, %get3A_1111] {strides = array<i32>} : memref<2x416x32xf32, #tpu.memory_space<vmem>>, vector<16xf32>,
        %ne3A_1113 = arith.cmpf one, %get3A_1112, %broadcast_in_dim3A_3 : vector<16xf32>
        %get3A_1114 = arith.constant 0 : i32
        %get3A_1115 = arith.index_cast %get3A_1114 : i32 to index
        %get3A_1116 = arith.index_cast %add3A_1102 : i32 to index
        %get3A_1117 = arith.constant 0 : index
        %get3A_1118 = tpu.vector_load %arg9[%get3A_1115, %get3A_1116, %get3A_1117] {strides = array<i32>} : memref<2x416x32xf32, #tpu.memory_space<vmem>>, vector<16xf32>,
        %get3A_1119 = arith.constant 0 : i32
        %get3A_1120 = arith.index_cast %get3A_1119 : i32 to index
        %get3A_1121 = arith.index_cast %add3A_1102 : i32 to index
        %get3A_1122 = arith.constant 16 : index
        %get3A_1123 = tpu.vector_load %arg9[%get3A_1120, %get3A_1121, %get3A_1122] {strides = array<i32>} : memref<2x416x32xf32, #tpu.memory_space<vmem>>, vector<16xf32>,
        %select_n3A = arith.select %ne3A, %get3A_608, %get3A_1118 : vector<16xi1>, vector<16xf32>
        %swap3A = arith.constant 0 : i32
        %swap3A_1124 = arith.index_cast %swap3A : i32 to index
        %swap3A_1125 = arith.index_cast %add3A_1102 : i32 to index
        %swap3A_1126 = arith.constant 0 : index
        %swap3A_1127 = tpu.vector_load %arg11[%swap3A_1124, %swap3A_1125, %swap3A_1126] {strides = array<i32>} : memref<2x416x32xf32, #tpu.memory_space<vmem>>, vector<16xf32>,
        tpu.vector_store %arg11[%swap3A_1124, %swap3A_1125, %swap3A_1126], %select_n3A {strides = array<i32>} : memref<2x416x32xf32, #tpu.memory_space<vmem>>, vector<16xf32>,
        %select_n3A_1128 = arith.select %ne3A_1113, %get3A_612, %get3A_1123 : vector<16xi1>, vector<16xf32>
        %swap3A_1129 = arith.constant 0 : i32
        %swap3A_1130 = arith.index_cast %swap3A_1129 : i32 to index
        %swap3A_1131 = arith.index_cast %add3A_1102 : i32 to index
        %swap3A_1132 = arith.constant 16 : index
        %swap3A_1133 = tpu.vector_load %arg11[%swap3A_1130, %swap3A_1131, %swap3A_1132] {strides = array<i32>} : memref<2x416x32xf32, #tpu.memory_space<vmem>>, vector<16xf32>,
        tpu.vector_store %arg11[%swap3A_1130, %swap3A_1131, %swap3A_1132], %select_n3A_1128 {strides = array<i32>} : memref<2x416x32xf32, #tpu.memory_space<vmem>>, vector<16xf32>,
        %scan3A_1134 = arith.constant 0 : i32
        scf.yield %scan3A_1134 : i32
      }
      %scan3A_619 = arith.constant 16 : i32
      %get3A_620 = arith.constant 25 : i32
      %get3A_621 = arith.index_cast %get3A_620 : i32 to index
      %get3A_622 = arith.constant 0 : index
      %get3A_623 = tpu.vector_load %arg8[%get3A_621, %get3A_622] {strides = array<i32>} : memref<26x32xf32, #tpu.memory_space<vmem>>, vector<16xf32>,
      %get3A_624 = arith.constant 25 : i32
      %get3A_625 = arith.index_cast %get3A_624 : i32 to index
      %get3A_626 = arith.constant 16 : index
      %get3A_627 = tpu.vector_load %arg8[%get3A_625, %get3A_626] {strides = array<i32>} : memref<26x32xf32, #tpu.memory_space<vmem>>, vector<16xf32>,
      %scan3A_628 = arith.constant 0 : i32
      %scan3A_629 = arith.constant 0 : i32
      %scan3A_630 = arith.constant 16 : i32
      %scan3A_631 = arith.addi %scan3A_629, %scan3A_630 : i32
      %scan3A_632 = arith.constant 1 : i32
      %scan3A_633 = scf.for %scan3A_1097 = %scan3A_629 to %scan3A_631 step %scan3A_632 iter_args(%scan3A_1098 = %scan3A_628) -> (i32)  : i32 {
        %mul3A_1099 = arith.constant 26 : i32
        %mul3A_1100 = arith.muli %mul3A_1099, %scan3A_1097 : i32
        %add3A_1101 = arith.constant 25 : i32
        %add3A_1102 = arith.addi %add3A_1101, %mul3A_1100 : i32
        %get3A_1103 = arith.constant 0 : i32
        %get3A_1104 = arith.index_cast %get3A_1103 : i32 to index
        %get3A_1105 = arith.index_cast %add3A_1102 : i32 to index
        %get3A_1106 = arith.constant 0 : index
        %get3A_1107 = tpu.vector_load %arg10[%get3A_1104, %get3A_1105, %get3A_1106] {strides = array<i32>} : memref<2x416x32xf32, #tpu.memory_space<vmem>>, vector<16xf32>,
        %ne3A = arith.cmpf one, %get3A_1107, %broadcast_in_dim3A_3 : vector<16xf32>
        %get3A_1108 = arith.constant 0 : i32
        %get3A_1109 = arith.index_cast %get3A_1108 : i32 to index
        %get3A_1110 = arith.index_cast %add3A_1102 : i32 to index
        %get3A_1111 = arith.constant 16 : index
        %get3A_1112 = tpu.vector_load %arg10[%get3A_1109, %get3A_1110, %get3A_1111] {strides = array<i32>} : memref<2x416x32xf32, #tpu.memory_space<vmem>>, vector<16xf32>,
        %ne3A_1113 = arith.cmpf one, %get3A_1112, %broadcast_in_dim3A_3 : vector<16xf32>
        %get3A_1114 = arith.constant 0 : i32
        %get3A_1115 = arith.index_cast %get3A_1114 : i32 to index
        %get3A_1116 = arith.index_cast %add3A_1102 : i32 to index
        %get3A_1117 = arith.constant 0 : index
        %get3A_1118 = tpu.vector_load %arg9[%get3A_1115, %get3A_1116, %get3A_1117] {strides = array<i32>} : memref<2x416x32xf32, #tpu.memory_space<vmem>>, vector<16xf32>,
        %get3A_1119 = arith.constant 0 : i32
        %get3A_1120 = arith.index_cast %get3A_1119 : i32 to index
        %get3A_1121 = arith.index_cast %add3A_1102 : i32 to index
        %get3A_1122 = arith.constant 16 : index
        %get3A_1123 = tpu.vector_load %arg9[%get3A_1120, %get3A_1121, %get3A_1122] {strides = array<i32>} : memref<2x416x32xf32, #tpu.memory_space<vmem>>, vector<16xf32>,
        %select_n3A = arith.select %ne3A, %get3A_623, %get3A_1118 : vector<16xi1>, vector<16xf32>
        %swap3A = arith.constant 0 : i32
        %swap3A_1124 = arith.index_cast %swap3A : i32 to index
        %swap3A_1125 = arith.index_cast %add3A_1102 : i32 to index
        %swap3A_1126 = arith.constant 0 : index
        %swap3A_1127 = tpu.vector_load %arg11[%swap3A_1124, %swap3A_1125, %swap3A_1126] {strides = array<i32>} : memref<2x416x32xf32, #tpu.memory_space<vmem>>, vector<16xf32>,
        tpu.vector_store %arg11[%swap3A_1124, %swap3A_1125, %swap3A_1126], %select_n3A {strides = array<i32>} : memref<2x416x32xf32, #tpu.memory_space<vmem>>, vector<16xf32>,
        %select_n3A_1128 = arith.select %ne3A_1113, %get3A_627, %get3A_1123 : vector<16xi1>, vector<16xf32>
        %swap3A_1129 = arith.constant 0 : i32
        %swap3A_1130 = arith.index_cast %swap3A_1129 : i32 to index
        %swap3A_1131 = arith.index_cast %add3A_1102 : i32 to index
        %swap3A_1132 = arith.constant 16 : index
        %swap3A_1133 = tpu.vector_load %arg11[%swap3A_1130, %swap3A_1131, %swap3A_1132] {strides = array<i32>} : memref<2x416x32xf32, #tpu.memory_space<vmem>>, vector<16xf32>,
        tpu.vector_store %arg11[%swap3A_1130, %swap3A_1131, %swap3A_1132], %select_n3A_1128 {strides = array<i32>} : memref<2x416x32xf32, #tpu.memory_space<vmem>>, vector<16xf32>,
        %scan3A_1134 = arith.constant 0 : i32
        scf.yield %scan3A_1134 : i32
      }
      %scan3A_634 = arith.constant 16 : i32
      %mul3A_635 = arith.constant 416 : i32
      %mul3A_636 = arith.muli %mul3A_121, %mul3A_635 : i32
      %add3A_637 = arith.addi %mul3A_2, %mul3A_636 : i32
      %dma_start3A_638 = arith.constant 0 : i32
      %dma_start3A_639 = arith.constant 0 : i32
      %dma_start3A_640 = arith.constant 0 : i32
      %dma_start3A_641 = tpu.memref_slice %arg11[%dma_start3A_638, %dma_start3A_639, %dma_start3A_640] : memref<2x416x32xf32, #tpu.memory_space<vmem>> -> memref<1x416x32xf32, #tpu.memory_space<vmem>>
      %dma_start3A_642 = tpu.memref_squeeze %dma_start3A_641 : memref<1x416x32xf32, #tpu.memory_space<vmem>> -> memref<416x32xf32, #tpu.memory_space<vmem>>
      %dma_start3A_643 = arith.constant 0 : i32
      %dma_start3A_644 = tpu.memref_slice %arg6[%add3A_637, %dma_start3A_643] : memref<425984x32xf32, #tpu.memory_space<hbm>> -> memref<416x32xf32, #tpu.memory_space<hbm>>
      %dma_start3A_645 = arith.constant 0 : i32
      %dma_start3A_646 = tpu.memref_slice %arg6[%add3A_637, %dma_start3A_645] : memref<425984x32xf32, #tpu.memory_space<hbm>> -> memref<416x32xf32, #tpu.memory_space<hbm>>
      %dma_start3A_647 = arith.constant 0 : i32
      %dma_start3A_648 = arith.constant 0 : i32
      %dma_start3A_649 = tpu.memref_slice %arg11[%dma_start3A_638, %dma_start3A_647, %dma_start3A_648] : memref<2x416x32xf32, #tpu.memory_space<vmem>> -> memref<1x416x32xf32, #tpu.memory_space<vmem>>
      %dma_start3A_650 = tpu.memref_squeeze %dma_start3A_649 : memref<1x416x32xf32, #tpu.memory_space<vmem>> -> memref<416x32xf32, #tpu.memory_space<vmem>>
      tpu.enqueue_dma source(%dma_start3A_650 : memref<416x32xf32, #tpu.memory_space<vmem>>) target(%dma_start3A_646 : memref<416x32xf32, #tpu.memory_space<hbm>>) target_semaphore(%arg14 : memref<!tpu.dma_semaphore, #tpu.memory_space<semaphore_mem>>)
      %gt3A_651 = arith.constant 0 : i32
      %gt3A_652 = arith.cmpi sgt, %scan3A_118, %gt3A_651 : i32
      %convert_element_type3A_653 = arith.extui %gt3A_652 : i1 to i32
      %cond3A_654 = arith.constant 0 : i32
      %cond3A_655 = arith.cmpi ne, %convert_element_type3A_653, %cond3A_654 : i32
      scf.if %cond3A_655 {
        %dma_wait3A_1097 = arith.constant 1 : i32
        %dma_wait3A_1098 = arith.constant 0 : i32
        %dma_wait3A_1099 = arith.constant 0 : i32
        %dma_wait3A_1100 = tpu.memref_slice %arg11[%dma_wait3A_1097, %dma_wait3A_1098, %dma_wait3A_1099] : memref<2x416x32xf32, #tpu.memory_space<vmem>> -> memref<1x416x32xf32, #tpu.memory_space<vmem>>
        %dma_wait3A_1101 = tpu.memref_squeeze %dma_wait3A_1100 : memref<1x416x32xf32, #tpu.memory_space<vmem>> -> memref<416x32xf32, #tpu.memory_space<vmem>>
        %dma_wait3A_1102 = arith.constant 0 : i32
        %dma_wait3A_1103 = arith.constant 0 : i32
        %dma_wait3A_1104 = tpu.memref_slice %arg6[%dma_wait3A_1102, %dma_wait3A_1103] : memref<425984x32xf32, #tpu.memory_space<hbm>> -> memref<416x32xf32, #tpu.memory_space<hbm>>
        %dma_wait3A_1105 = arith.constant 0 : i32
        %dma_wait3A_1106 = arith.constant 0 : i32
        %dma_wait3A_1107 = tpu.memref_slice %arg6[%dma_wait3A_1105, %dma_wait3A_1106] : memref<425984x32xf32, #tpu.memory_space<hbm>> -> memref<416x32xf32, #tpu.memory_space<hbm>>
        %dma_wait3A_1108 = arith.constant 0 : i32
        %dma_wait3A_1109 = arith.constant 0 : i32
        %dma_wait3A_1110 = tpu.memref_slice %arg11[%dma_wait3A_1097, %dma_wait3A_1108, %dma_wait3A_1109] : memref<2x416x32xf32, #tpu.memory_space<vmem>> -> memref<1x416x32xf32, #tpu.memory_space<vmem>>
        %dma_wait3A_1111 = tpu.memref_squeeze %dma_wait3A_1110 : memref<1x416x32xf32, #tpu.memory_space<vmem>> -> memref<416x32xf32, #tpu.memory_space<vmem>>
        tpu.wait_dma2 semaphore(%arg15 : memref<!tpu.dma_semaphore, #tpu.memory_space<semaphore_mem>>) src(%dma_wait3A_1111 : memref<416x32xf32, #tpu.memory_space<vmem>>) dst(%dma_wait3A_1107 : memref<416x32xf32, #tpu.memory_space<hbm>>)
      } else {
      }
      %lt3A = arith.constant 15 : i32
      %lt3A_656 = arith.cmpi slt, %scan3A_118, %lt3A : i32
      %convert_element_type3A_657 = arith.extui %lt3A_656 : i1 to i32
      %cond3A_658 = arith.constant 0 : i32
      %cond3A_659 = arith.cmpi ne, %convert_element_type3A_657, %cond3A_658 : i32
      scf.if %cond3A_659 {
        %add3A_1097 = arith.constant 2 : i32
        %add3A_1098 = arith.addi %mul3A_121, %add3A_1097 : i32
        %mul3A_1099 = arith.constant 416 : i32
        %mul3A_1100 = arith.muli %add3A_1098, %mul3A_1099 : i32
        %add3A_1101 = arith.constant 0 : i32
        %add3A_1102 = arith.addi %mul3A_1100, %add3A_1101 : i32
        %dma_start3A_1103 = arith.constant 0 : i32
        %dma_start3A_1104 = arith.constant 0 : i32
        %dma_start3A_1105 = arith.constant 0 : i32
        %dma_start3A_1106 = tpu.memref_slice %arg9[%dma_start3A_1103, %dma_start3A_1104, %dma_start3A_1105] : memref<2x416x32xf32, #tpu.memory_space<vmem>> -> memref<1x104x32xf32, #tpu.memory_space<vmem>>
        %dma_start3A_1107 = tpu.memref_squeeze %dma_start3A_1106 : memref<1x104x32xf32, #tpu.memory_space<vmem>> -> memref<104x32xf32, #tpu.memory_space<vmem>>
        %dma_start3A_1108 = tpu.memref_slice %arg7[%add3A_1102] : memref<13312xi32, #tpu.memory_space<vmem>> -> memref<104xi32, #tpu.memory_space<vmem>>
        %dma_start3A_1109 = arith.constant 0 : i32
        %dma_start3A_1110 = arith.constant 0 : i32
        %dma_start3A_1111 = tpu.memref_slice %arg4[%dma_start3A_1109, %dma_start3A_1110] : memref<1000000x32xf32, #tpu.memory_space<hbm>> -> memref<1000000x32xf32, #tpu.memory_space<hbm>>
        tpu.enqueue_indirect_dma source(%dma_start3A_1111 : memref<1000000x32xf32, #tpu.memory_space<hbm>>) target(%dma_start3A_1107 : memref<104x32xf32, #tpu.memory_space<vmem>>) offsets(%dma_start3A_1108 : memref<104xi32, #tpu.memory_space<vmem>>) semaphore(%arg12 : memref<!tpu.dma_semaphore, #tpu.memory_space<semaphore_mem>>)
        %dma_start3A_1112 = arith.constant 0 : i32
        %dma_start3A_1113 = arith.constant 0 : i32
        %dma_start3A_1114 = arith.constant 0 : i32
        %dma_start3A_1115 = tpu.memref_slice %arg10[%dma_start3A_1112, %dma_start3A_1113, %dma_start3A_1114] : memref<2x416x32xf32, #tpu.memory_space<vmem>> -> memref<1x104x32xf32, #tpu.memory_space<vmem>>
        %dma_start3A_1116 = tpu.memref_squeeze %dma_start3A_1115 : memref<1x104x32xf32, #tpu.memory_space<vmem>> -> memref<104x32xf32, #tpu.memory_space<vmem>>
        %dma_start3A_1117 = tpu.memref_slice %arg7[%add3A_1102] : memref<13312xi32, #tpu.memory_space<vmem>> -> memref<104xi32, #tpu.memory_space<vmem>>
        %dma_start3A_1118 = arith.constant 0 : i32
        %dma_start3A_1119 = arith.constant 0 : i32
        %dma_start3A_1120 = tpu.memref_slice %arg3[%dma_start3A_1118, %dma_start3A_1119] : memref<1000000x32xf32, #tpu.memory_space<hbm>> -> memref<1000000x32xf32, #tpu.memory_space<hbm>>
        tpu.enqueue_indirect_dma source(%dma_start3A_1120 : memref<1000000x32xf32, #tpu.memory_space<hbm>>) target(%dma_start3A_1116 : memref<104x32xf32, #tpu.memory_space<vmem>>) offsets(%dma_start3A_1117 : memref<104xi32, #tpu.memory_space<vmem>>) semaphore(%arg12 : memref<!tpu.dma_semaphore, #tpu.memory_space<semaphore_mem>>)
        %mul3A_1121 = arith.constant 416 : i32
        %mul3A_1122 = arith.muli %add3A_1098, %mul3A_1121 : i32
        %add3A_1123 = arith.constant 104 : i32
        %add3A_1124 = arith.addi %mul3A_1122, %add3A_1123 : i32
        %dma_start3A_1125 = arith.constant 0 : i32
        %dma_start3A_1126 = arith.constant 104 : i32
        %dma_start3A_1127 = arith.constant 0 : i32
        %dma_start3A_1128 = tpu.memref_slice %arg9[%dma_start3A_1125, %dma_start3A_1126, %dma_start3A_1127] : memref<2x416x32xf32, #tpu.memory_space<vmem>> -> memref<1x104x32xf32, #tpu.memory_space<vmem>>
        %dma_start3A_1129 = tpu.memref_squeeze %dma_start3A_1128 : memref<1x104x32xf32, #tpu.memory_space<vmem>> -> memref<104x32xf32, #tpu.memory_space<vmem>>
        %dma_start3A_1130 = tpu.memref_slice %arg7[%add3A_1124] : memref<13312xi32, #tpu.memory_space<vmem>> -> memref<104xi32, #tpu.memory_space<vmem>>
        %dma_start3A_1131 = arith.constant 0 : i32
        %dma_start3A_1132 = arith.constant 0 : i32
        %dma_start3A_1133 = tpu.memref_slice %arg4[%dma_start3A_1131, %dma_start3A_1132] : memref<1000000x32xf32, #tpu.memory_space<hbm>> -> memref<1000000x32xf32, #tpu.memory_space<hbm>>
        tpu.enqueue_indirect_dma source(%dma_start3A_1133 : memref<1000000x32xf32, #tpu.memory_space<hbm>>) target(%dma_start3A_1129 : memref<104x32xf32, #tpu.memory_space<vmem>>) offsets(%dma_start3A_1130 : memref<104xi32, #tpu.memory_space<vmem>>) semaphore(%arg12 : memref<!tpu.dma_semaphore, #tpu.memory_space<semaphore_mem>>)
        %dma_start3A_1134 = arith.constant 0 : i32
        %dma_start3A_1135 = arith.constant 104 : i32
        %dma_start3A_1136 = arith.constant 0 : i32
        %dma_start3A_1137 = tpu.memref_slice %arg10[%dma_start3A_1134, %dma_start3A_1135, %dma_start3A_1136] : memref<2x416x32xf32, #tpu.memory_space<vmem>> -> memref<1x104x32xf32, #tpu.memory_space<vmem>>
        %dma_start3A_1138 = tpu.memref_squeeze %dma_start3A_1137 : memref<1x104x32xf32, #tpu.memory_space<vmem>> -> memref<104x32xf32, #tpu.memory_space<vmem>>
        %dma_start3A_1139 = tpu.memref_slice %arg7[%add3A_1124] : memref<13312xi32, #tpu.memory_space<vmem>> -> memref<104xi32, #tpu.memory_space<vmem>>
        %dma_start3A_1140 = arith.constant 0 : i32
        %dma_start3A_1141 = arith.constant 0 : i32
        %dma_start3A_1142 = tpu.memref_slice %arg3[%dma_start3A_1140, %dma_start3A_1141] : memref<1000000x32xf32, #tpu.memory_space<hbm>> -> memref<1000000x32xf32, #tpu.memory_space<hbm>>
        tpu.enqueue_indirect_dma source(%dma_start3A_1142 : memref<1000000x32xf32, #tpu.memory_space<hbm>>) target(%dma_start3A_1138 : memref<104x32xf32, #tpu.memory_space<vmem>>) offsets(%dma_start3A_1139 : memref<104xi32, #tpu.memory_space<vmem>>) semaphore(%arg12 : memref<!tpu.dma_semaphore, #tpu.memory_space<semaphore_mem>>)
        %mul3A_1143 = arith.constant 416 : i32
        %mul3A_1144 = arith.muli %add3A_1098, %mul3A_1143 : i32
        %add3A_1145 = arith.constant 208 : i32
        %add3A_1146 = arith.addi %mul3A_1144, %add3A_1145 : i32
        %dma_start3A_1147 = arith.constant 0 : i32
        %dma_start3A_1148 = arith.constant 208 : i32
        %dma_start3A_1149 = arith.constant 0 : i32
        %dma_start3A_1150 = tpu.memref_slice %arg9[%dma_start3A_1147, %dma_start3A_1148, %dma_start3A_1149] : memref<2x416x32xf32, #tpu.memory_space<vmem>> -> memref<1x104x32xf32, #tpu.memory_space<vmem>>
        %dma_start3A_1151 = tpu.memref_squeeze %dma_start3A_1150 : memref<1x104x32xf32, #tpu.memory_space<vmem>> -> memref<104x32xf32, #tpu.memory_space<vmem>>
        %dma_start3A_1152 = tpu.memref_slice %arg7[%add3A_1146] : memref<13312xi32, #tpu.memory_space<vmem>> -> memref<104xi32, #tpu.memory_space<vmem>>
        %dma_start3A_1153 = arith.constant 0 : i32
        %dma_start3A_1154 = arith.constant 0 : i32
        %dma_start3A_1155 = tpu.memref_slice %arg4[%dma_start3A_1153, %dma_start3A_1154] : memref<1000000x32xf32, #tpu.memory_space<hbm>> -> memref<1000000x32xf32, #tpu.memory_space<hbm>>
        tpu.enqueue_indirect_dma source(%dma_start3A_1155 : memref<1000000x32xf32, #tpu.memory_space<hbm>>) target(%dma_start3A_1151 : memref<104x32xf32, #tpu.memory_space<vmem>>) offsets(%dma_start3A_1152 : memref<104xi32, #tpu.memory_space<vmem>>) semaphore(%arg12 : memref<!tpu.dma_semaphore, #tpu.memory_space<semaphore_mem>>)
        %dma_start3A_1156 = arith.constant 0 : i32
        %dma_start3A_1157 = arith.constant 208 : i32
        %dma_start3A_1158 = arith.constant 0 : i32
        %dma_start3A_1159 = tpu.memref_slice %arg10[%dma_start3A_1156, %dma_start3A_1157, %dma_start3A_1158] : memref<2x416x32xf32, #tpu.memory_space<vmem>> -> memref<1x104x32xf32, #tpu.memory_space<vmem>>
        %dma_start3A_1160 = tpu.memref_squeeze %dma_start3A_1159 : memref<1x104x32xf32, #tpu.memory_space<vmem>> -> memref<104x32xf32, #tpu.memory_space<vmem>>
        %dma_start3A_1161 = tpu.memref_slice %arg7[%add3A_1146] : memref<13312xi32, #tpu.memory_space<vmem>> -> memref<104xi32, #tpu.memory_space<vmem>>
        %dma_start3A_1162 = arith.constant 0 : i32
        %dma_start3A_1163 = arith.constant 0 : i32
        %dma_start3A_1164 = tpu.memref_slice %arg3[%dma_start3A_1162, %dma_start3A_1163] : memref<1000000x32xf32, #tpu.memory_space<hbm>> -> memref<1000000x32xf32, #tpu.memory_space<hbm>>
        tpu.enqueue_indirect_dma source(%dma_start3A_1164 : memref<1000000x32xf32, #tpu.memory_space<hbm>>) target(%dma_start3A_1160 : memref<104x32xf32, #tpu.memory_space<vmem>>) offsets(%dma_start3A_1161 : memref<104xi32, #tpu.memory_space<vmem>>) semaphore(%arg12 : memref<!tpu.dma_semaphore, #tpu.memory_space<semaphore_mem>>)
        %mul3A_1165 = arith.constant 416 : i32
        %mul3A_1166 = arith.muli %add3A_1098, %mul3A_1165 : i32
        %add3A_1167 = arith.constant 312 : i32
        %add3A_1168 = arith.addi %mul3A_1166, %add3A_1167 : i32
        %dma_start3A_1169 = arith.constant 0 : i32
        %dma_start3A_1170 = arith.constant 312 : i32
        %dma_start3A_1171 = arith.constant 0 : i32
        %dma_start3A_1172 = tpu.memref_slice %arg9[%dma_start3A_1169, %dma_start3A_1170, %dma_start3A_1171] : memref<2x416x32xf32, #tpu.memory_space<vmem>> -> memref<1x104x32xf32, #tpu.memory_space<vmem>>
        %dma_start3A_1173 = tpu.memref_squeeze %dma_start3A_1172 : memref<1x104x32xf32, #tpu.memory_space<vmem>> -> memref<104x32xf32, #tpu.memory_space<vmem>>
        %dma_start3A_1174 = tpu.memref_slice %arg7[%add3A_1168] : memref<13312xi32, #tpu.memory_space<vmem>> -> memref<104xi32, #tpu.memory_space<vmem>>
        %dma_start3A_1175 = arith.constant 0 : i32
        %dma_start3A_1176 = arith.constant 0 : i32
        %dma_start3A_1177 = tpu.memref_slice %arg4[%dma_start3A_1175, %dma_start3A_1176] : memref<1000000x32xf32, #tpu.memory_space<hbm>> -> memref<1000000x32xf32, #tpu.memory_space<hbm>>
        tpu.enqueue_indirect_dma source(%dma_start3A_1177 : memref<1000000x32xf32, #tpu.memory_space<hbm>>) target(%dma_start3A_1173 : memref<104x32xf32, #tpu.memory_space<vmem>>) offsets(%dma_start3A_1174 : memref<104xi32, #tpu.memory_space<vmem>>) semaphore(%arg12 : memref<!tpu.dma_semaphore, #tpu.memory_space<semaphore_mem>>)
        %dma_start3A_1178 = arith.constant 0 : i32
        %dma_start3A_1179 = arith.constant 312 : i32
        %dma_start3A_1180 = arith.constant 0 : i32
        %dma_start3A_1181 = tpu.memref_slice %arg10[%dma_start3A_1178, %dma_start3A_1179, %dma_start3A_1180] : memref<2x416x32xf32, #tpu.memory_space<vmem>> -> memref<1x104x32xf32, #tpu.memory_space<vmem>>
        %dma_start3A_1182 = tpu.memref_squeeze %dma_start3A_1181 : memref<1x104x32xf32, #tpu.memory_space<vmem>> -> memref<104x32xf32, #tpu.memory_space<vmem>>
        %dma_start3A_1183 = tpu.memref_slice %arg7[%add3A_1168] : memref<13312xi32, #tpu.memory_space<vmem>> -> memref<104xi32, #tpu.memory_space<vmem>>
        %dma_start3A_1184 = arith.constant 0 : i32
        %dma_start3A_1185 = arith.constant 0 : i32
        %dma_start3A_1186 = tpu.memref_slice %arg3[%dma_start3A_1184, %dma_start3A_1185] : memref<1000000x32xf32, #tpu.memory_space<hbm>> -> memref<1000000x32xf32, #tpu.memory_space<hbm>>
        tpu.enqueue_indirect_dma source(%dma_start3A_1186 : memref<1000000x32xf32, #tpu.memory_space<hbm>>) target(%dma_start3A_1182 : memref<104x32xf32, #tpu.memory_space<vmem>>) offsets(%dma_start3A_1183 : memref<104xi32, #tpu.memory_space<vmem>>) semaphore(%arg12 : memref<!tpu.dma_semaphore, #tpu.memory_space<semaphore_mem>>)
      } else {
      }
      %dma_wait3A_660 = arith.constant 1 : i32
      %dma_wait3A_661 = arith.constant 0 : i32
      %dma_wait3A_662 = arith.constant 0 : i32
      %dma_wait3A_663 = tpu.memref_slice %arg9[%dma_wait3A_660, %dma_wait3A_661, %dma_wait3A_662] : memref<2x416x32xf32, #tpu.memory_space<vmem>> -> memref<1x416x32xf32, #tpu.memory_space<vmem>>
      %dma_wait3A_664 = tpu.memref_squeeze %dma_wait3A_663 : memref<1x416x32xf32, #tpu.memory_space<vmem>> -> memref<416x32xf32, #tpu.memory_space<vmem>>
      %dma_wait3A_665 = arith.constant 0 : i32
      %dma_wait3A_666 = arith.constant 0 : i32
      %dma_wait3A_667 = tpu.memref_slice %arg4[%dma_wait3A_665, %dma_wait3A_666] : memref<1000000x32xf32, #tpu.memory_space<hbm>> -> memref<416x32xf32, #tpu.memory_space<hbm>>
      %dma_wait3A_668 = arith.constant 0 : i32
      %dma_wait3A_669 = arith.constant 0 : i32
      %dma_wait3A_670 = tpu.memref_slice %arg9[%dma_wait3A_660, %dma_wait3A_668, %dma_wait3A_669] : memref<2x416x32xf32, #tpu.memory_space<vmem>> -> memref<1x416x32xf32, #tpu.memory_space<vmem>>
      %dma_wait3A_671 = tpu.memref_squeeze %dma_wait3A_670 : memref<1x416x32xf32, #tpu.memory_space<vmem>> -> memref<416x32xf32, #tpu.memory_space<vmem>>
      %dma_wait3A_672 = arith.constant 0 : i32
      %dma_wait3A_673 = arith.constant 0 : i32
      %dma_wait3A_674 = tpu.memref_slice %arg4[%dma_wait3A_672, %dma_wait3A_673] : memref<1000000x32xf32, #tpu.memory_space<hbm>> -> memref<416x32xf32, #tpu.memory_space<hbm>>
      tpu.wait_dma2 semaphore(%arg13 : memref<!tpu.dma_semaphore, #tpu.memory_space<semaphore_mem>>) src(%dma_wait3A_674 : memref<416x32xf32, #tpu.memory_space<hbm>>) dst(%dma_wait3A_671 : memref<416x32xf32, #tpu.memory_space<vmem>>)
      %dma_wait3A_675 = arith.constant 1 : i32
      %dma_wait3A_676 = arith.constant 0 : i32
      %dma_wait3A_677 = arith.constant 0 : i32
      %dma_wait3A_678 = tpu.memref_slice %arg10[%dma_wait3A_675, %dma_wait3A_676, %dma_wait3A_677] : memref<2x416x32xf32, #tpu.memory_space<vmem>> -> memref<1x416x32xf32, #tpu.memory_space<vmem>>
      %dma_wait3A_679 = tpu.memref_squeeze %dma_wait3A_678 : memref<1x416x32xf32, #tpu.memory_space<vmem>> -> memref<416x32xf32, #tpu.memory_space<vmem>>
      %dma_wait3A_680 = arith.constant 0 : i32
      %dma_wait3A_681 = arith.constant 0 : i32
      %dma_wait3A_682 = tpu.memref_slice %arg3[%dma_wait3A_680, %dma_wait3A_681] : memref<1000000x32xf32, #tpu.memory_space<hbm>> -> memref<416x32xf32, #tpu.memory_space<hbm>>
      %dma_wait3A_683 = arith.constant 0 : i32
      %dma_wait3A_684 = arith.constant 0 : i32
      %dma_wait3A_685 = tpu.memref_slice %arg10[%dma_wait3A_675, %dma_wait3A_683, %dma_wait3A_684] : memref<2x416x32xf32, #tpu.memory_space<vmem>> -> memref<1x416x32xf32, #tpu.memory_space<vmem>>
      %dma_wait3A_686 = tpu.memref_squeeze %dma_wait3A_685 : memref<1x416x32xf32, #tpu.memory_space<vmem>> -> memref<416x32xf32, #tpu.memory_space<vmem>>
      %dma_wait3A_687 = arith.constant 0 : i32
      %dma_wait3A_688 = arith.constant 0 : i32
      %dma_wait3A_689 = tpu.memref_slice %arg3[%dma_wait3A_687, %dma_wait3A_688] : memref<1000000x32xf32, #tpu.memory_space<hbm>> -> memref<416x32xf32, #tpu.memory_space<hbm>>
      tpu.wait_dma2 semaphore(%arg13 : memref<!tpu.dma_semaphore, #tpu.memory_space<semaphore_mem>>) src(%dma_wait3A_689 : memref<416x32xf32, #tpu.memory_space<hbm>>) dst(%dma_wait3A_686 : memref<416x32xf32, #tpu.memory_space<vmem>>)
      %get3A_690 = arith.constant 0 : i32
      %get3A_691 = arith.index_cast %get3A_690 : i32 to index
      %get3A_692 = arith.constant 0 : index
      %get3A_693 = tpu.vector_load %arg8[%get3A_691, %get3A_692] {strides = array<i32>} : memref<26x32xf32, #tpu.memory_space<vmem>>, vector<16xf32>,
      %get3A_694 = arith.constant 0 : i32
      %get3A_695 = arith.index_cast %get3A_694 : i32 to index
      %get3A_696 = arith.constant 16 : index
      %get3A_697 = tpu.vector_load %arg8[%get3A_695, %get3A_696] {strides = array<i32>} : memref<26x32xf32, #tpu.memory_space<vmem>>, vector<16xf32>,
      %scan3A_698 = arith.constant 0 : i32
      %scan3A_699 = arith.constant 0 : i32
      %scan3A_700 = arith.constant 16 : i32
      %scan3A_701 = arith.addi %scan3A_699, %scan3A_700 : i32
      %scan3A_702 = arith.constant 1 : i32
      %scan3A_703 = scf.for %scan3A_1097 = %scan3A_699 to %scan3A_701 step %scan3A_702 iter_args(%scan3A_1098 = %scan3A_698) -> (i32)  : i32 {
        %mul3A_1099 = arith.constant 26 : i32
        %mul3A_1100 = arith.muli %mul3A_1099, %scan3A_1097 : i32
        %add3A_1101 = arith.constant 0 : i32
        %add3A_1102 = arith.addi %add3A_1101, %mul3A_1100 : i32
        %get3A_1103 = arith.constant 1 : i32
        %get3A_1104 = arith.index_cast %get3A_1103 : i32 to index
        %get3A_1105 = arith.index_cast %add3A_1102 : i32 to index
        %get3A_1106 = arith.constant 0 : index
        %get3A_1107 = tpu.vector_load %arg10[%get3A_1104, %get3A_1105, %get3A_1106] {strides = array<i32>} : memref<2x416x32xf32, #tpu.memory_space<vmem>>, vector<16xf32>,
        %ne3A = arith.cmpf one, %get3A_1107, %broadcast_in_dim3A_3 : vector<16xf32>
        %get3A_1108 = arith.constant 1 : i32
        %get3A_1109 = arith.index_cast %get3A_1108 : i32 to index
        %get3A_1110 = arith.index_cast %add3A_1102 : i32 to index
        %get3A_1111 = arith.constant 16 : index
        %get3A_1112 = tpu.vector_load %arg10[%get3A_1109, %get3A_1110, %get3A_1111] {strides = array<i32>} : memref<2x416x32xf32, #tpu.memory_space<vmem>>, vector<16xf32>,
        %ne3A_1113 = arith.cmpf one, %get3A_1112, %broadcast_in_dim3A_3 : vector<16xf32>
        %get3A_1114 = arith.constant 1 : i32
        %get3A_1115 = arith.index_cast %get3A_1114 : i32 to index
        %get3A_1116 = arith.index_cast %add3A_1102 : i32 to index
        %get3A_1117 = arith.constant 0 : index
        %get3A_1118 = tpu.vector_load %arg9[%get3A_1115, %get3A_1116, %get3A_1117] {strides = array<i32>} : memref<2x416x32xf32, #tpu.memory_space<vmem>>, vector<16xf32>,
        %get3A_1119 = arith.constant 1 : i32
        %get3A_1120 = arith.index_cast %get3A_1119 : i32 to index
        %get3A_1121 = arith.index_cast %add3A_1102 : i32 to index
        %get3A_1122 = arith.constant 16 : index
        %get3A_1123 = tpu.vector_load %arg9[%get3A_1120, %get3A_1121, %get3A_1122] {strides = array<i32>} : memref<2x416x32xf32, #tpu.memory_space<vmem>>, vector<16xf32>,
        %select_n3A = arith.select %ne3A, %get3A_693, %get3A_1118 : vector<16xi1>, vector<16xf32>
        %swap3A = arith.constant 1 : i32
        %swap3A_1124 = arith.index_cast %swap3A : i32 to index
        %swap3A_1125 = arith.index_cast %add3A_1102 : i32 to index
        %swap3A_1126 = arith.constant 0 : index
        %swap3A_1127 = tpu.vector_load %arg11[%swap3A_1124, %swap3A_1125, %swap3A_1126] {strides = array<i32>} : memref<2x416x32xf32, #tpu.memory_space<vmem>>, vector<16xf32>,
        tpu.vector_store %arg11[%swap3A_1124, %swap3A_1125, %swap3A_1126], %select_n3A {strides = array<i32>} : memref<2x416x32xf32, #tpu.memory_space<vmem>>, vector<16xf32>,
        %select_n3A_1128 = arith.select %ne3A_1113, %get3A_697, %get3A_1123 : vector<16xi1>, vector<16xf32>
        %swap3A_1129 = arith.constant 1 : i32
        %swap3A_1130 = arith.index_cast %swap3A_1129 : i32 to index
        %swap3A_1131 = arith.index_cast %add3A_1102 : i32 to index
        %swap3A_1132 = arith.constant 16 : index
        %swap3A_1133 = tpu.vector_load %arg11[%swap3A_1130, %swap3A_1131, %swap3A_1132] {strides = array<i32>} : memref<2x416x32xf32, #tpu.memory_space<vmem>>, vector<16xf32>,
        tpu.vector_store %arg11[%swap3A_1130, %swap3A_1131, %swap3A_1132], %select_n3A_1128 {strides = array<i32>} : memref<2x416x32xf32, #tpu.memory_space<vmem>>, vector<16xf32>,
        %scan3A_1134 = arith.constant 0 : i32
        scf.yield %scan3A_1134 : i32
      }
      %scan3A_704 = arith.constant 16 : i32
      %get3A_705 = arith.constant 1 : i32
      %get3A_706 = arith.index_cast %get3A_705 : i32 to index
      %get3A_707 = arith.constant 0 : index
      %get3A_708 = tpu.vector_load %arg8[%get3A_706, %get3A_707] {strides = array<i32>} : memref<26x32xf32, #tpu.memory_space<vmem>>, vector<16xf32>,
      %get3A_709 = arith.constant 1 : i32
      %get3A_710 = arith.index_cast %get3A_709 : i32 to index
      %get3A_711 = arith.constant 16 : index
      %get3A_712 = tpu.vector_load %arg8[%get3A_710, %get3A_711] {strides = array<i32>} : memref<26x32xf32, #tpu.memory_space<vmem>>, vector<16xf32>,
      %scan3A_713 = arith.constant 0 : i32
      %scan3A_714 = arith.constant 0 : i32
      %scan3A_715 = arith.constant 16 : i32
      %scan3A_716 = arith.addi %scan3A_714, %scan3A_715 : i32
      %scan3A_717 = arith.constant 1 : i32
      %scan3A_718 = scf.for %scan3A_1097 = %scan3A_714 to %scan3A_716 step %scan3A_717 iter_args(%scan3A_1098 = %scan3A_713) -> (i32)  : i32 {
        %mul3A_1099 = arith.constant 26 : i32
        %mul3A_1100 = arith.muli %mul3A_1099, %scan3A_1097 : i32
        %add3A_1101 = arith.constant 1 : i32
        %add3A_1102 = arith.addi %add3A_1101, %mul3A_1100 : i32
        %get3A_1103 = arith.constant 1 : i32
        %get3A_1104 = arith.index_cast %get3A_1103 : i32 to index
        %get3A_1105 = arith.index_cast %add3A_1102 : i32 to index
        %get3A_1106 = arith.constant 0 : index
        %get3A_1107 = tpu.vector_load %arg10[%get3A_1104, %get3A_1105, %get3A_1106] {strides = array<i32>} : memref<2x416x32xf32, #tpu.memory_space<vmem>>, vector<16xf32>,
        %ne3A = arith.cmpf one, %get3A_1107, %broadcast_in_dim3A_3 : vector<16xf32>
        %get3A_1108 = arith.constant 1 : i32
        %get3A_1109 = arith.index_cast %get3A_1108 : i32 to index
        %get3A_1110 = arith.index_cast %add3A_1102 : i32 to index
        %get3A_1111 = arith.constant 16 : index
        %get3A_1112 = tpu.vector_load %arg10[%get3A_1109, %get3A_1110, %get3A_1111] {strides = array<i32>} : memref<2x416x32xf32, #tpu.memory_space<vmem>>, vector<16xf32>,
        %ne3A_1113 = arith.cmpf one, %get3A_1112, %broadcast_in_dim3A_3 : vector<16xf32>
        %get3A_1114 = arith.constant 1 : i32
        %get3A_1115 = arith.index_cast %get3A_1114 : i32 to index
        %get3A_1116 = arith.index_cast %add3A_1102 : i32 to index
        %get3A_1117 = arith.constant 0 : index
        %get3A_1118 = tpu.vector_load %arg9[%get3A_1115, %get3A_1116, %get3A_1117] {strides = array<i32>} : memref<2x416x32xf32, #tpu.memory_space<vmem>>, vector<16xf32>,
        %get3A_1119 = arith.constant 1 : i32
        %get3A_1120 = arith.index_cast %get3A_1119 : i32 to index
        %get3A_1121 = arith.index_cast %add3A_1102 : i32 to index
        %get3A_1122 = arith.constant 16 : index
        %get3A_1123 = tpu.vector_load %arg9[%get3A_1120, %get3A_1121, %get3A_1122] {strides = array<i32>} : memref<2x416x32xf32, #tpu.memory_space<vmem>>, vector<16xf32>,
        %select_n3A = arith.select %ne3A, %get3A_708, %get3A_1118 : vector<16xi1>, vector<16xf32>
        %swap3A = arith.constant 1 : i32
        %swap3A_1124 = arith.index_cast %swap3A : i32 to index
        %swap3A_1125 = arith.index_cast %add3A_1102 : i32 to index
        %swap3A_1126 = arith.constant 0 : index
        %swap3A_1127 = tpu.vector_load %arg11[%swap3A_1124, %swap3A_1125, %swap3A_1126] {strides = array<i32>} : memref<2x416x32xf32, #tpu.memory_space<vmem>>, vector<16xf32>,
        tpu.vector_store %arg11[%swap3A_1124, %swap3A_1125, %swap3A_1126], %select_n3A {strides = array<i32>} : memref<2x416x32xf32, #tpu.memory_space<vmem>>, vector<16xf32>,
        %select_n3A_1128 = arith.select %ne3A_1113, %get3A_712, %get3A_1123 : vector<16xi1>, vector<16xf32>
        %swap3A_1129 = arith.constant 1 : i32
        %swap3A_1130 = arith.index_cast %swap3A_1129 : i32 to index
        %swap3A_1131 = arith.index_cast %add3A_1102 : i32 to index
        %swap3A_1132 = arith.constant 16 : index
        %swap3A_1133 = tpu.vector_load %arg11[%swap3A_1130, %swap3A_1131, %swap3A_1132] {strides = array<i32>} : memref<2x416x32xf32, #tpu.memory_space<vmem>>, vector<16xf32>,
        tpu.vector_store %arg11[%swap3A_1130, %swap3A_1131, %swap3A_1132], %select_n3A_1128 {strides = array<i32>} : memref<2x416x32xf32, #tpu.memory_space<vmem>>, vector<16xf32>,
        %scan3A_1134 = arith.constant 0 : i32
        scf.yield %scan3A_1134 : i32
      }
      %scan3A_719 = arith.constant 16 : i32
      %get3A_720 = arith.constant 2 : i32
      %get3A_721 = arith.index_cast %get3A_720 : i32 to index
      %get3A_722 = arith.constant 0 : index
      %get3A_723 = tpu.vector_load %arg8[%get3A_721, %get3A_722] {strides = array<i32>} : memref<26x32xf32, #tpu.memory_space<vmem>>, vector<16xf32>,
      %get3A_724 = arith.constant 2 : i32
      %get3A_725 = arith.index_cast %get3A_724 : i32 to index
      %get3A_726 = arith.constant 16 : index
      %get3A_727 = tpu.vector_load %arg8[%get3A_725, %get3A_726] {strides = array<i32>} : memref<26x32xf32, #tpu.memory_space<vmem>>, vector<16xf32>,
      %scan3A_728 = arith.constant 0 : i32
      %scan3A_729 = arith.constant 0 : i32
      %scan3A_730 = arith.constant 16 : i32
      %scan3A_731 = arith.addi %scan3A_729, %scan3A_730 : i32
      %scan3A_732 = arith.constant 1 : i32
      %scan3A_733 = scf.for %scan3A_1097 = %scan3A_729 to %scan3A_731 step %scan3A_732 iter_args(%scan3A_1098 = %scan3A_728) -> (i32)  : i32 {
        %mul3A_1099 = arith.constant 26 : i32
        %mul3A_1100 = arith.muli %mul3A_1099, %scan3A_1097 : i32
        %add3A_1101 = arith.constant 2 : i32
        %add3A_1102 = arith.addi %add3A_1101, %mul3A_1100 : i32
        %get3A_1103 = arith.constant 1 : i32
        %get3A_1104 = arith.index_cast %get3A_1103 : i32 to index
        %get3A_1105 = arith.index_cast %add3A_1102 : i32 to index
        %get3A_1106 = arith.constant 0 : index
        %get3A_1107 = tpu.vector_load %arg10[%get3A_1104, %get3A_1105, %get3A_1106] {strides = array<i32>} : memref<2x416x32xf32, #tpu.memory_space<vmem>>, vector<16xf32>,
        %ne3A = arith.cmpf one, %get3A_1107, %broadcast_in_dim3A_3 : vector<16xf32>
        %get3A_1108 = arith.constant 1 : i32
        %get3A_1109 = arith.index_cast %get3A_1108 : i32 to index
        %get3A_1110 = arith.index_cast %add3A_1102 : i32 to index
        %get3A_1111 = arith.constant 16 : index
        %get3A_1112 = tpu.vector_load %arg10[%get3A_1109, %get3A_1110, %get3A_1111] {strides = array<i32>} : memref<2x416x32xf32, #tpu.memory_space<vmem>>, vector<16xf32>,
        %ne3A_1113 = arith.cmpf one, %get3A_1112, %broadcast_in_dim3A_3 : vector<16xf32>
        %get3A_1114 = arith.constant 1 : i32
        %get3A_1115 = arith.index_cast %get3A_1114 : i32 to index
        %get3A_1116 = arith.index_cast %add3A_1102 : i32 to index
        %get3A_1117 = arith.constant 0 : index
        %get3A_1118 = tpu.vector_load %arg9[%get3A_1115, %get3A_1116, %get3A_1117] {strides = array<i32>} : memref<2x416x32xf32, #tpu.memory_space<vmem>>, vector<16xf32>,
        %get3A_1119 = arith.constant 1 : i32
        %get3A_1120 = arith.index_cast %get3A_1119 : i32 to index
        %get3A_1121 = arith.index_cast %add3A_1102 : i32 to index
        %get3A_1122 = arith.constant 16 : index
        %get3A_1123 = tpu.vector_load %arg9[%get3A_1120, %get3A_1121, %get3A_1122] {strides = array<i32>} : memref<2x416x32xf32, #tpu.memory_space<vmem>>, vector<16xf32>,
        %select_n3A = arith.select %ne3A, %get3A_723, %get3A_1118 : vector<16xi1>, vector<16xf32>
        %swap3A = arith.constant 1 : i32
        %swap3A_1124 = arith.index_cast %swap3A : i32 to index
        %swap3A_1125 = arith.index_cast %add3A_1102 : i32 to index
        %swap3A_1126 = arith.constant 0 : index
        %swap3A_1127 = tpu.vector_load %arg11[%swap3A_1124, %swap3A_1125, %swap3A_1126] {strides = array<i32>} : memref<2x416x32xf32, #tpu.memory_space<vmem>>, vector<16xf32>,
        tpu.vector_store %arg11[%swap3A_1124, %swap3A_1125, %swap3A_1126], %select_n3A {strides = array<i32>} : memref<2x416x32xf32, #tpu.memory_space<vmem>>, vector<16xf32>,
        %select_n3A_1128 = arith.select %ne3A_1113, %get3A_727, %get3A_1123 : vector<16xi1>, vector<16xf32>
        %swap3A_1129 = arith.constant 1 : i32
        %swap3A_1130 = arith.index_cast %swap3A_1129 : i32 to index
        %swap3A_1131 = arith.index_cast %add3A_1102 : i32 to index
        %swap3A_1132 = arith.constant 16 : index
        %swap3A_1133 = tpu.vector_load %arg11[%swap3A_1130, %swap3A_1131, %swap3A_1132] {strides = array<i32>} : memref<2x416x32xf32, #tpu.memory_space<vmem>>, vector<16xf32>,
        tpu.vector_store %arg11[%swap3A_1130, %swap3A_1131, %swap3A_1132], %select_n3A_1128 {strides = array<i32>} : memref<2x416x32xf32, #tpu.memory_space<vmem>>, vector<16xf32>,
        %scan3A_1134 = arith.constant 0 : i32
        scf.yield %scan3A_1134 : i32
      }
      %scan3A_734 = arith.constant 16 : i32
      %get3A_735 = arith.constant 3 : i32
      %get3A_736 = arith.index_cast %get3A_735 : i32 to index
      %get3A_737 = arith.constant 0 : index
      %get3A_738 = tpu.vector_load %arg8[%get3A_736, %get3A_737] {strides = array<i32>} : memref<26x32xf32, #tpu.memory_space<vmem>>, vector<16xf32>,
      %get3A_739 = arith.constant 3 : i32
      %get3A_740 = arith.index_cast %get3A_739 : i32 to index
      %get3A_741 = arith.constant 16 : index
      %get3A_742 = tpu.vector_load %arg8[%get3A_740, %get3A_741] {strides = array<i32>} : memref<26x32xf32, #tpu.memory_space<vmem>>, vector<16xf32>,
      %scan3A_743 = arith.constant 0 : i32
      %scan3A_744 = arith.constant 0 : i32
      %scan3A_745 = arith.constant 16 : i32
      %scan3A_746 = arith.addi %scan3A_744, %scan3A_745 : i32
      %scan3A_747 = arith.constant 1 : i32
      %scan3A_748 = scf.for %scan3A_1097 = %scan3A_744 to %scan3A_746 step %scan3A_747 iter_args(%scan3A_1098 = %scan3A_743) -> (i32)  : i32 {
        %mul3A_1099 = arith.constant 26 : i32
        %mul3A_1100 = arith.muli %mul3A_1099, %scan3A_1097 : i32
        %add3A_1101 = arith.constant 3 : i32
        %add3A_1102 = arith.addi %add3A_1101, %mul3A_1100 : i32
        %get3A_1103 = arith.constant 1 : i32
        %get3A_1104 = arith.index_cast %get3A_1103 : i32 to index
        %get3A_1105 = arith.index_cast %add3A_1102 : i32 to index
        %get3A_1106 = arith.constant 0 : index
        %get3A_1107 = tpu.vector_load %arg10[%get3A_1104, %get3A_1105, %get3A_1106] {strides = array<i32>} : memref<2x416x32xf32, #tpu.memory_space<vmem>>, vector<16xf32>,
        %ne3A = arith.cmpf one, %get3A_1107, %broadcast_in_dim3A_3 : vector<16xf32>
        %get3A_1108 = arith.constant 1 : i32
        %get3A_1109 = arith.index_cast %get3A_1108 : i32 to index
        %get3A_1110 = arith.index_cast %add3A_1102 : i32 to index
        %get3A_1111 = arith.constant 16 : index
        %get3A_1112 = tpu.vector_load %arg10[%get3A_1109, %get3A_1110, %get3A_1111] {strides = array<i32>} : memref<2x416x32xf32, #tpu.memory_space<vmem>>, vector<16xf32>,
        %ne3A_1113 = arith.cmpf one, %get3A_1112, %broadcast_in_dim3A_3 : vector<16xf32>
        %get3A_1114 = arith.constant 1 : i32
        %get3A_1115 = arith.index_cast %get3A_1114 : i32 to index
        %get3A_1116 = arith.index_cast %add3A_1102 : i32 to index
        %get3A_1117 = arith.constant 0 : index
        %get3A_1118 = tpu.vector_load %arg9[%get3A_1115, %get3A_1116, %get3A_1117] {strides = array<i32>} : memref<2x416x32xf32, #tpu.memory_space<vmem>>, vector<16xf32>,
        %get3A_1119 = arith.constant 1 : i32
        %get3A_1120 = arith.index_cast %get3A_1119 : i32 to index
        %get3A_1121 = arith.index_cast %add3A_1102 : i32 to index
        %get3A_1122 = arith.constant 16 : index
        %get3A_1123 = tpu.vector_load %arg9[%get3A_1120, %get3A_1121, %get3A_1122] {strides = array<i32>} : memref<2x416x32xf32, #tpu.memory_space<vmem>>, vector<16xf32>,
        %select_n3A = arith.select %ne3A, %get3A_738, %get3A_1118 : vector<16xi1>, vector<16xf32>
        %swap3A = arith.constant 1 : i32
        %swap3A_1124 = arith.index_cast %swap3A : i32 to index
        %swap3A_1125 = arith.index_cast %add3A_1102 : i32 to index
        %swap3A_1126 = arith.constant 0 : index
        %swap3A_1127 = tpu.vector_load %arg11[%swap3A_1124, %swap3A_1125, %swap3A_1126] {strides = array<i32>} : memref<2x416x32xf32, #tpu.memory_space<vmem>>, vector<16xf32>,
        tpu.vector_store %arg11[%swap3A_1124, %swap3A_1125, %swap3A_1126], %select_n3A {strides = array<i32>} : memref<2x416x32xf32, #tpu.memory_space<vmem>>, vector<16xf32>,
        %select_n3A_1128 = arith.select %ne3A_1113, %get3A_742, %get3A_1123 : vector<16xi1>, vector<16xf32>
        %swap3A_1129 = arith.constant 1 : i32
        %swap3A_1130 = arith.index_cast %swap3A_1129 : i32 to index
        %swap3A_1131 = arith.index_cast %add3A_1102 : i32 to index
        %swap3A_1132 = arith.constant 16 : index
        %swap3A_1133 = tpu.vector_load %arg11[%swap3A_1130, %swap3A_1131, %swap3A_1132] {strides = array<i32>} : memref<2x416x32xf32, #tpu.memory_space<vmem>>, vector<16xf32>,
        tpu.vector_store %arg11[%swap3A_1130, %swap3A_1131, %swap3A_1132], %select_n3A_1128 {strides = array<i32>} : memref<2x416x32xf32, #tpu.memory_space<vmem>>, vector<16xf32>,
        %scan3A_1134 = arith.constant 0 : i32
        scf.yield %scan3A_1134 : i32
      }
      %scan3A_749 = arith.constant 16 : i32
      %get3A_750 = arith.constant 4 : i32
      %get3A_751 = arith.index_cast %get3A_750 : i32 to index
      %get3A_752 = arith.constant 0 : index
      %get3A_753 = tpu.vector_load %arg8[%get3A_751, %get3A_752] {strides = array<i32>} : memref<26x32xf32, #tpu.memory_space<vmem>>, vector<16xf32>,
      %get3A_754 = arith.constant 4 : i32
      %get3A_755 = arith.index_cast %get3A_754 : i32 to index
      %get3A_756 = arith.constant 16 : index
      %get3A_757 = tpu.vector_load %arg8[%get3A_755, %get3A_756] {strides = array<i32>} : memref<26x32xf32, #tpu.memory_space<vmem>>, vector<16xf32>,
      %scan3A_758 = arith.constant 0 : i32
      %scan3A_759 = arith.constant 0 : i32
      %scan3A_760 = arith.constant 16 : i32
      %scan3A_761 = arith.addi %scan3A_759, %scan3A_760 : i32
      %scan3A_762 = arith.constant 1 : i32
      %scan3A_763 = scf.for %scan3A_1097 = %scan3A_759 to %scan3A_761 step %scan3A_762 iter_args(%scan3A_1098 = %scan3A_758) -> (i32)  : i32 {
        %mul3A_1099 = arith.constant 26 : i32
        %mul3A_1100 = arith.muli %mul3A_1099, %scan3A_1097 : i32
        %add3A_1101 = arith.constant 4 : i32
        %add3A_1102 = arith.addi %add3A_1101, %mul3A_1100 : i32
        %get3A_1103 = arith.constant 1 : i32
        %get3A_1104 = arith.index_cast %get3A_1103 : i32 to index
        %get3A_1105 = arith.index_cast %add3A_1102 : i32 to index
        %get3A_1106 = arith.constant 0 : index
        %get3A_1107 = tpu.vector_load %arg10[%get3A_1104, %get3A_1105, %get3A_1106] {strides = array<i32>} : memref<2x416x32xf32, #tpu.memory_space<vmem>>, vector<16xf32>,
        %ne3A = arith.cmpf one, %get3A_1107, %broadcast_in_dim3A_3 : vector<16xf32>
        %get3A_1108 = arith.constant 1 : i32
        %get3A_1109 = arith.index_cast %get3A_1108 : i32 to index
        %get3A_1110 = arith.index_cast %add3A_1102 : i32 to index
        %get3A_1111 = arith.constant 16 : index
        %get3A_1112 = tpu.vector_load %arg10[%get3A_1109, %get3A_1110, %get3A_1111] {strides = array<i32>} : memref<2x416x32xf32, #tpu.memory_space<vmem>>, vector<16xf32>,
        %ne3A_1113 = arith.cmpf one, %get3A_1112, %broadcast_in_dim3A_3 : vector<16xf32>
        %get3A_1114 = arith.constant 1 : i32
        %get3A_1115 = arith.index_cast %get3A_1114 : i32 to index
        %get3A_1116 = arith.index_cast %add3A_1102 : i32 to index
        %get3A_1117 = arith.constant 0 : index
        %get3A_1118 = tpu.vector_load %arg9[%get3A_1115, %get3A_1116, %get3A_1117] {strides = array<i32>} : memref<2x416x32xf32, #tpu.memory_space<vmem>>, vector<16xf32>,
        %get3A_1119 = arith.constant 1 : i32
        %get3A_1120 = arith.index_cast %get3A_1119 : i32 to index
        %get3A_1121 = arith.index_cast %add3A_1102 : i32 to index
        %get3A_1122 = arith.constant 16 : index
        %get3A_1123 = tpu.vector_load %arg9[%get3A_1120, %get3A_1121, %get3A_1122] {strides = array<i32>} : memref<2x416x32xf32, #tpu.memory_space<vmem>>, vector<16xf32>,
        %select_n3A = arith.select %ne3A, %get3A_753, %get3A_1118 : vector<16xi1>, vector<16xf32>
        %swap3A = arith.constant 1 : i32
        %swap3A_1124 = arith.index_cast %swap3A : i32 to index
        %swap3A_1125 = arith.index_cast %add3A_1102 : i32 to index
        %swap3A_1126 = arith.constant 0 : index
        %swap3A_1127 = tpu.vector_load %arg11[%swap3A_1124, %swap3A_1125, %swap3A_1126] {strides = array<i32>} : memref<2x416x32xf32, #tpu.memory_space<vmem>>, vector<16xf32>,
        tpu.vector_store %arg11[%swap3A_1124, %swap3A_1125, %swap3A_1126], %select_n3A {strides = array<i32>} : memref<2x416x32xf32, #tpu.memory_space<vmem>>, vector<16xf32>,
        %select_n3A_1128 = arith.select %ne3A_1113, %get3A_757, %get3A_1123 : vector<16xi1>, vector<16xf32>
        %swap3A_1129 = arith.constant 1 : i32
        %swap3A_1130 = arith.index_cast %swap3A_1129 : i32 to index
        %swap3A_1131 = arith.index_cast %add3A_1102 : i32 to index
        %swap3A_1132 = arith.constant 16 : index
        %swap3A_1133 = tpu.vector_load %arg11[%swap3A_1130, %swap3A_1131, %swap3A_1132] {strides = array<i32>} : memref<2x416x32xf32, #tpu.memory_space<vmem>>, vector<16xf32>,
        tpu.vector_store %arg11[%swap3A_1130, %swap3A_1131, %swap3A_1132], %select_n3A_1128 {strides = array<i32>} : memref<2x416x32xf32, #tpu.memory_space<vmem>>, vector<16xf32>,
        %scan3A_1134 = arith.constant 0 : i32
        scf.yield %scan3A_1134 : i32
      }
      %scan3A_764 = arith.constant 16 : i32
      %get3A_765 = arith.constant 5 : i32
      %get3A_766 = arith.index_cast %get3A_765 : i32 to index
      %get3A_767 = arith.constant 0 : index
      %get3A_768 = tpu.vector_load %arg8[%get3A_766, %get3A_767] {strides = array<i32>} : memref<26x32xf32, #tpu.memory_space<vmem>>, vector<16xf32>,
      %get3A_769 = arith.constant 5 : i32
      %get3A_770 = arith.index_cast %get3A_769 : i32 to index
      %get3A_771 = arith.constant 16 : index
      %get3A_772 = tpu.vector_load %arg8[%get3A_770, %get3A_771] {strides = array<i32>} : memref<26x32xf32, #tpu.memory_space<vmem>>, vector<16xf32>,
      %scan3A_773 = arith.constant 0 : i32
      %scan3A_774 = arith.constant 0 : i32
      %scan3A_775 = arith.constant 16 : i32
      %scan3A_776 = arith.addi %scan3A_774, %scan3A_775 : i32
      %scan3A_777 = arith.constant 1 : i32
      %scan3A_778 = scf.for %scan3A_1097 = %scan3A_774 to %scan3A_776 step %scan3A_777 iter_args(%scan3A_1098 = %scan3A_773) -> (i32)  : i32 {
        %mul3A_1099 = arith.constant 26 : i32
        %mul3A_1100 = arith.muli %mul3A_1099, %scan3A_1097 : i32
        %add3A_1101 = arith.constant 5 : i32
        %add3A_1102 = arith.addi %add3A_1101, %mul3A_1100 : i32
        %get3A_1103 = arith.constant 1 : i32
        %get3A_1104 = arith.index_cast %get3A_1103 : i32 to index
        %get3A_1105 = arith.index_cast %add3A_1102 : i32 to index
        %get3A_1106 = arith.constant 0 : index
        %get3A_1107 = tpu.vector_load %arg10[%get3A_1104, %get3A_1105, %get3A_1106] {strides = array<i32>} : memref<2x416x32xf32, #tpu.memory_space<vmem>>, vector<16xf32>,
        %ne3A = arith.cmpf one, %get3A_1107, %broadcast_in_dim3A_3 : vector<16xf32>
        %get3A_1108 = arith.constant 1 : i32
        %get3A_1109 = arith.index_cast %get3A_1108 : i32 to index
        %get3A_1110 = arith.index_cast %add3A_1102 : i32 to index
        %get3A_1111 = arith.constant 16 : index
        %get3A_1112 = tpu.vector_load %arg10[%get3A_1109, %get3A_1110, %get3A_1111] {strides = array<i32>} : memref<2x416x32xf32, #tpu.memory_space<vmem>>, vector<16xf32>,
        %ne3A_1113 = arith.cmpf one, %get3A_1112, %broadcast_in_dim3A_3 : vector<16xf32>
        %get3A_1114 = arith.constant 1 : i32
        %get3A_1115 = arith.index_cast %get3A_1114 : i32 to index
        %get3A_1116 = arith.index_cast %add3A_1102 : i32 to index
        %get3A_1117 = arith.constant 0 : index
        %get3A_1118 = tpu.vector_load %arg9[%get3A_1115, %get3A_1116, %get3A_1117] {strides = array<i32>} : memref<2x416x32xf32, #tpu.memory_space<vmem>>, vector<16xf32>,
        %get3A_1119 = arith.constant 1 : i32
        %get3A_1120 = arith.index_cast %get3A_1119 : i32 to index
        %get3A_1121 = arith.index_cast %add3A_1102 : i32 to index
        %get3A_1122 = arith.constant 16 : index
        %get3A_1123 = tpu.vector_load %arg9[%get3A_1120, %get3A_1121, %get3A_1122] {strides = array<i32>} : memref<2x416x32xf32, #tpu.memory_space<vmem>>, vector<16xf32>,
        %select_n3A = arith.select %ne3A, %get3A_768, %get3A_1118 : vector<16xi1>, vector<16xf32>
        %swap3A = arith.constant 1 : i32
        %swap3A_1124 = arith.index_cast %swap3A : i32 to index
        %swap3A_1125 = arith.index_cast %add3A_1102 : i32 to index
        %swap3A_1126 = arith.constant 0 : index
        %swap3A_1127 = tpu.vector_load %arg11[%swap3A_1124, %swap3A_1125, %swap3A_1126] {strides = array<i32>} : memref<2x416x32xf32, #tpu.memory_space<vmem>>, vector<16xf32>,
        tpu.vector_store %arg11[%swap3A_1124, %swap3A_1125, %swap3A_1126], %select_n3A {strides = array<i32>} : memref<2x416x32xf32, #tpu.memory_space<vmem>>, vector<16xf32>,
        %select_n3A_1128 = arith.select %ne3A_1113, %get3A_772, %get3A_1123 : vector<16xi1>, vector<16xf32>
        %swap3A_1129 = arith.constant 1 : i32
        %swap3A_1130 = arith.index_cast %swap3A_1129 : i32 to index
        %swap3A_1131 = arith.index_cast %add3A_1102 : i32 to index
        %swap3A_1132 = arith.constant 16 : index
        %swap3A_1133 = tpu.vector_load %arg11[%swap3A_1130, %swap3A_1131, %swap3A_1132] {strides = array<i32>} : memref<2x416x32xf32, #tpu.memory_space<vmem>>, vector<16xf32>,
        tpu.vector_store %arg11[%swap3A_1130, %swap3A_1131, %swap3A_1132], %select_n3A_1128 {strides = array<i32>} : memref<2x416x32xf32, #tpu.memory_space<vmem>>, vector<16xf32>,
        %scan3A_1134 = arith.constant 0 : i32
        scf.yield %scan3A_1134 : i32
      }
      %scan3A_779 = arith.constant 16 : i32
      %get3A_780 = arith.constant 6 : i32
      %get3A_781 = arith.index_cast %get3A_780 : i32 to index
      %get3A_782 = arith.constant 0 : index
      %get3A_783 = tpu.vector_load %arg8[%get3A_781, %get3A_782] {strides = array<i32>} : memref<26x32xf32, #tpu.memory_space<vmem>>, vector<16xf32>,
      %get3A_784 = arith.constant 6 : i32
      %get3A_785 = arith.index_cast %get3A_784 : i32 to index
      %get3A_786 = arith.constant 16 : index
      %get3A_787 = tpu.vector_load %arg8[%get3A_785, %get3A_786] {strides = array<i32>} : memref<26x32xf32, #tpu.memory_space<vmem>>, vector<16xf32>,
      %scan3A_788 = arith.constant 0 : i32
      %scan3A_789 = arith.constant 0 : i32
      %scan3A_790 = arith.constant 16 : i32
      %scan3A_791 = arith.addi %scan3A_789, %scan3A_790 : i32
      %scan3A_792 = arith.constant 1 : i32
      %scan3A_793 = scf.for %scan3A_1097 = %scan3A_789 to %scan3A_791 step %scan3A_792 iter_args(%scan3A_1098 = %scan3A_788) -> (i32)  : i32 {
        %mul3A_1099 = arith.constant 26 : i32
        %mul3A_1100 = arith.muli %mul3A_1099, %scan3A_1097 : i32
        %add3A_1101 = arith.constant 6 : i32
        %add3A_1102 = arith.addi %add3A_1101, %mul3A_1100 : i32
        %get3A_1103 = arith.constant 1 : i32
        %get3A_1104 = arith.index_cast %get3A_1103 : i32 to index
        %get3A_1105 = arith.index_cast %add3A_1102 : i32 to index
        %get3A_1106 = arith.constant 0 : index
        %get3A_1107 = tpu.vector_load %arg10[%get3A_1104, %get3A_1105, %get3A_1106] {strides = array<i32>} : memref<2x416x32xf32, #tpu.memory_space<vmem>>, vector<16xf32>,
        %ne3A = arith.cmpf one, %get3A_1107, %broadcast_in_dim3A_3 : vector<16xf32>
        %get3A_1108 = arith.constant 1 : i32
        %get3A_1109 = arith.index_cast %get3A_1108 : i32 to index
        %get3A_1110 = arith.index_cast %add3A_1102 : i32 to index
        %get3A_1111 = arith.constant 16 : index
        %get3A_1112 = tpu.vector_load %arg10[%get3A_1109, %get3A_1110, %get3A_1111] {strides = array<i32>} : memref<2x416x32xf32, #tpu.memory_space<vmem>>, vector<16xf32>,
        %ne3A_1113 = arith.cmpf one, %get3A_1112, %broadcast_in_dim3A_3 : vector<16xf32>
        %get3A_1114 = arith.constant 1 : i32
        %get3A_1115 = arith.index_cast %get3A_1114 : i32 to index
        %get3A_1116 = arith.index_cast %add3A_1102 : i32 to index
        %get3A_1117 = arith.constant 0 : index
        %get3A_1118 = tpu.vector_load %arg9[%get3A_1115, %get3A_1116, %get3A_1117] {strides = array<i32>} : memref<2x416x32xf32, #tpu.memory_space<vmem>>, vector<16xf32>,
        %get3A_1119 = arith.constant 1 : i32
        %get3A_1120 = arith.index_cast %get3A_1119 : i32 to index
        %get3A_1121 = arith.index_cast %add3A_1102 : i32 to index
        %get3A_1122 = arith.constant 16 : index
        %get3A_1123 = tpu.vector_load %arg9[%get3A_1120, %get3A_1121, %get3A_1122] {strides = array<i32>} : memref<2x416x32xf32, #tpu.memory_space<vmem>>, vector<16xf32>,
        %select_n3A = arith.select %ne3A, %get3A_783, %get3A_1118 : vector<16xi1>, vector<16xf32>
        %swap3A = arith.constant 1 : i32
        %swap3A_1124 = arith.index_cast %swap3A : i32 to index
        %swap3A_1125 = arith.index_cast %add3A_1102 : i32 to index
        %swap3A_1126 = arith.constant 0 : index
        %swap3A_1127 = tpu.vector_load %arg11[%swap3A_1124, %swap3A_1125, %swap3A_1126] {strides = array<i32>} : memref<2x416x32xf32, #tpu.memory_space<vmem>>, vector<16xf32>,
        tpu.vector_store %arg11[%swap3A_1124, %swap3A_1125, %swap3A_1126], %select_n3A {strides = array<i32>} : memref<2x416x32xf32, #tpu.memory_space<vmem>>, vector<16xf32>,
        %select_n3A_1128 = arith.select %ne3A_1113, %get3A_787, %get3A_1123 : vector<16xi1>, vector<16xf32>
        %swap3A_1129 = arith.constant 1 : i32
        %swap3A_1130 = arith.index_cast %swap3A_1129 : i32 to index
        %swap3A_1131 = arith.index_cast %add3A_1102 : i32 to index
        %swap3A_1132 = arith.constant 16 : index
        %swap3A_1133 = tpu.vector_load %arg11[%swap3A_1130, %swap3A_1131, %swap3A_1132] {strides = array<i32>} : memref<2x416x32xf32, #tpu.memory_space<vmem>>, vector<16xf32>,
        tpu.vector_store %arg11[%swap3A_1130, %swap3A_1131, %swap3A_1132], %select_n3A_1128 {strides = array<i32>} : memref<2x416x32xf32, #tpu.memory_space<vmem>>, vector<16xf32>,
        %scan3A_1134 = arith.constant 0 : i32
        scf.yield %scan3A_1134 : i32
      }
      %scan3A_794 = arith.constant 16 : i32
      %get3A_795 = arith.constant 7 : i32
      %get3A_796 = arith.index_cast %get3A_795 : i32 to index
      %get3A_797 = arith.constant 0 : index
      %get3A_798 = tpu.vector_load %arg8[%get3A_796, %get3A_797] {strides = array<i32>} : memref<26x32xf32, #tpu.memory_space<vmem>>, vector<16xf32>,
      %get3A_799 = arith.constant 7 : i32
      %get3A_800 = arith.index_cast %get3A_799 : i32 to index
      %get3A_801 = arith.constant 16 : index
      %get3A_802 = tpu.vector_load %arg8[%get3A_800, %get3A_801] {strides = array<i32>} : memref<26x32xf32, #tpu.memory_space<vmem>>, vector<16xf32>,
      %scan3A_803 = arith.constant 0 : i32
      %scan3A_804 = arith.constant 0 : i32
      %scan3A_805 = arith.constant 16 : i32
      %scan3A_806 = arith.addi %scan3A_804, %scan3A_805 : i32
      %scan3A_807 = arith.constant 1 : i32
      %scan3A_808 = scf.for %scan3A_1097 = %scan3A_804 to %scan3A_806 step %scan3A_807 iter_args(%scan3A_1098 = %scan3A_803) -> (i32)  : i32 {
        %mul3A_1099 = arith.constant 26 : i32
        %mul3A_1100 = arith.muli %mul3A_1099, %scan3A_1097 : i32
        %add3A_1101 = arith.constant 7 : i32
        %add3A_1102 = arith.addi %add3A_1101, %mul3A_1100 : i32
        %get3A_1103 = arith.constant 1 : i32
        %get3A_1104 = arith.index_cast %get3A_1103 : i32 to index
        %get3A_1105 = arith.index_cast %add3A_1102 : i32 to index
        %get3A_1106 = arith.constant 0 : index
        %get3A_1107 = tpu.vector_load %arg10[%get3A_1104, %get3A_1105, %get3A_1106] {strides = array<i32>} : memref<2x416x32xf32, #tpu.memory_space<vmem>>, vector<16xf32>,
        %ne3A = arith.cmpf one, %get3A_1107, %broadcast_in_dim3A_3 : vector<16xf32>
        %get3A_1108 = arith.constant 1 : i32
        %get3A_1109 = arith.index_cast %get3A_1108 : i32 to index
        %get3A_1110 = arith.index_cast %add3A_1102 : i32 to index
        %get3A_1111 = arith.constant 16 : index
        %get3A_1112 = tpu.vector_load %arg10[%get3A_1109, %get3A_1110, %get3A_1111] {strides = array<i32>} : memref<2x416x32xf32, #tpu.memory_space<vmem>>, vector<16xf32>,
        %ne3A_1113 = arith.cmpf one, %get3A_1112, %broadcast_in_dim3A_3 : vector<16xf32>
        %get3A_1114 = arith.constant 1 : i32
        %get3A_1115 = arith.index_cast %get3A_1114 : i32 to index
        %get3A_1116 = arith.index_cast %add3A_1102 : i32 to index
        %get3A_1117 = arith.constant 0 : index
        %get3A_1118 = tpu.vector_load %arg9[%get3A_1115, %get3A_1116, %get3A_1117] {strides = array<i32>} : memref<2x416x32xf32, #tpu.memory_space<vmem>>, vector<16xf32>,
        %get3A_1119 = arith.constant 1 : i32
        %get3A_1120 = arith.index_cast %get3A_1119 : i32 to index
        %get3A_1121 = arith.index_cast %add3A_1102 : i32 to index
        %get3A_1122 = arith.constant 16 : index
        %get3A_1123 = tpu.vector_load %arg9[%get3A_1120, %get3A_1121, %get3A_1122] {strides = array<i32>} : memref<2x416x32xf32, #tpu.memory_space<vmem>>, vector<16xf32>,
        %select_n3A = arith.select %ne3A, %get3A_798, %get3A_1118 : vector<16xi1>, vector<16xf32>
        %swap3A = arith.constant 1 : i32
        %swap3A_1124 = arith.index_cast %swap3A : i32 to index
        %swap3A_1125 = arith.index_cast %add3A_1102 : i32 to index
        %swap3A_1126 = arith.constant 0 : index
        %swap3A_1127 = tpu.vector_load %arg11[%swap3A_1124, %swap3A_1125, %swap3A_1126] {strides = array<i32>} : memref<2x416x32xf32, #tpu.memory_space<vmem>>, vector<16xf32>,
        tpu.vector_store %arg11[%swap3A_1124, %swap3A_1125, %swap3A_1126], %select_n3A {strides = array<i32>} : memref<2x416x32xf32, #tpu.memory_space<vmem>>, vector<16xf32>,
        %select_n3A_1128 = arith.select %ne3A_1113, %get3A_802, %get3A_1123 : vector<16xi1>, vector<16xf32>
        %swap3A_1129 = arith.constant 1 : i32
        %swap3A_1130 = arith.index_cast %swap3A_1129 : i32 to index
        %swap3A_1131 = arith.index_cast %add3A_1102 : i32 to index
        %swap3A_1132 = arith.constant 16 : index
        %swap3A_1133 = tpu.vector_load %arg11[%swap3A_1130, %swap3A_1131, %swap3A_1132] {strides = array<i32>} : memref<2x416x32xf32, #tpu.memory_space<vmem>>, vector<16xf32>,
        tpu.vector_store %arg11[%swap3A_1130, %swap3A_1131, %swap3A_1132], %select_n3A_1128 {strides = array<i32>} : memref<2x416x32xf32, #tpu.memory_space<vmem>>, vector<16xf32>,
        %scan3A_1134 = arith.constant 0 : i32
        scf.yield %scan3A_1134 : i32
      }
      %scan3A_809 = arith.constant 16 : i32
      %get3A_810 = arith.constant 8 : i32
      %get3A_811 = arith.index_cast %get3A_810 : i32 to index
      %get3A_812 = arith.constant 0 : index
      %get3A_813 = tpu.vector_load %arg8[%get3A_811, %get3A_812] {strides = array<i32>} : memref<26x32xf32, #tpu.memory_space<vmem>>, vector<16xf32>,
      %get3A_814 = arith.constant 8 : i32
      %get3A_815 = arith.index_cast %get3A_814 : i32 to index
      %get3A_816 = arith.constant 16 : index
      %get3A_817 = tpu.vector_load %arg8[%get3A_815, %get3A_816] {strides = array<i32>} : memref<26x32xf32, #tpu.memory_space<vmem>>, vector<16xf32>,
      %scan3A_818 = arith.constant 0 : i32
      %scan3A_819 = arith.constant 0 : i32
      %scan3A_820 = arith.constant 16 : i32
      %scan3A_821 = arith.addi %scan3A_819, %scan3A_820 : i32
      %scan3A_822 = arith.constant 1 : i32
      %scan3A_823 = scf.for %scan3A_1097 = %scan3A_819 to %scan3A_821 step %scan3A_822 iter_args(%scan3A_1098 = %scan3A_818) -> (i32)  : i32 {
        %mul3A_1099 = arith.constant 26 : i32
        %mul3A_1100 = arith.muli %mul3A_1099, %scan3A_1097 : i32
        %add3A_1101 = arith.constant 8 : i32
        %add3A_1102 = arith.addi %add3A_1101, %mul3A_1100 : i32
        %get3A_1103 = arith.constant 1 : i32
        %get3A_1104 = arith.index_cast %get3A_1103 : i32 to index
        %get3A_1105 = arith.index_cast %add3A_1102 : i32 to index
        %get3A_1106 = arith.constant 0 : index
        %get3A_1107 = tpu.vector_load %arg10[%get3A_1104, %get3A_1105, %get3A_1106] {strides = array<i32>} : memref<2x416x32xf32, #tpu.memory_space<vmem>>, vector<16xf32>,
        %ne3A = arith.cmpf one, %get3A_1107, %broadcast_in_dim3A_3 : vector<16xf32>
        %get3A_1108 = arith.constant 1 : i32
        %get3A_1109 = arith.index_cast %get3A_1108 : i32 to index
        %get3A_1110 = arith.index_cast %add3A_1102 : i32 to index
        %get3A_1111 = arith.constant 16 : index
        %get3A_1112 = tpu.vector_load %arg10[%get3A_1109, %get3A_1110, %get3A_1111] {strides = array<i32>} : memref<2x416x32xf32, #tpu.memory_space<vmem>>, vector<16xf32>,
        %ne3A_1113 = arith.cmpf one, %get3A_1112, %broadcast_in_dim3A_3 : vector<16xf32>
        %get3A_1114 = arith.constant 1 : i32
        %get3A_1115 = arith.index_cast %get3A_1114 : i32 to index
        %get3A_1116 = arith.index_cast %add3A_1102 : i32 to index
        %get3A_1117 = arith.constant 0 : index
        %get3A_1118 = tpu.vector_load %arg9[%get3A_1115, %get3A_1116, %get3A_1117] {strides = array<i32>} : memref<2x416x32xf32, #tpu.memory_space<vmem>>, vector<16xf32>,
        %get3A_1119 = arith.constant 1 : i32
        %get3A_1120 = arith.index_cast %get3A_1119 : i32 to index
        %get3A_1121 = arith.index_cast %add3A_1102 : i32 to index
        %get3A_1122 = arith.constant 16 : index
        %get3A_1123 = tpu.vector_load %arg9[%get3A_1120, %get3A_1121, %get3A_1122] {strides = array<i32>} : memref<2x416x32xf32, #tpu.memory_space<vmem>>, vector<16xf32>,
        %select_n3A = arith.select %ne3A, %get3A_813, %get3A_1118 : vector<16xi1>, vector<16xf32>
        %swap3A = arith.constant 1 : i32
        %swap3A_1124 = arith.index_cast %swap3A : i32 to index
        %swap3A_1125 = arith.index_cast %add3A_1102 : i32 to index
        %swap3A_1126 = arith.constant 0 : index
        %swap3A_1127 = tpu.vector_load %arg11[%swap3A_1124, %swap3A_1125, %swap3A_1126] {strides = array<i32>} : memref<2x416x32xf32, #tpu.memory_space<vmem>>, vector<16xf32>,
        tpu.vector_store %arg11[%swap3A_1124, %swap3A_1125, %swap3A_1126], %select_n3A {strides = array<i32>} : memref<2x416x32xf32, #tpu.memory_space<vmem>>, vector<16xf32>,
        %select_n3A_1128 = arith.select %ne3A_1113, %get3A_817, %get3A_1123 : vector<16xi1>, vector<16xf32>
        %swap3A_1129 = arith.constant 1 : i32
        %swap3A_1130 = arith.index_cast %swap3A_1129 : i32 to index
        %swap3A_1131 = arith.index_cast %add3A_1102 : i32 to index
        %swap3A_1132 = arith.constant 16 : index
        %swap3A_1133 = tpu.vector_load %arg11[%swap3A_1130, %swap3A_1131, %swap3A_1132] {strides = array<i32>} : memref<2x416x32xf32, #tpu.memory_space<vmem>>, vector<16xf32>,
        tpu.vector_store %arg11[%swap3A_1130, %swap3A_1131, %swap3A_1132], %select_n3A_1128 {strides = array<i32>} : memref<2x416x32xf32, #tpu.memory_space<vmem>>, vector<16xf32>,
        %scan3A_1134 = arith.constant 0 : i32
        scf.yield %scan3A_1134 : i32
      }
      %scan3A_824 = arith.constant 16 : i32
      %get3A_825 = arith.constant 9 : i32
      %get3A_826 = arith.index_cast %get3A_825 : i32 to index
      %get3A_827 = arith.constant 0 : index
      %get3A_828 = tpu.vector_load %arg8[%get3A_826, %get3A_827] {strides = array<i32>} : memref<26x32xf32, #tpu.memory_space<vmem>>, vector<16xf32>,
      %get3A_829 = arith.constant 9 : i32
      %get3A_830 = arith.index_cast %get3A_829 : i32 to index
      %get3A_831 = arith.constant 16 : index
      %get3A_832 = tpu.vector_load %arg8[%get3A_830, %get3A_831] {strides = array<i32>} : memref<26x32xf32, #tpu.memory_space<vmem>>, vector<16xf32>,
      %scan3A_833 = arith.constant 0 : i32
      %scan3A_834 = arith.constant 0 : i32
      %scan3A_835 = arith.constant 16 : i32
      %scan3A_836 = arith.addi %scan3A_834, %scan3A_835 : i32
      %scan3A_837 = arith.constant 1 : i32
      %scan3A_838 = scf.for %scan3A_1097 = %scan3A_834 to %scan3A_836 step %scan3A_837 iter_args(%scan3A_1098 = %scan3A_833) -> (i32)  : i32 {
        %mul3A_1099 = arith.constant 26 : i32
        %mul3A_1100 = arith.muli %mul3A_1099, %scan3A_1097 : i32
        %add3A_1101 = arith.constant 9 : i32
        %add3A_1102 = arith.addi %add3A_1101, %mul3A_1100 : i32
        %get3A_1103 = arith.constant 1 : i32
        %get3A_1104 = arith.index_cast %get3A_1103 : i32 to index
        %get3A_1105 = arith.index_cast %add3A_1102 : i32 to index
        %get3A_1106 = arith.constant 0 : index
        %get3A_1107 = tpu.vector_load %arg10[%get3A_1104, %get3A_1105, %get3A_1106] {strides = array<i32>} : memref<2x416x32xf32, #tpu.memory_space<vmem>>, vector<16xf32>,
        %ne3A = arith.cmpf one, %get3A_1107, %broadcast_in_dim3A_3 : vector<16xf32>
        %get3A_1108 = arith.constant 1 : i32
        %get3A_1109 = arith.index_cast %get3A_1108 : i32 to index
        %get3A_1110 = arith.index_cast %add3A_1102 : i32 to index
        %get3A_1111 = arith.constant 16 : index
        %get3A_1112 = tpu.vector_load %arg10[%get3A_1109, %get3A_1110, %get3A_1111] {strides = array<i32>} : memref<2x416x32xf32, #tpu.memory_space<vmem>>, vector<16xf32>,
        %ne3A_1113 = arith.cmpf one, %get3A_1112, %broadcast_in_dim3A_3 : vector<16xf32>
        %get3A_1114 = arith.constant 1 : i32
        %get3A_1115 = arith.index_cast %get3A_1114 : i32 to index
        %get3A_1116 = arith.index_cast %add3A_1102 : i32 to index
        %get3A_1117 = arith.constant 0 : index
        %get3A_1118 = tpu.vector_load %arg9[%get3A_1115, %get3A_1116, %get3A_1117] {strides = array<i32>} : memref<2x416x32xf32, #tpu.memory_space<vmem>>, vector<16xf32>,
        %get3A_1119 = arith.constant 1 : i32
        %get3A_1120 = arith.index_cast %get3A_1119 : i32 to index
        %get3A_1121 = arith.index_cast %add3A_1102 : i32 to index
        %get3A_1122 = arith.constant 16 : index
        %get3A_1123 = tpu.vector_load %arg9[%get3A_1120, %get3A_1121, %get3A_1122] {strides = array<i32>} : memref<2x416x32xf32, #tpu.memory_space<vmem>>, vector<16xf32>,
        %select_n3A = arith.select %ne3A, %get3A_828, %get3A_1118 : vector<16xi1>, vector<16xf32>
        %swap3A = arith.constant 1 : i32
        %swap3A_1124 = arith.index_cast %swap3A : i32 to index
        %swap3A_1125 = arith.index_cast %add3A_1102 : i32 to index
        %swap3A_1126 = arith.constant 0 : index
        %swap3A_1127 = tpu.vector_load %arg11[%swap3A_1124, %swap3A_1125, %swap3A_1126] {strides = array<i32>} : memref<2x416x32xf32, #tpu.memory_space<vmem>>, vector<16xf32>,
        tpu.vector_store %arg11[%swap3A_1124, %swap3A_1125, %swap3A_1126], %select_n3A {strides = array<i32>} : memref<2x416x32xf32, #tpu.memory_space<vmem>>, vector<16xf32>,
        %select_n3A_1128 = arith.select %ne3A_1113, %get3A_832, %get3A_1123 : vector<16xi1>, vector<16xf32>
        %swap3A_1129 = arith.constant 1 : i32
        %swap3A_1130 = arith.index_cast %swap3A_1129 : i32 to index
        %swap3A_1131 = arith.index_cast %add3A_1102 : i32 to index
        %swap3A_1132 = arith.constant 16 : index
        %swap3A_1133 = tpu.vector_load %arg11[%swap3A_1130, %swap3A_1131, %swap3A_1132] {strides = array<i32>} : memref<2x416x32xf32, #tpu.memory_space<vmem>>, vector<16xf32>,
        tpu.vector_store %arg11[%swap3A_1130, %swap3A_1131, %swap3A_1132], %select_n3A_1128 {strides = array<i32>} : memref<2x416x32xf32, #tpu.memory_space<vmem>>, vector<16xf32>,
        %scan3A_1134 = arith.constant 0 : i32
        scf.yield %scan3A_1134 : i32
      }
      %scan3A_839 = arith.constant 16 : i32
      %get3A_840 = arith.constant 10 : i32
      %get3A_841 = arith.index_cast %get3A_840 : i32 to index
      %get3A_842 = arith.constant 0 : index
      %get3A_843 = tpu.vector_load %arg8[%get3A_841, %get3A_842] {strides = array<i32>} : memref<26x32xf32, #tpu.memory_space<vmem>>, vector<16xf32>,
      %get3A_844 = arith.constant 10 : i32
      %get3A_845 = arith.index_cast %get3A_844 : i32 to index
      %get3A_846 = arith.constant 16 : index
      %get3A_847 = tpu.vector_load %arg8[%get3A_845, %get3A_846] {strides = array<i32>} : memref<26x32xf32, #tpu.memory_space<vmem>>, vector<16xf32>,
      %scan3A_848 = arith.constant 0 : i32
      %scan3A_849 = arith.constant 0 : i32
      %scan3A_850 = arith.constant 16 : i32
      %scan3A_851 = arith.addi %scan3A_849, %scan3A_850 : i32
      %scan3A_852 = arith.constant 1 : i32
      %scan3A_853 = scf.for %scan3A_1097 = %scan3A_849 to %scan3A_851 step %scan3A_852 iter_args(%scan3A_1098 = %scan3A_848) -> (i32)  : i32 {
        %mul3A_1099 = arith.constant 26 : i32
        %mul3A_1100 = arith.muli %mul3A_1099, %scan3A_1097 : i32
        %add3A_1101 = arith.constant 10 : i32
        %add3A_1102 = arith.addi %add3A_1101, %mul3A_1100 : i32
        %get3A_1103 = arith.constant 1 : i32
        %get3A_1104 = arith.index_cast %get3A_1103 : i32 to index
        %get3A_1105 = arith.index_cast %add3A_1102 : i32 to index
        %get3A_1106 = arith.constant 0 : index
        %get3A_1107 = tpu.vector_load %arg10[%get3A_1104, %get3A_1105, %get3A_1106] {strides = array<i32>} : memref<2x416x32xf32, #tpu.memory_space<vmem>>, vector<16xf32>,
        %ne3A = arith.cmpf one, %get3A_1107, %broadcast_in_dim3A_3 : vector<16xf32>
        %get3A_1108 = arith.constant 1 : i32
        %get3A_1109 = arith.index_cast %get3A_1108 : i32 to index
        %get3A_1110 = arith.index_cast %add3A_1102 : i32 to index
        %get3A_1111 = arith.constant 16 : index
        %get3A_1112 = tpu.vector_load %arg10[%get3A_1109, %get3A_1110, %get3A_1111] {strides = array<i32>} : memref<2x416x32xf32, #tpu.memory_space<vmem>>, vector<16xf32>,
        %ne3A_1113 = arith.cmpf one, %get3A_1112, %broadcast_in_dim3A_3 : vector<16xf32>
        %get3A_1114 = arith.constant 1 : i32
        %get3A_1115 = arith.index_cast %get3A_1114 : i32 to index
        %get3A_1116 = arith.index_cast %add3A_1102 : i32 to index
        %get3A_1117 = arith.constant 0 : index
        %get3A_1118 = tpu.vector_load %arg9[%get3A_1115, %get3A_1116, %get3A_1117] {strides = array<i32>} : memref<2x416x32xf32, #tpu.memory_space<vmem>>, vector<16xf32>,
        %get3A_1119 = arith.constant 1 : i32
        %get3A_1120 = arith.index_cast %get3A_1119 : i32 to index
        %get3A_1121 = arith.index_cast %add3A_1102 : i32 to index
        %get3A_1122 = arith.constant 16 : index
        %get3A_1123 = tpu.vector_load %arg9[%get3A_1120, %get3A_1121, %get3A_1122] {strides = array<i32>} : memref<2x416x32xf32, #tpu.memory_space<vmem>>, vector<16xf32>,
        %select_n3A = arith.select %ne3A, %get3A_843, %get3A_1118 : vector<16xi1>, vector<16xf32>
        %swap3A = arith.constant 1 : i32
        %swap3A_1124 = arith.index_cast %swap3A : i32 to index
        %swap3A_1125 = arith.index_cast %add3A_1102 : i32 to index
        %swap3A_1126 = arith.constant 0 : index
        %swap3A_1127 = tpu.vector_load %arg11[%swap3A_1124, %swap3A_1125, %swap3A_1126] {strides = array<i32>} : memref<2x416x32xf32, #tpu.memory_space<vmem>>, vector<16xf32>,
        tpu.vector_store %arg11[%swap3A_1124, %swap3A_1125, %swap3A_1126], %select_n3A {strides = array<i32>} : memref<2x416x32xf32, #tpu.memory_space<vmem>>, vector<16xf32>,
        %select_n3A_1128 = arith.select %ne3A_1113, %get3A_847, %get3A_1123 : vector<16xi1>, vector<16xf32>
        %swap3A_1129 = arith.constant 1 : i32
        %swap3A_1130 = arith.index_cast %swap3A_1129 : i32 to index
        %swap3A_1131 = arith.index_cast %add3A_1102 : i32 to index
        %swap3A_1132 = arith.constant 16 : index
        %swap3A_1133 = tpu.vector_load %arg11[%swap3A_1130, %swap3A_1131, %swap3A_1132] {strides = array<i32>} : memref<2x416x32xf32, #tpu.memory_space<vmem>>, vector<16xf32>,
        tpu.vector_store %arg11[%swap3A_1130, %swap3A_1131, %swap3A_1132], %select_n3A_1128 {strides = array<i32>} : memref<2x416x32xf32, #tpu.memory_space<vmem>>, vector<16xf32>,
        %scan3A_1134 = arith.constant 0 : i32
        scf.yield %scan3A_1134 : i32
      }
      %scan3A_854 = arith.constant 16 : i32
      %get3A_855 = arith.constant 11 : i32
      %get3A_856 = arith.index_cast %get3A_855 : i32 to index
      %get3A_857 = arith.constant 0 : index
      %get3A_858 = tpu.vector_load %arg8[%get3A_856, %get3A_857] {strides = array<i32>} : memref<26x32xf32, #tpu.memory_space<vmem>>, vector<16xf32>,
      %get3A_859 = arith.constant 11 : i32
      %get3A_860 = arith.index_cast %get3A_859 : i32 to index
      %get3A_861 = arith.constant 16 : index
      %get3A_862 = tpu.vector_load %arg8[%get3A_860, %get3A_861] {strides = array<i32>} : memref<26x32xf32, #tpu.memory_space<vmem>>, vector<16xf32>,
      %scan3A_863 = arith.constant 0 : i32
      %scan3A_864 = arith.constant 0 : i32
      %scan3A_865 = arith.constant 16 : i32
      %scan3A_866 = arith.addi %scan3A_864, %scan3A_865 : i32
      %scan3A_867 = arith.constant 1 : i32
      %scan3A_868 = scf.for %scan3A_1097 = %scan3A_864 to %scan3A_866 step %scan3A_867 iter_args(%scan3A_1098 = %scan3A_863) -> (i32)  : i32 {
        %mul3A_1099 = arith.constant 26 : i32
        %mul3A_1100 = arith.muli %mul3A_1099, %scan3A_1097 : i32
        %add3A_1101 = arith.constant 11 : i32
        %add3A_1102 = arith.addi %add3A_1101, %mul3A_1100 : i32
        %get3A_1103 = arith.constant 1 : i32
        %get3A_1104 = arith.index_cast %get3A_1103 : i32 to index
        %get3A_1105 = arith.index_cast %add3A_1102 : i32 to index
        %get3A_1106 = arith.constant 0 : index
        %get3A_1107 = tpu.vector_load %arg10[%get3A_1104, %get3A_1105, %get3A_1106] {strides = array<i32>} : memref<2x416x32xf32, #tpu.memory_space<vmem>>, vector<16xf32>,
        %ne3A = arith.cmpf one, %get3A_1107, %broadcast_in_dim3A_3 : vector<16xf32>
        %get3A_1108 = arith.constant 1 : i32
        %get3A_1109 = arith.index_cast %get3A_1108 : i32 to index
        %get3A_1110 = arith.index_cast %add3A_1102 : i32 to index
        %get3A_1111 = arith.constant 16 : index
        %get3A_1112 = tpu.vector_load %arg10[%get3A_1109, %get3A_1110, %get3A_1111] {strides = array<i32>} : memref<2x416x32xf32, #tpu.memory_space<vmem>>, vector<16xf32>,
        %ne3A_1113 = arith.cmpf one, %get3A_1112, %broadcast_in_dim3A_3 : vector<16xf32>
        %get3A_1114 = arith.constant 1 : i32
        %get3A_1115 = arith.index_cast %get3A_1114 : i32 to index
        %get3A_1116 = arith.index_cast %add3A_1102 : i32 to index
        %get3A_1117 = arith.constant 0 : index
        %get3A_1118 = tpu.vector_load %arg9[%get3A_1115, %get3A_1116, %get3A_1117] {strides = array<i32>} : memref<2x416x32xf32, #tpu.memory_space<vmem>>, vector<16xf32>,
        %get3A_1119 = arith.constant 1 : i32
        %get3A_1120 = arith.index_cast %get3A_1119 : i32 to index
        %get3A_1121 = arith.index_cast %add3A_1102 : i32 to index
        %get3A_1122 = arith.constant 16 : index
        %get3A_1123 = tpu.vector_load %arg9[%get3A_1120, %get3A_1121, %get3A_1122] {strides = array<i32>} : memref<2x416x32xf32, #tpu.memory_space<vmem>>, vector<16xf32>,
        %select_n3A = arith.select %ne3A, %get3A_858, %get3A_1118 : vector<16xi1>, vector<16xf32>
        %swap3A = arith.constant 1 : i32
        %swap3A_1124 = arith.index_cast %swap3A : i32 to index
        %swap3A_1125 = arith.index_cast %add3A_1102 : i32 to index
        %swap3A_1126 = arith.constant 0 : index
        %swap3A_1127 = tpu.vector_load %arg11[%swap3A_1124, %swap3A_1125, %swap3A_1126] {strides = array<i32>} : memref<2x416x32xf32, #tpu.memory_space<vmem>>, vector<16xf32>,
        tpu.vector_store %arg11[%swap3A_1124, %swap3A_1125, %swap3A_1126], %select_n3A {strides = array<i32>} : memref<2x416x32xf32, #tpu.memory_space<vmem>>, vector<16xf32>,
        %select_n3A_1128 = arith.select %ne3A_1113, %get3A_862, %get3A_1123 : vector<16xi1>, vector<16xf32>
        %swap3A_1129 = arith.constant 1 : i32
        %swap3A_1130 = arith.index_cast %swap3A_1129 : i32 to index
        %swap3A_1131 = arith.index_cast %add3A_1102 : i32 to index
        %swap3A_1132 = arith.constant 16 : index
        %swap3A_1133 = tpu.vector_load %arg11[%swap3A_1130, %swap3A_1131, %swap3A_1132] {strides = array<i32>} : memref<2x416x32xf32, #tpu.memory_space<vmem>>, vector<16xf32>,
        tpu.vector_store %arg11[%swap3A_1130, %swap3A_1131, %swap3A_1132], %select_n3A_1128 {strides = array<i32>} : memref<2x416x32xf32, #tpu.memory_space<vmem>>, vector<16xf32>,
        %scan3A_1134 = arith.constant 0 : i32
        scf.yield %scan3A_1134 : i32
      }
      %scan3A_869 = arith.constant 16 : i32
      %get3A_870 = arith.constant 12 : i32
      %get3A_871 = arith.index_cast %get3A_870 : i32 to index
      %get3A_872 = arith.constant 0 : index
      %get3A_873 = tpu.vector_load %arg8[%get3A_871, %get3A_872] {strides = array<i32>} : memref<26x32xf32, #tpu.memory_space<vmem>>, vector<16xf32>,
      %get3A_874 = arith.constant 12 : i32
      %get3A_875 = arith.index_cast %get3A_874 : i32 to index
      %get3A_876 = arith.constant 16 : index
      %get3A_877 = tpu.vector_load %arg8[%get3A_875, %get3A_876] {strides = array<i32>} : memref<26x32xf32, #tpu.memory_space<vmem>>, vector<16xf32>,
      %scan3A_878 = arith.constant 0 : i32
      %scan3A_879 = arith.constant 0 : i32
      %scan3A_880 = arith.constant 16 : i32
      %scan3A_881 = arith.addi %scan3A_879, %scan3A_880 : i32
      %scan3A_882 = arith.constant 1 : i32
      %scan3A_883 = scf.for %scan3A_1097 = %scan3A_879 to %scan3A_881 step %scan3A_882 iter_args(%scan3A_1098 = %scan3A_878) -> (i32)  : i32 {
        %mul3A_1099 = arith.constant 26 : i32
        %mul3A_1100 = arith.muli %mul3A_1099, %scan3A_1097 : i32
        %add3A_1101 = arith.constant 12 : i32
        %add3A_1102 = arith.addi %add3A_1101, %mul3A_1100 : i32
        %get3A_1103 = arith.constant 1 : i32
        %get3A_1104 = arith.index_cast %get3A_1103 : i32 to index
        %get3A_1105 = arith.index_cast %add3A_1102 : i32 to index
        %get3A_1106 = arith.constant 0 : index
        %get3A_1107 = tpu.vector_load %arg10[%get3A_1104, %get3A_1105, %get3A_1106] {strides = array<i32>} : memref<2x416x32xf32, #tpu.memory_space<vmem>>, vector<16xf32>,
        %ne3A = arith.cmpf one, %get3A_1107, %broadcast_in_dim3A_3 : vector<16xf32>
        %get3A_1108 = arith.constant 1 : i32
        %get3A_1109 = arith.index_cast %get3A_1108 : i32 to index
        %get3A_1110 = arith.index_cast %add3A_1102 : i32 to index
        %get3A_1111 = arith.constant 16 : index
        %get3A_1112 = tpu.vector_load %arg10[%get3A_1109, %get3A_1110, %get3A_1111] {strides = array<i32>} : memref<2x416x32xf32, #tpu.memory_space<vmem>>, vector<16xf32>,
        %ne3A_1113 = arith.cmpf one, %get3A_1112, %broadcast_in_dim3A_3 : vector<16xf32>
        %get3A_1114 = arith.constant 1 : i32
        %get3A_1115 = arith.index_cast %get3A_1114 : i32 to index
        %get3A_1116 = arith.index_cast %add3A_1102 : i32 to index
        %get3A_1117 = arith.constant 0 : index
        %get3A_1118 = tpu.vector_load %arg9[%get3A_1115, %get3A_1116, %get3A_1117] {strides = array<i32>} : memref<2x416x32xf32, #tpu.memory_space<vmem>>, vector<16xf32>,
        %get3A_1119 = arith.constant 1 : i32
        %get3A_1120 = arith.index_cast %get3A_1119 : i32 to index
        %get3A_1121 = arith.index_cast %add3A_1102 : i32 to index
        %get3A_1122 = arith.constant 16 : index
        %get3A_1123 = tpu.vector_load %arg9[%get3A_1120, %get3A_1121, %get3A_1122] {strides = array<i32>} : memref<2x416x32xf32, #tpu.memory_space<vmem>>, vector<16xf32>,
        %select_n3A = arith.select %ne3A, %get3A_873, %get3A_1118 : vector<16xi1>, vector<16xf32>
        %swap3A = arith.constant 1 : i32
        %swap3A_1124 = arith.index_cast %swap3A : i32 to index
        %swap3A_1125 = arith.index_cast %add3A_1102 : i32 to index
        %swap3A_1126 = arith.constant 0 : index
        %swap3A_1127 = tpu.vector_load %arg11[%swap3A_1124, %swap3A_1125, %swap3A_1126] {strides = array<i32>} : memref<2x416x32xf32, #tpu.memory_space<vmem>>, vector<16xf32>,
        tpu.vector_store %arg11[%swap3A_1124, %swap3A_1125, %swap3A_1126], %select_n3A {strides = array<i32>} : memref<2x416x32xf32, #tpu.memory_space<vmem>>, vector<16xf32>,
        %select_n3A_1128 = arith.select %ne3A_1113, %get3A_877, %get3A_1123 : vector<16xi1>, vector<16xf32>
        %swap3A_1129 = arith.constant 1 : i32
        %swap3A_1130 = arith.index_cast %swap3A_1129 : i32 to index
        %swap3A_1131 = arith.index_cast %add3A_1102 : i32 to index
        %swap3A_1132 = arith.constant 16 : index
        %swap3A_1133 = tpu.vector_load %arg11[%swap3A_1130, %swap3A_1131, %swap3A_1132] {strides = array<i32>} : memref<2x416x32xf32, #tpu.memory_space<vmem>>, vector<16xf32>,
        tpu.vector_store %arg11[%swap3A_1130, %swap3A_1131, %swap3A_1132], %select_n3A_1128 {strides = array<i32>} : memref<2x416x32xf32, #tpu.memory_space<vmem>>, vector<16xf32>,
        %scan3A_1134 = arith.constant 0 : i32
        scf.yield %scan3A_1134 : i32
      }
      %scan3A_884 = arith.constant 16 : i32
      %get3A_885 = arith.constant 13 : i32
      %get3A_886 = arith.index_cast %get3A_885 : i32 to index
      %get3A_887 = arith.constant 0 : index
      %get3A_888 = tpu.vector_load %arg8[%get3A_886, %get3A_887] {strides = array<i32>} : memref<26x32xf32, #tpu.memory_space<vmem>>, vector<16xf32>,
      %get3A_889 = arith.constant 13 : i32
      %get3A_890 = arith.index_cast %get3A_889 : i32 to index
      %get3A_891 = arith.constant 16 : index
      %get3A_892 = tpu.vector_load %arg8[%get3A_890, %get3A_891] {strides = array<i32>} : memref<26x32xf32, #tpu.memory_space<vmem>>, vector<16xf32>,
      %scan3A_893 = arith.constant 0 : i32
      %scan3A_894 = arith.constant 0 : i32
      %scan3A_895 = arith.constant 16 : i32
      %scan3A_896 = arith.addi %scan3A_894, %scan3A_895 : i32
      %scan3A_897 = arith.constant 1 : i32
      %scan3A_898 = scf.for %scan3A_1097 = %scan3A_894 to %scan3A_896 step %scan3A_897 iter_args(%scan3A_1098 = %scan3A_893) -> (i32)  : i32 {
        %mul3A_1099 = arith.constant 26 : i32
        %mul3A_1100 = arith.muli %mul3A_1099, %scan3A_1097 : i32
        %add3A_1101 = arith.constant 13 : i32
        %add3A_1102 = arith.addi %add3A_1101, %mul3A_1100 : i32
        %get3A_1103 = arith.constant 1 : i32
        %get3A_1104 = arith.index_cast %get3A_1103 : i32 to index
        %get3A_1105 = arith.index_cast %add3A_1102 : i32 to index
        %get3A_1106 = arith.constant 0 : index
        %get3A_1107 = tpu.vector_load %arg10[%get3A_1104, %get3A_1105, %get3A_1106] {strides = array<i32>} : memref<2x416x32xf32, #tpu.memory_space<vmem>>, vector<16xf32>,
        %ne3A = arith.cmpf one, %get3A_1107, %broadcast_in_dim3A_3 : vector<16xf32>
        %get3A_1108 = arith.constant 1 : i32
        %get3A_1109 = arith.index_cast %get3A_1108 : i32 to index
        %get3A_1110 = arith.index_cast %add3A_1102 : i32 to index
        %get3A_1111 = arith.constant 16 : index
        %get3A_1112 = tpu.vector_load %arg10[%get3A_1109, %get3A_1110, %get3A_1111] {strides = array<i32>} : memref<2x416x32xf32, #tpu.memory_space<vmem>>, vector<16xf32>,
        %ne3A_1113 = arith.cmpf one, %get3A_1112, %broadcast_in_dim3A_3 : vector<16xf32>
        %get3A_1114 = arith.constant 1 : i32
        %get3A_1115 = arith.index_cast %get3A_1114 : i32 to index
        %get3A_1116 = arith.index_cast %add3A_1102 : i32 to index
        %get3A_1117 = arith.constant 0 : index
        %get3A_1118 = tpu.vector_load %arg9[%get3A_1115, %get3A_1116, %get3A_1117] {strides = array<i32>} : memref<2x416x32xf32, #tpu.memory_space<vmem>>, vector<16xf32>,
        %get3A_1119 = arith.constant 1 : i32
        %get3A_1120 = arith.index_cast %get3A_1119 : i32 to index
        %get3A_1121 = arith.index_cast %add3A_1102 : i32 to index
        %get3A_1122 = arith.constant 16 : index
        %get3A_1123 = tpu.vector_load %arg9[%get3A_1120, %get3A_1121, %get3A_1122] {strides = array<i32>} : memref<2x416x32xf32, #tpu.memory_space<vmem>>, vector<16xf32>,
        %select_n3A = arith.select %ne3A, %get3A_888, %get3A_1118 : vector<16xi1>, vector<16xf32>
        %swap3A = arith.constant 1 : i32
        %swap3A_1124 = arith.index_cast %swap3A : i32 to index
        %swap3A_1125 = arith.index_cast %add3A_1102 : i32 to index
        %swap3A_1126 = arith.constant 0 : index
        %swap3A_1127 = tpu.vector_load %arg11[%swap3A_1124, %swap3A_1125, %swap3A_1126] {strides = array<i32>} : memref<2x416x32xf32, #tpu.memory_space<vmem>>, vector<16xf32>,
        tpu.vector_store %arg11[%swap3A_1124, %swap3A_1125, %swap3A_1126], %select_n3A {strides = array<i32>} : memref<2x416x32xf32, #tpu.memory_space<vmem>>, vector<16xf32>,
        %select_n3A_1128 = arith.select %ne3A_1113, %get3A_892, %get3A_1123 : vector<16xi1>, vector<16xf32>
        %swap3A_1129 = arith.constant 1 : i32
        %swap3A_1130 = arith.index_cast %swap3A_1129 : i32 to index
        %swap3A_1131 = arith.index_cast %add3A_1102 : i32 to index
        %swap3A_1132 = arith.constant 16 : index
        %swap3A_1133 = tpu.vector_load %arg11[%swap3A_1130, %swap3A_1131, %swap3A_1132] {strides = array<i32>} : memref<2x416x32xf32, #tpu.memory_space<vmem>>, vector<16xf32>,
        tpu.vector_store %arg11[%swap3A_1130, %swap3A_1131, %swap3A_1132], %select_n3A_1128 {strides = array<i32>} : memref<2x416x32xf32, #tpu.memory_space<vmem>>, vector<16xf32>,
        %scan3A_1134 = arith.constant 0 : i32
        scf.yield %scan3A_1134 : i32
      }
      %scan3A_899 = arith.constant 16 : i32
      %get3A_900 = arith.constant 14 : i32
      %get3A_901 = arith.index_cast %get3A_900 : i32 to index
      %get3A_902 = arith.constant 0 : index
      %get3A_903 = tpu.vector_load %arg8[%get3A_901, %get3A_902] {strides = array<i32>} : memref<26x32xf32, #tpu.memory_space<vmem>>, vector<16xf32>,
      %get3A_904 = arith.constant 14 : i32
      %get3A_905 = arith.index_cast %get3A_904 : i32 to index
      %get3A_906 = arith.constant 16 : index
      %get3A_907 = tpu.vector_load %arg8[%get3A_905, %get3A_906] {strides = array<i32>} : memref<26x32xf32, #tpu.memory_space<vmem>>, vector<16xf32>,
      %scan3A_908 = arith.constant 0 : i32
      %scan3A_909 = arith.constant 0 : i32
      %scan3A_910 = arith.constant 16 : i32
      %scan3A_911 = arith.addi %scan3A_909, %scan3A_910 : i32
      %scan3A_912 = arith.constant 1 : i32
      %scan3A_913 = scf.for %scan3A_1097 = %scan3A_909 to %scan3A_911 step %scan3A_912 iter_args(%scan3A_1098 = %scan3A_908) -> (i32)  : i32 {
        %mul3A_1099 = arith.constant 26 : i32
        %mul3A_1100 = arith.muli %mul3A_1099, %scan3A_1097 : i32
        %add3A_1101 = arith.constant 14 : i32
        %add3A_1102 = arith.addi %add3A_1101, %mul3A_1100 : i32
        %get3A_1103 = arith.constant 1 : i32
        %get3A_1104 = arith.index_cast %get3A_1103 : i32 to index
        %get3A_1105 = arith.index_cast %add3A_1102 : i32 to index
        %get3A_1106 = arith.constant 0 : index
        %get3A_1107 = tpu.vector_load %arg10[%get3A_1104, %get3A_1105, %get3A_1106] {strides = array<i32>} : memref<2x416x32xf32, #tpu.memory_space<vmem>>, vector<16xf32>,
        %ne3A = arith.cmpf one, %get3A_1107, %broadcast_in_dim3A_3 : vector<16xf32>
        %get3A_1108 = arith.constant 1 : i32
        %get3A_1109 = arith.index_cast %get3A_1108 : i32 to index
        %get3A_1110 = arith.index_cast %add3A_1102 : i32 to index
        %get3A_1111 = arith.constant 16 : index
        %get3A_1112 = tpu.vector_load %arg10[%get3A_1109, %get3A_1110, %get3A_1111] {strides = array<i32>} : memref<2x416x32xf32, #tpu.memory_space<vmem>>, vector<16xf32>,
        %ne3A_1113 = arith.cmpf one, %get3A_1112, %broadcast_in_dim3A_3 : vector<16xf32>
        %get3A_1114 = arith.constant 1 : i32
        %get3A_1115 = arith.index_cast %get3A_1114 : i32 to index
        %get3A_1116 = arith.index_cast %add3A_1102 : i32 to index
        %get3A_1117 = arith.constant 0 : index
        %get3A_1118 = tpu.vector_load %arg9[%get3A_1115, %get3A_1116, %get3A_1117] {strides = array<i32>} : memref<2x416x32xf32, #tpu.memory_space<vmem>>, vector<16xf32>,
        %get3A_1119 = arith.constant 1 : i32
        %get3A_1120 = arith.index_cast %get3A_1119 : i32 to index
        %get3A_1121 = arith.index_cast %add3A_1102 : i32 to index
        %get3A_1122 = arith.constant 16 : index
        %get3A_1123 = tpu.vector_load %arg9[%get3A_1120, %get3A_1121, %get3A_1122] {strides = array<i32>} : memref<2x416x32xf32, #tpu.memory_space<vmem>>, vector<16xf32>,
        %select_n3A = arith.select %ne3A, %get3A_903, %get3A_1118 : vector<16xi1>, vector<16xf32>
        %swap3A = arith.constant 1 : i32
        %swap3A_1124 = arith.index_cast %swap3A : i32 to index
        %swap3A_1125 = arith.index_cast %add3A_1102 : i32 to index
        %swap3A_1126 = arith.constant 0 : index
        %swap3A_1127 = tpu.vector_load %arg11[%swap3A_1124, %swap3A_1125, %swap3A_1126] {strides = array<i32>} : memref<2x416x32xf32, #tpu.memory_space<vmem>>, vector<16xf32>,
        tpu.vector_store %arg11[%swap3A_1124, %swap3A_1125, %swap3A_1126], %select_n3A {strides = array<i32>} : memref<2x416x32xf32, #tpu.memory_space<vmem>>, vector<16xf32>,
        %select_n3A_1128 = arith.select %ne3A_1113, %get3A_907, %get3A_1123 : vector<16xi1>, vector<16xf32>
        %swap3A_1129 = arith.constant 1 : i32
        %swap3A_1130 = arith.index_cast %swap3A_1129 : i32 to index
        %swap3A_1131 = arith.index_cast %add3A_1102 : i32 to index
        %swap3A_1132 = arith.constant 16 : index
        %swap3A_1133 = tpu.vector_load %arg11[%swap3A_1130, %swap3A_1131, %swap3A_1132] {strides = array<i32>} : memref<2x416x32xf32, #tpu.memory_space<vmem>>, vector<16xf32>,
        tpu.vector_store %arg11[%swap3A_1130, %swap3A_1131, %swap3A_1132], %select_n3A_1128 {strides = array<i32>} : memref<2x416x32xf32, #tpu.memory_space<vmem>>, vector<16xf32>,
        %scan3A_1134 = arith.constant 0 : i32
        scf.yield %scan3A_1134 : i32
      }
      %scan3A_914 = arith.constant 16 : i32
      %get3A_915 = arith.constant 15 : i32
      %get3A_916 = arith.index_cast %get3A_915 : i32 to index
      %get3A_917 = arith.constant 0 : index
      %get3A_918 = tpu.vector_load %arg8[%get3A_916, %get3A_917] {strides = array<i32>} : memref<26x32xf32, #tpu.memory_space<vmem>>, vector<16xf32>,
      %get3A_919 = arith.constant 15 : i32
      %get3A_920 = arith.index_cast %get3A_919 : i32 to index
      %get3A_921 = arith.constant 16 : index
      %get3A_922 = tpu.vector_load %arg8[%get3A_920, %get3A_921] {strides = array<i32>} : memref<26x32xf32, #tpu.memory_space<vmem>>, vector<16xf32>,
      %scan3A_923 = arith.constant 0 : i32
      %scan3A_924 = arith.constant 0 : i32
      %scan3A_925 = arith.constant 16 : i32
      %scan3A_926 = arith.addi %scan3A_924, %scan3A_925 : i32
      %scan3A_927 = arith.constant 1 : i32
      %scan3A_928 = scf.for %scan3A_1097 = %scan3A_924 to %scan3A_926 step %scan3A_927 iter_args(%scan3A_1098 = %scan3A_923) -> (i32)  : i32 {
        %mul3A_1099 = arith.constant 26 : i32
        %mul3A_1100 = arith.muli %mul3A_1099, %scan3A_1097 : i32
        %add3A_1101 = arith.constant 15 : i32
        %add3A_1102 = arith.addi %add3A_1101, %mul3A_1100 : i32
        %get3A_1103 = arith.constant 1 : i32
        %get3A_1104 = arith.index_cast %get3A_1103 : i32 to index
        %get3A_1105 = arith.index_cast %add3A_1102 : i32 to index
        %get3A_1106 = arith.constant 0 : index
        %get3A_1107 = tpu.vector_load %arg10[%get3A_1104, %get3A_1105, %get3A_1106] {strides = array<i32>} : memref<2x416x32xf32, #tpu.memory_space<vmem>>, vector<16xf32>,
        %ne3A = arith.cmpf one, %get3A_1107, %broadcast_in_dim3A_3 : vector<16xf32>
        %get3A_1108 = arith.constant 1 : i32
        %get3A_1109 = arith.index_cast %get3A_1108 : i32 to index
        %get3A_1110 = arith.index_cast %add3A_1102 : i32 to index
        %get3A_1111 = arith.constant 16 : index
        %get3A_1112 = tpu.vector_load %arg10[%get3A_1109, %get3A_1110, %get3A_1111] {strides = array<i32>} : memref<2x416x32xf32, #tpu.memory_space<vmem>>, vector<16xf32>,
        %ne3A_1113 = arith.cmpf one, %get3A_1112, %broadcast_in_dim3A_3 : vector<16xf32>
        %get3A_1114 = arith.constant 1 : i32
        %get3A_1115 = arith.index_cast %get3A_1114 : i32 to index
        %get3A_1116 = arith.index_cast %add3A_1102 : i32 to index
        %get3A_1117 = arith.constant 0 : index
        %get3A_1118 = tpu.vector_load %arg9[%get3A_1115, %get3A_1116, %get3A_1117] {strides = array<i32>} : memref<2x416x32xf32, #tpu.memory_space<vmem>>, vector<16xf32>,
        %get3A_1119 = arith.constant 1 : i32
        %get3A_1120 = arith.index_cast %get3A_1119 : i32 to index
        %get3A_1121 = arith.index_cast %add3A_1102 : i32 to index
        %get3A_1122 = arith.constant 16 : index
        %get3A_1123 = tpu.vector_load %arg9[%get3A_1120, %get3A_1121, %get3A_1122] {strides = array<i32>} : memref<2x416x32xf32, #tpu.memory_space<vmem>>, vector<16xf32>,
        %select_n3A = arith.select %ne3A, %get3A_918, %get3A_1118 : vector<16xi1>, vector<16xf32>
        %swap3A = arith.constant 1 : i32
        %swap3A_1124 = arith.index_cast %swap3A : i32 to index
        %swap3A_1125 = arith.index_cast %add3A_1102 : i32 to index
        %swap3A_1126 = arith.constant 0 : index
        %swap3A_1127 = tpu.vector_load %arg11[%swap3A_1124, %swap3A_1125, %swap3A_1126] {strides = array<i32>} : memref<2x416x32xf32, #tpu.memory_space<vmem>>, vector<16xf32>,
        tpu.vector_store %arg11[%swap3A_1124, %swap3A_1125, %swap3A_1126], %select_n3A {strides = array<i32>} : memref<2x416x32xf32, #tpu.memory_space<vmem>>, vector<16xf32>,
        %select_n3A_1128 = arith.select %ne3A_1113, %get3A_922, %get3A_1123 : vector<16xi1>, vector<16xf32>
        %swap3A_1129 = arith.constant 1 : i32
        %swap3A_1130 = arith.index_cast %swap3A_1129 : i32 to index
        %swap3A_1131 = arith.index_cast %add3A_1102 : i32 to index
        %swap3A_1132 = arith.constant 16 : index
        %swap3A_1133 = tpu.vector_load %arg11[%swap3A_1130, %swap3A_1131, %swap3A_1132] {strides = array<i32>} : memref<2x416x32xf32, #tpu.memory_space<vmem>>, vector<16xf32>,
        tpu.vector_store %arg11[%swap3A_1130, %swap3A_1131, %swap3A_1132], %select_n3A_1128 {strides = array<i32>} : memref<2x416x32xf32, #tpu.memory_space<vmem>>, vector<16xf32>,
        %scan3A_1134 = arith.constant 0 : i32
        scf.yield %scan3A_1134 : i32
      }
      %scan3A_929 = arith.constant 16 : i32
      %get3A_930 = arith.constant 16 : i32
      %get3A_931 = arith.index_cast %get3A_930 : i32 to index
      %get3A_932 = arith.constant 0 : index
      %get3A_933 = tpu.vector_load %arg8[%get3A_931, %get3A_932] {strides = array<i32>} : memref<26x32xf32, #tpu.memory_space<vmem>>, vector<16xf32>,
      %get3A_934 = arith.constant 16 : i32
      %get3A_935 = arith.index_cast %get3A_934 : i32 to index
      %get3A_936 = arith.constant 16 : index
      %get3A_937 = tpu.vector_load %arg8[%get3A_935, %get3A_936] {strides = array<i32>} : memref<26x32xf32, #tpu.memory_space<vmem>>, vector<16xf32>,
      %scan3A_938 = arith.constant 0 : i32
      %scan3A_939 = arith.constant 0 : i32
      %scan3A_940 = arith.constant 16 : i32
      %scan3A_941 = arith.addi %scan3A_939, %scan3A_940 : i32
      %scan3A_942 = arith.constant 1 : i32
      %scan3A_943 = scf.for %scan3A_1097 = %scan3A_939 to %scan3A_941 step %scan3A_942 iter_args(%scan3A_1098 = %scan3A_938) -> (i32)  : i32 {
        %mul3A_1099 = arith.constant 26 : i32
        %mul3A_1100 = arith.muli %mul3A_1099, %scan3A_1097 : i32
        %add3A_1101 = arith.constant 16 : i32
        %add3A_1102 = arith.addi %add3A_1101, %mul3A_1100 : i32
        %get3A_1103 = arith.constant 1 : i32
        %get3A_1104 = arith.index_cast %get3A_1103 : i32 to index
        %get3A_1105 = arith.index_cast %add3A_1102 : i32 to index
        %get3A_1106 = arith.constant 0 : index
        %get3A_1107 = tpu.vector_load %arg10[%get3A_1104, %get3A_1105, %get3A_1106] {strides = array<i32>} : memref<2x416x32xf32, #tpu.memory_space<vmem>>, vector<16xf32>,
        %ne3A = arith.cmpf one, %get3A_1107, %broadcast_in_dim3A_3 : vector<16xf32>
        %get3A_1108 = arith.constant 1 : i32
        %get3A_1109 = arith.index_cast %get3A_1108 : i32 to index
        %get3A_1110 = arith.index_cast %add3A_1102 : i32 to index
        %get3A_1111 = arith.constant 16 : index
        %get3A_1112 = tpu.vector_load %arg10[%get3A_1109, %get3A_1110, %get3A_1111] {strides = array<i32>} : memref<2x416x32xf32, #tpu.memory_space<vmem>>, vector<16xf32>,
        %ne3A_1113 = arith.cmpf one, %get3A_1112, %broadcast_in_dim3A_3 : vector<16xf32>
        %get3A_1114 = arith.constant 1 : i32
        %get3A_1115 = arith.index_cast %get3A_1114 : i32 to index
        %get3A_1116 = arith.index_cast %add3A_1102 : i32 to index
        %get3A_1117 = arith.constant 0 : index
        %get3A_1118 = tpu.vector_load %arg9[%get3A_1115, %get3A_1116, %get3A_1117] {strides = array<i32>} : memref<2x416x32xf32, #tpu.memory_space<vmem>>, vector<16xf32>,
        %get3A_1119 = arith.constant 1 : i32
        %get3A_1120 = arith.index_cast %get3A_1119 : i32 to index
        %get3A_1121 = arith.index_cast %add3A_1102 : i32 to index
        %get3A_1122 = arith.constant 16 : index
        %get3A_1123 = tpu.vector_load %arg9[%get3A_1120, %get3A_1121, %get3A_1122] {strides = array<i32>} : memref<2x416x32xf32, #tpu.memory_space<vmem>>, vector<16xf32>,
        %select_n3A = arith.select %ne3A, %get3A_933, %get3A_1118 : vector<16xi1>, vector<16xf32>
        %swap3A = arith.constant 1 : i32
        %swap3A_1124 = arith.index_cast %swap3A : i32 to index
        %swap3A_1125 = arith.index_cast %add3A_1102 : i32 to index
        %swap3A_1126 = arith.constant 0 : index
        %swap3A_1127 = tpu.vector_load %arg11[%swap3A_1124, %swap3A_1125, %swap3A_1126] {strides = array<i32>} : memref<2x416x32xf32, #tpu.memory_space<vmem>>, vector<16xf32>,
        tpu.vector_store %arg11[%swap3A_1124, %swap3A_1125, %swap3A_1126], %select_n3A {strides = array<i32>} : memref<2x416x32xf32, #tpu.memory_space<vmem>>, vector<16xf32>,
        %select_n3A_1128 = arith.select %ne3A_1113, %get3A_937, %get3A_1123 : vector<16xi1>, vector<16xf32>
        %swap3A_1129 = arith.constant 1 : i32
        %swap3A_1130 = arith.index_cast %swap3A_1129 : i32 to index
        %swap3A_1131 = arith.index_cast %add3A_1102 : i32 to index
        %swap3A_1132 = arith.constant 16 : index
        %swap3A_1133 = tpu.vector_load %arg11[%swap3A_1130, %swap3A_1131, %swap3A_1132] {strides = array<i32>} : memref<2x416x32xf32, #tpu.memory_space<vmem>>, vector<16xf32>,
        tpu.vector_store %arg11[%swap3A_1130, %swap3A_1131, %swap3A_1132], %select_n3A_1128 {strides = array<i32>} : memref<2x416x32xf32, #tpu.memory_space<vmem>>, vector<16xf32>,
        %scan3A_1134 = arith.constant 0 : i32
        scf.yield %scan3A_1134 : i32
      }
      %scan3A_944 = arith.constant 16 : i32
      %get3A_945 = arith.constant 17 : i32
      %get3A_946 = arith.index_cast %get3A_945 : i32 to index
      %get3A_947 = arith.constant 0 : index
      %get3A_948 = tpu.vector_load %arg8[%get3A_946, %get3A_947] {strides = array<i32>} : memref<26x32xf32, #tpu.memory_space<vmem>>, vector<16xf32>,
      %get3A_949 = arith.constant 17 : i32
      %get3A_950 = arith.index_cast %get3A_949 : i32 to index
      %get3A_951 = arith.constant 16 : index
      %get3A_952 = tpu.vector_load %arg8[%get3A_950, %get3A_951] {strides = array<i32>} : memref<26x32xf32, #tpu.memory_space<vmem>>, vector<16xf32>,
      %scan3A_953 = arith.constant 0 : i32
      %scan3A_954 = arith.constant 0 : i32
      %scan3A_955 = arith.constant 16 : i32
      %scan3A_956 = arith.addi %scan3A_954, %scan3A_955 : i32
      %scan3A_957 = arith.constant 1 : i32
      %scan3A_958 = scf.for %scan3A_1097 = %scan3A_954 to %scan3A_956 step %scan3A_957 iter_args(%scan3A_1098 = %scan3A_953) -> (i32)  : i32 {
        %mul3A_1099 = arith.constant 26 : i32
        %mul3A_1100 = arith.muli %mul3A_1099, %scan3A_1097 : i32
        %add3A_1101 = arith.constant 17 : i32
        %add3A_1102 = arith.addi %add3A_1101, %mul3A_1100 : i32
        %get3A_1103 = arith.constant 1 : i32
        %get3A_1104 = arith.index_cast %get3A_1103 : i32 to index
        %get3A_1105 = arith.index_cast %add3A_1102 : i32 to index
        %get3A_1106 = arith.constant 0 : index
        %get3A_1107 = tpu.vector_load %arg10[%get3A_1104, %get3A_1105, %get3A_1106] {strides = array<i32>} : memref<2x416x32xf32, #tpu.memory_space<vmem>>, vector<16xf32>,
        %ne3A = arith.cmpf one, %get3A_1107, %broadcast_in_dim3A_3 : vector<16xf32>
        %get3A_1108 = arith.constant 1 : i32
        %get3A_1109 = arith.index_cast %get3A_1108 : i32 to index
        %get3A_1110 = arith.index_cast %add3A_1102 : i32 to index
        %get3A_1111 = arith.constant 16 : index
        %get3A_1112 = tpu.vector_load %arg10[%get3A_1109, %get3A_1110, %get3A_1111] {strides = array<i32>} : memref<2x416x32xf32, #tpu.memory_space<vmem>>, vector<16xf32>,
        %ne3A_1113 = arith.cmpf one, %get3A_1112, %broadcast_in_dim3A_3 : vector<16xf32>
        %get3A_1114 = arith.constant 1 : i32
        %get3A_1115 = arith.index_cast %get3A_1114 : i32 to index
        %get3A_1116 = arith.index_cast %add3A_1102 : i32 to index
        %get3A_1117 = arith.constant 0 : index
        %get3A_1118 = tpu.vector_load %arg9[%get3A_1115, %get3A_1116, %get3A_1117] {strides = array<i32>} : memref<2x416x32xf32, #tpu.memory_space<vmem>>, vector<16xf32>,
        %get3A_1119 = arith.constant 1 : i32
        %get3A_1120 = arith.index_cast %get3A_1119 : i32 to index
        %get3A_1121 = arith.index_cast %add3A_1102 : i32 to index
        %get3A_1122 = arith.constant 16 : index
        %get3A_1123 = tpu.vector_load %arg9[%get3A_1120, %get3A_1121, %get3A_1122] {strides = array<i32>} : memref<2x416x32xf32, #tpu.memory_space<vmem>>, vector<16xf32>,
        %select_n3A = arith.select %ne3A, %get3A_948, %get3A_1118 : vector<16xi1>, vector<16xf32>
        %swap3A = arith.constant 1 : i32
        %swap3A_1124 = arith.index_cast %swap3A : i32 to index
        %swap3A_1125 = arith.index_cast %add3A_1102 : i32 to index
        %swap3A_1126 = arith.constant 0 : index
        %swap3A_1127 = tpu.vector_load %arg11[%swap3A_1124, %swap3A_1125, %swap3A_1126] {strides = array<i32>} : memref<2x416x32xf32, #tpu.memory_space<vmem>>, vector<16xf32>,
        tpu.vector_store %arg11[%swap3A_1124, %swap3A_1125, %swap3A_1126], %select_n3A {strides = array<i32>} : memref<2x416x32xf32, #tpu.memory_space<vmem>>, vector<16xf32>,
        %select_n3A_1128 = arith.select %ne3A_1113, %get3A_952, %get3A_1123 : vector<16xi1>, vector<16xf32>
        %swap3A_1129 = arith.constant 1 : i32
        %swap3A_1130 = arith.index_cast %swap3A_1129 : i32 to index
        %swap3A_1131 = arith.index_cast %add3A_1102 : i32 to index
        %swap3A_1132 = arith.constant 16 : index
        %swap3A_1133 = tpu.vector_load %arg11[%swap3A_1130, %swap3A_1131, %swap3A_1132] {strides = array<i32>} : memref<2x416x32xf32, #tpu.memory_space<vmem>>, vector<16xf32>,
        tpu.vector_store %arg11[%swap3A_1130, %swap3A_1131, %swap3A_1132], %select_n3A_1128 {strides = array<i32>} : memref<2x416x32xf32, #tpu.memory_space<vmem>>, vector<16xf32>,
        %scan3A_1134 = arith.constant 0 : i32
        scf.yield %scan3A_1134 : i32
      }
      %scan3A_959 = arith.constant 16 : i32
      %get3A_960 = arith.constant 18 : i32
      %get3A_961 = arith.index_cast %get3A_960 : i32 to index
      %get3A_962 = arith.constant 0 : index
      %get3A_963 = tpu.vector_load %arg8[%get3A_961, %get3A_962] {strides = array<i32>} : memref<26x32xf32, #tpu.memory_space<vmem>>, vector<16xf32>,
      %get3A_964 = arith.constant 18 : i32
      %get3A_965 = arith.index_cast %get3A_964 : i32 to index
      %get3A_966 = arith.constant 16 : index
      %get3A_967 = tpu.vector_load %arg8[%get3A_965, %get3A_966] {strides = array<i32>} : memref<26x32xf32, #tpu.memory_space<vmem>>, vector<16xf32>,
      %scan3A_968 = arith.constant 0 : i32
      %scan3A_969 = arith.constant 0 : i32
      %scan3A_970 = arith.constant 16 : i32
      %scan3A_971 = arith.addi %scan3A_969, %scan3A_970 : i32
      %scan3A_972 = arith.constant 1 : i32
      %scan3A_973 = scf.for %scan3A_1097 = %scan3A_969 to %scan3A_971 step %scan3A_972 iter_args(%scan3A_1098 = %scan3A_968) -> (i32)  : i32 {
        %mul3A_1099 = arith.constant 26 : i32
        %mul3A_1100 = arith.muli %mul3A_1099, %scan3A_1097 : i32
        %add3A_1101 = arith.constant 18 : i32
        %add3A_1102 = arith.addi %add3A_1101, %mul3A_1100 : i32
        %get3A_1103 = arith.constant 1 : i32
        %get3A_1104 = arith.index_cast %get3A_1103 : i32 to index
        %get3A_1105 = arith.index_cast %add3A_1102 : i32 to index
        %get3A_1106 = arith.constant 0 : index
        %get3A_1107 = tpu.vector_load %arg10[%get3A_1104, %get3A_1105, %get3A_1106] {strides = array<i32>} : memref<2x416x32xf32, #tpu.memory_space<vmem>>, vector<16xf32>,
        %ne3A = arith.cmpf one, %get3A_1107, %broadcast_in_dim3A_3 : vector<16xf32>
        %get3A_1108 = arith.constant 1 : i32
        %get3A_1109 = arith.index_cast %get3A_1108 : i32 to index
        %get3A_1110 = arith.index_cast %add3A_1102 : i32 to index
        %get3A_1111 = arith.constant 16 : index
        %get3A_1112 = tpu.vector_load %arg10[%get3A_1109, %get3A_1110, %get3A_1111] {strides = array<i32>} : memref<2x416x32xf32, #tpu.memory_space<vmem>>, vector<16xf32>,
        %ne3A_1113 = arith.cmpf one, %get3A_1112, %broadcast_in_dim3A_3 : vector<16xf32>
        %get3A_1114 = arith.constant 1 : i32
        %get3A_1115 = arith.index_cast %get3A_1114 : i32 to index
        %get3A_1116 = arith.index_cast %add3A_1102 : i32 to index
        %get3A_1117 = arith.constant 0 : index
        %get3A_1118 = tpu.vector_load %arg9[%get3A_1115, %get3A_1116, %get3A_1117] {strides = array<i32>} : memref<2x416x32xf32, #tpu.memory_space<vmem>>, vector<16xf32>,
        %get3A_1119 = arith.constant 1 : i32
        %get3A_1120 = arith.index_cast %get3A_1119 : i32 to index
        %get3A_1121 = arith.index_cast %add3A_1102 : i32 to index
        %get3A_1122 = arith.constant 16 : index
        %get3A_1123 = tpu.vector_load %arg9[%get3A_1120, %get3A_1121, %get3A_1122] {strides = array<i32>} : memref<2x416x32xf32, #tpu.memory_space<vmem>>, vector<16xf32>,
        %select_n3A = arith.select %ne3A, %get3A_963, %get3A_1118 : vector<16xi1>, vector<16xf32>
        %swap3A = arith.constant 1 : i32
        %swap3A_1124 = arith.index_cast %swap3A : i32 to index
        %swap3A_1125 = arith.index_cast %add3A_1102 : i32 to index
        %swap3A_1126 = arith.constant 0 : index
        %swap3A_1127 = tpu.vector_load %arg11[%swap3A_1124, %swap3A_1125, %swap3A_1126] {strides = array<i32>} : memref<2x416x32xf32, #tpu.memory_space<vmem>>, vector<16xf32>,
        tpu.vector_store %arg11[%swap3A_1124, %swap3A_1125, %swap3A_1126], %select_n3A {strides = array<i32>} : memref<2x416x32xf32, #tpu.memory_space<vmem>>, vector<16xf32>,
        %select_n3A_1128 = arith.select %ne3A_1113, %get3A_967, %get3A_1123 : vector<16xi1>, vector<16xf32>
        %swap3A_1129 = arith.constant 1 : i32
        %swap3A_1130 = arith.index_cast %swap3A_1129 : i32 to index
        %swap3A_1131 = arith.index_cast %add3A_1102 : i32 to index
        %swap3A_1132 = arith.constant 16 : index
        %swap3A_1133 = tpu.vector_load %arg11[%swap3A_1130, %swap3A_1131, %swap3A_1132] {strides = array<i32>} : memref<2x416x32xf32, #tpu.memory_space<vmem>>, vector<16xf32>,
        tpu.vector_store %arg11[%swap3A_1130, %swap3A_1131, %swap3A_1132], %select_n3A_1128 {strides = array<i32>} : memref<2x416x32xf32, #tpu.memory_space<vmem>>, vector<16xf32>,
        %scan3A_1134 = arith.constant 0 : i32
        scf.yield %scan3A_1134 : i32
      }
      %scan3A_974 = arith.constant 16 : i32
      %get3A_975 = arith.constant 19 : i32
      %get3A_976 = arith.index_cast %get3A_975 : i32 to index
      %get3A_977 = arith.constant 0 : index
      %get3A_978 = tpu.vector_load %arg8[%get3A_976, %get3A_977] {strides = array<i32>} : memref<26x32xf32, #tpu.memory_space<vmem>>, vector<16xf32>,
      %get3A_979 = arith.constant 19 : i32
      %get3A_980 = arith.index_cast %get3A_979 : i32 to index
      %get3A_981 = arith.constant 16 : index
      %get3A_982 = tpu.vector_load %arg8[%get3A_980, %get3A_981] {strides = array<i32>} : memref<26x32xf32, #tpu.memory_space<vmem>>, vector<16xf32>,
      %scan3A_983 = arith.constant 0 : i32
      %scan3A_984 = arith.constant 0 : i32
      %scan3A_985 = arith.constant 16 : i32
      %scan3A_986 = arith.addi %scan3A_984, %scan3A_985 : i32
      %scan3A_987 = arith.constant 1 : i32
      %scan3A_988 = scf.for %scan3A_1097 = %scan3A_984 to %scan3A_986 step %scan3A_987 iter_args(%scan3A_1098 = %scan3A_983) -> (i32)  : i32 {
        %mul3A_1099 = arith.constant 26 : i32
        %mul3A_1100 = arith.muli %mul3A_1099, %scan3A_1097 : i32
        %add3A_1101 = arith.constant 19 : i32
        %add3A_1102 = arith.addi %add3A_1101, %mul3A_1100 : i32
        %get3A_1103 = arith.constant 1 : i32
        %get3A_1104 = arith.index_cast %get3A_1103 : i32 to index
        %get3A_1105 = arith.index_cast %add3A_1102 : i32 to index
        %get3A_1106 = arith.constant 0 : index
        %get3A_1107 = tpu.vector_load %arg10[%get3A_1104, %get3A_1105, %get3A_1106] {strides = array<i32>} : memref<2x416x32xf32, #tpu.memory_space<vmem>>, vector<16xf32>,
        %ne3A = arith.cmpf one, %get3A_1107, %broadcast_in_dim3A_3 : vector<16xf32>
        %get3A_1108 = arith.constant 1 : i32
        %get3A_1109 = arith.index_cast %get3A_1108 : i32 to index
        %get3A_1110 = arith.index_cast %add3A_1102 : i32 to index
        %get3A_1111 = arith.constant 16 : index
        %get3A_1112 = tpu.vector_load %arg10[%get3A_1109, %get3A_1110, %get3A_1111] {strides = array<i32>} : memref<2x416x32xf32, #tpu.memory_space<vmem>>, vector<16xf32>,
        %ne3A_1113 = arith.cmpf one, %get3A_1112, %broadcast_in_dim3A_3 : vector<16xf32>
        %get3A_1114 = arith.constant 1 : i32
        %get3A_1115 = arith.index_cast %get3A_1114 : i32 to index
        %get3A_1116 = arith.index_cast %add3A_1102 : i32 to index
        %get3A_1117 = arith.constant 0 : index
        %get3A_1118 = tpu.vector_load %arg9[%get3A_1115, %get3A_1116, %get3A_1117] {strides = array<i32>} : memref<2x416x32xf32, #tpu.memory_space<vmem>>, vector<16xf32>,
        %get3A_1119 = arith.constant 1 : i32
        %get3A_1120 = arith.index_cast %get3A_1119 : i32 to index
        %get3A_1121 = arith.index_cast %add3A_1102 : i32 to index
        %get3A_1122 = arith.constant 16 : index
        %get3A_1123 = tpu.vector_load %arg9[%get3A_1120, %get3A_1121, %get3A_1122] {strides = array<i32>} : memref<2x416x32xf32, #tpu.memory_space<vmem>>, vector<16xf32>,
        %select_n3A = arith.select %ne3A, %get3A_978, %get3A_1118 : vector<16xi1>, vector<16xf32>
        %swap3A = arith.constant 1 : i32
        %swap3A_1124 = arith.index_cast %swap3A : i32 to index
        %swap3A_1125 = arith.index_cast %add3A_1102 : i32 to index
        %swap3A_1126 = arith.constant 0 : index
        %swap3A_1127 = tpu.vector_load %arg11[%swap3A_1124, %swap3A_1125, %swap3A_1126] {strides = array<i32>} : memref<2x416x32xf32, #tpu.memory_space<vmem>>, vector<16xf32>,
        tpu.vector_store %arg11[%swap3A_1124, %swap3A_1125, %swap3A_1126], %select_n3A {strides = array<i32>} : memref<2x416x32xf32, #tpu.memory_space<vmem>>, vector<16xf32>,
        %select_n3A_1128 = arith.select %ne3A_1113, %get3A_982, %get3A_1123 : vector<16xi1>, vector<16xf32>
        %swap3A_1129 = arith.constant 1 : i32
        %swap3A_1130 = arith.index_cast %swap3A_1129 : i32 to index
        %swap3A_1131 = arith.index_cast %add3A_1102 : i32 to index
        %swap3A_1132 = arith.constant 16 : index
        %swap3A_1133 = tpu.vector_load %arg11[%swap3A_1130, %swap3A_1131, %swap3A_1132] {strides = array<i32>} : memref<2x416x32xf32, #tpu.memory_space<vmem>>, vector<16xf32>,
        tpu.vector_store %arg11[%swap3A_1130, %swap3A_1131, %swap3A_1132], %select_n3A_1128 {strides = array<i32>} : memref<2x416x32xf32, #tpu.memory_space<vmem>>, vector<16xf32>,
        %scan3A_1134 = arith.constant 0 : i32
        scf.yield %scan3A_1134 : i32
      }
      %scan3A_989 = arith.constant 16 : i32
      %get3A_990 = arith.constant 20 : i32
      %get3A_991 = arith.index_cast %get3A_990 : i32 to index
      %get3A_992 = arith.constant 0 : index
      %get3A_993 = tpu.vector_load %arg8[%get3A_991, %get3A_992] {strides = array<i32>} : memref<26x32xf32, #tpu.memory_space<vmem>>, vector<16xf32>,
      %get3A_994 = arith.constant 20 : i32
      %get3A_995 = arith.index_cast %get3A_994 : i32 to index
      %get3A_996 = arith.constant 16 : index
      %get3A_997 = tpu.vector_load %arg8[%get3A_995, %get3A_996] {strides = array<i32>} : memref<26x32xf32, #tpu.memory_space<vmem>>, vector<16xf32>,
      %scan3A_998 = arith.constant 0 : i32
      %scan3A_999 = arith.constant 0 : i32
      %scan3A_1000 = arith.constant 16 : i32
      %scan3A_1001 = arith.addi %scan3A_999, %scan3A_1000 : i32
      %scan3A_1002 = arith.constant 1 : i32
      %scan3A_1003 = scf.for %scan3A_1097 = %scan3A_999 to %scan3A_1001 step %scan3A_1002 iter_args(%scan3A_1098 = %scan3A_998) -> (i32)  : i32 {
        %mul3A_1099 = arith.constant 26 : i32
        %mul3A_1100 = arith.muli %mul3A_1099, %scan3A_1097 : i32
        %add3A_1101 = arith.constant 20 : i32
        %add3A_1102 = arith.addi %add3A_1101, %mul3A_1100 : i32
        %get3A_1103 = arith.constant 1 : i32
        %get3A_1104 = arith.index_cast %get3A_1103 : i32 to index
        %get3A_1105 = arith.index_cast %add3A_1102 : i32 to index
        %get3A_1106 = arith.constant 0 : index
        %get3A_1107 = tpu.vector_load %arg10[%get3A_1104, %get3A_1105, %get3A_1106] {strides = array<i32>} : memref<2x416x32xf32, #tpu.memory_space<vmem>>, vector<16xf32>,
        %ne3A = arith.cmpf one, %get3A_1107, %broadcast_in_dim3A_3 : vector<16xf32>
        %get3A_1108 = arith.constant 1 : i32
        %get3A_1109 = arith.index_cast %get3A_1108 : i32 to index
        %get3A_1110 = arith.index_cast %add3A_1102 : i32 to index
        %get3A_1111 = arith.constant 16 : index
        %get3A_1112 = tpu.vector_load %arg10[%get3A_1109, %get3A_1110, %get3A_1111] {strides = array<i32>} : memref<2x416x32xf32, #tpu.memory_space<vmem>>, vector<16xf32>,
        %ne3A_1113 = arith.cmpf one, %get3A_1112, %broadcast_in_dim3A_3 : vector<16xf32>
        %get3A_1114 = arith.constant 1 : i32
        %get3A_1115 = arith.index_cast %get3A_1114 : i32 to index
        %get3A_1116 = arith.index_cast %add3A_1102 : i32 to index
        %get3A_1117 = arith.constant 0 : index
        %get3A_1118 = tpu.vector_load %arg9[%get3A_1115, %get3A_1116, %get3A_1117] {strides = array<i32>} : memref<2x416x32xf32, #tpu.memory_space<vmem>>, vector<16xf32>,
        %get3A_1119 = arith.constant 1 : i32
        %get3A_1120 = arith.index_cast %get3A_1119 : i32 to index
        %get3A_1121 = arith.index_cast %add3A_1102 : i32 to index
        %get3A_1122 = arith.constant 16 : index
        %get3A_1123 = tpu.vector_load %arg9[%get3A_1120, %get3A_1121, %get3A_1122] {strides = array<i32>} : memref<2x416x32xf32, #tpu.memory_space<vmem>>, vector<16xf32>,
        %select_n3A = arith.select %ne3A, %get3A_993, %get3A_1118 : vector<16xi1>, vector<16xf32>
        %swap3A = arith.constant 1 : i32
        %swap3A_1124 = arith.index_cast %swap3A : i32 to index
        %swap3A_1125 = arith.index_cast %add3A_1102 : i32 to index
        %swap3A_1126 = arith.constant 0 : index
        %swap3A_1127 = tpu.vector_load %arg11[%swap3A_1124, %swap3A_1125, %swap3A_1126] {strides = array<i32>} : memref<2x416x32xf32, #tpu.memory_space<vmem>>, vector<16xf32>,
        tpu.vector_store %arg11[%swap3A_1124, %swap3A_1125, %swap3A_1126], %select_n3A {strides = array<i32>} : memref<2x416x32xf32, #tpu.memory_space<vmem>>, vector<16xf32>,
        %select_n3A_1128 = arith.select %ne3A_1113, %get3A_997, %get3A_1123 : vector<16xi1>, vector<16xf32>
        %swap3A_1129 = arith.constant 1 : i32
        %swap3A_1130 = arith.index_cast %swap3A_1129 : i32 to index
        %swap3A_1131 = arith.index_cast %add3A_1102 : i32 to index
        %swap3A_1132 = arith.constant 16 : index
        %swap3A_1133 = tpu.vector_load %arg11[%swap3A_1130, %swap3A_1131, %swap3A_1132] {strides = array<i32>} : memref<2x416x32xf32, #tpu.memory_space<vmem>>, vector<16xf32>,
        tpu.vector_store %arg11[%swap3A_1130, %swap3A_1131, %swap3A_1132], %select_n3A_1128 {strides = array<i32>} : memref<2x416x32xf32, #tpu.memory_space<vmem>>, vector<16xf32>,
        %scan3A_1134 = arith.constant 0 : i32
        scf.yield %scan3A_1134 : i32
      }
      %scan3A_1004 = arith.constant 16 : i32
      %get3A_1005 = arith.constant 21 : i32
      %get3A_1006 = arith.index_cast %get3A_1005 : i32 to index
      %get3A_1007 = arith.constant 0 : index
      %get3A_1008 = tpu.vector_load %arg8[%get3A_1006, %get3A_1007] {strides = array<i32>} : memref<26x32xf32, #tpu.memory_space<vmem>>, vector<16xf32>,
      %get3A_1009 = arith.constant 21 : i32
      %get3A_1010 = arith.index_cast %get3A_1009 : i32 to index
      %get3A_1011 = arith.constant 16 : index
      %get3A_1012 = tpu.vector_load %arg8[%get3A_1010, %get3A_1011] {strides = array<i32>} : memref<26x32xf32, #tpu.memory_space<vmem>>, vector<16xf32>,
      %scan3A_1013 = arith.constant 0 : i32
      %scan3A_1014 = arith.constant 0 : i32
      %scan3A_1015 = arith.constant 16 : i32
      %scan3A_1016 = arith.addi %scan3A_1014, %scan3A_1015 : i32
      %scan3A_1017 = arith.constant 1 : i32
      %scan3A_1018 = scf.for %scan3A_1097 = %scan3A_1014 to %scan3A_1016 step %scan3A_1017 iter_args(%scan3A_1098 = %scan3A_1013) -> (i32)  : i32 {
        %mul3A_1099 = arith.constant 26 : i32
        %mul3A_1100 = arith.muli %mul3A_1099, %scan3A_1097 : i32
        %add3A_1101 = arith.constant 21 : i32
        %add3A_1102 = arith.addi %add3A_1101, %mul3A_1100 : i32
        %get3A_1103 = arith.constant 1 : i32
        %get3A_1104 = arith.index_cast %get3A_1103 : i32 to index
        %get3A_1105 = arith.index_cast %add3A_1102 : i32 to index
        %get3A_1106 = arith.constant 0 : index
        %get3A_1107 = tpu.vector_load %arg10[%get3A_1104, %get3A_1105, %get3A_1106] {strides = array<i32>} : memref<2x416x32xf32, #tpu.memory_space<vmem>>, vector<16xf32>,
        %ne3A = arith.cmpf one, %get3A_1107, %broadcast_in_dim3A_3 : vector<16xf32>
        %get3A_1108 = arith.constant 1 : i32
        %get3A_1109 = arith.index_cast %get3A_1108 : i32 to index
        %get3A_1110 = arith.index_cast %add3A_1102 : i32 to index
        %get3A_1111 = arith.constant 16 : index
        %get3A_1112 = tpu.vector_load %arg10[%get3A_1109, %get3A_1110, %get3A_1111] {strides = array<i32>} : memref<2x416x32xf32, #tpu.memory_space<vmem>>, vector<16xf32>,
        %ne3A_1113 = arith.cmpf one, %get3A_1112, %broadcast_in_dim3A_3 : vector<16xf32>
        %get3A_1114 = arith.constant 1 : i32
        %get3A_1115 = arith.index_cast %get3A_1114 : i32 to index
        %get3A_1116 = arith.index_cast %add3A_1102 : i32 to index
        %get3A_1117 = arith.constant 0 : index
        %get3A_1118 = tpu.vector_load %arg9[%get3A_1115, %get3A_1116, %get3A_1117] {strides = array<i32>} : memref<2x416x32xf32, #tpu.memory_space<vmem>>, vector<16xf32>,
        %get3A_1119 = arith.constant 1 : i32
        %get3A_1120 = arith.index_cast %get3A_1119 : i32 to index
        %get3A_1121 = arith.index_cast %add3A_1102 : i32 to index
        %get3A_1122 = arith.constant 16 : index
        %get3A_1123 = tpu.vector_load %arg9[%get3A_1120, %get3A_1121, %get3A_1122] {strides = array<i32>} : memref<2x416x32xf32, #tpu.memory_space<vmem>>, vector<16xf32>,
        %select_n3A = arith.select %ne3A, %get3A_1008, %get3A_1118 : vector<16xi1>, vector<16xf32>
        %swap3A = arith.constant 1 : i32
        %swap3A_1124 = arith.index_cast %swap3A : i32 to index
        %swap3A_1125 = arith.index_cast %add3A_1102 : i32 to index
        %swap3A_1126 = arith.constant 0 : index
        %swap3A_1127 = tpu.vector_load %arg11[%swap3A_1124, %swap3A_1125, %swap3A_1126] {strides = array<i32>} : memref<2x416x32xf32, #tpu.memory_space<vmem>>, vector<16xf32>,
        tpu.vector_store %arg11[%swap3A_1124, %swap3A_1125, %swap3A_1126], %select_n3A {strides = array<i32>} : memref<2x416x32xf32, #tpu.memory_space<vmem>>, vector<16xf32>,
        %select_n3A_1128 = arith.select %ne3A_1113, %get3A_1012, %get3A_1123 : vector<16xi1>, vector<16xf32>
        %swap3A_1129 = arith.constant 1 : i32
        %swap3A_1130 = arith.index_cast %swap3A_1129 : i32 to index
        %swap3A_1131 = arith.index_cast %add3A_1102 : i32 to index
        %swap3A_1132 = arith.constant 16 : index
        %swap3A_1133 = tpu.vector_load %arg11[%swap3A_1130, %swap3A_1131, %swap3A_1132] {strides = array<i32>} : memref<2x416x32xf32, #tpu.memory_space<vmem>>, vector<16xf32>,
        tpu.vector_store %arg11[%swap3A_1130, %swap3A_1131, %swap3A_1132], %select_n3A_1128 {strides = array<i32>} : memref<2x416x32xf32, #tpu.memory_space<vmem>>, vector<16xf32>,
        %scan3A_1134 = arith.constant 0 : i32
        scf.yield %scan3A_1134 : i32
      }
      %scan3A_1019 = arith.constant 16 : i32
      %get3A_1020 = arith.constant 22 : i32
      %get3A_1021 = arith.index_cast %get3A_1020 : i32 to index
      %get3A_1022 = arith.constant 0 : index
      %get3A_1023 = tpu.vector_load %arg8[%get3A_1021, %get3A_1022] {strides = array<i32>} : memref<26x32xf32, #tpu.memory_space<vmem>>, vector<16xf32>,
      %get3A_1024 = arith.constant 22 : i32
      %get3A_1025 = arith.index_cast %get3A_1024 : i32 to index
      %get3A_1026 = arith.constant 16 : index
      %get3A_1027 = tpu.vector_load %arg8[%get3A_1025, %get3A_1026] {strides = array<i32>} : memref<26x32xf32, #tpu.memory_space<vmem>>, vector<16xf32>,
      %scan3A_1028 = arith.constant 0 : i32
      %scan3A_1029 = arith.constant 0 : i32
      %scan3A_1030 = arith.constant 16 : i32
      %scan3A_1031 = arith.addi %scan3A_1029, %scan3A_1030 : i32
      %scan3A_1032 = arith.constant 1 : i32
      %scan3A_1033 = scf.for %scan3A_1097 = %scan3A_1029 to %scan3A_1031 step %scan3A_1032 iter_args(%scan3A_1098 = %scan3A_1028) -> (i32)  : i32 {
        %mul3A_1099 = arith.constant 26 : i32
        %mul3A_1100 = arith.muli %mul3A_1099, %scan3A_1097 : i32
        %add3A_1101 = arith.constant 22 : i32
        %add3A_1102 = arith.addi %add3A_1101, %mul3A_1100 : i32
        %get3A_1103 = arith.constant 1 : i32
        %get3A_1104 = arith.index_cast %get3A_1103 : i32 to index
        %get3A_1105 = arith.index_cast %add3A_1102 : i32 to index
        %get3A_1106 = arith.constant 0 : index
        %get3A_1107 = tpu.vector_load %arg10[%get3A_1104, %get3A_1105, %get3A_1106] {strides = array<i32>} : memref<2x416x32xf32, #tpu.memory_space<vmem>>, vector<16xf32>,
        %ne3A = arith.cmpf one, %get3A_1107, %broadcast_in_dim3A_3 : vector<16xf32>
        %get3A_1108 = arith.constant 1 : i32
        %get3A_1109 = arith.index_cast %get3A_1108 : i32 to index
        %get3A_1110 = arith.index_cast %add3A_1102 : i32 to index
        %get3A_1111 = arith.constant 16 : index
        %get3A_1112 = tpu.vector_load %arg10[%get3A_1109, %get3A_1110, %get3A_1111] {strides = array<i32>} : memref<2x416x32xf32, #tpu.memory_space<vmem>>, vector<16xf32>,
        %ne3A_1113 = arith.cmpf one, %get3A_1112, %broadcast_in_dim3A_3 : vector<16xf32>
        %get3A_1114 = arith.constant 1 : i32
        %get3A_1115 = arith.index_cast %get3A_1114 : i32 to index
        %get3A_1116 = arith.index_cast %add3A_1102 : i32 to index
        %get3A_1117 = arith.constant 0 : index
        %get3A_1118 = tpu.vector_load %arg9[%get3A_1115, %get3A_1116, %get3A_1117] {strides = array<i32>} : memref<2x416x32xf32, #tpu.memory_space<vmem>>, vector<16xf32>,
        %get3A_1119 = arith.constant 1 : i32
        %get3A_1120 = arith.index_cast %get3A_1119 : i32 to index
        %get3A_1121 = arith.index_cast %add3A_1102 : i32 to index
        %get3A_1122 = arith.constant 16 : index
        %get3A_1123 = tpu.vector_load %arg9[%get3A_1120, %get3A_1121, %get3A_1122] {strides = array<i32>} : memref<2x416x32xf32, #tpu.memory_space<vmem>>, vector<16xf32>,
        %select_n3A = arith.select %ne3A, %get3A_1023, %get3A_1118 : vector<16xi1>, vector<16xf32>
        %swap3A = arith.constant 1 : i32
        %swap3A_1124 = arith.index_cast %swap3A : i32 to index
        %swap3A_1125 = arith.index_cast %add3A_1102 : i32 to index
        %swap3A_1126 = arith.constant 0 : index
        %swap3A_1127 = tpu.vector_load %arg11[%swap3A_1124, %swap3A_1125, %swap3A_1126] {strides = array<i32>} : memref<2x416x32xf32, #tpu.memory_space<vmem>>, vector<16xf32>,
        tpu.vector_store %arg11[%swap3A_1124, %swap3A_1125, %swap3A_1126], %select_n3A {strides = array<i32>} : memref<2x416x32xf32, #tpu.memory_space<vmem>>, vector<16xf32>,
        %select_n3A_1128 = arith.select %ne3A_1113, %get3A_1027, %get3A_1123 : vector<16xi1>, vector<16xf32>
        %swap3A_1129 = arith.constant 1 : i32
        %swap3A_1130 = arith.index_cast %swap3A_1129 : i32 to index
        %swap3A_1131 = arith.index_cast %add3A_1102 : i32 to index
        %swap3A_1132 = arith.constant 16 : index
        %swap3A_1133 = tpu.vector_load %arg11[%swap3A_1130, %swap3A_1131, %swap3A_1132] {strides = array<i32>} : memref<2x416x32xf32, #tpu.memory_space<vmem>>, vector<16xf32>,
        tpu.vector_store %arg11[%swap3A_1130, %swap3A_1131, %swap3A_1132], %select_n3A_1128 {strides = array<i32>} : memref<2x416x32xf32, #tpu.memory_space<vmem>>, vector<16xf32>,
        %scan3A_1134 = arith.constant 0 : i32
        scf.yield %scan3A_1134 : i32
      }
      %scan3A_1034 = arith.constant 16 : i32
      %get3A_1035 = arith.constant 23 : i32
      %get3A_1036 = arith.index_cast %get3A_1035 : i32 to index
      %get3A_1037 = arith.constant 0 : index
      %get3A_1038 = tpu.vector_load %arg8[%get3A_1036, %get3A_1037] {strides = array<i32>} : memref<26x32xf32, #tpu.memory_space<vmem>>, vector<16xf32>,
      %get3A_1039 = arith.constant 23 : i32
      %get3A_1040 = arith.index_cast %get3A_1039 : i32 to index
      %get3A_1041 = arith.constant 16 : index
      %get3A_1042 = tpu.vector_load %arg8[%get3A_1040, %get3A_1041] {strides = array<i32>} : memref<26x32xf32, #tpu.memory_space<vmem>>, vector<16xf32>,
      %scan3A_1043 = arith.constant 0 : i32
      %scan3A_1044 = arith.constant 0 : i32
      %scan3A_1045 = arith.constant 16 : i32
      %scan3A_1046 = arith.addi %scan3A_1044, %scan3A_1045 : i32
      %scan3A_1047 = arith.constant 1 : i32
      %scan3A_1048 = scf.for %scan3A_1097 = %scan3A_1044 to %scan3A_1046 step %scan3A_1047 iter_args(%scan3A_1098 = %scan3A_1043) -> (i32)  : i32 {
        %mul3A_1099 = arith.constant 26 : i32
        %mul3A_1100 = arith.muli %mul3A_1099, %scan3A_1097 : i32
        %add3A_1101 = arith.constant 23 : i32
        %add3A_1102 = arith.addi %add3A_1101, %mul3A_1100 : i32
        %get3A_1103 = arith.constant 1 : i32
        %get3A_1104 = arith.index_cast %get3A_1103 : i32 to index
        %get3A_1105 = arith.index_cast %add3A_1102 : i32 to index
        %get3A_1106 = arith.constant 0 : index
        %get3A_1107 = tpu.vector_load %arg10[%get3A_1104, %get3A_1105, %get3A_1106] {strides = array<i32>} : memref<2x416x32xf32, #tpu.memory_space<vmem>>, vector<16xf32>,
        %ne3A = arith.cmpf one, %get3A_1107, %broadcast_in_dim3A_3 : vector<16xf32>
        %get3A_1108 = arith.constant 1 : i32
        %get3A_1109 = arith.index_cast %get3A_1108 : i32 to index
        %get3A_1110 = arith.index_cast %add3A_1102 : i32 to index
        %get3A_1111 = arith.constant 16 : index
        %get3A_1112 = tpu.vector_load %arg10[%get3A_1109, %get3A_1110, %get3A_1111] {strides = array<i32>} : memref<2x416x32xf32, #tpu.memory_space<vmem>>, vector<16xf32>,
        %ne3A_1113 = arith.cmpf one, %get3A_1112, %broadcast_in_dim3A_3 : vector<16xf32>
        %get3A_1114 = arith.constant 1 : i32
        %get3A_1115 = arith.index_cast %get3A_1114 : i32 to index
        %get3A_1116 = arith.index_cast %add3A_1102 : i32 to index
        %get3A_1117 = arith.constant 0 : index
        %get3A_1118 = tpu.vector_load %arg9[%get3A_1115, %get3A_1116, %get3A_1117] {strides = array<i32>} : memref<2x416x32xf32, #tpu.memory_space<vmem>>, vector<16xf32>,
        %get3A_1119 = arith.constant 1 : i32
        %get3A_1120 = arith.index_cast %get3A_1119 : i32 to index
        %get3A_1121 = arith.index_cast %add3A_1102 : i32 to index
        %get3A_1122 = arith.constant 16 : index
        %get3A_1123 = tpu.vector_load %arg9[%get3A_1120, %get3A_1121, %get3A_1122] {strides = array<i32>} : memref<2x416x32xf32, #tpu.memory_space<vmem>>, vector<16xf32>,
        %select_n3A = arith.select %ne3A, %get3A_1038, %get3A_1118 : vector<16xi1>, vector<16xf32>
        %swap3A = arith.constant 1 : i32
        %swap3A_1124 = arith.index_cast %swap3A : i32 to index
        %swap3A_1125 = arith.index_cast %add3A_1102 : i32 to index
        %swap3A_1126 = arith.constant 0 : index
        %swap3A_1127 = tpu.vector_load %arg11[%swap3A_1124, %swap3A_1125, %swap3A_1126] {strides = array<i32>} : memref<2x416x32xf32, #tpu.memory_space<vmem>>, vector<16xf32>,
        tpu.vector_store %arg11[%swap3A_1124, %swap3A_1125, %swap3A_1126], %select_n3A {strides = array<i32>} : memref<2x416x32xf32, #tpu.memory_space<vmem>>, vector<16xf32>,
        %select_n3A_1128 = arith.select %ne3A_1113, %get3A_1042, %get3A_1123 : vector<16xi1>, vector<16xf32>
        %swap3A_1129 = arith.constant 1 : i32
        %swap3A_1130 = arith.index_cast %swap3A_1129 : i32 to index
        %swap3A_1131 = arith.index_cast %add3A_1102 : i32 to index
        %swap3A_1132 = arith.constant 16 : index
        %swap3A_1133 = tpu.vector_load %arg11[%swap3A_1130, %swap3A_1131, %swap3A_1132] {strides = array<i32>} : memref<2x416x32xf32, #tpu.memory_space<vmem>>, vector<16xf32>,
        tpu.vector_store %arg11[%swap3A_1130, %swap3A_1131, %swap3A_1132], %select_n3A_1128 {strides = array<i32>} : memref<2x416x32xf32, #tpu.memory_space<vmem>>, vector<16xf32>,
        %scan3A_1134 = arith.constant 0 : i32
        scf.yield %scan3A_1134 : i32
      }
      %scan3A_1049 = arith.constant 16 : i32
      %get3A_1050 = arith.constant 24 : i32
      %get3A_1051 = arith.index_cast %get3A_1050 : i32 to index
      %get3A_1052 = arith.constant 0 : index
      %get3A_1053 = tpu.vector_load %arg8[%get3A_1051, %get3A_1052] {strides = array<i32>} : memref<26x32xf32, #tpu.memory_space<vmem>>, vector<16xf32>,
      %get3A_1054 = arith.constant 24 : i32
      %get3A_1055 = arith.index_cast %get3A_1054 : i32 to index
      %get3A_1056 = arith.constant 16 : index
      %get3A_1057 = tpu.vector_load %arg8[%get3A_1055, %get3A_1056] {strides = array<i32>} : memref<26x32xf32, #tpu.memory_space<vmem>>, vector<16xf32>,
      %scan3A_1058 = arith.constant 0 : i32
      %scan3A_1059 = arith.constant 0 : i32
      %scan3A_1060 = arith.constant 16 : i32
      %scan3A_1061 = arith.addi %scan3A_1059, %scan3A_1060 : i32
      %scan3A_1062 = arith.constant 1 : i32
      %scan3A_1063 = scf.for %scan3A_1097 = %scan3A_1059 to %scan3A_1061 step %scan3A_1062 iter_args(%scan3A_1098 = %scan3A_1058) -> (i32)  : i32 {
        %mul3A_1099 = arith.constant 26 : i32
        %mul3A_1100 = arith.muli %mul3A_1099, %scan3A_1097 : i32
        %add3A_1101 = arith.constant 24 : i32
        %add3A_1102 = arith.addi %add3A_1101, %mul3A_1100 : i32
        %get3A_1103 = arith.constant 1 : i32
        %get3A_1104 = arith.index_cast %get3A_1103 : i32 to index
        %get3A_1105 = arith.index_cast %add3A_1102 : i32 to index
        %get3A_1106 = arith.constant 0 : index
        %get3A_1107 = tpu.vector_load %arg10[%get3A_1104, %get3A_1105, %get3A_1106] {strides = array<i32>} : memref<2x416x32xf32, #tpu.memory_space<vmem>>, vector<16xf32>,
        %ne3A = arith.cmpf one, %get3A_1107, %broadcast_in_dim3A_3 : vector<16xf32>
        %get3A_1108 = arith.constant 1 : i32
        %get3A_1109 = arith.index_cast %get3A_1108 : i32 to index
        %get3A_1110 = arith.index_cast %add3A_1102 : i32 to index
        %get3A_1111 = arith.constant 16 : index
        %get3A_1112 = tpu.vector_load %arg10[%get3A_1109, %get3A_1110, %get3A_1111] {strides = array<i32>} : memref<2x416x32xf32, #tpu.memory_space<vmem>>, vector<16xf32>,
        %ne3A_1113 = arith.cmpf one, %get3A_1112, %broadcast_in_dim3A_3 : vector<16xf32>
        %get3A_1114 = arith.constant 1 : i32
        %get3A_1115 = arith.index_cast %get3A_1114 : i32 to index
        %get3A_1116 = arith.index_cast %add3A_1102 : i32 to index
        %get3A_1117 = arith.constant 0 : index
        %get3A_1118 = tpu.vector_load %arg9[%get3A_1115, %get3A_1116, %get3A_1117] {strides = array<i32>} : memref<2x416x32xf32, #tpu.memory_space<vmem>>, vector<16xf32>,
        %get3A_1119 = arith.constant 1 : i32
        %get3A_1120 = arith.index_cast %get3A_1119 : i32 to index
        %get3A_1121 = arith.index_cast %add3A_1102 : i32 to index
        %get3A_1122 = arith.constant 16 : index
        %get3A_1123 = tpu.vector_load %arg9[%get3A_1120, %get3A_1121, %get3A_1122] {strides = array<i32>} : memref<2x416x32xf32, #tpu.memory_space<vmem>>, vector<16xf32>,
        %select_n3A = arith.select %ne3A, %get3A_1053, %get3A_1118 : vector<16xi1>, vector<16xf32>
        %swap3A = arith.constant 1 : i32
        %swap3A_1124 = arith.index_cast %swap3A : i32 to index
        %swap3A_1125 = arith.index_cast %add3A_1102 : i32 to index
        %swap3A_1126 = arith.constant 0 : index
        %swap3A_1127 = tpu.vector_load %arg11[%swap3A_1124, %swap3A_1125, %swap3A_1126] {strides = array<i32>} : memref<2x416x32xf32, #tpu.memory_space<vmem>>, vector<16xf32>,
        tpu.vector_store %arg11[%swap3A_1124, %swap3A_1125, %swap3A_1126], %select_n3A {strides = array<i32>} : memref<2x416x32xf32, #tpu.memory_space<vmem>>, vector<16xf32>,
        %select_n3A_1128 = arith.select %ne3A_1113, %get3A_1057, %get3A_1123 : vector<16xi1>, vector<16xf32>
        %swap3A_1129 = arith.constant 1 : i32
        %swap3A_1130 = arith.index_cast %swap3A_1129 : i32 to index
        %swap3A_1131 = arith.index_cast %add3A_1102 : i32 to index
        %swap3A_1132 = arith.constant 16 : index
        %swap3A_1133 = tpu.vector_load %arg11[%swap3A_1130, %swap3A_1131, %swap3A_1132] {strides = array<i32>} : memref<2x416x32xf32, #tpu.memory_space<vmem>>, vector<16xf32>,
        tpu.vector_store %arg11[%swap3A_1130, %swap3A_1131, %swap3A_1132], %select_n3A_1128 {strides = array<i32>} : memref<2x416x32xf32, #tpu.memory_space<vmem>>, vector<16xf32>,
        %scan3A_1134 = arith.constant 0 : i32
        scf.yield %scan3A_1134 : i32
      }
      %scan3A_1064 = arith.constant 16 : i32
      %get3A_1065 = arith.constant 25 : i32
      %get3A_1066 = arith.index_cast %get3A_1065 : i32 to index
      %get3A_1067 = arith.constant 0 : index
      %get3A_1068 = tpu.vector_load %arg8[%get3A_1066, %get3A_1067] {strides = array<i32>} : memref<26x32xf32, #tpu.memory_space<vmem>>, vector<16xf32>,
      %get3A_1069 = arith.constant 25 : i32
      %get3A_1070 = arith.index_cast %get3A_1069 : i32 to index
      %get3A_1071 = arith.constant 16 : index
      %get3A_1072 = tpu.vector_load %arg8[%get3A_1070, %get3A_1071] {strides = array<i32>} : memref<26x32xf32, #tpu.memory_space<vmem>>, vector<16xf32>,
      %scan3A_1073 = arith.constant 0 : i32
      %scan3A_1074 = arith.constant 0 : i32
      %scan3A_1075 = arith.constant 16 : i32
      %scan3A_1076 = arith.addi %scan3A_1074, %scan3A_1075 : i32
      %scan3A_1077 = arith.constant 1 : i32
      %scan3A_1078 = scf.for %scan3A_1097 = %scan3A_1074 to %scan3A_1076 step %scan3A_1077 iter_args(%scan3A_1098 = %scan3A_1073) -> (i32)  : i32 {
        %mul3A_1099 = arith.constant 26 : i32
        %mul3A_1100 = arith.muli %mul3A_1099, %scan3A_1097 : i32
        %add3A_1101 = arith.constant 25 : i32
        %add3A_1102 = arith.addi %add3A_1101, %mul3A_1100 : i32
        %get3A_1103 = arith.constant 1 : i32
        %get3A_1104 = arith.index_cast %get3A_1103 : i32 to index
        %get3A_1105 = arith.index_cast %add3A_1102 : i32 to index
        %get3A_1106 = arith.constant 0 : index
        %get3A_1107 = tpu.vector_load %arg10[%get3A_1104, %get3A_1105, %get3A_1106] {strides = array<i32>} : memref<2x416x32xf32, #tpu.memory_space<vmem>>, vector<16xf32>,
        %ne3A = arith.cmpf one, %get3A_1107, %broadcast_in_dim3A_3 : vector<16xf32>
        %get3A_1108 = arith.constant 1 : i32
        %get3A_1109 = arith.index_cast %get3A_1108 : i32 to index
        %get3A_1110 = arith.index_cast %add3A_1102 : i32 to index
        %get3A_1111 = arith.constant 16 : index
        %get3A_1112 = tpu.vector_load %arg10[%get3A_1109, %get3A_1110, %get3A_1111] {strides = array<i32>} : memref<2x416x32xf32, #tpu.memory_space<vmem>>, vector<16xf32>,
        %ne3A_1113 = arith.cmpf one, %get3A_1112, %broadcast_in_dim3A_3 : vector<16xf32>
        %get3A_1114 = arith.constant 1 : i32
        %get3A_1115 = arith.index_cast %get3A_1114 : i32 to index
        %get3A_1116 = arith.index_cast %add3A_1102 : i32 to index
        %get3A_1117 = arith.constant 0 : index
        %get3A_1118 = tpu.vector_load %arg9[%get3A_1115, %get3A_1116, %get3A_1117] {strides = array<i32>} : memref<2x416x32xf32, #tpu.memory_space<vmem>>, vector<16xf32>,
        %get3A_1119 = arith.constant 1 : i32
        %get3A_1120 = arith.index_cast %get3A_1119 : i32 to index
        %get3A_1121 = arith.index_cast %add3A_1102 : i32 to index
        %get3A_1122 = arith.constant 16 : index
        %get3A_1123 = tpu.vector_load %arg9[%get3A_1120, %get3A_1121, %get3A_1122] {strides = array<i32>} : memref<2x416x32xf32, #tpu.memory_space<vmem>>, vector<16xf32>,
        %select_n3A = arith.select %ne3A, %get3A_1068, %get3A_1118 : vector<16xi1>, vector<16xf32>
        %swap3A = arith.constant 1 : i32
        %swap3A_1124 = arith.index_cast %swap3A : i32 to index
        %swap3A_1125 = arith.index_cast %add3A_1102 : i32 to index
        %swap3A_1126 = arith.constant 0 : index
        %swap3A_1127 = tpu.vector_load %arg11[%swap3A_1124, %swap3A_1125, %swap3A_1126] {strides = array<i32>} : memref<2x416x32xf32, #tpu.memory_space<vmem>>, vector<16xf32>,
        tpu.vector_store %arg11[%swap3A_1124, %swap3A_1125, %swap3A_1126], %select_n3A {strides = array<i32>} : memref<2x416x32xf32, #tpu.memory_space<vmem>>, vector<16xf32>,
        %select_n3A_1128 = arith.select %ne3A_1113, %get3A_1072, %get3A_1123 : vector<16xi1>, vector<16xf32>
        %swap3A_1129 = arith.constant 1 : i32
        %swap3A_1130 = arith.index_cast %swap3A_1129 : i32 to index
        %swap3A_1131 = arith.index_cast %add3A_1102 : i32 to index
        %swap3A_1132 = arith.constant 16 : index
        %swap3A_1133 = tpu.vector_load %arg11[%swap3A_1130, %swap3A_1131, %swap3A_1132] {strides = array<i32>} : memref<2x416x32xf32, #tpu.memory_space<vmem>>, vector<16xf32>,
        tpu.vector_store %arg11[%swap3A_1130, %swap3A_1131, %swap3A_1132], %select_n3A_1128 {strides = array<i32>} : memref<2x416x32xf32, #tpu.memory_space<vmem>>, vector<16xf32>,
        %scan3A_1134 = arith.constant 0 : i32
        scf.yield %scan3A_1134 : i32
      }
      %scan3A_1079 = arith.constant 16 : i32
      %mul3A_1080 = arith.constant 416 : i32
      %mul3A_1081 = arith.muli %add3A_125, %mul3A_1080 : i32
      %add3A_1082 = arith.addi %mul3A_2, %mul3A_1081 : i32
      %dma_start3A_1083 = arith.constant 1 : i32
      %dma_start3A_1084 = arith.constant 0 : i32
      %dma_start3A_1085 = arith.constant 0 : i32
      %dma_start3A_1086 = tpu.memref_slice %arg11[%dma_start3A_1083, %dma_start3A_1084, %dma_start3A_1085] : memref<2x416x32xf32, #tpu.memory_space<vmem>> -> memref<1x416x32xf32, #tpu.memory_space<vmem>>
      %dma_start3A_1087 = tpu.memref_squeeze %dma_start3A_1086 : memref<1x416x32xf32, #tpu.memory_space<vmem>> -> memref<416x32xf32, #tpu.memory_space<vmem>>
      %dma_start3A_1088 = arith.constant 0 : i32
      %dma_start3A_1089 = tpu.memref_slice %arg6[%add3A_1082, %dma_start3A_1088] : memref<425984x32xf32, #tpu.memory_space<hbm>> -> memref<416x32xf32, #tpu.memory_space<hbm>>
      %dma_start3A_1090 = arith.constant 0 : i32
      %dma_start3A_1091 = tpu.memref_slice %arg6[%add3A_1082, %dma_start3A_1090] : memref<425984x32xf32, #tpu.memory_space<hbm>> -> memref<416x32xf32, #tpu.memory_space<hbm>>
      %dma_start3A_1092 = arith.constant 0 : i32
      %dma_start3A_1093 = arith.constant 0 : i32
      %dma_start3A_1094 = tpu.memref_slice %arg11[%dma_start3A_1083, %dma_start3A_1092, %dma_start3A_1093] : memref<2x416x32xf32, #tpu.memory_space<vmem>> -> memref<1x416x32xf32, #tpu.memory_space<vmem>>
      %dma_start3A_1095 = tpu.memref_squeeze %dma_start3A_1094 : memref<1x416x32xf32, #tpu.memory_space<vmem>> -> memref<416x32xf32, #tpu.memory_space<vmem>>
      tpu.enqueue_dma source(%dma_start3A_1095 : memref<416x32xf32, #tpu.memory_space<vmem>>) target(%dma_start3A_1091 : memref<416x32xf32, #tpu.memory_space<hbm>>) target_semaphore(%arg15 : memref<!tpu.dma_semaphore, #tpu.memory_space<semaphore_mem>>)
      %scan3A_1096 = arith.constant 0 : i32
      scf.yield %scan3A_1096 : i32
    }
    %scan3A_88 = arith.constant 16 : i32
    %dma_wait3A = arith.constant 0 : i32
    %dma_wait3A_89 = arith.constant 0 : i32
    %dma_wait3A_90 = arith.constant 0 : i32
    %dma_wait3A_91 = tpu.memref_slice %arg11[%dma_wait3A, %dma_wait3A_89, %dma_wait3A_90] : memref<2x416x32xf32, #tpu.memory_space<vmem>> -> memref<1x416x32xf32, #tpu.memory_space<vmem>>
    %dma_wait3A_92 = tpu.memref_squeeze %dma_wait3A_91 : memref<1x416x32xf32, #tpu.memory_space<vmem>> -> memref<416x32xf32, #tpu.memory_space<vmem>>
    %dma_wait3A_93 = arith.constant 0 : i32
    %dma_wait3A_94 = arith.constant 0 : i32
    %dma_wait3A_95 = tpu.memref_slice %arg6[%dma_wait3A_93, %dma_wait3A_94] : memref<425984x32xf32, #tpu.memory_space<hbm>> -> memref<416x32xf32, #tpu.memory_space<hbm>>
    %dma_wait3A_96 = arith.constant 0 : i32
    %dma_wait3A_97 = arith.constant 0 : i32
    %dma_wait3A_98 = tpu.memref_slice %arg6[%dma_wait3A_96, %dma_wait3A_97] : memref<425984x32xf32, #tpu.memory_space<hbm>> -> memref<416x32xf32, #tpu.memory_space<hbm>>
    %dma_wait3A_99 = arith.constant 0 : i32
    %dma_wait3A_100 = arith.constant 0 : i32
    %dma_wait3A_101 = tpu.memref_slice %arg11[%dma_wait3A, %dma_wait3A_99, %dma_wait3A_100] : memref<2x416x32xf32, #tpu.memory_space<vmem>> -> memref<1x416x32xf32, #tpu.memory_space<vmem>>
    %dma_wait3A_102 = tpu.memref_squeeze %dma_wait3A_101 : memref<1x416x32xf32, #tpu.memory_space<vmem>> -> memref<416x32xf32, #tpu.memory_space<vmem>>
    tpu.wait_dma2 semaphore(%arg14 : memref<!tpu.dma_semaphore, #tpu.memory_space<semaphore_mem>>) src(%dma_wait3A_102 : memref<416x32xf32, #tpu.memory_space<vmem>>) dst(%dma_wait3A_98 : memref<416x32xf32, #tpu.memory_space<hbm>>)
    %dma_wait3A_103 = arith.constant 1 : i32
    %dma_wait3A_104 = arith.constant 0 : i32
    %dma_wait3A_105 = arith.constant 0 : i32
    %dma_wait3A_106 = tpu.memref_slice %arg11[%dma_wait3A_103, %dma_wait3A_104, %dma_wait3A_105] : memref<2x416x32xf32, #tpu.memory_space<vmem>> -> memref<1x416x32xf32, #tpu.memory_space<vmem>>
    %dma_wait3A_107 = tpu.memref_squeeze %dma_wait3A_106 : memref<1x416x32xf32, #tpu.memory_space<vmem>> -> memref<416x32xf32, #tpu.memory_space<vmem>>
    %dma_wait3A_108 = arith.constant 0 : i32
    %dma_wait3A_109 = arith.constant 0 : i32
    %dma_wait3A_110 = tpu.memref_slice %arg6[%dma_wait3A_108, %dma_wait3A_109] : memref<425984x32xf32, #tpu.memory_space<hbm>> -> memref<416x32xf32, #tpu.memory_space<hbm>>
    %dma_wait3A_111 = arith.constant 0 : i32
    %dma_wait3A_112 = arith.constant 0 : i32
    %dma_wait3A_113 = tpu.memref_slice %arg6[%dma_wait3A_111, %dma_wait3A_112] : memref<425984x32xf32, #tpu.memory_space<hbm>> -> memref<416x32xf32, #tpu.memory_space<hbm>>
    %dma_wait3A_114 = arith.constant 0 : i32
    %dma_wait3A_115 = arith.constant 0 : i32
    %dma_wait3A_116 = tpu.memref_slice %arg11[%dma_wait3A_103, %dma_wait3A_114, %dma_wait3A_115] : memref<2x416x32xf32, #tpu.memory_space<vmem>> -> memref<1x416x32xf32, #tpu.memory_space<vmem>>
    %dma_wait3A_117 = tpu.memref_squeeze %dma_wait3A_116 : memref<1x416x32xf32, #tpu.memory_space<vmem>> -> memref<416x32xf32, #tpu.memory_space<vmem>>
    tpu.wait_dma2 semaphore(%arg15 : memref<!tpu.dma_semaphore, #tpu.memory_space<semaphore_mem>>) src(%dma_wait3A_117 : memref<416x32xf32, #tpu.memory_space<vmem>>) dst(%dma_wait3A_113 : memref<416x32xf32, #tpu.memory_space<hbm>>)
    return
  }
}

</mosaic_0001>

<sc_bundles>
// kernel: kernel.3.cloned.1.call-start
scs
__scs_entry_jumppad:
0x0: {  	(pc) =	sbr.rel $0x88, $3  }
0x1: {  	(tag) =	ssettag $0x0;
	lr =	simm.s32 $0x1  }
0x2: {  	[smem:$0x3F9D] =	sst lr;
	_ =	strace $0xD0000000  }
0x3: {  	_ = 	snop  }
0x4: {  	_ = 	snop  }
0x5: {  	_ = 	snop  }
0x6: {  	_ = 	snop  }
0x7: {  	_ = 	snop  }
__scs_overlays_trampoline_lowered:
0x8: {  	[smem:$0x3FAC] =	sst s0  }
0x9: {  	[smem:$0x3FAD] =	sst s1  }
0xa: {  	[smem:$0x3FAE] =	sst s2  }
0xb: {  	[smem:$0x3FAF] =	sst s3  }
0xc: {  	[smem:$0x3FB0] =	sst s4  }
0xd: {  	[smem:$0x3FB1] =	sst s5  }
0xe: {  	[smem:$0x3FB2] =	sst s6  }
0xf: {  	[smem:$0x3FB3] =	sst s7  }
0x10: {  	[smem:$0x3FB4] =	sst s8  }
0x11: {  	[smem:$0x3FB5] =	sst s9;
	s0 =	simm.s32 @!p0 $0x0  }
0x12: {  	s1 =	sld [smem:$0x3F9B];
	s0 =	simm.s32 @p0 $0x1  }
0x13: {  	[smem:$0x3FB6] =	sst s0;
	s0 =	simm.s32 @!p1 $0x0  }
0x14: {  	s2 =	sld [smem:$0x3F9A];
	s0 =	simm.s32 @p1 $0x1  }
0x15: {  	[smem:$0x3FB7] =	sst s0;
	s0 =	simm.s32 @!p2 $0x0  }
0x16: {  	s3 =	sld [smem:$0x3FDB];
	s0 =	simm.s32 @p2 $0x1  }
0x17: {  	s4 =	simm.s32 $0x1BF5;
	[smem:$0x3FB9] =	sst s0  }
0x18: {  	s0 =	sld [smem:$0x3F9C];
	_ =	swait.ge [sflag:s4], $0x0  }
0x19: {  	s7 =	sld [smem:$0x3F9D]  }
0x1a: {  	s8 =	sadd.s32 $0xFFFFE003, lr  }
0x1b: {  	s9 =	sadd.s32 $0xFFFFFEF7, lr;
	s5 =	simm.s32 $0xFFFFFFFF;
	p2 =	slt.u32 s8, $0xFFFFF086  }
0x1c: {  	p1 =	slt.u32 s9, $0xF7A;
	s5 =	simm.s32 @!p2 $0x0  }
0x1d: {  	s5 =	simm.s32 @p1 $0x1;
	p0 =	seq.s32 s7, s2  }
0x1e: {  	s7 =	smul.u32 @!p0 $0xF7A, s2;
	p2 =	seq.s32 @!p0 s5, $0x0  }
0x1f: {  	s9 =	smul.u32 $0xF7A, s1;
	s8 =	simm.s32 @!p0 $0x1BF5;
	p2 =	por !p2, p0  }
0x20: {  	[sflag:s8] =	ssyncset.s32 @!p0 $0xFFFFF086;
	s6 =	sadd.s32 @!p0 s3, s7;
	s7 =	simm.s32 @!p0 $0x108  }
0x21: {  	s3 =	sadd.s32 s3, s9;
	s6 =	sadd.s32 @!p0 $0x88, s6;
	s7 =	simm.s32 @p2 $0x1082  }
0x22: {  	[simem:s7], [sflag:s8] =	dma.local @!p0 [hbm:s6], $0xF7A  }
0x23: {  	s9 =	sor.u32 $0xD0000000, s2;
	s6 =	simm.s32 $0x108;
	_ =	swait.ge @!p0 [sflag:s8], $0x0  }
0x24: {  	s3 =	sadd.s32 $0x88, s3;
	s6 =	simm.s32 @!p1 $0x1082;
	[sflag:s4] =	ssyncset.s32 $0xFFFFF086  }
0x25: {  	[simem:s6], [sflag:s4] =	dma.local [hbm:s3], $0xF7A  }
0x26: {  	[smem:$0x3F9D] =	sst s1;
	(tag) =	ssettag s2;
	_ =	strace s9  }
0x27: {  	s1 =	sld [smem:$0x3FAD]  }
0x28: {  	s2 =	sld [smem:$0x3FAE]  }
0x29: {  	s4 =	sld [smem:$0x3FB0]  }
0x2a: {  	p0 =	seq.s32 s5, $0x0;
	s5 =	sld [smem:$0x3FB1]  }
0x2b: {  	s6 =	sld [smem:$0x3FB2]  }
0x2c: {  	s7 =	sld [smem:$0x3FB3]  }
0x2d: {  	s3 =	simm.s32 $0x108;
	s8 =	sld [smem:$0x3FB4]  }
0x2e: {  	s3 =	simm.s32 @!p0 $0x1082;
	s9 =	sld [smem:$0x3FB5]  }
0x2f: {  	lr =	sadd.s32 s0, s3;
	s0 =	sld [smem:$0x3FAC]  }
0x30: {  	s3 =	sld [smem:$0x3FAF]  }
0x31: {  	[smem:$0x3FB8] =	sst s10  }
0x32: {  	s10 =	sld [smem:$0x3FB6];
	_ =	sdelay $0x3  }
0x33: {  	p0 =	seq.s32 s10, $0x1;
	s10 =	sld [smem:$0x3FB8];
	_ =	sdelay $0x3  }
0x34: {  	[smem:$0x3FB8] =	sst s10  }
0x35: {  	s10 =	sld [smem:$0x3FB7];
	_ =	sdelay $0x3  }
0x36: {  	p1 =	seq.s32 s10, $0x1;
	s10 =	sld [smem:$0x3FB8];
	_ =	sdelay $0x3  }
0x37: {  	[smem:$0x3FB8] =	sst s10  }
0x38: {  	s10 =	sld [smem:$0x3FB9]  }
0x39: {  	_ = 	snop;
	(pc) =	sbr.ind lr, $3  }
0x3a: {  	_ = 	snop  }
0x3b: {  	_ = 	snop  }
0x3c: {  	p2 =	seq.s32 s10, $0x1;
	s10 =	sld [smem:$0x3FB8]  }
0x3d: {  	_ =	shalt  }
0x3e: {  	_ =	shalt  }
0x3f: {  	_ =	shalt  }
0x40: {  	_ =	shalt  }
0x41: {  	_ =	shalt  }
0x42: {  	_ =	shalt  }
0x43: {  	_ =	shalt  }
0x44: {  	_ =	shalt  }
0x45: {  	_ =	shalt  }
0x46: {  	_ =	shalt  }
0x47: {  	_ =	shalt  }
0x48: {  	_ =	shalt  }
0x49: {  	_ =	shalt  }
0x4a: {  	_ =	shalt  }
0x4b: {  	_ =	shalt  }
0x4c: {  	_ =	shalt  }
0x4d: {  	_ =	shalt  }
0x4e: {  	_ =	shalt  }
0x4f: {  	_ =	shalt  }
0x50: {  	_ =	shalt  }
0x51: {  	_ =	shalt  }
0x52: {  	_ =	shalt  }
0x53: {  	_ =	shalt  }
0x54: {  	_ =	shalt  }
0x55: {  	_ =	shalt  }
0x56: {  	_ =	shalt  }
0x57: {  	_ =	shalt  }
0x58: {  	_ =	shalt  }
0x59: {  	_ =	shalt  }
0x5a: {  	_ =	shalt  }
0x5b: {  	_ =	shalt  }
0x5c: {  	_ =	shalt  }
0x5d: {  	_ =	shalt  }
0x5e: {  	_ =	shalt  }
0x5f: {  	_ =	shalt  }
0x60: {  	_ =	shalt  }
0x61: {  	_ =	shalt  }
0x62: {  	_ =	shalt  }
0x63: {  	_ =	shalt  }
0x64: {  	_ =	shalt  }
0x65: {  	_ =	shalt  }
0x66: {  	_ =	shalt  }
0x67: {  	_ =	shalt  }
0x68: {  	_ =	shalt  }
0x69: {  	_ =	shalt  }
0x6a: {  	_ =	shalt  }
0x6b: {  	_ =	shalt  }
0x6c: {  	_ =	shalt  }
0x6d: {  	_ =	shalt  }
0x6e: {  	_ =	shalt  }
0x6f: {  	_ =	shalt  }
0x70: {  	_ =	shalt  }
0x71: {  	_ =	shalt  }
0x72: {  	_ =	shalt  }
0x73: {  	_ =	shalt  }
0x74: {  	_ =	shalt  }
0x75: {  	_ =	shalt  }
0x76: {  	_ =	shalt  }
0x77: {  	_ =	shalt  }
0x78: {  	_ =	shalt  }
0x79: {  	_ =	shalt  }
0x7a: {  	_ =	shalt  }
0x7b: {  	_ =	shalt  }
0x7c: {  	_ =	shalt  }
0x7d: {  	_ =	shalt  }
0x7e: {  	_ =	shalt  }
0x7f: {  	_ =	shalt  }
0x80: {  	_ =	shalt  }
0x81: {  	_ =	shalt  }
0x82: {  	_ =	shalt  }
0x83: {  	_ =	shalt  }
0x84: {  	_ =	shalt  }
0x85: {  	_ =	shalt  }
0x86: {  	_ =	shalt  }
0x87: {  	_ =	shalt  }
.Lfunc_end0:
.L_simem_size_0:
called_computation.2_lowered:
.L_overlay_start_0:
0x88: {  	s2 =	sld [smem:$0x3FD9]  }
0x89: {  	s3 =	sld [smem:$0x3FFE];
	_ =	sdelay $0x1  }
0x8a: {  	s1 =	srdreg.scid  }
0x8b: {  	s0 =	sand.u32 $0x1, s1  }
0x8c: {  	s17 =	sshll.u32 s0, $0xA;
	s2 =	sadd.s32 s3, s2  }
0x8d: {  	s2 =	sadd.s32 s2, s17  }
0x8e: {  	[smem:$0x3FC4] =	sst s2  }
0x8f: {  	_ = 	snop  }
0x90: {  	s2 =	sld [smem:$0x3FD0];
	(tm) =	ssettm $0x1  }
0x91: {  	s18 =	sld [smem:$0x3FFB];
	_ =	sdelay $0x3  }
0x92: {  	_ =	strace s18  }
0x93: {  	s3 =	sld [smem:$0x3FFC];
	_ =	sdelay $0x3  }
0x94: {  	_ =	strace s3  }
0x95: {  	s3 =	sld [smem:$0x3FFD];
	_ =	sdelay $0x3  }
0x96: {  	_ =	strace s3  }
0x97: {  	_ =	strace $0x8FFFFFFF  }
0x98: {  	s19 =	sld [smem:$0x3FDB];
	_ =	sdelay $0x1  }
0x99: {  	s4 =	simm.s32 $_scs_section_size  }
0x9a: {  	s5 =	simm.s32 $_size__tile_overlayer_lowered;
	s6 =	simm.s32 $_tile_overlayer_lowered  }
0x9b: {  	s22 =	simm.s32 $0x1BFF;
	s21 =	sshll.u32 s6, $0x1;
	s3 =	sadd.s32 s4, s19  }
0x9c: {  	s7 =	simm.s32 $0x0;
	s20 =	sshll.u32 s5, $0x1;
	s5 =	sadd.s32 s21, s3  }
0x9d: {  	[timem:s7], [sflag:s22] =	dma.local [hbm:s5], s20  }
0x9e: {  	_ =	swait.ge [sflag:s22], s20  }
0x9f: {  	s4 =	ssub.s32 $0x0, s20;
	[sflag:s22] =	ssyncset.done $0x0  }
0xa0: {  	[sflag:s22] =	ssyncadd.s32 s4;
	_ =	sdelay $0x1  }
0xa1: {  	s23 =	simm.s32 $0x1B8B  }
0xa2: {  	_ =	swait.ge [sflag:s23], $0x1  }
0xa3: {  	[sflag:s23] =	ssyncset.done $0x0  }
0xa4: {  	s25 =	simm.s32 $0x1B8E;
	s24 =	sld [smem:$0x3FFE];
	[sflag:s23] =	ssyncadd.s32 $0xFFFFFFFF  }
0xa5: {  	s26 =	simm.s32 $execute0_lowered;
	[smem:$0x3FD2] =	sst s25  }
0xa6: {  	s5 =	sshll.u32 s26, $0x1;
	_ =	strace $0x80000049;
	[dreg:$0x1] =	wrdreg $0xFFFFFFFF  }
0xa7: {  	s28 =	simm.s32 $_size_execute0_lowered;
	s3 =	sadd.s32 s3, s5;
	[dreg:$0x0] =	wrdreg $0x0  }
0xa8: {  	s5 =	sshll.u32 s28, $0x1;
	[dreg:$0x2] =	wrdreg s3  }
0xa9: {  	[dreg:$0x3] =	wrdreg s5  }
0xaa: {  	[dreg:$0x4] =	wrdreg $0xC0  }
0xab: {  	_ =	task [dreg:s7], $0x5FFFF  }
0xac: {  	[dreg:$0x1] =	wrdreg $0xFFFFFFFF  }
0xad: {  	[dreg:$0x0] =	wrdreg $0x60  }
0xae: {  	[dreg:$0x2] =	wrdreg s24  }
0xaf: {  	[dreg:$0x3] =	wrdreg s2  }
0xb0: {  	[dreg:$0x4] =	wrdreg $0x9  }
0xb1: {  	_ =	task.clear_ibuf [dreg:s7], $0x5FFFF;
	_ =	strace $0x90000049  }
0xb2: {  	s29 =	simm.s32 $0x9;
	_ =	strace $0x8000004B  }
0xb3: {  	_ =	swait.ge [sflag:s29], $0x1  }
0xb4: {  	[sflag:s29] =	ssyncadd.s32 $0xFFFFFFFF  }
0xb5: {  	_ =	strace $0x9000004B  }
0xb6: {  	_ =	sfence  }
0xb7: {  	s30 =	sld [smem:$0x0];
	_ =	sdelay $0x2  }
0xb8: {  	s31 =	sshll.u32 s1, $0xD;
	s1 =	sshrl.u32 s1, $0x2  }
0xb9: {  	s3 =	sand.u32 $0x4000, s31;
	s1 =	sadd.s32 s1, s30  }
0xba: {  	s0 =	sor.u32 s3, s0;
	s1 =	sshll.u32 s1, $0x11  }
0xbb: {  	s0 =	sor.u32 s1, s0  }
0xbc: {  	s0 =	sadd.s32 $0x8F2B, s0  }
0xbd: {  	[sflag:s0] =	ssyncadd.remote.s32 $0x1  }
0xbe: {  	_ =	sfence.sel $0xFFFF  }
0xbf: {  	[dreg:$0x0] =	wrdreg $0xFFFFFFFF;
	(pc) =	sbr.abs _section_cstart, $3  }
0xc0: {  	[dreg:$0x1] =	wrdreg $0xFFFFFFFF  }
0xc1: {  	_ =	task.clear_ibuf [dreg:s7], $0x2FFFF;
	_ =	strace $0x9FFFFFFF  }
0xc2: {  	(tm) =	ssettm $0x7FFFFFFF  }
0xc3: {  	_ =	shalt  }
tec
execute0_lowered:
.L_overlay_start_1:
0x0: {  	(tag) =	ssettag $0x1  }
0x1: {  	s0 =	srdreg.scid  }
0x2: {  	s1 =	rddreg [dreg:$0x0];
	s4 =	stileid.u32  }
0x3: {  	s2 =	rddreg [dreg:$0x1];
	s12 =	simm.s32 $0x68;
	s14 =	simm.s32 $0x9F40  }
0x4: {  	s15 =	simm.s32 $0x4440;
	s16 =	simm.s32 $0xAC40;
	s18 =	simm.s32 $0x5140  }
0x5: {  	s19 =	simm.s32 $0xB940;
	s21 =	simm.s32 $0x5E40;
	s22 =	simm.s32 $0xC640  }
0x6: {  	s23 =	simm.s32 $0x6B40;
	s24 =	simm.s32 $0xD340;
	s25 =	simm.s32 $0x7840  }
0x7: {  	s28 =	simm.s32 $0x8540;
	s29 =	simm.s32 $0xED40;
	s30 =	simm.s32 $0x9240  }
0x8: {  	s31 =	simm.s32 $0xFA40;
	s11 =	simm.s32 $0x2;
	s0 =	sand.u32 $0x1, s0  }
0x9: {  	s17 =	simm.s32 $0x13B40;
	s3 =	sshll.u32 s0, $0x4;
	s0 =	ssub.s32 $0x2, s0  }
0xa: {  	s9 =	simm.s32 $0x0;
	s4 =	sor.u32 s4, s3;
	s8 =	sshrl.u32 s0, $0x1  }
0xb: {  	s3 =	simm.s32 $0x0;
	s4 =	smul.u32 $0x3400, s4;
	s0 =	ssub.s32 s0, s8  }
0xc: {  	s6 =	sadd.s32 $0x2256200, s1;
	[smem:$0x7FF] =	sst s3;
	s0 =	smax.u32 s0, $0x1  }
0xd: {  	_ =	strace $0x8000004A;
	s5 =	sshrl.u32 s4, $0x3;
	[dreg:$0x5] =	wrdreg s0  }
0xe: {  	s7 =	sadd.s32 s5, s1;
	s5 =	sadd.s32 $0x1000, s1;
	s1 =	sadd.s32 $0x1320E00, s1  }
0xf: {  	s0 =	simm.s32 $0x10740;
	[dreg:$0x3] =	wrdreg s1;
	s26 =	sadd.s32 $0x1313E00, s7  }
0x10: {  	s1 =	simm.s32 $0x1;
	[dreg:$0x4] =	wrdreg s26;
	s26 =	simm.s32 $0xE040  }
.LBB2_1:
0x11: {  	[dreg:$0x6] =	wrdreg s9  }
0x12: {  	s7 =	rddreg [dreg:$0x4];
	s8 =	simm.s32 $0x5  }
0x13: {  	[tilespmem:s3], [sflag:$0x5] =	stream.linear.gather [hbm4b:s7+s3], $0x3400, $0x38;
	[tilespmem:$0x16F40] =	vst v63  }
0x14: {  	_ =	swait.ge [sflag:s8], $0x3400  }
0x15: {  	[sflag:s8] =	ssyncset.done $0x0  }
0x16: {  	s20 =	simm.s32 $0x3400;
	s13 =	rddreg [dreg:$0x3];
	[sflag:s8] =	ssyncadd.s32 $0xFFFFCC00  }
0x17: {  	[tilespmem:s20], [sflag:$0x5] =	stream.linear.gather [hbm4b:s13+s3], $0x340, $0x38;
	[tilespmem:$0x16F40] =	vst v63  }
0x18: {  	_ =	swait.ge [sflag:s8], $0x340  }
0x19: {  	[sflag:s8] =	ssyncset.done $0x0  }
0x1a: {  	s10 =	simm.s32 $0x3740;
	[sflag:s8] =	ssyncadd.s32 $0xFFFFFCC0  }
0x1b: {  	[tilespmem:s10], [sflag:$0x1] =	stream.indirect.gather [hbm4b:s6+s12], $0x20, s3, s12, $0xb8;
	[tilespmem:$0x16F40] =	vst v63  }
0x1c: {  	_ = 	snop  }
0x1d: {  	[tilespmem:s14], [sflag:$0x1] =	stream.indirect.gather [hbm4b:s5+s12], $0x20, s3, s12, $0xb8;
	[tilespmem:$0x16F40] =	vst v63  }
0x1e: {  	_ = 	snop  }
0x1f: {  	[tilespmem:s15], [sflag:$0x1] =	stream.indirect.gather [hbm4b:s6+s12], $0x20, s12, s12, $0xb8;
	[tilespmem:$0x16F40] =	vst v63  }
0x20: {  	_ = 	snop  }
0x21: {  	[tilespmem:s16], [sflag:$0x1] =	stream.indirect.gather [hbm4b:s5+s12], $0x20, s12, s12, $0xb8;
	[tilespmem:$0x16F40] =	vst v63  }
0x22: {  	s13 =	simm.s32 $0xD0  }
0x23: {  	[tilespmem:s18], [sflag:$0x1] =	stream.indirect.gather [hbm4b:s6+s12], $0x20, s13, s12, $0xb8;
	[tilespmem:$0x16F40] =	vst v63  }
0x24: {  	_ = 	snop  }
0x25: {  	[tilespmem:s19], [sflag:$0x1] =	stream.indirect.gather [hbm4b:s5+s12], $0x20, s13, s12, $0xb8;
	[tilespmem:$0x16F40] =	vst v63  }
0x26: {  	s20 =	simm.s32 $0x138  }
0x27: {  	[tilespmem:s21], [sflag:$0x1] =	stream.indirect.gather [hbm4b:s6+s12], $0x20, s20, s12, $0xb8;
	[tilespmem:$0x16F40] =	vst v63  }
0x28: {  	s9 =	simm.s32 $0x0  }
0x29: {  	[tilespmem:s22], [sflag:$0x1] =	stream.indirect.gather [hbm4b:s5+s12], $0x20, s20, s12, $0xb8;
	[tilespmem:$0x16F40] =	vst v63  }
.LBB2_2:
0x2a: {  	p0 =	seq.s32 s9, $0x0  }
0x2b: {  	s8 =	simm.s32 @!p0 $0x3  }
0x2c: {  	s7 =	smul.u32 $0x340, s9;
	_ =	swait.ge @!p0 [sflag:s8], $0x3400  }
0x2d: {  	[sflag:s8] =	ssyncset.done @!p0 $0x0  }
0x2e: {  	s20 =	sadd.s32 $0x1A0, s7;
	[sflag:s8] =	ssyncadd.s32 @!p0 $0xFFFFCC00  }
0x2f: {  	[tilespmem:s23], [sflag:$0x2] =	stream.indirect.gather [hbm4b:s6+s12], $0x20, s20, s12, $0xb8;
	[tilespmem:$0x16F40] =	vst v63  }
0x30: {  	_ = 	snop  }
0x31: {  	[tilespmem:s24], [sflag:$0x2] =	stream.indirect.gather [hbm4b:s5+s12], $0x20, s20, s12, $0xb8;
	[tilespmem:$0x16F40] =	vst v63  }
0x32: {  	s13 =	sadd.s32 $0x208, s7  }
0x33: {  	[tilespmem:s25], [sflag:$0x2] =	stream.indirect.gather [hbm4b:s6+s12], $0x20, s13, s12, $0xb8;
	[tilespmem:$0x16F40] =	vst v63  }
0x34: {  	_ = 	snop  }
0x35: {  	[tilespmem:s26], [sflag:$0x2] =	stream.indirect.gather [hbm4b:s5+s12], $0x20, s13, s12, $0xb8;
	[tilespmem:$0x16F40] =	vst v63  }
0x36: {  	s10 =	sadd.s32 $0x270, s7  }
0x37: {  	[tilespmem:s28], [sflag:$0x2] =	stream.indirect.gather [hbm4b:s6+s12], $0x20, s10, s12, $0xb8;
	[tilespmem:$0x16F40] =	vst v63  }
0x38: {  	_ = 	snop  }
0x39: {  	[tilespmem:s29], [sflag:$0x2] =	stream.indirect.gather [hbm4b:s5+s12], $0x20, s10, s12, $0xb8;
	[tilespmem:$0x16F40] =	vst v63  }
0x3a: {  	s13 =	sadd.s32 $0x2D8, s7  }
0x3b: {  	[tilespmem:s30], [sflag:$0x2] =	stream.indirect.gather [hbm4b:s6+s12], $0x20, s13, s12, $0xb8;
	[tilespmem:$0x16F40] =	vst v63  }
0x3c: {  	_ = 	snop  }
0x3d: {  	[tilespmem:s31], [sflag:$0x2] =	stream.indirect.gather [hbm4b:s5+s12], $0x20, s13, s12, $0xb8;
	[tilespmem:$0x16F40] =	vst v63  }
0x3e: {  	_ =	swait.ge [sflag:s1], $0x3400  }
0x3f: {  	[sflag:s1] =	ssyncset.done $0x0  }
0x40: {  	[sflag:s1] =	ssyncadd.s32 $0xFFFFCC00  }
0x41: {  	_ =	swait.ge [sflag:s1], $0x3400  }
0x42: {  	[sflag:s1] =	ssyncset.done $0x0  }
0x43: {  	[sflag:s1] =	ssyncadd.s32 $0xFFFFCC00  }
0x44: {  	v0 =	vld [tilespmem:$0x3400]  }
0x45: {  	s10 =	simm.s32 $0x0;
	v1 =	vld [tilespmem:$0x3410]  }
0x46: {  	v4 =	vld [tilespmem:s10+$0x9F50]  }
0x47: {  	v5 =	vld [tilespmem:s10+$0x9F40]  }
0x48: {  	v2 =	vld [tilespmem:s10+$0x3750]  }
0x49: {  	s8 =	simm.s32 $0xD00;
	v3 =	vld [tilespmem:s10+$0x3740]  }
.LBB2_3:
0x4a: {  	p1 =	sne.s32 s8, $0xC300  }
.Ltmp0:
0x4b: {  	s13 =	sshra.s32 s8, $0x2;
	s8 =	sadd.s32 $0xD00, s8;
	vm0 =	vlt.f32 v4, $0.0e+00;
	vm1 =	vgt.f32 v4, $0.0e+00;
	(pc) =	sbr.rel @p1 .LBB2_3-.Ltmp0, $4  }
0x4c: {  	v4 =	vld [tilespmem:s13+$0x9F50];
	vm2 =	vlt.f32 v5, $0.0e+00;
	vm3 =	vgt.f32 v5, $0.0e+00;
	vm0 =	vmor vm1, vm0  }
0x4d: {  	v5 =	vld [tilespmem:s13+$0x9F40];
	vm1 =	vmor vm3, vm2;
	v6 =	vsel vm0, v1, v2  }
0x4e: {  	v2 =	vld [tilespmem:s13+$0x3750];
	v7 =	vsel vm1, v0, v3;
	[tilespmem:s10+$0x10750] =	vst v6  }
0x4f: {  	v3 =	vld [tilespmem:s13+$0x3740];
	[tilespmem:s10+$0x10740] =	vst v7;
	s10 =	smov.u32 s13  }
0x50: {  	_ = 	snop  }
0x51: {  	vm0 =	vlt.f32 v4, $0.0e+00;
	vm1 =	vgt.f32 v4, $0.0e+00  }
0x52: {  	vm2 =	vlt.f32 v5, $0.0e+00;
	vm3 =	vgt.f32 v5, $0.0e+00;
	vm0 =	vmor vm1, vm0  }
0x53: {  	vm15 =	vmor vm3, vm2;
	v1 =	vsel vm0, v1, v2  }
0x54: {  	v0 =	vsel vm15, v0, v3;
	[tilespmem:s10+$0x10750] =	vst v1  }
0x55: {  	[tilespmem:s10+$0x10740] =	vst v0  }
0x56: {  	v0 =	vld [tilespmem:$0x3420]  }
0x57: {  	s10 =	simm.s32 $0x0;
	v1 =	vld [tilespmem:$0x3430]  }
0x58: {  	v4 =	vld [tilespmem:s10+$0x9F70]  }
0x59: {  	v5 =	vld [tilespmem:s10+$0x9F60]  }
0x5a: {  	v2 =	vld [tilespmem:s10+$0x3770]  }
0x5b: {  	s8 =	simm.s32 $0xD00;
	v3 =	vld [tilespmem:s10+$0x3760]  }
.LBB2_5:
0x5c: {  	p1 =	sne.s32 s8, $0xC300  }
.Ltmp1:
0x5d: {  	s13 =	sshra.s32 s8, $0x2;
	s8 =	sadd.s32 $0xD00, s8;
	vm0 =	vlt.f32 v4, $0.0e+00;
	vm1 =	vgt.f32 v4, $0.0e+00;
	(pc) =	sbr.rel @p1 .LBB2_5-.Ltmp1, $4  }
0x5e: {  	v4 =	vld [tilespmem:s13+$0x9F70];
	vm2 =	vlt.f32 v5, $0.0e+00;
	vm3 =	vgt.f32 v5, $0.0e+00;
	vm0 =	vmor vm1, vm0  }
0x5f: {  	v5 =	vld [tilespmem:s13+$0x9F60];
	vm1 =	vmor vm3, vm2;
	v6 =	vsel vm0, v1, v2  }
0x60: {  	v2 =	vld [tilespmem:s13+$0x3770];
	v7 =	vsel vm1, v0, v3;
	[tilespmem:s10+$0x10770] =	vst v6  }
0x61: {  	v3 =	vld [tilespmem:s13+$0x3760];
	[tilespmem:s10+$0x10760] =	vst v7;
	s10 =	smov.u32 s13  }
0x62: {  	_ = 	snop  }
0x63: {  	vm0 =	vlt.f32 v4, $0.0e+00;
	vm1 =	vgt.f32 v4, $0.0e+00  }
0x64: {  	vm2 =	vlt.f32 v5, $0.0e+00;
	vm3 =	vgt.f32 v5, $0.0e+00;
	vm0 =	vmor vm1, vm0  }
0x65: {  	vm15 =	vmor vm3, vm2;
	v1 =	vsel vm0, v1, v2  }
0x66: {  	v0 =	vsel vm15, v0, v3;
	[tilespmem:s10+$0x10770] =	vst v1  }
0x67: {  	[tilespmem:s10+$0x10760] =	vst v0  }
0x68: {  	v0 =	vld [tilespmem:$0x3440]  }
0x69: {  	s10 =	simm.s32 $0x0;
	v1 =	vld [tilespmem:$0x3450]  }
0x6a: {  	v4 =	vld [tilespmem:s10+$0x9F90]  }
0x6b: {  	v5 =	vld [tilespmem:s10+$0x9F80]  }
0x6c: {  	v2 =	vld [tilespmem:s10+$0x3790]  }
0x6d: {  	s8 =	simm.s32 $0xD00;
	v3 =	vld [tilespmem:s10+$0x3780]  }
.LBB2_7:
0x6e: {  	p1 =	sne.s32 s8, $0xC300  }
.Ltmp2:
0x6f: {  	s13 =	sshra.s32 s8, $0x2;
	s8 =	sadd.s32 $0xD00, s8;
	vm0 =	vlt.f32 v4, $0.0e+00;
	vm1 =	vgt.f32 v4, $0.0e+00;
	(pc) =	sbr.rel @p1 .LBB2_7-.Ltmp2, $4  }
0x70: {  	v4 =	vld [tilespmem:s13+$0x9F90];
	vm2 =	vlt.f32 v5, $0.0e+00;
	vm3 =	vgt.f32 v5, $0.0e+00;
	vm0 =	vmor vm1, vm0  }
0x71: {  	v5 =	vld [tilespmem:s13+$0x9F80];
	vm1 =	vmor vm3, vm2;
	v6 =	vsel vm0, v1, v2  }
0x72: {  	v2 =	vld [tilespmem:s13+$0x3790];
	v7 =	vsel vm1, v0, v3;
	[tilespmem:s10+$0x10790] =	vst v6  }
0x73: {  	v3 =	vld [tilespmem:s13+$0x3780];
	[tilespmem:s10+$0x10780] =	vst v7;
	s10 =	smov.u32 s13  }
0x74: {  	_ = 	snop  }
0x75: {  	vm0 =	vlt.f32 v4, $0.0e+00;
	vm1 =	vgt.f32 v4, $0.0e+00  }
0x76: {  	vm2 =	vlt.f32 v5, $0.0e+00;
	vm3 =	vgt.f32 v5, $0.0e+00;
	vm0 =	vmor vm1, vm0  }
0x77: {  	vm15 =	vmor vm3, vm2;
	v1 =	vsel vm0, v1, v2  }
0x78: {  	v0 =	vsel vm15, v0, v3;
	[tilespmem:s10+$0x10790] =	vst v1  }
0x79: {  	[tilespmem:s10+$0x10780] =	vst v0  }
0x7a: {  	v0 =	vld [tilespmem:$0x3460]  }
0x7b: {  	s10 =	simm.s32 $0x0;
	v1 =	vld [tilespmem:$0x3470]  }
0x7c: {  	v4 =	vld [tilespmem:s10+$0x9FB0]  }
0x7d: {  	v5 =	vld [tilespmem:s10+$0x9FA0]  }
0x7e: {  	v2 =	vld [tilespmem:s10+$0x37B0]  }
0x7f: {  	s8 =	simm.s32 $0xD00;
	v3 =	vld [tilespmem:s10+$0x37A0]  }
.LBB2_9:
0x80: {  	p1 =	sne.s32 s8, $0xC300  }
.Ltmp3:
0x81: {  	s13 =	sshra.s32 s8, $0x2;
	s8 =	sadd.s32 $0xD00, s8;
	vm0 =	vlt.f32 v4, $0.0e+00;
	vm1 =	vgt.f32 v4, $0.0e+00;
	(pc) =	sbr.rel @p1 .LBB2_9-.Ltmp3, $4  }
0x82: {  	v4 =	vld [tilespmem:s13+$0x9FB0];
	vm2 =	vlt.f32 v5, $0.0e+00;
	vm3 =	vgt.f32 v5, $0.0e+00;
	vm0 =	vmor vm1, vm0  }
0x83: {  	v5 =	vld [tilespmem:s13+$0x9FA0];
	vm1 =	vmor vm3, vm2;
	v6 =	vsel vm0, v1, v2  }
0x84: {  	v2 =	vld [tilespmem:s13+$0x37B0];
	v7 =	vsel vm1, v0, v3;
	[tilespmem:s10+$0x107B0] =	vst v6  }
0x85: {  	v3 =	vld [tilespmem:s13+$0x37A0];
	[tilespmem:s10+$0x107A0] =	vst v7;
	s10 =	smov.u32 s13  }
0x86: {  	_ = 	snop  }
0x87: {  	vm0 =	vlt.f32 v4, $0.0e+00;
	vm1 =	vgt.f32 v4, $0.0e+00  }
0x88: {  	vm2 =	vlt.f32 v5, $0.0e+00;
	vm3 =	vgt.f32 v5, $0.0e+00;
	vm0 =	vmor vm1, vm0  }
0x89: {  	vm15 =	vmor vm3, vm2;
	v1 =	vsel vm0, v1, v2  }
0x8a: {  	v0 =	vsel vm15, v0, v3;
	[tilespmem:s10+$0x107B0] =	vst v1  }
0x8b: {  	[tilespmem:s10+$0x107A0] =	vst v0  }
0x8c: {  	v0 =	vld [tilespmem:$0x3480]  }
0x8d: {  	s10 =	simm.s32 $0x0;
	v1 =	vld [tilespmem:$0x3490]  }
0x8e: {  	v4 =	vld [tilespmem:s10+$0x9FD0]  }
0x8f: {  	v5 =	vld [tilespmem:s10+$0x9FC0]  }
0x90: {  	v2 =	vld [tilespmem:s10+$0x37D0]  }
0x91: {  	s8 =	simm.s32 $0xD00;
	v3 =	vld [tilespmem:s10+$0x37C0]  }
.LBB2_11:
0x92: {  	p1 =	sne.s32 s8, $0xC300  }
.Ltmp4:
0x93: {  	s13 =	sshra.s32 s8, $0x2;
	s8 =	sadd.s32 $0xD00, s8;
	vm0 =	vlt.f32 v4, $0.0e+00;
	vm1 =	vgt.f32 v4, $0.0e+00;
	(pc) =	sbr.rel @p1 .LBB2_11-.Ltmp4, $4  }
0x94: {  	v4 =	vld [tilespmem:s13+$0x9FD0];
	vm2 =	vlt.f32 v5, $0.0e+00;
	vm3 =	vgt.f32 v5, $0.0e+00;
	vm0 =	vmor vm1, vm0  }
0x95: {  	v5 =	vld [tilespmem:s13+$0x9FC0];
	vm1 =	vmor vm3, vm2;
	v6 =	vsel vm0, v1, v2  }
0x96: {  	v2 =	vld [tilespmem:s13+$0x37D0];
	v7 =	vsel vm1, v0, v3;
	[tilespmem:s10+$0x107D0] =	vst v6  }
0x97: {  	v3 =	vld [tilespmem:s13+$0x37C0];
	[tilespmem:s10+$0x107C0] =	vst v7;
	s10 =	smov.u32 s13  }
0x98: {  	_ = 	snop  }
0x99: {  	vm0 =	vlt.f32 v4, $0.0e+00;
	vm1 =	vgt.f32 v4, $0.0e+00  }
0x9a: {  	vm2 =	vlt.f32 v5, $0.0e+00;
	vm3 =	vgt.f32 v5, $0.0e+00;
	vm0 =	vmor vm1, vm0  }
0x9b: {  	vm15 =	vmor vm3, vm2;
	v1 =	vsel vm0, v1, v2  }
0x9c: {  	v0 =	vsel vm15, v0, v3;
	[tilespmem:s10+$0x107D0] =	vst v1  }
0x9d: {  	[tilespmem:s10+$0x107C0] =	vst v0  }
0x9e: {  	v0 =	vld [tilespmem:$0x34A0]  }
0x9f: {  	s10 =	simm.s32 $0x0;
	v1 =	vld [tilespmem:$0x34B0]  }
0xa0: {  	v4 =	vld [tilespmem:s10+$0x9FF0]  }
0xa1: {  	v5 =	vld [tilespmem:s10+$0x9FE0]  }
0xa2: {  	v2 =	vld [tilespmem:s10+$0x37F0]  }
0xa3: {  	s8 =	simm.s32 $0xD00;
	v3 =	vld [tilespmem:s10+$0x37E0]  }
.LBB2_13:
0xa4: {  	p1 =	sne.s32 s8, $0xC300  }
.Ltmp5:
0xa5: {  	s13 =	sshra.s32 s8, $0x2;
	s8 =	sadd.s32 $0xD00, s8;
	vm0 =	vlt.f32 v4, $0.0e+00;
	vm1 =	vgt.f32 v4, $0.0e+00;
	(pc) =	sbr.rel @p1 .LBB2_13-.Ltmp5, $4  }
0xa6: {  	v4 =	vld [tilespmem:s13+$0x9FF0];
	vm2 =	vlt.f32 v5, $0.0e+00;
	vm3 =	vgt.f32 v5, $0.0e+00;
	vm0 =	vmor vm1, vm0  }
0xa7: {  	v5 =	vld [tilespmem:s13+$0x9FE0];
	vm1 =	vmor vm3, vm2;
	v6 =	vsel vm0, v1, v2  }
0xa8: {  	v2 =	vld [tilespmem:s13+$0x37F0];
	v7 =	vsel vm1, v0, v3;
	[tilespmem:s10+$0x107F0] =	vst v6  }
0xa9: {  	v3 =	vld [tilespmem:s13+$0x37E0];
	[tilespmem:s10+$0x107E0] =	vst v7;
	s10 =	smov.u32 s13  }
0xaa: {  	_ = 	snop  }
0xab: {  	vm0 =	vlt.f32 v4, $0.0e+00;
	vm1 =	vgt.f32 v4, $0.0e+00  }
0xac: {  	vm2 =	vlt.f32 v5, $0.0e+00;
	vm3 =	vgt.f32 v5, $0.0e+00;
	vm0 =	vmor vm1, vm0  }
0xad: {  	vm15 =	vmor vm3, vm2;
	v1 =	vsel vm0, v1, v2  }
0xae: {  	v0 =	vsel vm15, v0, v3;
	[tilespmem:s10+$0x107F0] =	vst v1  }
0xaf: {  	[tilespmem:s10+$0x107E0] =	vst v0  }
0xb0: {  	v0 =	vld [tilespmem:$0x34C0]  }
0xb1: {  	s10 =	simm.s32 $0x0;
	v1 =	vld [tilespmem:$0x34D0]  }
0xb2: {  	v4 =	vld [tilespmem:s10+$0xA010]  }
0xb3: {  	v5 =	vld [tilespmem:s10+$0xA000]  }
0xb4: {  	v2 =	vld [tilespmem:s10+$0x3810]  }
0xb5: {  	s8 =	simm.s32 $0xD00;
	v3 =	vld [tilespmem:s10+$0x3800]  }
.LBB2_15:
0xb6: {  	p1 =	sne.s32 s8, $0xC300  }
.Ltmp6:
0xb7: {  	s13 =	sshra.s32 s8, $0x2;
	s8 =	sadd.s32 $0xD00, s8;
	vm0 =	vlt.f32 v4, $0.0e+00;
	vm1 =	vgt.f32 v4, $0.0e+00;
	(pc) =	sbr.rel @p1 .LBB2_15-.Ltmp6, $4  }
0xb8: {  	v4 =	vld [tilespmem:s13+$0xA010];
	vm2 =	vlt.f32 v5, $0.0e+00;
	vm3 =	vgt.f32 v5, $0.0e+00;
	vm0 =	vmor vm1, vm0  }
0xb9: {  	v5 =	vld [tilespmem:s13+$0xA000];
	vm1 =	vmor vm3, vm2;
	v6 =	vsel vm0, v1, v2  }
0xba: {  	v2 =	vld [tilespmem:s13+$0x3810];
	v7 =	vsel vm1, v0, v3;
	[tilespmem:s10+$0x10810] =	vst v6  }
0xbb: {  	v3 =	vld [tilespmem:s13+$0x3800];
	[tilespmem:s10+$0x10800] =	vst v7;
	s10 =	smov.u32 s13  }
0xbc: {  	_ = 	snop  }
0xbd: {  	vm0 =	vlt.f32 v4, $0.0e+00;
	vm1 =	vgt.f32 v4, $0.0e+00  }
0xbe: {  	vm2 =	vlt.f32 v5, $0.0e+00;
	vm3 =	vgt.f32 v5, $0.0e+00;
	vm0 =	vmor vm1, vm0  }
0xbf: {  	vm15 =	vmor vm3, vm2;
	v1 =	vsel vm0, v1, v2  }
0xc0: {  	v0 =	vsel vm15, v0, v3;
	[tilespmem:s10+$0x10810] =	vst v1  }
0xc1: {  	[tilespmem:s10+$0x10800] =	vst v0  }
0xc2: {  	v0 =	vld [tilespmem:$0x34E0]  }
0xc3: {  	s10 =	simm.s32 $0x0;
	v1 =	vld [tilespmem:$0x34F0]  }
0xc4: {  	v4 =	vld [tilespmem:s10+$0xA030]  }
0xc5: {  	v5 =	vld [tilespmem:s10+$0xA020]  }
0xc6: {  	v2 =	vld [tilespmem:s10+$0x3830]  }
0xc7: {  	s8 =	simm.s32 $0xD00;
	v3 =	vld [tilespmem:s10+$0x3820]  }
.LBB2_17:
0xc8: {  	p1 =	sne.s32 s8, $0xC300  }
.Ltmp7:
0xc9: {  	s13 =	sshra.s32 s8, $0x2;
	s8 =	sadd.s32 $0xD00, s8;
	vm0 =	vlt.f32 v4, $0.0e+00;
	vm1 =	vgt.f32 v4, $0.0e+00;
	(pc) =	sbr.rel @p1 .LBB2_17-.Ltmp7, $4  }
0xca: {  	v4 =	vld [tilespmem:s13+$0xA030];
	vm2 =	vlt.f32 v5, $0.0e+00;
	vm3 =	vgt.f32 v5, $0.0e+00;
	vm0 =	vmor vm1, vm0  }
0xcb: {  	v5 =	vld [tilespmem:s13+$0xA020];
	vm1 =	vmor vm3, vm2;
	v6 =	vsel vm0, v1, v2  }
0xcc: {  	v2 =	vld [tilespmem:s13+$0x3830];
	v7 =	vsel vm1, v0, v3;
	[tilespmem:s10+$0x10830] =	vst v6  }
0xcd: {  	v3 =	vld [tilespmem:s13+$0x3820];
	[tilespmem:s10+$0x10820] =	vst v7;
	s10 =	smov.u32 s13  }
0xce: {  	_ = 	snop  }
0xcf: {  	vm0 =	vlt.f32 v4, $0.0e+00;
	vm1 =	vgt.f32 v4, $0.0e+00  }
0xd0: {  	vm2 =	vlt.f32 v5, $0.0e+00;
	vm3 =	vgt.f32 v5, $0.0e+00;
	vm0 =	vmor vm1, vm0  }
0xd1: {  	vm15 =	vmor vm3, vm2;
	v1 =	vsel vm0, v1, v2  }
0xd2: {  	v0 =	vsel vm15, v0, v3;
	[tilespmem:s10+$0x10830] =	vst v1  }
0xd3: {  	[tilespmem:s10+$0x10820] =	vst v0  }
0xd4: {  	v0 =	vld [tilespmem:$0x3500]  }
0xd5: {  	s10 =	simm.s32 $0x0;
	v1 =	vld [tilespmem:$0x3510]  }
0xd6: {  	v4 =	vld [tilespmem:s10+$0xA050]  }
0xd7: {  	v5 =	vld [tilespmem:s10+$0xA040]  }
0xd8: {  	v2 =	vld [tilespmem:s10+$0x3850]  }
0xd9: {  	s8 =	simm.s32 $0xD00;
	v3 =	vld [tilespmem:s10+$0x3840]  }
.LBB2_19:
0xda: {  	p1 =	sne.s32 s8, $0xC300  }
.Ltmp8:
0xdb: {  	s13 =	sshra.s32 s8, $0x2;
	s8 =	sadd.s32 $0xD00, s8;
	vm0 =	vlt.f32 v4, $0.0e+00;
	vm1 =	vgt.f32 v4, $0.0e+00;
	(pc) =	sbr.rel @p1 .LBB2_19-.Ltmp8, $4  }
0xdc: {  	v4 =	vld [tilespmem:s13+$0xA050];
	vm2 =	vlt.f32 v5, $0.0e+00;
	vm3 =	vgt.f32 v5, $0.0e+00;
	vm0 =	vmor vm1, vm0  }
0xdd: {  	v5 =	vld [tilespmem:s13+$0xA040];
	vm1 =	vmor vm3, vm2;
	v6 =	vsel vm0, v1, v2  }
0xde: {  	v2 =	vld [tilespmem:s13+$0x3850];
	v7 =	vsel vm1, v0, v3;
	[tilespmem:s10+$0x10850] =	vst v6  }
0xdf: {  	v3 =	vld [tilespmem:s13+$0x3840];
	[tilespmem:s10+$0x10840] =	vst v7;
	s10 =	smov.u32 s13  }
0xe0: {  	_ = 	snop  }
0xe1: {  	vm0 =	vlt.f32 v4, $0.0e+00;
	vm1 =	vgt.f32 v4, $0.0e+00  }
0xe2: {  	vm2 =	vlt.f32 v5, $0.0e+00;
	vm3 =	vgt.f32 v5, $0.0e+00;
	vm0 =	vmor vm1, vm0  }
0xe3: {  	vm15 =	vmor vm3, vm2;
	v1 =	vsel vm0, v1, v2  }
0xe4: {  	v0 =	vsel vm15, v0, v3;
	[tilespmem:s10+$0x10850] =	vst v1  }
0xe5: {  	[tilespmem:s10+$0x10840] =	vst v0  }
0xe6: {  	v0 =	vld [tilespmem:$0x3520]  }
0xe7: {  	s10 =	simm.s32 $0x0;
	v1 =	vld [tilespmem:$0x3530]  }
0xe8: {  	v4 =	vld [tilespmem:s10+$0xA070]  }
0xe9: {  	v5 =	vld [tilespmem:s10+$0xA060]  }
0xea: {  	v2 =	vld [tilespmem:s10+$0x3870]  }
0xeb: {  	s8 =	simm.s32 $0xD00;
	v3 =	vld [tilespmem:s10+$0x3860]  }
.LBB2_21:
0xec: {  	p1 =	sne.s32 s8, $0xC300  }
.Ltmp9:
0xed: {  	s13 =	sshra.s32 s8, $0x2;
	s8 =	sadd.s32 $0xD00, s8;
	vm0 =	vlt.f32 v4, $0.0e+00;
	vm1 =	vgt.f32 v4, $0.0e+00;
	(pc) =	sbr.rel @p1 .LBB2_21-.Ltmp9, $4  }
0xee: {  	v4 =	vld [tilespmem:s13+$0xA070];
	vm2 =	vlt.f32 v5, $0.0e+00;
	vm3 =	vgt.f32 v5, $0.0e+00;
	vm0 =	vmor vm1, vm0  }
0xef: {  	v5 =	vld [tilespmem:s13+$0xA060];
	vm1 =	vmor vm3, vm2;
	v6 =	vsel vm0, v1, v2  }
0xf0: {  	v2 =	vld [tilespmem:s13+$0x3870];
	v7 =	vsel vm1, v0, v3;
	[tilespmem:s10+$0x10870] =	vst v6  }
0xf1: {  	v3 =	vld [tilespmem:s13+$0x3860];
	[tilespmem:s10+$0x10860] =	vst v7;
	s10 =	smov.u32 s13  }
0xf2: {  	_ = 	snop  }
0xf3: {  	vm0 =	vlt.f32 v4, $0.0e+00;
	vm1 =	vgt.f32 v4, $0.0e+00  }
0xf4: {  	vm2 =	vlt.f32 v5, $0.0e+00;
	vm3 =	vgt.f32 v5, $0.0e+00;
	vm0 =	vmor vm1, vm0  }
0xf5: {  	vm15 =	vmor vm3, vm2;
	v1 =	vsel vm0, v1, v2  }
0xf6: {  	v0 =	vsel vm15, v0, v3;
	[tilespmem:s10+$0x10870] =	vst v1  }
0xf7: {  	[tilespmem:s10+$0x10860] =	vst v0  }
0xf8: {  	v0 =	vld [tilespmem:$0x3540]  }
0xf9: {  	s10 =	simm.s32 $0x0;
	v1 =	vld [tilespmem:$0x3550]  }
0xfa: {  	v4 =	vld [tilespmem:s10+$0xA090]  }
0xfb: {  	v5 =	vld [tilespmem:s10+$0xA080]  }
0xfc: {  	v2 =	vld [tilespmem:s10+$0x3890]  }
0xfd: {  	s8 =	simm.s32 $0xD00;
	v3 =	vld [tilespmem:s10+$0x3880]  }
.LBB2_23:
0xfe: {  	p1 =	sne.s32 s8, $0xC300  }
.Ltmp10:
0xff: {  	s13 =	sshra.s32 s8, $0x2;
	s8 =	sadd.s32 $0xD00, s8;
	vm0 =	vlt.f32 v4, $0.0e+00;
	vm1 =	vgt.f32 v4, $0.0e+00;
	(pc) =	sbr.rel @p1 .LBB2_23-.Ltmp10, $4  }
0x100: {  	v4 =	vld [tilespmem:s13+$0xA090];
	vm2 =	vlt.f32 v5, $0.0e+00;
	vm3 =	vgt.f32 v5, $0.0e+00;
	vm0 =	vmor vm1, vm0  }
0x101: {  	v5 =	vld [tilespmem:s13+$0xA080];
	vm1 =	vmor vm3, vm2;
	v6 =	vsel vm0, v1, v2  }
0x102: {  	v2 =	vld [tilespmem:s13+$0x3890];
	v7 =	vsel vm1, v0, v3;
	[tilespmem:s10+$0x10890] =	vst v6  }
0x103: {  	v3 =	vld [tilespmem:s13+$0x3880];
	[tilespmem:s10+$0x10880] =	vst v7;
	s10 =	smov.u32 s13  }
0x104: {  	_ = 	snop  }
0x105: {  	vm0 =	vlt.f32 v4, $0.0e+00;
	vm1 =	vgt.f32 v4, $0.0e+00  }
0x106: {  	vm2 =	vlt.f32 v5, $0.0e+00;
	vm3 =	vgt.f32 v5, $0.0e+00;
	vm0 =	vmor vm1, vm0  }
0x107: {  	vm15 =	vmor vm3, vm2;
	v1 =	vsel vm0, v1, v2  }
0x108: {  	v0 =	vsel vm15, v0, v3;
	[tilespmem:s10+$0x10890] =	vst v1  }
0x109: {  	[tilespmem:s10+$0x10880] =	vst v0  }
0x10a: {  	v0 =	vld [tilespmem:$0x3560]  }
0x10b: {  	s10 =	simm.s32 $0x0;
	v1 =	vld [tilespmem:$0x3570]  }
0x10c: {  	v4 =	vld [tilespmem:s10+$0xA0B0]  }
0x10d: {  	v5 =	vld [tilespmem:s10+$0xA0A0]  }
0x10e: {  	v2 =	vld [tilespmem:s10+$0x38B0]  }
0x10f: {  	s8 =	simm.s32 $0xD00;
	v3 =	vld [tilespmem:s10+$0x38A0]  }
.LBB2_25:
0x110: {  	p1 =	sne.s32 s8, $0xC300  }
.Ltmp11:
0x111: {  	s13 =	sshra.s32 s8, $0x2;
	s8 =	sadd.s32 $0xD00, s8;
	vm0 =	vlt.f32 v4, $0.0e+00;
	vm1 =	vgt.f32 v4, $0.0e+00;
	(pc) =	sbr.rel @p1 .LBB2_25-.Ltmp11, $4  }
0x112: {  	v4 =	vld [tilespmem:s13+$0xA0B0];
	vm2 =	vlt.f32 v5, $0.0e+00;
	vm3 =	vgt.f32 v5, $0.0e+00;
	vm0 =	vmor vm1, vm0  }
0x113: {  	v5 =	vld [tilespmem:s13+$0xA0A0];
	vm1 =	vmor vm3, vm2;
	v6 =	vsel vm0, v1, v2  }
0x114: {  	v2 =	vld [tilespmem:s13+$0x38B0];
	v7 =	vsel vm1, v0, v3;
	[tilespmem:s10+$0x108B0] =	vst v6  }
0x115: {  	v3 =	vld [tilespmem:s13+$0x38A0];
	[tilespmem:s10+$0x108A0] =	vst v7;
	s10 =	smov.u32 s13  }
0x116: {  	_ = 	snop  }
0x117: {  	vm0 =	vlt.f32 v4, $0.0e+00;
	vm1 =	vgt.f32 v4, $0.0e+00  }
0x118: {  	vm2 =	vlt.f32 v5, $0.0e+00;
	vm3 =	vgt.f32 v5, $0.0e+00;
	vm0 =	vmor vm1, vm0  }
0x119: {  	vm15 =	vmor vm3, vm2;
	v1 =	vsel vm0, v1, v2  }
0x11a: {  	v0 =	vsel vm15, v0, v3;
	[tilespmem:s10+$0x108B0] =	vst v1  }
0x11b: {  	[tilespmem:s10+$0x108A0] =	vst v0  }
0x11c: {  	v0 =	vld [tilespmem:$0x3580]  }
0x11d: {  	s10 =	simm.s32 $0x0;
	v1 =	vld [tilespmem:$0x3590]  }
0x11e: {  	v4 =	vld [tilespmem:s10+$0xA0D0]  }
0x11f: {  	v5 =	vld [tilespmem:s10+$0xA0C0]  }
0x120: {  	v2 =	vld [tilespmem:s10+$0x38D0]  }
0x121: {  	s8 =	simm.s32 $0xD00;
	v3 =	vld [tilespmem:s10+$0x38C0]  }
.LBB2_27:
0x122: {  	p1 =	sne.s32 s8, $0xC300  }
.Ltmp12:
0x123: {  	s13 =	sshra.s32 s8, $0x2;
	s8 =	sadd.s32 $0xD00, s8;
	vm0 =	vlt.f32 v4, $0.0e+00;
	vm1 =	vgt.f32 v4, $0.0e+00;
	(pc) =	sbr.rel @p1 .LBB2_27-.Ltmp12, $4  }
0x124: {  	v4 =	vld [tilespmem:s13+$0xA0D0];
	vm2 =	vlt.f32 v5, $0.0e+00;
	vm3 =	vgt.f32 v5, $0.0e+00;
	vm0 =	vmor vm1, vm0  }
0x125: {  	v5 =	vld [tilespmem:s13+$0xA0C0];
	vm1 =	vmor vm3, vm2;
	v6 =	vsel vm0, v1, v2  }
0x126: {  	v2 =	vld [tilespmem:s13+$0x38D0];
	v7 =	vsel vm1, v0, v3;
	[tilespmem:s10+$0x108D0] =	vst v6  }
0x127: {  	v3 =	vld [tilespmem:s13+$0x38C0];
	[tilespmem:s10+$0x108C0] =	vst v7;
	s10 =	smov.u32 s13  }
0x128: {  	_ = 	snop  }
0x129: {  	vm0 =	vlt.f32 v4, $0.0e+00;
	vm1 =	vgt.f32 v4, $0.0e+00  }
0x12a: {  	vm2 =	vlt.f32 v5, $0.0e+00;
	vm3 =	vgt.f32 v5, $0.0e+00;
	vm0 =	vmor vm1, vm0  }
0x12b: {  	vm15 =	vmor vm3, vm2;
	v1 =	vsel vm0, v1, v2  }
0x12c: {  	v0 =	vsel vm15, v0, v3;
	[tilespmem:s10+$0x108D0] =	vst v1  }
0x12d: {  	[tilespmem:s10+$0x108C0] =	vst v0  }
0x12e: {  	v0 =	vld [tilespmem:$0x35A0]  }
0x12f: {  	s10 =	simm.s32 $0x0;
	v1 =	vld [tilespmem:$0x35B0]  }
0x130: {  	v4 =	vld [tilespmem:s10+$0xA0F0]  }
0x131: {  	v5 =	vld [tilespmem:s10+$0xA0E0]  }
0x132: {  	v2 =	vld [tilespmem:s10+$0x38F0]  }
0x133: {  	s8 =	simm.s32 $0xD00;
	v3 =	vld [tilespmem:s10+$0x38E0]  }
.LBB2_29:
0x134: {  	p1 =	sne.s32 s8, $0xC300  }
.Ltmp13:
0x135: {  	s13 =	sshra.s32 s8, $0x2;
	s8 =	sadd.s32 $0xD00, s8;
	vm0 =	vlt.f32 v4, $0.0e+00;
	vm1 =	vgt.f32 v4, $0.0e+00;
	(pc) =	sbr.rel @p1 .LBB2_29-.Ltmp13, $4  }
0x136: {  	v4 =	vld [tilespmem:s13+$0xA0F0];
	vm2 =	vlt.f32 v5, $0.0e+00;
	vm3 =	vgt.f32 v5, $0.0e+00;
	vm0 =	vmor vm1, vm0  }
0x137: {  	v5 =	vld [tilespmem:s13+$0xA0E0];
	vm1 =	vmor vm3, vm2;
	v6 =	vsel vm0, v1, v2  }
0x138: {  	v2 =	vld [tilespmem:s13+$0x38F0];
	v7 =	vsel vm1, v0, v3;
	[tilespmem:s10+$0x108F0] =	vst v6  }
0x139: {  	v3 =	vld [tilespmem:s13+$0x38E0];
	[tilespmem:s10+$0x108E0] =	vst v7;
	s10 =	smov.u32 s13  }
0x13a: {  	_ = 	snop  }
0x13b: {  	vm0 =	vlt.f32 v4, $0.0e+00;
	vm1 =	vgt.f32 v4, $0.0e+00  }
0x13c: {  	vm2 =	vlt.f32 v5, $0.0e+00;
	vm3 =	vgt.f32 v5, $0.0e+00;
	vm0 =	vmor vm1, vm0  }
0x13d: {  	vm15 =	vmor vm3, vm2;
	v1 =	vsel vm0, v1, v2  }
0x13e: {  	v0 =	vsel vm15, v0, v3;
	[tilespmem:s10+$0x108F0] =	vst v1  }
0x13f: {  	[tilespmem:s10+$0x108E0] =	vst v0  }
0x140: {  	v0 =	vld [tilespmem:$0x35C0]  }
0x141: {  	s10 =	simm.s32 $0x0;
	v1 =	vld [tilespmem:$0x35D0]  }
0x142: {  	v4 =	vld [tilespmem:s10+$0xA110]  }
0x143: {  	v5 =	vld [tilespmem:s10+$0xA100]  }
0x144: {  	v2 =	vld [tilespmem:s10+$0x3910]  }
0x145: {  	s8 =	simm.s32 $0xD00;
	v3 =	vld [tilespmem:s10+$0x3900]  }
.LBB2_31:
0x146: {  	p1 =	sne.s32 s8, $0xC300  }
.Ltmp14:
0x147: {  	s13 =	sshra.s32 s8, $0x2;
	s8 =	sadd.s32 $0xD00, s8;
	vm0 =	vlt.f32 v4, $0.0e+00;
	vm1 =	vgt.f32 v4, $0.0e+00;
	(pc) =	sbr.rel @p1 .LBB2_31-.Ltmp14, $4  }
0x148: {  	v4 =	vld [tilespmem:s13+$0xA110];
	vm2 =	vlt.f32 v5, $0.0e+00;
	vm3 =	vgt.f32 v5, $0.0e+00;
	vm0 =	vmor vm1, vm0  }
0x149: {  	v5 =	vld [tilespmem:s13+$0xA100];
	vm1 =	vmor vm3, vm2;
	v6 =	vsel vm0, v1, v2  }
0x14a: {  	v2 =	vld [tilespmem:s13+$0x3910];
	v7 =	vsel vm1, v0, v3;
	[tilespmem:s10+$0x10910] =	vst v6  }
0x14b: {  	v3 =	vld [tilespmem:s13+$0x3900];
	[tilespmem:s10+$0x10900] =	vst v7;
	s10 =	smov.u32 s13  }
0x14c: {  	_ = 	snop  }
0x14d: {  	vm0 =	vlt.f32 v4, $0.0e+00;
	vm1 =	vgt.f32 v4, $0.0e+00  }
0x14e: {  	vm2 =	vlt.f32 v5, $0.0e+00;
	vm3 =	vgt.f32 v5, $0.0e+00;
	vm0 =	vmor vm1, vm0  }
0x14f: {  	vm15 =	vmor vm3, vm2;
	v1 =	vsel vm0, v1, v2  }
0x150: {  	v0 =	vsel vm15, v0, v3;
	[tilespmem:s10+$0x10910] =	vst v1  }
0x151: {  	[tilespmem:s10+$0x10900] =	vst v0  }
0x152: {  	v0 =	vld [tilespmem:$0x35E0]  }
0x153: {  	s10 =	simm.s32 $0x0;
	v1 =	vld [tilespmem:$0x35F0]  }
0x154: {  	v4 =	vld [tilespmem:s10+$0xA130]  }
0x155: {  	v5 =	vld [tilespmem:s10+$0xA120]  }
0x156: {  	v2 =	vld [tilespmem:s10+$0x3930]  }
0x157: {  	s8 =	simm.s32 $0xD00;
	v3 =	vld [tilespmem:s10+$0x3920]  }
.LBB2_33:
0x158: {  	p1 =	sne.s32 s8, $0xC300  }
.Ltmp15:
0x159: {  	s13 =	sshra.s32 s8, $0x2;
	s8 =	sadd.s32 $0xD00, s8;
	vm0 =	vlt.f32 v4, $0.0e+00;
	vm1 =	vgt.f32 v4, $0.0e+00;
	(pc) =	sbr.rel @p1 .LBB2_33-.Ltmp15, $4  }
0x15a: {  	v4 =	vld [tilespmem:s13+$0xA130];
	vm2 =	vlt.f32 v5, $0.0e+00;
	vm3 =	vgt.f32 v5, $0.0e+00;
	vm0 =	vmor vm1, vm0  }
0x15b: {  	v5 =	vld [tilespmem:s13+$0xA120];
	vm1 =	vmor vm3, vm2;
	v6 =	vsel vm0, v1, v2  }
0x15c: {  	v2 =	vld [tilespmem:s13+$0x3930];
	v7 =	vsel vm1, v0, v3;
	[tilespmem:s10+$0x10930] =	vst v6  }
0x15d: {  	v3 =	vld [tilespmem:s13+$0x3920];
	[tilespmem:s10+$0x10920] =	vst v7;
	s10 =	smov.u32 s13  }
0x15e: {  	_ = 	snop  }
0x15f: {  	vm0 =	vlt.f32 v4, $0.0e+00;
	vm1 =	vgt.f32 v4, $0.0e+00  }
0x160: {  	vm2 =	vlt.f32 v5, $0.0e+00;
	vm3 =	vgt.f32 v5, $0.0e+00;
	vm0 =	vmor vm1, vm0  }
0x161: {  	vm15 =	vmor vm3, vm2;
	v1 =	vsel vm0, v1, v2  }
0x162: {  	v0 =	vsel vm15, v0, v3;
	[tilespmem:s10+$0x10930] =	vst v1  }
0x163: {  	[tilespmem:s10+$0x10920] =	vst v0  }
0x164: {  	v0 =	vld [tilespmem:$0x3600]  }
0x165: {  	s10 =	simm.s32 $0x0;
	v1 =	vld [tilespmem:$0x3610]  }
0x166: {  	v4 =	vld [tilespmem:s10+$0xA150]  }
0x167: {  	v5 =	vld [tilespmem:s10+$0xA140]  }
0x168: {  	v2 =	vld [tilespmem:s10+$0x3950]  }
0x169: {  	s8 =	simm.s32 $0xD00;
	v3 =	vld [tilespmem:s10+$0x3940]  }
.LBB2_35:
0x16a: {  	p1 =	sne.s32 s8, $0xC300  }
.Ltmp16:
0x16b: {  	s13 =	sshra.s32 s8, $0x2;
	s8 =	sadd.s32 $0xD00, s8;
	vm0 =	vlt.f32 v4, $0.0e+00;
	vm1 =	vgt.f32 v4, $0.0e+00;
	(pc) =	sbr.rel @p1 .LBB2_35-.Ltmp16, $4  }
0x16c: {  	v4 =	vld [tilespmem:s13+$0xA150];
	vm2 =	vlt.f32 v5, $0.0e+00;
	vm3 =	vgt.f32 v5, $0.0e+00;
	vm0 =	vmor vm1, vm0  }
0x16d: {  	v5 =	vld [tilespmem:s13+$0xA140];
	vm1 =	vmor vm3, vm2;
	v6 =	vsel vm0, v1, v2  }
0x16e: {  	v2 =	vld [tilespmem:s13+$0x3950];
	v7 =	vsel vm1, v0, v3;
	[tilespmem:s10+$0x10950] =	vst v6  }
0x16f: {  	v3 =	vld [tilespmem:s13+$0x3940];
	[tilespmem:s10+$0x10940] =	vst v7;
	s10 =	smov.u32 s13  }
0x170: {  	_ = 	snop  }
0x171: {  	vm0 =	vlt.f32 v4, $0.0e+00;
	vm1 =	vgt.f32 v4, $0.0e+00  }
0x172: {  	vm2 =	vlt.f32 v5, $0.0e+00;
	vm3 =	vgt.f32 v5, $0.0e+00;
	vm0 =	vmor vm1, vm0  }
0x173: {  	vm15 =	vmor vm3, vm2;
	v1 =	vsel vm0, v1, v2  }
0x174: {  	v0 =	vsel vm15, v0, v3;
	[tilespmem:s10+$0x10950] =	vst v1  }
0x175: {  	[tilespmem:s10+$0x10940] =	vst v0  }
0x176: {  	v0 =	vld [tilespmem:$0x3620]  }
0x177: {  	s10 =	simm.s32 $0x0;
	v1 =	vld [tilespmem:$0x3630]  }
0x178: {  	v4 =	vld [tilespmem:s10+$0xA170]  }
0x179: {  	v5 =	vld [tilespmem:s10+$0xA160]  }
0x17a: {  	v2 =	vld [tilespmem:s10+$0x3970]  }
0x17b: {  	s8 =	simm.s32 $0xD00;
	v3 =	vld [tilespmem:s10+$0x3960]  }
.LBB2_37:
0x17c: {  	p1 =	sne.s32 s8, $0xC300  }
.Ltmp17:
0x17d: {  	s13 =	sshra.s32 s8, $0x2;
	s8 =	sadd.s32 $0xD00, s8;
	vm0 =	vlt.f32 v4, $0.0e+00;
	vm1 =	vgt.f32 v4, $0.0e+00;
	(pc) =	sbr.rel @p1 .LBB2_37-.Ltmp17, $4  }
0x17e: {  	v4 =	vld [tilespmem:s13+$0xA170];
	vm2 =	vlt.f32 v5, $0.0e+00;
	vm3 =	vgt.f32 v5, $0.0e+00;
	vm0 =	vmor vm1, vm0  }
0x17f: {  	v5 =	vld [tilespmem:s13+$0xA160];
	vm1 =	vmor vm3, vm2;
	v6 =	vsel vm0, v1, v2  }
0x180: {  	v2 =	vld [tilespmem:s13+$0x3970];
	v7 =	vsel vm1, v0, v3;
	[tilespmem:s10+$0x10970] =	vst v6  }
0x181: {  	v3 =	vld [tilespmem:s13+$0x3960];
	[tilespmem:s10+$0x10960] =	vst v7;
	s10 =	smov.u32 s13  }
0x182: {  	_ = 	snop  }
0x183: {  	vm0 =	vlt.f32 v4, $0.0e+00;
	vm1 =	vgt.f32 v4, $0.0e+00  }
0x184: {  	vm2 =	vlt.f32 v5, $0.0e+00;
	vm3 =	vgt.f32 v5, $0.0e+00;
	vm0 =	vmor vm1, vm0  }
0x185: {  	vm15 =	vmor vm3, vm2;
	v1 =	vsel vm0, v1, v2  }
0x186: {  	v0 =	vsel vm15, v0, v3;
	[tilespmem:s10+$0x10970] =	vst v1  }
0x187: {  	[tilespmem:s10+$0x10960] =	vst v0  }
0x188: {  	v0 =	vld [tilespmem:$0x3640]  }
0x189: {  	s10 =	simm.s32 $0x0;
	v1 =	vld [tilespmem:$0x3650]  }
0x18a: {  	v4 =	vld [tilespmem:s10+$0xA190]  }
0x18b: {  	v5 =	vld [tilespmem:s10+$0xA180]  }
0x18c: {  	v2 =	vld [tilespmem:s10+$0x3990]  }
0x18d: {  	s8 =	simm.s32 $0xD00;
	v3 =	vld [tilespmem:s10+$0x3980]  }
.LBB2_39:
0x18e: {  	p1 =	sne.s32 s8, $0xC300  }
.Ltmp18:
0x18f: {  	s13 =	sshra.s32 s8, $0x2;
	s8 =	sadd.s32 $0xD00, s8;
	vm0 =	vlt.f32 v4, $0.0e+00;
	vm1 =	vgt.f32 v4, $0.0e+00;
	(pc) =	sbr.rel @p1 .LBB2_39-.Ltmp18, $4  }
0x190: {  	v4 =	vld [tilespmem:s13+$0xA190];
	vm2 =	vlt.f32 v5, $0.0e+00;
	vm3 =	vgt.f32 v5, $0.0e+00;
	vm0 =	vmor vm1, vm0  }
0x191: {  	v5 =	vld [tilespmem:s13+$0xA180];
	vm1 =	vmor vm3, vm2;
	v6 =	vsel vm0, v1, v2  }
0x192: {  	v2 =	vld [tilespmem:s13+$0x3990];
	v7 =	vsel vm1, v0, v3;
	[tilespmem:s10+$0x10990] =	vst v6  }
0x193: {  	v3 =	vld [tilespmem:s13+$0x3980];
	[tilespmem:s10+$0x10980] =	vst v7;
	s10 =	smov.u32 s13  }
0x194: {  	_ = 	snop  }
0x195: {  	vm0 =	vlt.f32 v4, $0.0e+00;
	vm1 =	vgt.f32 v4, $0.0e+00  }
0x196: {  	vm2 =	vlt.f32 v5, $0.0e+00;
	vm3 =	vgt.f32 v5, $0.0e+00;
	vm0 =	vmor vm1, vm0  }
0x197: {  	vm15 =	vmor vm3, vm2;
	v1 =	vsel vm0, v1, v2  }
0x198: {  	v0 =	vsel vm15, v0, v3;
	[tilespmem:s10+$0x10990] =	vst v1  }
0x199: {  	[tilespmem:s10+$0x10980] =	vst v0  }
0x19a: {  	v0 =	vld [tilespmem:$0x3660]  }
0x19b: {  	s10 =	simm.s32 $0x0;
	v1 =	vld [tilespmem:$0x3670]  }
0x19c: {  	v4 =	vld [tilespmem:s10+$0xA1B0]  }
0x19d: {  	v5 =	vld [tilespmem:s10+$0xA1A0]  }
0x19e: {  	v2 =	vld [tilespmem:s10+$0x39B0]  }
0x19f: {  	s8 =	simm.s32 $0xD00;
	v3 =	vld [tilespmem:s10+$0x39A0]  }
.LBB2_41:
0x1a0: {  	p1 =	sne.s32 s8, $0xC300  }
.Ltmp19:
0x1a1: {  	s13 =	sshra.s32 s8, $0x2;
	s8 =	sadd.s32 $0xD00, s8;
	vm0 =	vlt.f32 v4, $0.0e+00;
	vm1 =	vgt.f32 v4, $0.0e+00;
	(pc) =	sbr.rel @p1 .LBB2_41-.Ltmp19, $4  }
0x1a2: {  	v4 =	vld [tilespmem:s13+$0xA1B0];
	vm2 =	vlt.f32 v5, $0.0e+00;
	vm3 =	vgt.f32 v5, $0.0e+00;
	vm0 =	vmor vm1, vm0  }
0x1a3: {  	v5 =	vld [tilespmem:s13+$0xA1A0];
	vm1 =	vmor vm3, vm2;
	v6 =	vsel vm0, v1, v2  }
0x1a4: {  	v2 =	vld [tilespmem:s13+$0x39B0];
	v7 =	vsel vm1, v0, v3;
	[tilespmem:s10+$0x109B0] =	vst v6  }
0x1a5: {  	v3 =	vld [tilespmem:s13+$0x39A0];
	[tilespmem:s10+$0x109A0] =	vst v7;
	s10 =	smov.u32 s13  }
0x1a6: {  	_ = 	snop  }
0x1a7: {  	vm0 =	vlt.f32 v4, $0.0e+00;
	vm1 =	vgt.f32 v4, $0.0e+00  }
0x1a8: {  	vm2 =	vlt.f32 v5, $0.0e+00;
	vm3 =	vgt.f32 v5, $0.0e+00;
	vm0 =	vmor vm1, vm0  }
0x1a9: {  	vm15 =	vmor vm3, vm2;
	v1 =	vsel vm0, v1, v2  }
0x1aa: {  	v0 =	vsel vm15, v0, v3;
	[tilespmem:s10+$0x109B0] =	vst v1  }
0x1ab: {  	[tilespmem:s10+$0x109A0] =	vst v0  }
0x1ac: {  	v0 =	vld [tilespmem:$0x3680]  }
0x1ad: {  	s10 =	simm.s32 $0x0;
	v1 =	vld [tilespmem:$0x3690]  }
0x1ae: {  	v4 =	vld [tilespmem:s10+$0xA1D0]  }
0x1af: {  	v5 =	vld [tilespmem:s10+$0xA1C0]  }
0x1b0: {  	v2 =	vld [tilespmem:s10+$0x39D0]  }
0x1b1: {  	s8 =	simm.s32 $0xD00;
	v3 =	vld [tilespmem:s10+$0x39C0]  }
.LBB2_43:
0x1b2: {  	p1 =	sne.s32 s8, $0xC300  }
.Ltmp20:
0x1b3: {  	s13 =	sshra.s32 s8, $0x2;
	s8 =	sadd.s32 $0xD00, s8;
	vm0 =	vlt.f32 v4, $0.0e+00;
	vm1 =	vgt.f32 v4, $0.0e+00;
	(pc) =	sbr.rel @p1 .LBB2_43-.Ltmp20, $4  }
0x1b4: {  	v4 =	vld [tilespmem:s13+$0xA1D0];
	vm2 =	vlt.f32 v5, $0.0e+00;
	vm3 =	vgt.f32 v5, $0.0e+00;
	vm0 =	vmor vm1, vm0  }
0x1b5: {  	v5 =	vld [tilespmem:s13+$0xA1C0];
	vm1 =	vmor vm3, vm2;
	v6 =	vsel vm0, v1, v2  }
0x1b6: {  	v2 =	vld [tilespmem:s13+$0x39D0];
	v7 =	vsel vm1, v0, v3;
	[tilespmem:s10+$0x109D0] =	vst v6  }
0x1b7: {  	v3 =	vld [tilespmem:s13+$0x39C0];
	[tilespmem:s10+$0x109C0] =	vst v7;
	s10 =	smov.u32 s13  }
0x1b8: {  	_ = 	snop  }
0x1b9: {  	vm0 =	vlt.f32 v4, $0.0e+00;
	vm1 =	vgt.f32 v4, $0.0e+00  }
0x1ba: {  	vm2 =	vlt.f32 v5, $0.0e+00;
	vm3 =	vgt.f32 v5, $0.0e+00;
	vm0 =	vmor vm1, vm0  }
0x1bb: {  	vm15 =	vmor vm3, vm2;
	v1 =	vsel vm0, v1, v2  }
0x1bc: {  	v0 =	vsel vm15, v0, v3;
	[tilespmem:s10+$0x109D0] =	vst v1  }
0x1bd: {  	[tilespmem:s10+$0x109C0] =	vst v0  }
0x1be: {  	v0 =	vld [tilespmem:$0x36A0]  }
0x1bf: {  	s10 =	simm.s32 $0x0;
	v1 =	vld [tilespmem:$0x36B0]  }
0x1c0: {  	v4 =	vld [tilespmem:s10+$0xA1F0]  }
0x1c1: {  	v5 =	vld [tilespmem:s10+$0xA1E0]  }
0x1c2: {  	v2 =	vld [tilespmem:s10+$0x39F0]  }
0x1c3: {  	s8 =	simm.s32 $0xD00;
	v3 =	vld [tilespmem:s10+$0x39E0]  }
.LBB2_45:
0x1c4: {  	p1 =	sne.s32 s8, $0xC300  }
.Ltmp21:
0x1c5: {  	s13 =	sshra.s32 s8, $0x2;
	s8 =	sadd.s32 $0xD00, s8;
	vm0 =	vlt.f32 v4, $0.0e+00;
	vm1 =	vgt.f32 v4, $0.0e+00;
	(pc) =	sbr.rel @p1 .LBB2_45-.Ltmp21, $4  }
0x1c6: {  	v4 =	vld [tilespmem:s13+$0xA1F0];
	vm2 =	vlt.f32 v5, $0.0e+00;
	vm3 =	vgt.f32 v5, $0.0e+00;
	vm0 =	vmor vm1, vm0  }
0x1c7: {  	v5 =	vld [tilespmem:s13+$0xA1E0];
	vm1 =	vmor vm3, vm2;
	v6 =	vsel vm0, v1, v2  }
0x1c8: {  	v2 =	vld [tilespmem:s13+$0x39F0];
	v7 =	vsel vm1, v0, v3;
	[tilespmem:s10+$0x109F0] =	vst v6  }
0x1c9: {  	v3 =	vld [tilespmem:s13+$0x39E0];
	[tilespmem:s10+$0x109E0] =	vst v7;
	s10 =	smov.u32 s13  }
0x1ca: {  	_ = 	snop  }
0x1cb: {  	vm0 =	vlt.f32 v4, $0.0e+00;
	vm1 =	vgt.f32 v4, $0.0e+00  }
0x1cc: {  	vm2 =	vlt.f32 v5, $0.0e+00;
	vm3 =	vgt.f32 v5, $0.0e+00;
	vm0 =	vmor vm1, vm0  }
0x1cd: {  	vm15 =	vmor vm3, vm2;
	v1 =	vsel vm0, v1, v2  }
0x1ce: {  	v0 =	vsel vm15, v0, v3;
	[tilespmem:s10+$0x109F0] =	vst v1  }
0x1cf: {  	[tilespmem:s10+$0x109E0] =	vst v0  }
0x1d0: {  	v0 =	vld [tilespmem:$0x36C0]  }
0x1d1: {  	s10 =	simm.s32 $0x0;
	v1 =	vld [tilespmem:$0x36D0]  }
0x1d2: {  	v4 =	vld [tilespmem:s10+$0xA210]  }
0x1d3: {  	v5 =	vld [tilespmem:s10+$0xA200]  }
0x1d4: {  	v2 =	vld [tilespmem:s10+$0x3A10]  }
0x1d5: {  	s8 =	simm.s32 $0xD00;
	v3 =	vld [tilespmem:s10+$0x3A00]  }
.LBB2_47:
0x1d6: {  	p1 =	sne.s32 s8, $0xC300  }
.Ltmp22:
0x1d7: {  	s13 =	sshra.s32 s8, $0x2;
	s8 =	sadd.s32 $0xD00, s8;
	vm0 =	vlt.f32 v4, $0.0e+00;
	vm1 =	vgt.f32 v4, $0.0e+00;
	(pc) =	sbr.rel @p1 .LBB2_47-.Ltmp22, $4  }
0x1d8: {  	v4 =	vld [tilespmem:s13+$0xA210];
	vm2 =	vlt.f32 v5, $0.0e+00;
	vm3 =	vgt.f32 v5, $0.0e+00;
	vm0 =	vmor vm1, vm0  }
0x1d9: {  	v5 =	vld [tilespmem:s13+$0xA200];
	vm1 =	vmor vm3, vm2;
	v6 =	vsel vm0, v1, v2  }
0x1da: {  	v2 =	vld [tilespmem:s13+$0x3A10];
	v7 =	vsel vm1, v0, v3;
	[tilespmem:s10+$0x10A10] =	vst v6  }
0x1db: {  	v3 =	vld [tilespmem:s13+$0x3A00];
	[tilespmem:s10+$0x10A00] =	vst v7;
	s10 =	smov.u32 s13  }
0x1dc: {  	_ = 	snop  }
0x1dd: {  	vm0 =	vlt.f32 v4, $0.0e+00;
	vm1 =	vgt.f32 v4, $0.0e+00  }
0x1de: {  	vm2 =	vlt.f32 v5, $0.0e+00;
	vm3 =	vgt.f32 v5, $0.0e+00;
	vm0 =	vmor vm1, vm0  }
0x1df: {  	vm15 =	vmor vm3, vm2;
	v1 =	vsel vm0, v1, v2  }
0x1e0: {  	v0 =	vsel vm15, v0, v3;
	[tilespmem:s10+$0x10A10] =	vst v1  }
0x1e1: {  	[tilespmem:s10+$0x10A00] =	vst v0  }
0x1e2: {  	v0 =	vld [tilespmem:$0x36E0]  }
0x1e3: {  	s10 =	simm.s32 $0x0;
	v1 =	vld [tilespmem:$0x36F0]  }
0x1e4: {  	v4 =	vld [tilespmem:s10+$0xA230]  }
0x1e5: {  	v5 =	vld [tilespmem:s10+$0xA220]  }
0x1e6: {  	v2 =	vld [tilespmem:s10+$0x3A30]  }
0x1e7: {  	s8 =	simm.s32 $0xD00;
	v3 =	vld [tilespmem:s10+$0x3A20]  }
.LBB2_49:
0x1e8: {  	p1 =	sne.s32 s8, $0xC300  }
.Ltmp23:
0x1e9: {  	s13 =	sshra.s32 s8, $0x2;
	s8 =	sadd.s32 $0xD00, s8;
	vm0 =	vlt.f32 v4, $0.0e+00;
	vm1 =	vgt.f32 v4, $0.0e+00;
	(pc) =	sbr.rel @p1 .LBB2_49-.Ltmp23, $4  }
0x1ea: {  	v4 =	vld [tilespmem:s13+$0xA230];
	vm2 =	vlt.f32 v5, $0.0e+00;
	vm3 =	vgt.f32 v5, $0.0e+00;
	vm0 =	vmor vm1, vm0  }
0x1eb: {  	v5 =	vld [tilespmem:s13+$0xA220];
	vm1 =	vmor vm3, vm2;
	v6 =	vsel vm0, v1, v2  }
0x1ec: {  	v2 =	vld [tilespmem:s13+$0x3A30];
	v7 =	vsel vm1, v0, v3;
	[tilespmem:s10+$0x10A30] =	vst v6  }
0x1ed: {  	v3 =	vld [tilespmem:s13+$0x3A20];
	[tilespmem:s10+$0x10A20] =	vst v7;
	s10 =	smov.u32 s13  }
0x1ee: {  	_ = 	snop  }
0x1ef: {  	vm0 =	vlt.f32 v4, $0.0e+00;
	vm1 =	vgt.f32 v4, $0.0e+00  }
0x1f0: {  	vm2 =	vlt.f32 v5, $0.0e+00;
	vm3 =	vgt.f32 v5, $0.0e+00;
	vm0 =	vmor vm1, vm0  }
0x1f1: {  	vm15 =	vmor vm3, vm2;
	v1 =	vsel vm0, v1, v2  }
0x1f2: {  	v0 =	vsel vm15, v0, v3;
	[tilespmem:s10+$0x10A30] =	vst v1  }
0x1f3: {  	[tilespmem:s10+$0x10A20] =	vst v0  }
0x1f4: {  	v0 =	vld [tilespmem:$0x3700]  }
0x1f5: {  	s10 =	simm.s32 $0x0;
	v1 =	vld [tilespmem:$0x3710]  }
0x1f6: {  	v4 =	vld [tilespmem:s10+$0xA250]  }
0x1f7: {  	v5 =	vld [tilespmem:s10+$0xA240]  }
0x1f8: {  	v2 =	vld [tilespmem:s10+$0x3A50]  }
0x1f9: {  	s8 =	simm.s32 $0xD00;
	v3 =	vld [tilespmem:s10+$0x3A40]  }
.LBB2_51:
0x1fa: {  	p1 =	sne.s32 s8, $0xC300  }
.Ltmp24:
0x1fb: {  	s13 =	sshra.s32 s8, $0x2;
	s8 =	sadd.s32 $0xD00, s8;
	vm0 =	vlt.f32 v4, $0.0e+00;
	vm1 =	vgt.f32 v4, $0.0e+00;
	(pc) =	sbr.rel @p1 .LBB2_51-.Ltmp24, $4  }
0x1fc: {  	v4 =	vld [tilespmem:s13+$0xA250];
	vm2 =	vlt.f32 v5, $0.0e+00;
	vm3 =	vgt.f32 v5, $0.0e+00;
	vm0 =	vmor vm1, vm0  }
0x1fd: {  	v5 =	vld [tilespmem:s13+$0xA240];
	vm1 =	vmor vm3, vm2;
	v6 =	vsel vm0, v1, v2  }
0x1fe: {  	v2 =	vld [tilespmem:s13+$0x3A50];
	v7 =	vsel vm1, v0, v3;
	[tilespmem:s10+$0x10A50] =	vst v6  }
0x1ff: {  	v3 =	vld [tilespmem:s13+$0x3A40];
	[tilespmem:s10+$0x10A40] =	vst v7;
	s10 =	smov.u32 s13  }
0x200: {  	_ = 	snop  }
0x201: {  	vm0 =	vlt.f32 v4, $0.0e+00;
	vm1 =	vgt.f32 v4, $0.0e+00  }
0x202: {  	vm2 =	vlt.f32 v5, $0.0e+00;
	vm3 =	vgt.f32 v5, $0.0e+00;
	vm0 =	vmor vm1, vm0  }
0x203: {  	vm15 =	vmor vm3, vm2;
	v1 =	vsel vm0, v1, v2  }
0x204: {  	v0 =	vsel vm15, v0, v3;
	[tilespmem:s10+$0x10A50] =	vst v1  }
0x205: {  	[tilespmem:s10+$0x10A40] =	vst v0  }
0x206: {  	v0 =	vld [tilespmem:$0x3720]  }
0x207: {  	s10 =	simm.s32 $0x0;
	v1 =	vld [tilespmem:$0x3730]  }
0x208: {  	v4 =	vld [tilespmem:s10+$0xA270]  }
0x209: {  	v5 =	vld [tilespmem:s10+$0xA260]  }
0x20a: {  	v2 =	vld [tilespmem:s10+$0x3A70]  }
0x20b: {  	s8 =	simm.s32 $0xD00;
	v3 =	vld [tilespmem:s10+$0x3A60]  }
.LBB2_53:
0x20c: {  	p1 =	sne.s32 s8, $0xC300  }
.Ltmp25:
0x20d: {  	s13 =	sshra.s32 s8, $0x2;
	s8 =	sadd.s32 $0xD00, s8;
	vm0 =	vlt.f32 v4, $0.0e+00;
	vm1 =	vgt.f32 v4, $0.0e+00;
	(pc) =	sbr.rel @p1 .LBB2_53-.Ltmp25, $4  }
0x20e: {  	v4 =	vld [tilespmem:s13+$0xA270];
	vm2 =	vlt.f32 v5, $0.0e+00;
	vm3 =	vgt.f32 v5, $0.0e+00;
	vm0 =	vmor vm1, vm0  }
0x20f: {  	v5 =	vld [tilespmem:s13+$0xA260];
	vm1 =	vmor vm3, vm2;
	v6 =	vsel vm0, v1, v2  }
0x210: {  	v2 =	vld [tilespmem:s13+$0x3A70];
	v7 =	vsel vm1, v0, v3;
	[tilespmem:s10+$0x10A70] =	vst v6  }
0x211: {  	v3 =	vld [tilespmem:s13+$0x3A60];
	[tilespmem:s10+$0x10A60] =	vst v7;
	s10 =	smov.u32 s13  }
0x212: {  	_ = 	snop  }
0x213: {  	vm0 =	vlt.f32 v4, $0.0e+00;
	vm1 =	vgt.f32 v4, $0.0e+00  }
0x214: {  	vm2 =	vlt.f32 v5, $0.0e+00;
	vm3 =	vgt.f32 v5, $0.0e+00;
	vm0 =	vmor vm1, vm0  }
0x215: {  	s8 =	sadd.s32 s4, s7;
	vm15 =	vmor vm3, vm2;
	v1 =	vsel vm0, v1, v2  }
0x216: {  	s8 =	sshll.u32 s8, $0x2;
	v0 =	vsel vm15, v0, v3;
	[tilespmem:s10+$0x10A70] =	vst v1  }
0x217: {  	s8 =	sadd.s32 s2, s8;
	[tilespmem:s10+$0x10A60] =	vst v0  }
0x218: {  	[hbm4b:s8+s3] =	stream.linear.scatter [tilespmem:s0], [sflag:$0x3], $0x3400, $0x38;
	[tilespmem:$0x16F40] =	vst v63  }
0x219: {  	s8 =	simm.s32 @!p0 $0x4  }
0x21a: {  	p1 =	seq.s32 @!p0 s9, $0xF;
	_ =	swait.ge @!p0 [sflag:s8], $0x3400  }
0x21b: {  	p1 =	por p0, !p1;
	[sflag:s8] =	ssyncset.done @!p0 $0x0  }
0x21c: {  	s10 =	simm.s32 @p1 $0x3740;
	[sflag:s8] =	ssyncadd.s32 @!p0 $0xFFFFCC00;
	s8 =	sadd.s32 @p1 $0x340, s7  }
0x21d: {  	[tilespmem:s10], [sflag:$0x1] =	stream.indirect.gather @p1 [hbm4b:s6+s12], $0x20, s8, s12, $0xb8;
	[tilespmem:$0x16F40] =	vst v63  }
0x21e: {  	_ = 	snop  }
0x21f: {  	[tilespmem:s14], [sflag:$0x1] =	stream.indirect.gather @p1 [hbm4b:s5+s12], $0x20, s8, s12, $0xb8;
	[tilespmem:$0x16F40] =	vst v63  }
0x220: {  	s8 =	sadd.s32 @p1 $0x3A8, s7  }
0x221: {  	[tilespmem:s15], [sflag:$0x1] =	stream.indirect.gather @p1 [hbm4b:s6+s12], $0x20, s8, s12, $0xb8;
	[tilespmem:$0x16F40] =	vst v63  }
0x222: {  	_ = 	snop  }
0x223: {  	[tilespmem:s16], [sflag:$0x1] =	stream.indirect.gather @p1 [hbm4b:s5+s12], $0x20, s8, s12, $0xb8;
	[tilespmem:$0x16F40] =	vst v63  }
0x224: {  	s8 =	sadd.s32 @p1 $0x410, s7  }
0x225: {  	[tilespmem:s18], [sflag:$0x1] =	stream.indirect.gather @p1 [hbm4b:s6+s12], $0x20, s8, s12, $0xb8;
	[tilespmem:$0x16F40] =	vst v63  }
0x226: {  	_ = 	snop  }
0x227: {  	[tilespmem:s19], [sflag:$0x1] =	stream.indirect.gather @p1 [hbm4b:s5+s12], $0x20, s8, s12, $0xb8;
	[tilespmem:$0x16F40] =	vst v63  }
0x228: {  	s7 =	sadd.s32 @p1 $0x478, s7  }
0x229: {  	[tilespmem:s21], [sflag:$0x1] =	stream.indirect.gather @p1 [hbm4b:s6+s12], $0x20, s7, s12, $0xb8;
	[tilespmem:$0x16F40] =	vst v63  }
0x22a: {  	_ = 	snop  }
0x22b: {  	[tilespmem:s22], [sflag:$0x1] =	stream.indirect.gather @p1 [hbm4b:s5+s12], $0x20, s7, s12, $0xb8;
	[tilespmem:$0x16F40] =	vst v63  }
0x22c: {  	_ =	swait.ge [sflag:s11], $0x3400  }
0x22d: {  	[sflag:s11] =	ssyncset.done $0x0  }
0x22e: {  	[sflag:s11] =	ssyncadd.s32 $0xFFFFCC00  }
0x22f: {  	_ =	swait.ge [sflag:s11], $0x3400  }
0x230: {  	[sflag:s11] =	ssyncset.done $0x0  }
0x231: {  	[sflag:s11] =	ssyncadd.s32 $0xFFFFCC00  }
0x232: {  	v0 =	vld [tilespmem:$0x3400]  }
0x233: {  	s7 =	simm.s32 $0x0;
	v1 =	vld [tilespmem:$0x3410]  }
0x234: {  	v4 =	vld [tilespmem:s7+$0xD350]  }
0x235: {  	v5 =	vld [tilespmem:s7+$0xD340]  }
0x236: {  	v2 =	vld [tilespmem:s7+$0x6B50]  }
0x237: {  	s8 =	simm.s32 $0xD00;
	v3 =	vld [tilespmem:s7+$0x6B40]  }
.LBB2_55:
0x238: {  	p0 =	sne.s32 s8, $0xC300  }
.Ltmp26:
0x239: {  	s10 =	sshra.s32 s8, $0x2;
	s8 =	sadd.s32 $0xD00, s8;
	vm0 =	vlt.f32 v4, $0.0e+00;
	vm1 =	vgt.f32 v4, $0.0e+00;
	(pc) =	sbr.rel @p0 .LBB2_55-.Ltmp26, $4  }
0x23a: {  	v4 =	vld [tilespmem:s10+$0xD350];
	vm2 =	vlt.f32 v5, $0.0e+00;
	vm3 =	vgt.f32 v5, $0.0e+00;
	vm0 =	vmor vm1, vm0  }
0x23b: {  	v5 =	vld [tilespmem:s10+$0xD340];
	vm1 =	vmor vm3, vm2;
	v6 =	vsel vm0, v1, v2  }
0x23c: {  	v2 =	vld [tilespmem:s10+$0x6B50];
	v7 =	vsel vm1, v0, v3;
	[tilespmem:s7+$0x13B50] =	vst v6  }
0x23d: {  	v3 =	vld [tilespmem:s10+$0x6B40];
	[tilespmem:s7+$0x13B40] =	vst v7;
	s7 =	smov.u32 s10  }
0x23e: {  	_ = 	snop  }
0x23f: {  	vm0 =	vlt.f32 v4, $0.0e+00;
	vm1 =	vgt.f32 v4, $0.0e+00  }
0x240: {  	vm2 =	vlt.f32 v5, $0.0e+00;
	vm3 =	vgt.f32 v5, $0.0e+00;
	vm0 =	vmor vm1, vm0  }
0x241: {  	vm15 =	vmor vm3, vm2;
	v1 =	vsel vm0, v1, v2  }
0x242: {  	v0 =	vsel vm15, v0, v3;
	[tilespmem:s7+$0x13B50] =	vst v1  }
0x243: {  	[tilespmem:s7+$0x13B40] =	vst v0  }
0x244: {  	v0 =	vld [tilespmem:$0x3420]  }
0x245: {  	s7 =	simm.s32 $0x0;
	v1 =	vld [tilespmem:$0x3430]  }
0x246: {  	v4 =	vld [tilespmem:s7+$0xD370]  }
0x247: {  	v5 =	vld [tilespmem:s7+$0xD360]  }
0x248: {  	v2 =	vld [tilespmem:s7+$0x6B70]  }
0x249: {  	s8 =	simm.s32 $0xD00;
	v3 =	vld [tilespmem:s7+$0x6B60]  }
.LBB2_57:
0x24a: {  	p0 =	sne.s32 s8, $0xC300  }
.Ltmp27:
0x24b: {  	s10 =	sshra.s32 s8, $0x2;
	s8 =	sadd.s32 $0xD00, s8;
	vm0 =	vlt.f32 v4, $0.0e+00;
	vm1 =	vgt.f32 v4, $0.0e+00;
	(pc) =	sbr.rel @p0 .LBB2_57-.Ltmp27, $4  }
0x24c: {  	v4 =	vld [tilespmem:s10+$0xD370];
	vm2 =	vlt.f32 v5, $0.0e+00;
	vm3 =	vgt.f32 v5, $0.0e+00;
	vm0 =	vmor vm1, vm0  }
0x24d: {  	v5 =	vld [tilespmem:s10+$0xD360];
	vm1 =	vmor vm3, vm2;
	v6 =	vsel vm0, v1, v2  }
0x24e: {  	v2 =	vld [tilespmem:s10+$0x6B70];
	v7 =	vsel vm1, v0, v3;
	[tilespmem:s7+$0x13B70] =	vst v6  }
0x24f: {  	v3 =	vld [tilespmem:s10+$0x6B60];
	[tilespmem:s7+$0x13B60] =	vst v7;
	s7 =	smov.u32 s10  }
0x250: {  	_ = 	snop  }
0x251: {  	vm0 =	vlt.f32 v4, $0.0e+00;
	vm1 =	vgt.f32 v4, $0.0e+00  }
0x252: {  	vm2 =	vlt.f32 v5, $0.0e+00;
	vm3 =	vgt.f32 v5, $0.0e+00;
	vm0 =	vmor vm1, vm0  }
0x253: {  	vm15 =	vmor vm3, vm2;
	v1 =	vsel vm0, v1, v2  }
0x254: {  	v0 =	vsel vm15, v0, v3;
	[tilespmem:s7+$0x13B70] =	vst v1  }
0x255: {  	[tilespmem:s7+$0x13B60] =	vst v0  }
0x256: {  	v0 =	vld [tilespmem:$0x3440]  }
0x257: {  	s7 =	simm.s32 $0x0;
	v1 =	vld [tilespmem:$0x3450]  }
0x258: {  	v4 =	vld [tilespmem:s7+$0xD390]  }
0x259: {  	v5 =	vld [tilespmem:s7+$0xD380]  }
0x25a: {  	v2 =	vld [tilespmem:s7+$0x6B90]  }
0x25b: {  	s8 =	simm.s32 $0xD00;
	v3 =	vld [tilespmem:s7+$0x6B80]  }
.LBB2_59:
0x25c: {  	p0 =	sne.s32 s8, $0xC300  }
.Ltmp28:
0x25d: {  	s10 =	sshra.s32 s8, $0x2;
	s8 =	sadd.s32 $0xD00, s8;
	vm0 =	vlt.f32 v4, $0.0e+00;
	vm1 =	vgt.f32 v4, $0.0e+00;
	(pc) =	sbr.rel @p0 .LBB2_59-.Ltmp28, $4  }
0x25e: {  	v4 =	vld [tilespmem:s10+$0xD390];
	vm2 =	vlt.f32 v5, $0.0e+00;
	vm3 =	vgt.f32 v5, $0.0e+00;
	vm0 =	vmor vm1, vm0  }
0x25f: {  	v5 =	vld [tilespmem:s10+$0xD380];
	vm1 =	vmor vm3, vm2;
	v6 =	vsel vm0, v1, v2  }
0x260: {  	v2 =	vld [tilespmem:s10+$0x6B90];
	v7 =	vsel vm1, v0, v3;
	[tilespmem:s7+$0x13B90] =	vst v6  }
0x261: {  	v3 =	vld [tilespmem:s10+$0x6B80];
	[tilespmem:s7+$0x13B80] =	vst v7;
	s7 =	smov.u32 s10  }
0x262: {  	_ = 	snop  }
0x263: {  	vm0 =	vlt.f32 v4, $0.0e+00;
	vm1 =	vgt.f32 v4, $0.0e+00  }
0x264: {  	vm2 =	vlt.f32 v5, $0.0e+00;
	vm3 =	vgt.f32 v5, $0.0e+00;
	vm0 =	vmor vm1, vm0  }
0x265: {  	vm15 =	vmor vm3, vm2;
	v1 =	vsel vm0, v1, v2  }
0x266: {  	v0 =	vsel vm15, v0, v3;
	[tilespmem:s7+$0x13B90] =	vst v1  }
0x267: {  	[tilespmem:s7+$0x13B80] =	vst v0  }
0x268: {  	v0 =	vld [tilespmem:$0x3460]  }
0x269: {  	s7 =	simm.s32 $0x0;
	v1 =	vld [tilespmem:$0x3470]  }
0x26a: {  	v4 =	vld [tilespmem:s7+$0xD3B0]  }
0x26b: {  	v5 =	vld [tilespmem:s7+$0xD3A0]  }
0x26c: {  	v2 =	vld [tilespmem:s7+$0x6BB0]  }
0x26d: {  	s8 =	simm.s32 $0xD00;
	v3 =	vld [tilespmem:s7+$0x6BA0]  }
.LBB2_61:
0x26e: {  	p0 =	sne.s32 s8, $0xC300  }
.Ltmp29:
0x26f: {  	s10 =	sshra.s32 s8, $0x2;
	s8 =	sadd.s32 $0xD00, s8;
	vm0 =	vlt.f32 v4, $0.0e+00;
	vm1 =	vgt.f32 v4, $0.0e+00;
	(pc) =	sbr.rel @p0 .LBB2_61-.Ltmp29, $4  }
0x270: {  	v4 =	vld [tilespmem:s10+$0xD3B0];
	vm2 =	vlt.f32 v5, $0.0e+00;
	vm3 =	vgt.f32 v5, $0.0e+00;
	vm0 =	vmor vm1, vm0  }
0x271: {  	v5 =	vld [tilespmem:s10+$0xD3A0];
	vm1 =	vmor vm3, vm2;
	v6 =	vsel vm0, v1, v2  }
0x272: {  	v2 =	vld [tilespmem:s10+$0x6BB0];
	v7 =	vsel vm1, v0, v3;
	[tilespmem:s7+$0x13BB0] =	vst v6  }
0x273: {  	v3 =	vld [tilespmem:s10+$0x6BA0];
	[tilespmem:s7+$0x13BA0] =	vst v7;
	s7 =	smov.u32 s10  }
0x274: {  	_ = 	snop  }
0x275: {  	vm0 =	vlt.f32 v4, $0.0e+00;
	vm1 =	vgt.f32 v4, $0.0e+00  }
0x276: {  	vm2 =	vlt.f32 v5, $0.0e+00;
	vm3 =	vgt.f32 v5, $0.0e+00;
	vm0 =	vmor vm1, vm0  }
0x277: {  	vm15 =	vmor vm3, vm2;
	v1 =	vsel vm0, v1, v2  }
0x278: {  	v0 =	vsel vm15, v0, v3;
	[tilespmem:s7+$0x13BB0] =	vst v1  }
0x279: {  	[tilespmem:s7+$0x13BA0] =	vst v0  }
0x27a: {  	v0 =	vld [tilespmem:$0x3480]  }
0x27b: {  	s7 =	simm.s32 $0x0;
	v1 =	vld [tilespmem:$0x3490]  }
0x27c: {  	v4 =	vld [tilespmem:s7+$0xD3D0]  }
0x27d: {  	v5 =	vld [tilespmem:s7+$0xD3C0]  }
0x27e: {  	v2 =	vld [tilespmem:s7+$0x6BD0]  }
0x27f: {  	s8 =	simm.s32 $0xD00;
	v3 =	vld [tilespmem:s7+$0x6BC0]  }
.LBB2_63:
0x280: {  	p0 =	sne.s32 s8, $0xC300  }
.Ltmp30:
0x281: {  	s10 =	sshra.s32 s8, $0x2;
	s8 =	sadd.s32 $0xD00, s8;
	vm0 =	vlt.f32 v4, $0.0e+00;
	vm1 =	vgt.f32 v4, $0.0e+00;
	(pc) =	sbr.rel @p0 .LBB2_63-.Ltmp30, $4  }
0x282: {  	v4 =	vld [tilespmem:s10+$0xD3D0];
	vm2 =	vlt.f32 v5, $0.0e+00;
	vm3 =	vgt.f32 v5, $0.0e+00;
	vm0 =	vmor vm1, vm0  }
0x283: {  	v5 =	vld [tilespmem:s10+$0xD3C0];
	vm1 =	vmor vm3, vm2;
	v6 =	vsel vm0, v1, v2  }
0x284: {  	v2 =	vld [tilespmem:s10+$0x6BD0];
	v7 =	vsel vm1, v0, v3;
	[tilespmem:s7+$0x13BD0] =	vst v6  }
0x285: {  	v3 =	vld [tilespmem:s10+$0x6BC0];
	[tilespmem:s7+$0x13BC0] =	vst v7;
	s7 =	smov.u32 s10  }
0x286: {  	_ = 	snop  }
0x287: {  	vm0 =	vlt.f32 v4, $0.0e+00;
	vm1 =	vgt.f32 v4, $0.0e+00  }
0x288: {  	vm2 =	vlt.f32 v5, $0.0e+00;
	vm3 =	vgt.f32 v5, $0.0e+00;
	vm0 =	vmor vm1, vm0  }
0x289: {  	vm15 =	vmor vm3, vm2;
	v1 =	vsel vm0, v1, v2  }
0x28a: {  	v0 =	vsel vm15, v0, v3;
	[tilespmem:s7+$0x13BD0] =	vst v1  }
0x28b: {  	[tilespmem:s7+$0x13BC0] =	vst v0  }
0x28c: {  	v0 =	vld [tilespmem:$0x34A0]  }
0x28d: {  	s7 =	simm.s32 $0x0;
	v1 =	vld [tilespmem:$0x34B0]  }
0x28e: {  	v4 =	vld [tilespmem:s7+$0xD3F0]  }
0x28f: {  	v5 =	vld [tilespmem:s7+$0xD3E0]  }
0x290: {  	v2 =	vld [tilespmem:s7+$0x6BF0]  }
0x291: {  	s8 =	simm.s32 $0xD00;
	v3 =	vld [tilespmem:s7+$0x6BE0]  }
.LBB2_65:
0x292: {  	p0 =	sne.s32 s8, $0xC300  }
.Ltmp31:
0x293: {  	s10 =	sshra.s32 s8, $0x2;
	s8 =	sadd.s32 $0xD00, s8;
	vm0 =	vlt.f32 v4, $0.0e+00;
	vm1 =	vgt.f32 v4, $0.0e+00;
	(pc) =	sbr.rel @p0 .LBB2_65-.Ltmp31, $4  }
0x294: {  	v4 =	vld [tilespmem:s10+$0xD3F0];
	vm2 =	vlt.f32 v5, $0.0e+00;
	vm3 =	vgt.f32 v5, $0.0e+00;
	vm0 =	vmor vm1, vm0  }
0x295: {  	v5 =	vld [tilespmem:s10+$0xD3E0];
	vm1 =	vmor vm3, vm2;
	v6 =	vsel vm0, v1, v2  }
0x296: {  	v2 =	vld [tilespmem:s10+$0x6BF0];
	v7 =	vsel vm1, v0, v3;
	[tilespmem:s7+$0x13BF0] =	vst v6  }
0x297: {  	v3 =	vld [tilespmem:s10+$0x6BE0];
	[tilespmem:s7+$0x13BE0] =	vst v7;
	s7 =	smov.u32 s10  }
0x298: {  	_ = 	snop  }
0x299: {  	vm0 =	vlt.f32 v4, $0.0e+00;
	vm1 =	vgt.f32 v4, $0.0e+00  }
0x29a: {  	vm2 =	vlt.f32 v5, $0.0e+00;
	vm3 =	vgt.f32 v5, $0.0e+00;
	vm0 =	vmor vm1, vm0  }
0x29b: {  	vm15 =	vmor vm3, vm2;
	v1 =	vsel vm0, v1, v2  }
0x29c: {  	v0 =	vsel vm15, v0, v3;
	[tilespmem:s7+$0x13BF0] =	vst v1  }
0x29d: {  	[tilespmem:s7+$0x13BE0] =	vst v0  }
0x29e: {  	v0 =	vld [tilespmem:$0x34C0]  }
0x29f: {  	s7 =	simm.s32 $0x0;
	v1 =	vld [tilespmem:$0x34D0]  }
0x2a0: {  	v4 =	vld [tilespmem:s7+$0xD410]  }
0x2a1: {  	v5 =	vld [tilespmem:s7+$0xD400]  }
0x2a2: {  	v2 =	vld [tilespmem:s7+$0x6C10]  }
0x2a3: {  	s8 =	simm.s32 $0xD00;
	v3 =	vld [tilespmem:s7+$0x6C00]  }
.LBB2_67:
0x2a4: {  	p0 =	sne.s32 s8, $0xC300  }
.Ltmp32:
0x2a5: {  	s10 =	sshra.s32 s8, $0x2;
	s8 =	sadd.s32 $0xD00, s8;
	vm0 =	vlt.f32 v4, $0.0e+00;
	vm1 =	vgt.f32 v4, $0.0e+00;
	(pc) =	sbr.rel @p0 .LBB2_67-.Ltmp32, $4  }
0x2a6: {  	v4 =	vld [tilespmem:s10+$0xD410];
	vm2 =	vlt.f32 v5, $0.0e+00;
	vm3 =	vgt.f32 v5, $0.0e+00;
	vm0 =	vmor vm1, vm0  }
0x2a7: {  	v5 =	vld [tilespmem:s10+$0xD400];
	vm1 =	vmor vm3, vm2;
	v6 =	vsel vm0, v1, v2  }
0x2a8: {  	v2 =	vld [tilespmem:s10+$0x6C10];
	v7 =	vsel vm1, v0, v3;
	[tilespmem:s7+$0x13C10] =	vst v6  }
0x2a9: {  	v3 =	vld [tilespmem:s10+$0x6C00];
	[tilespmem:s7+$0x13C00] =	vst v7;
	s7 =	smov.u32 s10  }
0x2aa: {  	_ = 	snop  }
0x2ab: {  	vm0 =	vlt.f32 v4, $0.0e+00;
	vm1 =	vgt.f32 v4, $0.0e+00  }
0x2ac: {  	vm2 =	vlt.f32 v5, $0.0e+00;
	vm3 =	vgt.f32 v5, $0.0e+00;
	vm0 =	vmor vm1, vm0  }
0x2ad: {  	vm15 =	vmor vm3, vm2;
	v1 =	vsel vm0, v1, v2  }
0x2ae: {  	v0 =	vsel vm15, v0, v3;
	[tilespmem:s7+$0x13C10] =	vst v1  }
0x2af: {  	[tilespmem:s7+$0x13C00] =	vst v0  }
0x2b0: {  	v0 =	vld [tilespmem:$0x34E0]  }
0x2b1: {  	s7 =	simm.s32 $0x0;
	v1 =	vld [tilespmem:$0x34F0]  }
0x2b2: {  	v4 =	vld [tilespmem:s7+$0xD430]  }
0x2b3: {  	v5 =	vld [tilespmem:s7+$0xD420]  }
0x2b4: {  	v2 =	vld [tilespmem:s7+$0x6C30]  }
0x2b5: {  	s8 =	simm.s32 $0xD00;
	v3 =	vld [tilespmem:s7+$0x6C20]  }
.LBB2_69:
0x2b6: {  	p0 =	sne.s32 s8, $0xC300  }
.Ltmp33:
0x2b7: {  	s10 =	sshra.s32 s8, $0x2;
	s8 =	sadd.s32 $0xD00, s8;
	vm0 =	vlt.f32 v4, $0.0e+00;
	vm1 =	vgt.f32 v4, $0.0e+00;
	(pc) =	sbr.rel @p0 .LBB2_69-.Ltmp33, $4  }
0x2b8: {  	v4 =	vld [tilespmem:s10+$0xD430];
	vm2 =	vlt.f32 v5, $0.0e+00;
	vm3 =	vgt.f32 v5, $0.0e+00;
	vm0 =	vmor vm1, vm0  }
0x2b9: {  	v5 =	vld [tilespmem:s10+$0xD420];
	vm1 =	vmor vm3, vm2;
	v6 =	vsel vm0, v1, v2  }
0x2ba: {  	v2 =	vld [tilespmem:s10+$0x6C30];
	v7 =	vsel vm1, v0, v3;
	[tilespmem:s7+$0x13C30] =	vst v6  }
0x2bb: {  	v3 =	vld [tilespmem:s10+$0x6C20];
	[tilespmem:s7+$0x13C20] =	vst v7;
	s7 =	smov.u32 s10  }
0x2bc: {  	_ = 	snop  }
0x2bd: {  	vm0 =	vlt.f32 v4, $0.0e+00;
	vm1 =	vgt.f32 v4, $0.0e+00  }
0x2be: {  	vm2 =	vlt.f32 v5, $0.0e+00;
	vm3 =	vgt.f32 v5, $0.0e+00;
	vm0 =	vmor vm1, vm0  }
0x2bf: {  	vm15 =	vmor vm3, vm2;
	v1 =	vsel vm0, v1, v2  }
0x2c0: {  	v0 =	vsel vm15, v0, v3;
	[tilespmem:s7+$0x13C30] =	vst v1  }
0x2c1: {  	[tilespmem:s7+$0x13C20] =	vst v0  }
0x2c2: {  	v0 =	vld [tilespmem:$0x3500]  }
0x2c3: {  	s7 =	simm.s32 $0x0;
	v1 =	vld [tilespmem:$0x3510]  }
0x2c4: {  	v4 =	vld [tilespmem:s7+$0xD450]  }
0x2c5: {  	v5 =	vld [tilespmem:s7+$0xD440]  }
0x2c6: {  	v2 =	vld [tilespmem:s7+$0x6C50]  }
0x2c7: {  	s8 =	simm.s32 $0xD00;
	v3 =	vld [tilespmem:s7+$0x6C40]  }
.LBB2_71:
0x2c8: {  	p0 =	sne.s32 s8, $0xC300  }
.Ltmp34:
0x2c9: {  	s10 =	sshra.s32 s8, $0x2;
	s8 =	sadd.s32 $0xD00, s8;
	vm0 =	vlt.f32 v4, $0.0e+00;
	vm1 =	vgt.f32 v4, $0.0e+00;
	(pc) =	sbr.rel @p0 .LBB2_71-.Ltmp34, $4  }
0x2ca: {  	v4 =	vld [tilespmem:s10+$0xD450];
	vm2 =	vlt.f32 v5, $0.0e+00;
	vm3 =	vgt.f32 v5, $0.0e+00;
	vm0 =	vmor vm1, vm0  }
0x2cb: {  	v5 =	vld [tilespmem:s10+$0xD440];
	vm1 =	vmor vm3, vm2;
	v6 =	vsel vm0, v1, v2  }
0x2cc: {  	v2 =	vld [tilespmem:s10+$0x6C50];
	v7 =	vsel vm1, v0, v3;
	[tilespmem:s7+$0x13C50] =	vst v6  }
0x2cd: {  	v3 =	vld [tilespmem:s10+$0x6C40];
	[tilespmem:s7+$0x13C40] =	vst v7;
	s7 =	smov.u32 s10  }
0x2ce: {  	_ = 	snop  }
0x2cf: {  	vm0 =	vlt.f32 v4, $0.0e+00;
	vm1 =	vgt.f32 v4, $0.0e+00  }
0x2d0: {  	vm2 =	vlt.f32 v5, $0.0e+00;
	vm3 =	vgt.f32 v5, $0.0e+00;
	vm0 =	vmor vm1, vm0  }
0x2d1: {  	vm15 =	vmor vm3, vm2;
	v1 =	vsel vm0, v1, v2  }
0x2d2: {  	v0 =	vsel vm15, v0, v3;
	[tilespmem:s7+$0x13C50] =	vst v1  }
0x2d3: {  	[tilespmem:s7+$0x13C40] =	vst v0  }
0x2d4: {  	v0 =	vld [tilespmem:$0x3520]  }
0x2d5: {  	s7 =	simm.s32 $0x0;
	v1 =	vld [tilespmem:$0x3530]  }
0x2d6: {  	v4 =	vld [tilespmem:s7+$0xD470]  }
0x2d7: {  	v5 =	vld [tilespmem:s7+$0xD460]  }
0x2d8: {  	v2 =	vld [tilespmem:s7+$0x6C70]  }
0x2d9: {  	s8 =	simm.s32 $0xD00;
	v3 =	vld [tilespmem:s7+$0x6C60]  }
.LBB2_73:
0x2da: {  	p0 =	sne.s32 s8, $0xC300  }
.Ltmp35:
0x2db: {  	s10 =	sshra.s32 s8, $0x2;
	s8 =	sadd.s32 $0xD00, s8;
	vm0 =	vlt.f32 v4, $0.0e+00;
	vm1 =	vgt.f32 v4, $0.0e+00;
	(pc) =	sbr.rel @p0 .LBB2_73-.Ltmp35, $4  }
0x2dc: {  	v4 =	vld [tilespmem:s10+$0xD470];
	vm2 =	vlt.f32 v5, $0.0e+00;
	vm3 =	vgt.f32 v5, $0.0e+00;
	vm0 =	vmor vm1, vm0  }
0x2dd: {  	v5 =	vld [tilespmem:s10+$0xD460];
	vm1 =	vmor vm3, vm2;
	v6 =	vsel vm0, v1, v2  }
0x2de: {  	v2 =	vld [tilespmem:s10+$0x6C70];
	v7 =	vsel vm1, v0, v3;
	[tilespmem:s7+$0x13C70] =	vst v6  }
0x2df: {  	v3 =	vld [tilespmem:s10+$0x6C60];
	[tilespmem:s7+$0x13C60] =	vst v7;
	s7 =	smov.u32 s10  }
0x2e0: {  	_ = 	snop  }
0x2e1: {  	vm0 =	vlt.f32 v4, $0.0e+00;
	vm1 =	vgt.f32 v4, $0.0e+00  }
0x2e2: {  	vm2 =	vlt.f32 v5, $0.0e+00;
	vm3 =	vgt.f32 v5, $0.0e+00;
	vm0 =	vmor vm1, vm0  }
0x2e3: {  	vm15 =	vmor vm3, vm2;
	v1 =	vsel vm0, v1, v2  }
0x2e4: {  	v0 =	vsel vm15, v0, v3;
	[tilespmem:s7+$0x13C70] =	vst v1  }
0x2e5: {  	[tilespmem:s7+$0x13C60] =	vst v0  }
0x2e6: {  	v0 =	vld [tilespmem:$0x3540]  }
0x2e7: {  	s7 =	simm.s32 $0x0;
	v1 =	vld [tilespmem:$0x3550]  }
0x2e8: {  	v4 =	vld [tilespmem:s7+$0xD490]  }
0x2e9: {  	v5 =	vld [tilespmem:s7+$0xD480]  }
0x2ea: {  	v2 =	vld [tilespmem:s7+$0x6C90]  }
0x2eb: {  	s8 =	simm.s32 $0xD00;
	v3 =	vld [tilespmem:s7+$0x6C80]  }
.LBB2_75:
0x2ec: {  	p0 =	sne.s32 s8, $0xC300  }
.Ltmp36:
0x2ed: {  	s10 =	sshra.s32 s8, $0x2;
	s8 =	sadd.s32 $0xD00, s8;
	vm0 =	vlt.f32 v4, $0.0e+00;
	vm1 =	vgt.f32 v4, $0.0e+00;
	(pc) =	sbr.rel @p0 .LBB2_75-.Ltmp36, $4  }
0x2ee: {  	v4 =	vld [tilespmem:s10+$0xD490];
	vm2 =	vlt.f32 v5, $0.0e+00;
	vm3 =	vgt.f32 v5, $0.0e+00;
	vm0 =	vmor vm1, vm0  }
0x2ef: {  	v5 =	vld [tilespmem:s10+$0xD480];
	vm1 =	vmor vm3, vm2;
	v6 =	vsel vm0, v1, v2  }
0x2f0: {  	v2 =	vld [tilespmem:s10+$0x6C90];
	v7 =	vsel vm1, v0, v3;
	[tilespmem:s7+$0x13C90] =	vst v6  }
0x2f1: {  	v3 =	vld [tilespmem:s10+$0x6C80];
	[tilespmem:s7+$0x13C80] =	vst v7;
	s7 =	smov.u32 s10  }
0x2f2: {  	_ = 	snop  }
0x2f3: {  	vm0 =	vlt.f32 v4, $0.0e+00;
	vm1 =	vgt.f32 v4, $0.0e+00  }
0x2f4: {  	vm2 =	vlt.f32 v5, $0.0e+00;
	vm3 =	vgt.f32 v5, $0.0e+00;
	vm0 =	vmor vm1, vm0  }
0x2f5: {  	vm15 =	vmor vm3, vm2;
	v1 =	vsel vm0, v1, v2  }
0x2f6: {  	v0 =	vsel vm15, v0, v3;
	[tilespmem:s7+$0x13C90] =	vst v1  }
0x2f7: {  	[tilespmem:s7+$0x13C80] =	vst v0  }
0x2f8: {  	v0 =	vld [tilespmem:$0x3560]  }
0x2f9: {  	s7 =	simm.s32 $0x0;
	v1 =	vld [tilespmem:$0x3570]  }
0x2fa: {  	v4 =	vld [tilespmem:s7+$0xD4B0]  }
0x2fb: {  	v5 =	vld [tilespmem:s7+$0xD4A0]  }
0x2fc: {  	v2 =	vld [tilespmem:s7+$0x6CB0]  }
0x2fd: {  	s8 =	simm.s32 $0xD00;
	v3 =	vld [tilespmem:s7+$0x6CA0]  }
.LBB2_77:
0x2fe: {  	p0 =	sne.s32 s8, $0xC300  }
.Ltmp37:
0x2ff: {  	s10 =	sshra.s32 s8, $0x2;
	s8 =	sadd.s32 $0xD00, s8;
	vm0 =	vlt.f32 v4, $0.0e+00;
	vm1 =	vgt.f32 v4, $0.0e+00;
	(pc) =	sbr.rel @p0 .LBB2_77-.Ltmp37, $4  }
0x300: {  	v4 =	vld [tilespmem:s10+$0xD4B0];
	vm2 =	vlt.f32 v5, $0.0e+00;
	vm3 =	vgt.f32 v5, $0.0e+00;
	vm0 =	vmor vm1, vm0  }
0x301: {  	v5 =	vld [tilespmem:s10+$0xD4A0];
	vm1 =	vmor vm3, vm2;
	v6 =	vsel vm0, v1, v2  }
0x302: {  	v2 =	vld [tilespmem:s10+$0x6CB0];
	v7 =	vsel vm1, v0, v3;
	[tilespmem:s7+$0x13CB0] =	vst v6  }
0x303: {  	v3 =	vld [tilespmem:s10+$0x6CA0];
	[tilespmem:s7+$0x13CA0] =	vst v7;
	s7 =	smov.u32 s10  }
0x304: {  	_ = 	snop  }
0x305: {  	vm0 =	vlt.f32 v4, $0.0e+00;
	vm1 =	vgt.f32 v4, $0.0e+00  }
0x306: {  	vm2 =	vlt.f32 v5, $0.0e+00;
	vm3 =	vgt.f32 v5, $0.0e+00;
	vm0 =	vmor vm1, vm0  }
0x307: {  	vm15 =	vmor vm3, vm2;
	v1 =	vsel vm0, v1, v2  }
0x308: {  	v0 =	vsel vm15, v0, v3;
	[tilespmem:s7+$0x13CB0] =	vst v1  }
0x309: {  	[tilespmem:s7+$0x13CA0] =	vst v0  }
0x30a: {  	v0 =	vld [tilespmem:$0x3580]  }
0x30b: {  	s7 =	simm.s32 $0x0;
	v1 =	vld [tilespmem:$0x3590]  }
0x30c: {  	v4 =	vld [tilespmem:s7+$0xD4D0]  }
0x30d: {  	v5 =	vld [tilespmem:s7+$0xD4C0]  }
0x30e: {  	v2 =	vld [tilespmem:s7+$0x6CD0]  }
0x30f: {  	s8 =	simm.s32 $0xD00;
	v3 =	vld [tilespmem:s7+$0x6CC0]  }
.LBB2_79:
0x310: {  	p0 =	sne.s32 s8, $0xC300  }
.Ltmp38:
0x311: {  	s10 =	sshra.s32 s8, $0x2;
	s8 =	sadd.s32 $0xD00, s8;
	vm0 =	vlt.f32 v4, $0.0e+00;
	vm1 =	vgt.f32 v4, $0.0e+00;
	(pc) =	sbr.rel @p0 .LBB2_79-.Ltmp38, $4  }
0x312: {  	v4 =	vld [tilespmem:s10+$0xD4D0];
	vm2 =	vlt.f32 v5, $0.0e+00;
	vm3 =	vgt.f32 v5, $0.0e+00;
	vm0 =	vmor vm1, vm0  }
0x313: {  	v5 =	vld [tilespmem:s10+$0xD4C0];
	vm1 =	vmor vm3, vm2;
	v6 =	vsel vm0, v1, v2  }
0x314: {  	v2 =	vld [tilespmem:s10+$0x6CD0];
	v7 =	vsel vm1, v0, v3;
	[tilespmem:s7+$0x13CD0] =	vst v6  }
0x315: {  	v3 =	vld [tilespmem:s10+$0x6CC0];
	[tilespmem:s7+$0x13CC0] =	vst v7;
	s7 =	smov.u32 s10  }
0x316: {  	_ = 	snop  }
0x317: {  	vm0 =	vlt.f32 v4, $0.0e+00;
	vm1 =	vgt.f32 v4, $0.0e+00  }
0x318: {  	vm2 =	vlt.f32 v5, $0.0e+00;
	vm3 =	vgt.f32 v5, $0.0e+00;
	vm0 =	vmor vm1, vm0  }
0x319: {  	vm15 =	vmor vm3, vm2;
	v1 =	vsel vm0, v1, v2  }
0x31a: {  	v0 =	vsel vm15, v0, v3;
	[tilespmem:s7+$0x13CD0] =	vst v1  }
0x31b: {  	[tilespmem:s7+$0x13CC0] =	vst v0  }
0x31c: {  	v0 =	vld [tilespmem:$0x35A0]  }
0x31d: {  	s7 =	simm.s32 $0x0;
	v1 =	vld [tilespmem:$0x35B0]  }
0x31e: {  	v4 =	vld [tilespmem:s7+$0xD4F0]  }
0x31f: {  	v5 =	vld [tilespmem:s7+$0xD4E0]  }
0x320: {  	v2 =	vld [tilespmem:s7+$0x6CF0]  }
0x321: {  	s8 =	simm.s32 $0xD00;
	v3 =	vld [tilespmem:s7+$0x6CE0]  }
.LBB2_81:
0x322: {  	p0 =	sne.s32 s8, $0xC300  }
.Ltmp39:
0x323: {  	s10 =	sshra.s32 s8, $0x2;
	s8 =	sadd.s32 $0xD00, s8;
	vm0 =	vlt.f32 v4, $0.0e+00;
	vm1 =	vgt.f32 v4, $0.0e+00;
	(pc) =	sbr.rel @p0 .LBB2_81-.Ltmp39, $4  }
0x324: {  	v4 =	vld [tilespmem:s10+$0xD4F0];
	vm2 =	vlt.f32 v5, $0.0e+00;
	vm3 =	vgt.f32 v5, $0.0e+00;
	vm0 =	vmor vm1, vm0  }
0x325: {  	v5 =	vld [tilespmem:s10+$0xD4E0];
	vm1 =	vmor vm3, vm2;
	v6 =	vsel vm0, v1, v2  }
0x326: {  	v2 =	vld [tilespmem:s10+$0x6CF0];
	v7 =	vsel vm1, v0, v3;
	[tilespmem:s7+$0x13CF0] =	vst v6  }
0x327: {  	v3 =	vld [tilespmem:s10+$0x6CE0];
	[tilespmem:s7+$0x13CE0] =	vst v7;
	s7 =	smov.u32 s10  }
0x328: {  	_ = 	snop  }
0x329: {  	vm0 =	vlt.f32 v4, $0.0e+00;
	vm1 =	vgt.f32 v4, $0.0e+00  }
0x32a: {  	vm2 =	vlt.f32 v5, $0.0e+00;
	vm3 =	vgt.f32 v5, $0.0e+00;
	vm0 =	vmor vm1, vm0  }
0x32b: {  	vm15 =	vmor vm3, vm2;
	v1 =	vsel vm0, v1, v2  }
0x32c: {  	v0 =	vsel vm15, v0, v3;
	[tilespmem:s7+$0x13CF0] =	vst v1  }
0x32d: {  	[tilespmem:s7+$0x13CE0] =	vst v0  }
0x32e: {  	v0 =	vld [tilespmem:$0x35C0]  }
0x32f: {  	s7 =	simm.s32 $0x0;
	v1 =	vld [tilespmem:$0x35D0]  }
0x330: {  	v4 =	vld [tilespmem:s7+$0xD510]  }
0x331: {  	v5 =	vld [tilespmem:s7+$0xD500]  }
0x332: {  	v2 =	vld [tilespmem:s7+$0x6D10]  }
0x333: {  	s8 =	simm.s32 $0xD00;
	v3 =	vld [tilespmem:s7+$0x6D00]  }
.LBB2_83:
0x334: {  	p0 =	sne.s32 s8, $0xC300  }
.Ltmp40:
0x335: {  	s10 =	sshra.s32 s8, $0x2;
	s8 =	sadd.s32 $0xD00, s8;
	vm0 =	vlt.f32 v4, $0.0e+00;
	vm1 =	vgt.f32 v4, $0.0e+00;
	(pc) =	sbr.rel @p0 .LBB2_83-.Ltmp40, $4  }
0x336: {  	v4 =	vld [tilespmem:s10+$0xD510];
	vm2 =	vlt.f32 v5, $0.0e+00;
	vm3 =	vgt.f32 v5, $0.0e+00;
	vm0 =	vmor vm1, vm0  }
0x337: {  	v5 =	vld [tilespmem:s10+$0xD500];
	vm1 =	vmor vm3, vm2;
	v6 =	vsel vm0, v1, v2  }
0x338: {  	v2 =	vld [tilespmem:s10+$0x6D10];
	v7 =	vsel vm1, v0, v3;
	[tilespmem:s7+$0x13D10] =	vst v6  }
0x339: {  	v3 =	vld [tilespmem:s10+$0x6D00];
	[tilespmem:s7+$0x13D00] =	vst v7;
	s7 =	smov.u32 s10  }
0x33a: {  	_ = 	snop  }
0x33b: {  	vm0 =	vlt.f32 v4, $0.0e+00;
	vm1 =	vgt.f32 v4, $0.0e+00  }
0x33c: {  	vm2 =	vlt.f32 v5, $0.0e+00;
	vm3 =	vgt.f32 v5, $0.0e+00;
	vm0 =	vmor vm1, vm0  }
0x33d: {  	vm15 =	vmor vm3, vm2;
	v1 =	vsel vm0, v1, v2  }
0x33e: {  	v0 =	vsel vm15, v0, v3;
	[tilespmem:s7+$0x13D10] =	vst v1  }
0x33f: {  	[tilespmem:s7+$0x13D00] =	vst v0  }
0x340: {  	v0 =	vld [tilespmem:$0x35E0]  }
0x341: {  	s7 =	simm.s32 $0x0;
	v1 =	vld [tilespmem:$0x35F0]  }
0x342: {  	v4 =	vld [tilespmem:s7+$0xD530]  }
0x343: {  	v5 =	vld [tilespmem:s7+$0xD520]  }
0x344: {  	v2 =	vld [tilespmem:s7+$0x6D30]  }
0x345: {  	s8 =	simm.s32 $0xD00;
	v3 =	vld [tilespmem:s7+$0x6D20]  }
.LBB2_85:
0x346: {  	p0 =	sne.s32 s8, $0xC300  }
.Ltmp41:
0x347: {  	s10 =	sshra.s32 s8, $0x2;
	s8 =	sadd.s32 $0xD00, s8;
	vm0 =	vlt.f32 v4, $0.0e+00;
	vm1 =	vgt.f32 v4, $0.0e+00;
	(pc) =	sbr.rel @p0 .LBB2_85-.Ltmp41, $4  }
0x348: {  	v4 =	vld [tilespmem:s10+$0xD530];
	vm2 =	vlt.f32 v5, $0.0e+00;
	vm3 =	vgt.f32 v5, $0.0e+00;
	vm0 =	vmor vm1, vm0  }
0x349: {  	v5 =	vld [tilespmem:s10+$0xD520];
	vm1 =	vmor vm3, vm2;
	v6 =	vsel vm0, v1, v2  }
0x34a: {  	v2 =	vld [tilespmem:s10+$0x6D30];
	v7 =	vsel vm1, v0, v3;
	[tilespmem:s7+$0x13D30] =	vst v6  }
0x34b: {  	v3 =	vld [tilespmem:s10+$0x6D20];
	[tilespmem:s7+$0x13D20] =	vst v7;
	s7 =	smov.u32 s10  }
0x34c: {  	_ = 	snop  }
0x34d: {  	vm0 =	vlt.f32 v4, $0.0e+00;
	vm1 =	vgt.f32 v4, $0.0e+00  }
0x34e: {  	vm2 =	vlt.f32 v5, $0.0e+00;
	vm3 =	vgt.f32 v5, $0.0e+00;
	vm0 =	vmor vm1, vm0  }
0x34f: {  	vm15 =	vmor vm3, vm2;
	v1 =	vsel vm0, v1, v2  }
0x350: {  	v0 =	vsel vm15, v0, v3;
	[tilespmem:s7+$0x13D30] =	vst v1  }
0x351: {  	[tilespmem:s7+$0x13D20] =	vst v0  }
0x352: {  	v0 =	vld [tilespmem:$0x3600]  }
0x353: {  	s7 =	simm.s32 $0x0;
	v1 =	vld [tilespmem:$0x3610]  }
0x354: {  	v4 =	vld [tilespmem:s7+$0xD550]  }
0x355: {  	v5 =	vld [tilespmem:s7+$0xD540]  }
0x356: {  	v2 =	vld [tilespmem:s7+$0x6D50]  }
0x357: {  	s8 =	simm.s32 $0xD00;
	v3 =	vld [tilespmem:s7+$0x6D40]  }
.LBB2_87:
0x358: {  	p0 =	sne.s32 s8, $0xC300  }
.Ltmp42:
0x359: {  	s10 =	sshra.s32 s8, $0x2;
	s8 =	sadd.s32 $0xD00, s8;
	vm0 =	vlt.f32 v4, $0.0e+00;
	vm1 =	vgt.f32 v4, $0.0e+00;
	(pc) =	sbr.rel @p0 .LBB2_87-.Ltmp42, $4  }
0x35a: {  	v4 =	vld [tilespmem:s10+$0xD550];
	vm2 =	vlt.f32 v5, $0.0e+00;
	vm3 =	vgt.f32 v5, $0.0e+00;
	vm0 =	vmor vm1, vm0  }
0x35b: {  	v5 =	vld [tilespmem:s10+$0xD540];
	vm1 =	vmor vm3, vm2;
	v6 =	vsel vm0, v1, v2  }
0x35c: {  	v2 =	vld [tilespmem:s10+$0x6D50];
	v7 =	vsel vm1, v0, v3;
	[tilespmem:s7+$0x13D50] =	vst v6  }
0x35d: {  	v3 =	vld [tilespmem:s10+$0x6D40];
	[tilespmem:s7+$0x13D40] =	vst v7;
	s7 =	smov.u32 s10  }
0x35e: {  	_ = 	snop  }
0x35f: {  	vm0 =	vlt.f32 v4, $0.0e+00;
	vm1 =	vgt.f32 v4, $0.0e+00  }
0x360: {  	vm2 =	vlt.f32 v5, $0.0e+00;
	vm3 =	vgt.f32 v5, $0.0e+00;
	vm0 =	vmor vm1, vm0  }
0x361: {  	vm15 =	vmor vm3, vm2;
	v1 =	vsel vm0, v1, v2  }
0x362: {  	v0 =	vsel vm15, v0, v3;
	[tilespmem:s7+$0x13D50] =	vst v1  }
0x363: {  	[tilespmem:s7+$0x13D40] =	vst v0  }
0x364: {  	v0 =	vld [tilespmem:$0x3620]  }
0x365: {  	s7 =	simm.s32 $0x0;
	v1 =	vld [tilespmem:$0x3630]  }
0x366: {  	v4 =	vld [tilespmem:s7+$0xD570]  }
0x367: {  	v5 =	vld [tilespmem:s7+$0xD560]  }
0x368: {  	v2 =	vld [tilespmem:s7+$0x6D70]  }
0x369: {  	s8 =	simm.s32 $0xD00;
	v3 =	vld [tilespmem:s7+$0x6D60]  }
.LBB2_89:
0x36a: {  	p0 =	sne.s32 s8, $0xC300  }
.Ltmp43:
0x36b: {  	s10 =	sshra.s32 s8, $0x2;
	s8 =	sadd.s32 $0xD00, s8;
	vm0 =	vlt.f32 v4, $0.0e+00;
	vm1 =	vgt.f32 v4, $0.0e+00;
	(pc) =	sbr.rel @p0 .LBB2_89-.Ltmp43, $4  }
0x36c: {  	v4 =	vld [tilespmem:s10+$0xD570];
	vm2 =	vlt.f32 v5, $0.0e+00;
	vm3 =	vgt.f32 v5, $0.0e+00;
	vm0 =	vmor vm1, vm0  }
0x36d: {  	v5 =	vld [tilespmem:s10+$0xD560];
	vm1 =	vmor vm3, vm2;
	v6 =	vsel vm0, v1, v2  }
0x36e: {  	v2 =	vld [tilespmem:s10+$0x6D70];
	v7 =	vsel vm1, v0, v3;
	[tilespmem:s7+$0x13D70] =	vst v6  }
0x36f: {  	v3 =	vld [tilespmem:s10+$0x6D60];
	[tilespmem:s7+$0x13D60] =	vst v7;
	s7 =	smov.u32 s10  }
0x370: {  	_ = 	snop  }
0x371: {  	vm0 =	vlt.f32 v4, $0.0e+00;
	vm1 =	vgt.f32 v4, $0.0e+00  }
0x372: {  	vm2 =	vlt.f32 v5, $0.0e+00;
	vm3 =	vgt.f32 v5, $0.0e+00;
	vm0 =	vmor vm1, vm0  }
0x373: {  	vm15 =	vmor vm3, vm2;
	v1 =	vsel vm0, v1, v2  }
0x374: {  	v0 =	vsel vm15, v0, v3;
	[tilespmem:s7+$0x13D70] =	vst v1  }
0x375: {  	[tilespmem:s7+$0x13D60] =	vst v0  }
0x376: {  	v0 =	vld [tilespmem:$0x3640]  }
0x377: {  	s7 =	simm.s32 $0x0;
	v1 =	vld [tilespmem:$0x3650]  }
0x378: {  	v4 =	vld [tilespmem:s7+$0xD590]  }
0x379: {  	v5 =	vld [tilespmem:s7+$0xD580]  }
0x37a: {  	v2 =	vld [tilespmem:s7+$0x6D90]  }
0x37b: {  	s8 =	simm.s32 $0xD00;
	v3 =	vld [tilespmem:s7+$0x6D80]  }
.LBB2_91:
0x37c: {  	p0 =	sne.s32 s8, $0xC300  }
.Ltmp44:
0x37d: {  	s10 =	sshra.s32 s8, $0x2;
	s8 =	sadd.s32 $0xD00, s8;
	vm0 =	vlt.f32 v4, $0.0e+00;
	vm1 =	vgt.f32 v4, $0.0e+00;
	(pc) =	sbr.rel @p0 .LBB2_91-.Ltmp44, $4  }
0x37e: {  	v4 =	vld [tilespmem:s10+$0xD590];
	vm2 =	vlt.f32 v5, $0.0e+00;
	vm3 =	vgt.f32 v5, $0.0e+00;
	vm0 =	vmor vm1, vm0  }
0x37f: {  	v5 =	vld [tilespmem:s10+$0xD580];
	vm1 =	vmor vm3, vm2;
	v6 =	vsel vm0, v1, v2  }
0x380: {  	v2 =	vld [tilespmem:s10+$0x6D90];
	v7 =	vsel vm1, v0, v3;
	[tilespmem:s7+$0x13D90] =	vst v6  }
0x381: {  	v3 =	vld [tilespmem:s10+$0x6D80];
	[tilespmem:s7+$0x13D80] =	vst v7;
	s7 =	smov.u32 s10  }
0x382: {  	_ = 	snop  }
0x383: {  	vm0 =	vlt.f32 v4, $0.0e+00;
	vm1 =	vgt.f32 v4, $0.0e+00  }
0x384: {  	vm2 =	vlt.f32 v5, $0.0e+00;
	vm3 =	vgt.f32 v5, $0.0e+00;
	vm0 =	vmor vm1, vm0  }
0x385: {  	vm15 =	vmor vm3, vm2;
	v1 =	vsel vm0, v1, v2  }
0x386: {  	v0 =	vsel vm15, v0, v3;
	[tilespmem:s7+$0x13D90] =	vst v1  }
0x387: {  	[tilespmem:s7+$0x13D80] =	vst v0  }
0x388: {  	v0 =	vld [tilespmem:$0x3660]  }
0x389: {  	s7 =	simm.s32 $0x0;
	v1 =	vld [tilespmem:$0x3670]  }
0x38a: {  	v4 =	vld [tilespmem:s7+$0xD5B0]  }
0x38b: {  	v5 =	vld [tilespmem:s7+$0xD5A0]  }
0x38c: {  	v2 =	vld [tilespmem:s7+$0x6DB0]  }
0x38d: {  	s8 =	simm.s32 $0xD00;
	v3 =	vld [tilespmem:s7+$0x6DA0]  }
.LBB2_93:
0x38e: {  	p0 =	sne.s32 s8, $0xC300  }
.Ltmp45:
0x38f: {  	s10 =	sshra.s32 s8, $0x2;
	s8 =	sadd.s32 $0xD00, s8;
	vm0 =	vlt.f32 v4, $0.0e+00;
	vm1 =	vgt.f32 v4, $0.0e+00;
	(pc) =	sbr.rel @p0 .LBB2_93-.Ltmp45, $4  }
0x390: {  	v4 =	vld [tilespmem:s10+$0xD5B0];
	vm2 =	vlt.f32 v5, $0.0e+00;
	vm3 =	vgt.f32 v5, $0.0e+00;
	vm0 =	vmor vm1, vm0  }
0x391: {  	v5 =	vld [tilespmem:s10+$0xD5A0];
	vm1 =	vmor vm3, vm2;
	v6 =	vsel vm0, v1, v2  }
0x392: {  	v2 =	vld [tilespmem:s10+$0x6DB0];
	v7 =	vsel vm1, v0, v3;
	[tilespmem:s7+$0x13DB0] =	vst v6  }
0x393: {  	v3 =	vld [tilespmem:s10+$0x6DA0];
	[tilespmem:s7+$0x13DA0] =	vst v7;
	s7 =	smov.u32 s10  }
0x394: {  	_ = 	snop  }
0x395: {  	vm0 =	vlt.f32 v4, $0.0e+00;
	vm1 =	vgt.f32 v4, $0.0e+00  }
0x396: {  	vm2 =	vlt.f32 v5, $0.0e+00;
	vm3 =	vgt.f32 v5, $0.0e+00;
	vm0 =	vmor vm1, vm0  }
0x397: {  	vm15 =	vmor vm3, vm2;
	v1 =	vsel vm0, v1, v2  }
0x398: {  	v0 =	vsel vm15, v0, v3;
	[tilespmem:s7+$0x13DB0] =	vst v1  }
0x399: {  	[tilespmem:s7+$0x13DA0] =	vst v0  }
0x39a: {  	v0 =	vld [tilespmem:$0x3680]  }
0x39b: {  	s7 =	simm.s32 $0x0;
	v1 =	vld [tilespmem:$0x3690]  }
0x39c: {  	v4 =	vld [tilespmem:s7+$0xD5D0]  }
0x39d: {  	v5 =	vld [tilespmem:s7+$0xD5C0]  }
0x39e: {  	v2 =	vld [tilespmem:s7+$0x6DD0]  }
0x39f: {  	s8 =	simm.s32 $0xD00;
	v3 =	vld [tilespmem:s7+$0x6DC0]  }
.LBB2_95:
0x3a0: {  	p0 =	sne.s32 s8, $0xC300  }
.Ltmp46:
0x3a1: {  	s10 =	sshra.s32 s8, $0x2;
	s8 =	sadd.s32 $0xD00, s8;
	vm0 =	vlt.f32 v4, $0.0e+00;
	vm1 =	vgt.f32 v4, $0.0e+00;
	(pc) =	sbr.rel @p0 .LBB2_95-.Ltmp46, $4  }
0x3a2: {  	v4 =	vld [tilespmem:s10+$0xD5D0];
	vm2 =	vlt.f32 v5, $0.0e+00;
	vm3 =	vgt.f32 v5, $0.0e+00;
	vm0 =	vmor vm1, vm0  }
0x3a3: {  	v5 =	vld [tilespmem:s10+$0xD5C0];
	vm1 =	vmor vm3, vm2;
	v6 =	vsel vm0, v1, v2  }
0x3a4: {  	v2 =	vld [tilespmem:s10+$0x6DD0];
	v7 =	vsel vm1, v0, v3;
	[tilespmem:s7+$0x13DD0] =	vst v6  }
0x3a5: {  	v3 =	vld [tilespmem:s10+$0x6DC0];
	[tilespmem:s7+$0x13DC0] =	vst v7;
	s7 =	smov.u32 s10  }
0x3a6: {  	_ = 	snop  }
0x3a7: {  	vm0 =	vlt.f32 v4, $0.0e+00;
	vm1 =	vgt.f32 v4, $0.0e+00  }
0x3a8: {  	vm2 =	vlt.f32 v5, $0.0e+00;
	vm3 =	vgt.f32 v5, $0.0e+00;
	vm0 =	vmor vm1, vm0  }
0x3a9: {  	vm15 =	vmor vm3, vm2;
	v1 =	vsel vm0, v1, v2  }
0x3aa: {  	v0 =	vsel vm15, v0, v3;
	[tilespmem:s7+$0x13DD0] =	vst v1  }
0x3ab: {  	[tilespmem:s7+$0x13DC0] =	vst v0  }
0x3ac: {  	v0 =	vld [tilespmem:$0x36A0]  }
0x3ad: {  	s7 =	simm.s32 $0x0;
	v1 =	vld [tilespmem:$0x36B0]  }
0x3ae: {  	v4 =	vld [tilespmem:s7+$0xD5F0]  }
0x3af: {  	v5 =	vld [tilespmem:s7+$0xD5E0]  }
0x3b0: {  	v2 =	vld [tilespmem:s7+$0x6DF0]  }
0x3b1: {  	s8 =	simm.s32 $0xD00;
	v3 =	vld [tilespmem:s7+$0x6DE0]  }
.LBB2_97:
0x3b2: {  	p0 =	sne.s32 s8, $0xC300  }
.Ltmp47:
0x3b3: {  	s10 =	sshra.s32 s8, $0x2;
	s8 =	sadd.s32 $0xD00, s8;
	vm0 =	vlt.f32 v4, $0.0e+00;
	vm1 =	vgt.f32 v4, $0.0e+00;
	(pc) =	sbr.rel @p0 .LBB2_97-.Ltmp47, $4  }
0x3b4: {  	v4 =	vld [tilespmem:s10+$0xD5F0];
	vm2 =	vlt.f32 v5, $0.0e+00;
	vm3 =	vgt.f32 v5, $0.0e+00;
	vm0 =	vmor vm1, vm0  }
0x3b5: {  	v5 =	vld [tilespmem:s10+$0xD5E0];
	vm1 =	vmor vm3, vm2;
	v6 =	vsel vm0, v1, v2  }
0x3b6: {  	v2 =	vld [tilespmem:s10+$0x6DF0];
	v7 =	vsel vm1, v0, v3;
	[tilespmem:s7+$0x13DF0] =	vst v6  }
0x3b7: {  	v3 =	vld [tilespmem:s10+$0x6DE0];
	[tilespmem:s7+$0x13DE0] =	vst v7;
	s7 =	smov.u32 s10  }
0x3b8: {  	_ = 	snop  }
0x3b9: {  	vm0 =	vlt.f32 v4, $0.0e+00;
	vm1 =	vgt.f32 v4, $0.0e+00  }
0x3ba: {  	vm2 =	vlt.f32 v5, $0.0e+00;
	vm3 =	vgt.f32 v5, $0.0e+00;
	vm0 =	vmor vm1, vm0  }
0x3bb: {  	vm15 =	vmor vm3, vm2;
	v1 =	vsel vm0, v1, v2  }
0x3bc: {  	v0 =	vsel vm15, v0, v3;
	[tilespmem:s7+$0x13DF0] =	vst v1  }
0x3bd: {  	[tilespmem:s7+$0x13DE0] =	vst v0  }
0x3be: {  	v0 =	vld [tilespmem:$0x36C0]  }
0x3bf: {  	s7 =	simm.s32 $0x0;
	v1 =	vld [tilespmem:$0x36D0]  }
0x3c0: {  	v4 =	vld [tilespmem:s7+$0xD610]  }
0x3c1: {  	v5 =	vld [tilespmem:s7+$0xD600]  }
0x3c2: {  	v2 =	vld [tilespmem:s7+$0x6E10]  }
0x3c3: {  	s8 =	simm.s32 $0xD00;
	v3 =	vld [tilespmem:s7+$0x6E00]  }
.LBB2_99:
0x3c4: {  	p0 =	sne.s32 s8, $0xC300  }
.Ltmp48:
0x3c5: {  	s10 =	sshra.s32 s8, $0x2;
	s8 =	sadd.s32 $0xD00, s8;
	vm0 =	vlt.f32 v4, $0.0e+00;
	vm1 =	vgt.f32 v4, $0.0e+00;
	(pc) =	sbr.rel @p0 .LBB2_99-.Ltmp48, $4  }
0x3c6: {  	v4 =	vld [tilespmem:s10+$0xD610];
	vm2 =	vlt.f32 v5, $0.0e+00;
	vm3 =	vgt.f32 v5, $0.0e+00;
	vm0 =	vmor vm1, vm0  }
0x3c7: {  	v5 =	vld [tilespmem:s10+$0xD600];
	vm1 =	vmor vm3, vm2;
	v6 =	vsel vm0, v1, v2  }
0x3c8: {  	v2 =	vld [tilespmem:s10+$0x6E10];
	v7 =	vsel vm1, v0, v3;
	[tilespmem:s7+$0x13E10] =	vst v6  }
0x3c9: {  	v3 =	vld [tilespmem:s10+$0x6E00];
	[tilespmem:s7+$0x13E00] =	vst v7;
	s7 =	smov.u32 s10  }
0x3ca: {  	_ = 	snop  }
0x3cb: {  	vm0 =	vlt.f32 v4, $0.0e+00;
	vm1 =	vgt.f32 v4, $0.0e+00  }
0x3cc: {  	vm2 =	vlt.f32 v5, $0.0e+00;
	vm3 =	vgt.f32 v5, $0.0e+00;
	vm0 =	vmor vm1, vm0  }
0x3cd: {  	vm15 =	vmor vm3, vm2;
	v1 =	vsel vm0, v1, v2  }
0x3ce: {  	v0 =	vsel vm15, v0, v3;
	[tilespmem:s7+$0x13E10] =	vst v1  }
0x3cf: {  	[tilespmem:s7+$0x13E00] =	vst v0  }
0x3d0: {  	v0 =	vld [tilespmem:$0x36E0]  }
0x3d1: {  	s7 =	simm.s32 $0x0;
	v1 =	vld [tilespmem:$0x36F0]  }
0x3d2: {  	v4 =	vld [tilespmem:s7+$0xD630]  }
0x3d3: {  	v5 =	vld [tilespmem:s7+$0xD620]  }
0x3d4: {  	v2 =	vld [tilespmem:s7+$0x6E30]  }
0x3d5: {  	s8 =	simm.s32 $0xD00;
	v3 =	vld [tilespmem:s7+$0x6E20]  }
.LBB2_101:
0x3d6: {  	p0 =	sne.s32 s8, $0xC300  }
.Ltmp49:
0x3d7: {  	s10 =	sshra.s32 s8, $0x2;
	s8 =	sadd.s32 $0xD00, s8;
	vm0 =	vlt.f32 v4, $0.0e+00;
	vm1 =	vgt.f32 v4, $0.0e+00;
	(pc) =	sbr.rel @p0 .LBB2_101-.Ltmp49, $4  }
0x3d8: {  	v4 =	vld [tilespmem:s10+$0xD630];
	vm2 =	vlt.f32 v5, $0.0e+00;
	vm3 =	vgt.f32 v5, $0.0e+00;
	vm0 =	vmor vm1, vm0  }
0x3d9: {  	v5 =	vld [tilespmem:s10+$0xD620];
	vm1 =	vmor vm3, vm2;
	v6 =	vsel vm0, v1, v2  }
0x3da: {  	v2 =	vld [tilespmem:s10+$0x6E30];
	v7 =	vsel vm1, v0, v3;
	[tilespmem:s7+$0x13E30] =	vst v6  }
0x3db: {  	v3 =	vld [tilespmem:s10+$0x6E20];
	[tilespmem:s7+$0x13E20] =	vst v7;
	s7 =	smov.u32 s10  }
0x3dc: {  	_ = 	snop  }
0x3dd: {  	vm0 =	vlt.f32 v4, $0.0e+00;
	vm1 =	vgt.f32 v4, $0.0e+00  }
0x3de: {  	vm2 =	vlt.f32 v5, $0.0e+00;
	vm3 =	vgt.f32 v5, $0.0e+00;
	vm0 =	vmor vm1, vm0  }
0x3df: {  	vm15 =	vmor vm3, vm2;
	v1 =	vsel vm0, v1, v2  }
0x3e0: {  	v0 =	vsel vm15, v0, v3;
	[tilespmem:s7+$0x13E30] =	vst v1  }
0x3e1: {  	[tilespmem:s7+$0x13E20] =	vst v0  }
0x3e2: {  	v0 =	vld [tilespmem:$0x3700]  }
0x3e3: {  	s7 =	simm.s32 $0x0;
	v1 =	vld [tilespmem:$0x3710]  }
0x3e4: {  	v4 =	vld [tilespmem:s7+$0xD650]  }
0x3e5: {  	v5 =	vld [tilespmem:s7+$0xD640]  }
0x3e6: {  	v2 =	vld [tilespmem:s7+$0x6E50]  }
0x3e7: {  	s8 =	simm.s32 $0xD00;
	v3 =	vld [tilespmem:s7+$0x6E40]  }
.LBB2_103:
0x3e8: {  	p0 =	sne.s32 s8, $0xC300  }
.Ltmp50:
0x3e9: {  	s10 =	sshra.s32 s8, $0x2;
	s8 =	sadd.s32 $0xD00, s8;
	vm0 =	vlt.f32 v4, $0.0e+00;
	vm1 =	vgt.f32 v4, $0.0e+00;
	(pc) =	sbr.rel @p0 .LBB2_103-.Ltmp50, $4  }
0x3ea: {  	v4 =	vld [tilespmem:s10+$0xD650];
	vm2 =	vlt.f32 v5, $0.0e+00;
	vm3 =	vgt.f32 v5, $0.0e+00;
	vm0 =	vmor vm1, vm0  }
0x3eb: {  	v5 =	vld [tilespmem:s10+$0xD640];
	vm1 =	vmor vm3, vm2;
	v6 =	vsel vm0, v1, v2  }
0x3ec: {  	v2 =	vld [tilespmem:s10+$0x6E50];
	v7 =	vsel vm1, v0, v3;
	[tilespmem:s7+$0x13E50] =	vst v6  }
0x3ed: {  	v3 =	vld [tilespmem:s10+$0x6E40];
	[tilespmem:s7+$0x13E40] =	vst v7;
	s7 =	smov.u32 s10  }
0x3ee: {  	_ = 	snop  }
0x3ef: {  	vm0 =	vlt.f32 v4, $0.0e+00;
	vm1 =	vgt.f32 v4, $0.0e+00  }
0x3f0: {  	vm2 =	vlt.f32 v5, $0.0e+00;
	vm3 =	vgt.f32 v5, $0.0e+00;
	vm0 =	vmor vm1, vm0  }
0x3f1: {  	vm15 =	vmor vm3, vm2;
	v1 =	vsel vm0, v1, v2  }
0x3f2: {  	v0 =	vsel vm15, v0, v3;
	[tilespmem:s7+$0x13E50] =	vst v1  }
0x3f3: {  	[tilespmem:s7+$0x13E40] =	vst v0  }
0x3f4: {  	v0 =	vld [tilespmem:$0x3720]  }
0x3f5: {  	s7 =	simm.s32 $0x0;
	v1 =	vld [tilespmem:$0x3730]  }
0x3f6: {  	v4 =	vld [tilespmem:s7+$0xD670]  }
0x3f7: {  	v5 =	vld [tilespmem:s7+$0xD660]  }
0x3f8: {  	v2 =	vld [tilespmem:s7+$0x6E70]  }
0x3f9: {  	s8 =	simm.s32 $0xD00;
	v3 =	vld [tilespmem:s7+$0x6E60]  }
.LBB2_105:
0x3fa: {  	p0 =	sne.s32 s8, $0xC300  }
.Ltmp51:
0x3fb: {  	s10 =	sshra.s32 s8, $0x2;
	s8 =	sadd.s32 $0xD00, s8;
	vm0 =	vlt.f32 v4, $0.0e+00;
	vm1 =	vgt.f32 v4, $0.0e+00;
	(pc) =	sbr.rel @p0 .LBB2_105-.Ltmp51, $4  }
0x3fc: {  	v4 =	vld [tilespmem:s10+$0xD670];
	vm2 =	vlt.f32 v5, $0.0e+00;
	vm3 =	vgt.f32 v5, $0.0e+00;
	vm0 =	vmor vm1, vm0  }
0x3fd: {  	v5 =	vld [tilespmem:s10+$0xD660];
	vm1 =	vmor vm3, vm2;
	v6 =	vsel vm0, v1, v2  }
0x3fe: {  	v2 =	vld [tilespmem:s10+$0x6E70];
	v7 =	vsel vm1, v0, v3;
	[tilespmem:s7+$0x13E70] =	vst v6  }
0x3ff: {  	v3 =	vld [tilespmem:s10+$0x6E60];
	[tilespmem:s7+$0x13E60] =	vst v7;
	s7 =	smov.u32 s10  }
0x400: {  	s9 =	sadd.s32 $0x1, s9  }
0x401: {  	vm0 =	vlt.f32 v4, $0.0e+00;
	vm1 =	vgt.f32 v4, $0.0e+00;
	p0 =	sne.s32 s9, $0x10  }
.Ltmp52:
0x402: {  	s8 =	sadd.s32 s4, s20;
	vm2 =	vlt.f32 v5, $0.0e+00;
	vm3 =	vgt.f32 v5, $0.0e+00;
	vm0 =	vmor vm1, vm0;
	(pc) =	sbr.rel @p0 .LBB2_2-.Ltmp52, $4  }
0x403: {  	s8 =	sshll.u32 s8, $0x2;
	vm15 =	vmor vm3, vm2;
	v1 =	vsel vm0, v1, v2  }
0x404: {  	s8 =	sand.u32 $0x1FFFFF80, s8;
	v0 =	vsel vm15, v0, v3;
	[tilespmem:s7+$0x13E70] =	vst v1  }
0x405: {  	s20 =	sadd.s32 s2, s8;
	[tilespmem:s7+$0x13E60] =	vst v0  }
0x406: {  	[hbm4b:s20+s3] =	stream.linear.scatter [tilespmem:s17], [sflag:$0x4], $0x3400, $0x38;
	[tilespmem:$0x16F40] =	vst v63  }
0x407: {  	s7 =	simm.s32 $0x3  }
0x408: {  	_ =	swait.ge [sflag:s7], $0x3400  }
0x409: {  	[sflag:s7] =	ssyncset.done $0x0  }
0x40a: {  	s8 =	simm.s32 $0x4;
	[sflag:s7] =	ssyncadd.s32 $0xFFFFCC00  }
0x40b: {  	_ =	swait.ge [sflag:s8], $0x3400  }
0x40c: {  	s9 =	rddreg [dreg:$0x6]  }
0x40d: {  	s20 =	rddreg [dreg:$0x5];
	s9 =	sadd.s32 $0x1, s9  }
0x40e: {  	p0 =	sne.s32 s9, s20  }
.Ltmp53:
0x40f: {  	_ = 	snop;
	(pc) =	sbr.rel @p0 .LBB2_1-.Ltmp53, $3  }
0x410: {  	_ =	sdelay $0x1  }
0x411: {  	[sflag:s8] =	ssyncset.done $0x0  }
0x412: {  	[sflag:s8] =	ssyncadd.s32 $0xFFFFCC00  }
0x413: {  	_ =	sfence.sel $0x180000  }
0x414: {  	[bflag:$0x0] =	sbarrier.arrive $0xFFFF  }
0x415: {  	_ =	strace $0x9000004A  }
0x416: {  	s0 =	stileid.u32;
	[bflag:$0x2] =	sbarrier.arrive $0xFFFF  }
0x417: {  	p0 =	sne.s32 s0, $0x0;
	s0 =	rddreg [dreg:$0x2]  }
0x418: {  	s0 =	sadd.s32 @!p0 $0x100000, s0  }
0x419: {  	[sflag:s0] =	ssyncadd.tile.s32 @!p0 $0x1;
	_ =	shalt  }
.Lfunc_end2:
_tile_overlayer_lowered:
.L_overlay_start_2:
0x41a: {  	(tag) =	ssettag $0x2  }
0x41b: {  	s0 =	rddreg [dreg:$0x0];
	s2 =	stileid.u32  }
0x41c: {  	s1 =	rddreg [dreg:$0x1];
	p0 =	sne.s32 s2, $0x0  }
0x41d: {  	s3 =	rddreg [dreg:$0x2];
	[bflag:$0x3] =	sbarrier.arrive $0xFFFF;
	s2 =	simm.s32 @!p0 $0x1C05  }
0x41e: {  	[timem:s3], [sflag:s2] =	dma.local @!p0 [hbm:s0], s1  }
0x41f: {  	s0 =	simm.s32 @!p0 $0x5  }
0x420: {  	_ =	swait.ge @!p0 [sflag:s0], s1  }
0x421: {  	s1 =	ssub.s32 @!p0 $0x0, s1;
	[sflag:s0] =	ssyncset.done @!p0 $0x0  }
0x422: {  	[sflag:s0] =	ssyncadd.s32 @!p0 s1  }
0x423: {  	[bflag:$0x3] =	sbarrier.arrive $0xFFFF  }
0x424: {  	_ =	shalt  }

// kernel: sparse-core-data-format-call.1.cloned.1.call-start
scs
called_computation.1_lowered:
.L_overlay_start_0:
0x0: {  	s1 =	sld [smem:$0x3FD9]  }
0x1: {  	s2 =	sld [smem:$0x3FFE];
	_ =	sdelay $0x1  }
0x2: {  	s3 =	srdreg.scid  }
0x3: {  	s0 =	sand.u32 $0x1, s3  }
0x4: {  	s17 =	sshll.u32 s0, $0xA;
	s1 =	sadd.s32 s2, s1  }
0x5: {  	s1 =	sadd.s32 s1, s17  }
0x6: {  	[smem:$0x3FC4] =	sst s1  }
0x7: {  	_ = 	snop  }
0x8: {  	(tm) =	ssettm $0x1  }
0x9: {  	s18 =	sld [smem:$0x3FFB];
	_ =	sdelay $0x3  }
0xa: {  	_ =	strace s18  }
0xb: {  	s1 =	sld [smem:$0x3FFC];
	_ =	sdelay $0x3  }
0xc: {  	_ =	strace s1  }
0xd: {  	s1 =	sld [smem:$0x3FFD];
	_ =	sdelay $0x3  }
0xe: {  	_ =	strace s1  }
0xf: {  	_ =	strace $0x8FFFFFFF  }
0x10: {  	s19 =	sld [smem:$0x3FDB];
	_ =	sdelay $0x1  }
0x11: {  	s20 =	simm.s32 $_scs_section_size  }
0x12: {  	s4 =	simm.s32 $_size__tile_overlayer_lowered;
	s5 =	simm.s32 $_tile_overlayer_lowered  }
0x13: {  	s23 =	simm.s32 $0x1BFF;
	s22 =	sshll.u32 s5, $0x1;
	s1 =	sadd.s32 s20, s19  }
0x14: {  	s6 =	simm.s32 $0x0;
	s21 =	sshll.u32 s4, $0x1;
	s4 =	sadd.s32 s22, s1  }
0x15: {  	[timem:s6], [sflag:s23] =	dma.local [hbm:s4], s21  }
0x16: {  	_ =	swait.ge [sflag:s23], s21  }
0x17: {  	s2 =	ssub.s32 $0x0, s21;
	[sflag:s23] =	ssyncset.done $0x0  }
0x18: {  	[sflag:s23] =	ssyncadd.s32 s2;
	_ =	sdelay $0x1  }
0x19: {  	s24 =	simm.s32 $0x1B8B  }
0x1a: {  	_ =	swait.ge [sflag:s24], $0x1  }
0x1b: {  	[sflag:s24] =	ssyncset.done $0x0  }
0x1c: {  	s26 =	simm.s32 $0x1B8E;
	s25 =	sld [smem:$0x3FFE];
	[sflag:s24] =	ssyncadd.s32 $0xFFFFFFFF  }
0x1d: {  	s27 =	simm.s32 $execute0_lowered;
	[smem:$0x3FD2] =	sst s26  }
0x1e: {  	s4 =	sshll.u32 s27, $0x1;
	_ =	strace $0x80000046;
	[dreg:$0x1] =	wrdreg $0xFFFFFFFF  }
0x1f: {  	s28 =	simm.s32 $_size_execute0_lowered;
	s1 =	sadd.s32 s1, s4;
	[dreg:$0x0] =	wrdreg $0x0  }
0x20: {  	s4 =	sshll.u32 s28, $0x1;
	[dreg:$0x2] =	wrdreg s1  }
0x21: {  	[dreg:$0x3] =	wrdreg s4  }
0x22: {  	[dreg:$0x4] =	wrdreg $0xC0  }
0x23: {  	_ =	task [dreg:s6], $0x5FFFF  }
0x24: {  	[dreg:$0x1] =	wrdreg $0xFFFFFFFF  }
0x25: {  	[dreg:$0x0] =	wrdreg $0x60  }
0x26: {  	[dreg:$0x2] =	wrdreg s25  }
0x27: {  	[dreg:$0x3] =	wrdreg $0x9  }
0x28: {  	_ =	task.clear_ibuf [dreg:s6], $0x4FFFF;
	_ =	strace $0x90000046  }
0x29: {  	s29 =	simm.s32 $0x9;
	_ =	strace $0x80000048  }
0x2a: {  	_ =	swait.ge [sflag:s29], $0x1  }
0x2b: {  	[sflag:s29] =	ssyncadd.s32 $0xFFFFFFFF  }
0x2c: {  	_ =	strace $0x90000048  }
0x2d: {  	_ =	sfence  }
0x2e: {  	s30 =	sld [smem:$0x0];
	_ =	sdelay $0x2  }
0x2f: {  	s31 =	sshll.u32 s3, $0xD;
	s3 =	sshrl.u32 s3, $0x2  }
0x30: {  	s2 =	sand.u32 $0x4000, s31;
	s1 =	sadd.s32 s3, s30  }
0x31: {  	s0 =	sor.u32 s2, s0;
	s1 =	sshll.u32 s1, $0x11  }
0x32: {  	s0 =	sor.u32 s1, s0  }
0x33: {  	s0 =	sadd.s32 $0x8F2B, s0  }
0x34: {  	[sflag:s0] =	ssyncadd.remote.s32 $0x1  }
0x35: {  	_ =	sfence.sel $0xFFFF  }
0x36: {  	[dreg:$0x0] =	wrdreg $0xFFFFFFFF;
	(pc) =	sbr.abs _section_cstart, $3  }
0x37: {  	[dreg:$0x1] =	wrdreg $0xFFFFFFFF  }
0x38: {  	_ =	task.clear_ibuf [dreg:s6], $0x2FFFF;
	_ =	strace $0x9FFFFFFF  }
0x39: {  	(tm) =	ssettm $0x7FFFFFFF  }
tec
execute0_lowered:
.L_overlay_start_1:
0x0: {  	(tag) =	ssettag $0x1  }
0x1: {  	s0 =	srdreg.scid  }
0x2: {  	s5 =	rddreg [dreg:$0x0];
	s1 =	stileid.u32;
	s4 =	simm.s32 $0x1  }
0x3: {  	s6 =	simm.s32 $0x2;
	s15 =	simm.s32 $0x0;
	p0 =	por $0x0, $0x0  }
0x4: {  	s8 =	simm.s32 $0x80;
	s14 =	simm.s32 $0x0;
	s2 =	sshll.u32 s0, $0x4  }
0x5: {  	s9 =	simm.s32 $0x0;
	s10 =	simm.s32 $0x0;
	s2 =	sand.u32 $0x10, s2  }
.Ltmp0:
0x6: {  	s12 =	simm.s32 $0x0;
	s3 =	sor.u32 s1, s2;
	(pc) =	sbr.rel .LBB1_1-.Ltmp0, $4  }
0x7: {  	s0 =	rddreg [dreg:$0x1];
	_ =	strace $0x80000047;
	s3 =	sshll.u32 s3, $0x7  }
0x8: {  	s13 =	simm.s32 $0x0;
	[sflag:s4] =	ssyncpa.u1 $0x0;
	s7 =	ssub.s32 $0xF4200, s3  }
0x9: {  	s2 =	sadd.s32 $0x1000, s5;
	[sflag:s6] =	ssyncpa.u1 $0x0;
	s6 =	sshrl.u32 s7, $0xC  }
0xa: {  	s5 =	sadd.s32 $0x3D1A00, s5;
	s11 =	smov.u32 s3;
	s7 =	sadd.s32 $0x2, s6  }
.LBB1_5:
0xb: {  	p1 =	slt.u32 s13, $0x2  }
0xc: {  	s17 =	smov.u32 s15;
	p2 =	sgt.s32 @!p1 s15, $0xF41C0;
	s16 =	sshra.s32 @!p1 s15, $0x1F  }
0xd: {  	p3 =	sgt.s32 @!p1 s14, $0x60;
	s18 =	sshra.s32 @!p1 s14, $0x1F;
	p2 =	por !p2, p1  }
0xe: {  	s15 =	sand.u32 @!p1 s16, s15;
	p3 =	por !p3, p1;
	s16 =	smov.u32 s14  }
0xf: {  	s14 =	sand.u32 @!p1 s18, s14;
	s17 =	simm.s32 @p2 $0xF41C0;
	s16 =	simm.s32 @p3 $0x60  }
0x10: {  	s15 =	ssub.s32 @!p1 s17, s15;
	s14 =	ssub.s32 @!p1 s16, s14  }
0x11: {  	s18 =	smov.u32 s12;
	s16 =	sadd.s32 @!p1 $0xFFF0BE40, s15;
	s17 =	sadd.s32 @!p1 $0xFFFFFFA0, s14  }
0x12: {  	s15 =	ssub.s32 @!p1 $0xF4240, s15;
	p2 =	sgt.s32 @!p1 s16, $0x7F;
	p3 =	sgt.s32 @!p1 s17, $0x1F  }
0x13: {  	s14 =	ssub.s32 @!p1 $0x80, s14;
	p2 =	por !p2, p1;
	p3 =	por !p3, p1  }
0x14: {  	s16 =	sadd.s32 $0x1000, s11;
	s15 =	simm.s32 @!p2 $0x0;
	s14 =	simm.s32 @!p3 $0x0  }
0x15: {  	p2 =	sgt.s32 s16, $0xF423F;
	s14 =	smul.u32 @!p1 s14, s15;
	s15 =	sadd.s32 $0x20, s12  }
0x16: {  	s18 =	smov.u32 @p2 s15  }
0x17: {  	s16 =	smov.u32 @p2 s3;
	p2 =	sgt.s32 s18, $0x1F  }
0x18: {  	s18 =	simm.s32 @p2 $0x0;
	p2 =	sne.s32 s13, s7  }
.Ltmp1:
0x19: {  	p0 =	por !p0, !p0;
	s17 =	simm.s32 @!p1 $0x2;
	(pc) =	sbr.rel @!p2 .LBB1_6-.Ltmp1, $4  }
0x1a: {  	s15 =	smov.u32 s9;
	s9 =	smov.u32 s11;
	s14 =	sand.u32 @!p1 $0x3FFFFFFF, s14  }
0x1b: {  	s11 =	smov.u32 s16;
	_ =	swait.ge @!p1 [sflag:s17], s14;
	s19 =	ssub.s32 @!p1 $0x0, s14  }
0x1c: {  	s14 =	smov.u32 s10;
	s13 =	sadd.s32 $0x1, s13;
	[sflag:s17] =	ssyncset.done @!p1 $0x0  }
0x1d: {  	s10 =	smov.u32 s12;
	s12 =	smov.u32 s18;
	[sflag:s17] =	ssyncadd.s32 @!p1 s19  }
.LBB1_1:
0x1e: {  	p1 =	sgt.u32 s13, s6  }
0x1f: {  	s16 =	sshrl.u32 @!p1 s12, $0x3  }
0x20: {  	s17 =	sshll.u32 @!p1 s11, $0x3;
	s16 =	smul.u32 @!p1 $0x7A1400, s16  }
0x21: {  	s18 =	sshll.u32 @!p1 s12, $0x7;
	s17 =	sand.u32 @!p1 $0xFFFFFC00, s17  }
0x22: {  	s16 =	sadd.s32 @!p1 s16, s17;
	s17 =	sand.u32 @!p1 $0x380, s18  }
0x23: {  	s18 =	sand.u32 @!p1 $0x7F, s11;
	s16 =	sor.u32 @!p1 s17, s16  }
0x24: {  	s17 =	sor.u32 @!p1 s18, s16  }
0x25: {  	s18 =	smulhi.u32 @!p1 $0x218D6287, s17;
	_ =	sdelay $0x1  }
0x26: {  	s16 =	smulhi.u32 @!p1 $0x218D6287, s16;
	s18 =	sshrl.u32 @!p1 s18, $0x11  }
0x27: {  	s18 =	smul.u32 @!p1 $0xF4280, s18  }
0x28: {  	s19 =	sxor.u32 @!p1 $0xFFFFFFFF, s13;
	s16 =	sshrl.u32 @!p1 s16, $0x11  }
0x29: {  	s19 =	sshll.u32 @!p1 s19, $0xC;
	s16 =	sand.u32 @!p1 $0x1F, s16;
	s17 =	ssub.s32 @!p1 s17, s18  }
0x2a: {  	s16 =	smul.u32 @!p1 $0x1E850, s16;
	s18 =	sshrl.u32 @!p1 s17, $0x3;
	s17 =	sand.u32 @!p1 $0x7, s17  }
0x2b: {  	s19 =	sand.u32 @!p1 $0x1000, s19;
	s18 =	sadd.s32 @!p1 s2, s18;
	s17 =	sshll.u32 @!p1 s17, $0x12  }
0x2c: {  	s16 =	sadd.s32 @!p1 s16, s18;
	s17 =	sor.u32 @!p1 $0x400, s17;
	s18 =	simm.s32 @!p1 $0x7A1400  }
0x2d: {  	[tilespmem:s19], [sflag:$0x1] =	stream.strided.gather @!p1 [hbm4b:s16+s17], $0x1000, s18, s17, $0x38;
	[tilespmem:$0x4100] =	vst v63  }
0x2e: {  	p1 =	seq.s32 s13, $0x0  }
0x2f: {  	p2 =	sge.u32 @!p1 s13, s7  }
0x30: {  	p1 =	por p1, p2  }
.Ltmp2:
0x31: {  	_ = 	snop;
	(pc) =	sbr.rel @p1 .LBB1_5-.Ltmp2, $1  }
0x32: {  	_ =	sdelay $0x3  }
0x33: {  	s16 =	simm.s32 $0x1  }
0x34: {  	_ =	swait.ge [sflag:s4], $0x1000;
	s16 =	simm.s32 @!p0 $0x0  }
0x35: {  	[sflag:s4] =	ssyncset.done $0x0;
	s17 =	sshll.u32 s16, $0xC  }
0x36: {  	[sflag:s4] =	ssyncadd.s32 $0xFFFFF000;
	s17 =	sor.u32 $0x40, s17  }
0x37: {  	s16 =	smul.u32 $0x4200, s16;
	v0 =	vld [tilespmem:s17+$0x30]  }
0x38: {  	v1 =	vld [tilespmem:s17+$0xFFFFFFD0]  }
0x39: {  	s16 =	sshrl.u32 s16, $0x2;
	v5 =	vld [tilespmem:s17+$0xFFFFFFE0]  }
0x3a: {  	v6 =	vld [tilespmem:s17+$0xFFFFFFF0];
	s19 =	sor.u32 $0x2000, s16  }
0x3b: {  	s31 =	sand.u32 $0x1, s13;
	v4 =	vld [tilespmem:s17+$0x0];
	s18 =	sadd.s32 $0x0, s19  }
0x3c: {  	v3 =	vld [tilespmem:s17+$0x10];
	s16 =	smul.u32 $0x4200, s31;
	[tilespmem:s18+$0xE70 ss:$0x21] =	vst.msk $0xffff, v0  }
0x3d: {  	v2 =	vld [tilespmem:s17+$0x20];
	[tilespmem:s18+$0x210 ss:$0x21] =	vst.msk $0xffff, v1  }
0x3e: {  	s16 =	sshrl.u32 s16, $0x2;
	v1 =	vld [tilespmem:s17+$0xFFFFFFC0];
	[tilespmem:s18+$0x420 ss:$0x21] =	vst.msk $0xffff, v5;
	s17 =	sadd.s32 $0x80, s17  }
0x3f: {  	s20 =	simm.s32 $0x4;
	s21 =	simm.s32 $0x8;
	s16 =	sor.u32 $0x2000, s16;
	[tilespmem:s18+$0x630 ss:$0x21] =	vst.msk $0xffff, v6;
	v0 =	vld [tilespmem:s17+$0x30]  }
.LBB1_3:
0x40: {  	p1 =	sne.s32 s21, $0x7C;
	v5 =	vld [tilespmem:s17+$0xFFFFFFD0];
	[tilespmem:s18+$0x840 ss:$0x21] =	vst.msk $0xffff, v4  }
0x41: {  	v6 =	vld [tilespmem:s17+$0xFFFFFFE0];
	[tilespmem:s18+$0xA50 ss:$0x21] =	vst.msk $0xffff, v3  }
0x42: {  	s22 =	sshra.s32 s20, $0x2;
	s20 =	smov.u32 s21;
	v7 =	vld [tilespmem:s17+$0xFFFFFFF0];
	[tilespmem:s18+$0xC60 ss:$0x21] =	vst.msk $0xffff, v2  }
.Ltmp3:
0x43: {  	v4 =	vld [tilespmem:s17+$0x0];
	[tilespmem:s18+$0x0 ss:$0x21] =	vst.msk $0xffff, v1;
	s18 =	sadd.s32 s22, s19;
	(pc) =	sbr.rel @p1 .LBB1_3-.Ltmp3, $4  }
0x44: {  	v3 =	vld [tilespmem:s17+$0x10];
	[tilespmem:s18+$0xE70 ss:$0x21] =	vst.msk $0xffff, v0  }
0x45: {  	[tilespmem:s18+$0x210 ss:$0x21] =	vst.msk $0xffff, v5;
	v2 =	vld [tilespmem:s17+$0x20]  }
0x46: {  	v1 =	vld [tilespmem:s17+$0xFFFFFFC0];
	[tilespmem:s18+$0x420 ss:$0x21] =	vst.msk $0xffff, v6;
	s17 =	sadd.s32 $0x80, s17  }
0x47: {  	s21 =	sadd.s32 $0x4, s21;
	v0 =	vld [tilespmem:s17+$0x30];
	[tilespmem:s18+$0x630 ss:$0x21] =	vst.msk $0xffff, v7  }
0x48: {  	s21 =	sshll.u32 s9, $0x7;
	s22 =	sshll.u32 s10, $0x3;
	s20 =	sshra.s32 s20, $0x2  }
0x49: {  	p1 =	sgt.s32 s9, $0xF41C0;
	s30 =	sshra.s32 s9, $0x1F;
	s25 =	sshra.s32 s10, $0x1F  }
0x4a: {  	v5 =	vld [tilespmem:s17+$0xFFFFFFD0];
	s28 =	sshrl.u32 s10, $0x3;
	s23 =	sand.u32 $0xFFFFFC00, s21;
	s22 =	sand.u32 $0xFFFFFC00, s22  }
0x4b: {  	[tilespmem:s18+$0x840 ss:$0x21] =	vst.msk $0xffff, v4;
	v58 =	vld [tilespmem:s17+$0xFFFFFFE0];
	s21 =	sand.u32 $0x380, s21;
	s19 =	sadd.s32 s20, s19;
	s22 =	sadd.s32 s22, s23  }
0x4c: {  	v59 =	vld [tilespmem:s17+$0xFFFFFFF0];
	[tilespmem:s18+$0xA50 ss:$0x21] =	vst.msk $0xffff, v3;
	s29 =	sor.u32 s21, s22;
	s21 =	smov.u32 s9;
	s22 =	sand.u32 s30, s9  }
0x4d: {  	v60 =	vld [tilespmem:s17+$0x0];
	[tilespmem:s18+$0xC60 ss:$0x21] =	vst.msk $0xffff, v2;
	s30 =	sand.u32 $0x7, s10;
	s20 =	sshrl.u32 s29, $0x7;
	s21 =	simm.s32 @!p1 $0xF41C0  }
0x4e: {  	v61 =	vld [tilespmem:s17+$0x10];
	[tilespmem:s18+$0x0 ss:$0x21] =	vst.msk $0xffff, v1;
	p1 =	sgt.s32 s10, $0x60;
	s24 =	ssub.s32 s21, s22;
	s21 =	smov.u32 s10  }
0x4f: {  	v62 =	vld [tilespmem:s17+$0x20];
	[tilespmem:s19+$0xE70 ss:$0x21] =	vst.msk $0xffff, v0;
	s31 =	smulhi.u32 $0x218DEF5, s20;
	s22 =	sand.u32 s25, s10;
	s21 =	simm.s32 @!p1 $0x60  }
0x50: {  	v63 =	vld [tilespmem:s17+$0xFFFFFFC0];
	[tilespmem:s19+$0x210 ss:$0x21] =	vst.msk $0xffff, v5;
	s26 =	sadd.s32 $0xFFF0BE40, s24;
	s17 =	ssub.s32 $0xF4240, s24;
	s21 =	ssub.s32 s21, s22  }
0x51: {  	[tilespmem:s19+$0x420 ss:$0x21] =	vst.msk $0xffff, v58;
	s23 =	sshrl.u32 s31, $0xD;
	p1 =	sgt.s32 s26, $0x7F;
	s27 =	sadd.s32 $0xFFFFFFA0, s21  }
0x52: {  	[tilespmem:s19+$0x630 ss:$0x21] =	vst.msk $0xffff, v59;
	s23 =	smul.u32 $0xF4240, s23;
	s18 =	ssub.s32 $0x80, s21;
	p2 =	sgt.s32 s27, $0x1F  }
.Ltmp4:
0x53: {  	[tilespmem:s19+$0x840 ss:$0x21] =	vst.msk $0xffff, v60;
	s17 =	simm.s32 @p1 $0x0;
	s18 =	simm.s32 @p2 $0x0;
	(pc) =	sbr.rel .LBB1_5-.Ltmp4, $4  }
0x54: {  	s29 =	sand.u32 $0xF, s28;
	[tilespmem:s19+$0xA50 ss:$0x21] =	vst.msk $0xffff, v61;
	s20 =	ssub.s32 s20, s23;
	s17 =	smul.u32 s18, s17  }
0x55: {  	[tilespmem:s19+$0xC60 ss:$0x21] =	vst.msk $0xffff, v62;
	s21 =	sshll.u32 s30, $0x12;
	s20 =	sshll.u32 s20, $0x4;
	s18 =	sadd.s32 s5, s29  }
0x56: {  	[tilespmem:s19+$0x0 ss:$0x21] =	vst.msk $0xffff, v63;
	s31 =	sor.u32 $0x20, s21;
	s18 =	sadd.s32 s20, s18;
	s17 =	sand.u32 $0x3FFFFFFF, s17  }
0x57: {  	[hbm4b:s18+s31] =	stream.strided.scatter [tilespmem:s16], [sflag:$0x2], s17, s8, s31, $0x10;
	[tilespmem:$0x4100] =	vst v63  }
.LBB1_6:
0x58: {  	_ =	sfence.sel $0x180000  }
0x59: {  	s2 =	simm.s32 $0x1;
	[bflag:$0x0] =	sbarrier.arrive $0xFFFF  }
0x5a: {  	s31 =	simm.s32 $0x2;
	[sflag:s2] =	ssyncpa.u1 $0x1  }
0x5b: {  	[sflag:s31] =	ssyncpa.u1 $0x1  }
0x5c: {  	p0 =	sne.s32 s1, $0x0;
	_ =	strace $0x90000047  }
0x5d: {  	s0 =	sadd.s32 @!p0 $0x100000, s0;
	[bflag:$0x2] =	sbarrier.arrive $0xFFFF  }
0x5e: {  	[sflag:s0] =	ssyncadd.tile.s32 @!p0 $0x1;
	_ =	shalt  }
.Lfunc_end1:
_tile_overlayer_lowered:
.L_overlay_start_2:
0x5f: {  	(tag) =	ssettag $0x2  }
0x60: {  	s0 =	rddreg [dreg:$0x0];
	s2 =	stileid.u32  }
0x61: {  	s1 =	rddreg [dreg:$0x1];
	p0 =	sne.s32 s2, $0x0  }
0x62: {  	s3 =	rddreg [dreg:$0x2];
	[bflag:$0x3] =	sbarrier.arrive $0xFFFF;
	s2 =	simm.s32 @!p0 $0x1C01  }
0x63: {  	[timem:s3], [sflag:s2] =	dma.local @!p0 [hbm:s0], s1  }
0x64: {  	s0 =	simm.s32 @!p0 $0x1  }
0x65: {  	_ =	swait.ge @!p0 [sflag:s0], s1  }
0x66: {  	s1 =	ssub.s32 @!p0 $0x0, s1;
	[sflag:s0] =	ssyncset.done @!p0 $0x0  }
0x67: {  	[sflag:s0] =	ssyncadd.s32 @!p0 s1  }
0x68: {  	[bflag:$0x3] =	sbarrier.arrive $0xFFFF  }
0x69: {  	_ =	shalt  }

// kernel: sparse-core-data-format-call.cloned.1.call-start
scs
called_computation_lowered:
.L_overlay_start_0:
0x0: {  	s2 =	sld [smem:$0x3FD9]  }
0x1: {  	s3 =	sld [smem:$0x3FFE];
	_ =	sdelay $0x1  }
0x2: {  	s1 =	srdreg.scid  }
0x3: {  	s0 =	sand.u32 $0x1, s1  }
0x4: {  	s18 =	sshll.u32 s0, $0xA;
	s2 =	sadd.s32 s3, s2  }
0x5: {  	s2 =	sadd.s32 s2, s18  }
0x6: {  	[smem:$0x3FC4] =	sst s2  }
0x7: {  	_ = 	snop  }
0x8: {  	s2 =	sld [smem:$0x3FD0];
	(tm) =	ssettm $0x1  }
0x9: {  	s19 =	sld [smem:$0x3FFB];
	_ =	sdelay $0x3  }
0xa: {  	_ =	strace s19  }
0xb: {  	s3 =	sld [smem:$0x3FFC];
	_ =	sdelay $0x3  }
0xc: {  	_ =	strace s3  }
0xd: {  	s3 =	sld [smem:$0x3FFD];
	_ =	sdelay $0x3  }
0xe: {  	_ =	strace s3  }
0xf: {  	_ =	strace $0x8FFFFFFF  }
0x10: {  	s20 =	sld [smem:$0x3FDB];
	_ =	sdelay $0x1  }
0x11: {  	s4 =	simm.s32 $_scs_section_size  }
0x12: {  	s5 =	simm.s32 $_size__tile_overlayer_lowered;
	s6 =	simm.s32 $_tile_overlayer_lowered  }
0x13: {  	s23 =	simm.s32 $0x1BFF;
	s22 =	sshll.u32 s6, $0x1;
	s3 =	sadd.s32 s4, s20  }
0x14: {  	s7 =	simm.s32 $0x0;
	s21 =	sshll.u32 s5, $0x1;
	s5 =	sadd.s32 s22, s3  }
0x15: {  	[timem:s7], [sflag:s23] =	dma.local [hbm:s5], s21  }
0x16: {  	_ =	swait.ge [sflag:s23], s21  }
0x17: {  	s4 =	ssub.s32 $0x0, s21;
	[sflag:s23] =	ssyncset.done $0x0  }
0x18: {  	[sflag:s23] =	ssyncadd.s32 s4;
	_ =	sdelay $0x1  }
0x19: {  	s24 =	simm.s32 $0x1B8B  }
0x1a: {  	_ =	swait.ge [sflag:s24], $0x1  }
0x1b: {  	[sflag:s24] =	ssyncset.done $0x0  }
0x1c: {  	s26 =	simm.s32 $0x1B8E;
	s25 =	sld [smem:$0x3FFE];
	[sflag:s24] =	ssyncadd.s32 $0xFFFFFFFF  }
0x1d: {  	s27 =	simm.s32 $execute0_lowered;
	[smem:$0x3FD2] =	sst s26  }
0x1e: {  	s5 =	sshll.u32 s27, $0x1;
	_ =	strace $0x8000004C;
	[dreg:$0x1] =	wrdreg $0xFFFFFFFF  }
0x1f: {  	s28 =	simm.s32 $_size_execute0_lowered;
	s3 =	sadd.s32 s3, s5;
	[dreg:$0x0] =	wrdreg $0x0  }
0x20: {  	s5 =	sshll.u32 s28, $0x1;
	[dreg:$0x2] =	wrdreg s3  }
0x21: {  	[dreg:$0x3] =	wrdreg s5  }
0x22: {  	[dreg:$0x4] =	wrdreg $0xC0  }
0x23: {  	_ =	task [dreg:s7], $0x5FFFF  }
0x24: {  	[dreg:$0x1] =	wrdreg $0xFFFFFFFF  }
0x25: {  	[dreg:$0x0] =	wrdreg $0x60  }
0x26: {  	[dreg:$0x2] =	wrdreg s25  }
0x27: {  	[dreg:$0x3] =	wrdreg s2  }
0x28: {  	[dreg:$0x4] =	wrdreg $0x9  }
0x29: {  	_ =	task.clear_ibuf [dreg:s7], $0x5FFFF;
	_ =	strace $0x9000004C  }
0x2a: {  	s29 =	simm.s32 $0x9;
	_ =	strace $0x8000004E  }
0x2b: {  	_ =	swait.ge [sflag:s29], $0x1  }
0x2c: {  	[sflag:s29] =	ssyncadd.s32 $0xFFFFFFFF  }
0x2d: {  	_ =	strace $0x9000004E  }
0x2e: {  	_ =	sfence  }
0x2f: {  	s30 =	sld [smem:$0x0];
	_ =	sdelay $0x2  }
0x30: {  	s31 =	sshll.u32 s1, $0xD;
	s1 =	sshrl.u32 s1, $0x2  }
0x31: {  	s3 =	sand.u32 $0x4000, s31;
	s1 =	sadd.s32 s1, s30  }
0x32: {  	s0 =	sor.u32 s3, s0;
	s1 =	sshll.u32 s1, $0x11  }
0x33: {  	s0 =	sor.u32 s1, s0  }
0x34: {  	s0 =	sadd.s32 $0x8F2B, s0  }
0x35: {  	[sflag:s0] =	ssyncadd.remote.s32 $0x1  }
0x36: {  	_ =	sfence.sel $0xFFFF  }
0x37: {  	[dreg:$0x0] =	wrdreg $0xFFFFFFFF;
	(pc) =	sbr.abs _section_cstart, $3  }
0x38: {  	[dreg:$0x1] =	wrdreg $0xFFFFFFFF  }
0x39: {  	_ =	task.clear_ibuf [dreg:s7], $0x2FFFF;
	_ =	strace $0x9FFFFFFF  }
0x3a: {  	(tm) =	ssettm $0x7FFFFFFF  }
0x3b: {  	_ =	shalt  }
tec
execute0_lowered:
.L_overlay_start_1:
0x0: {  	(tag) =	ssettag $0x1  }
0x1: {  	s0 =	srdreg.scid  }
0x2: {  	s1 =	sshll.u32 s0, $0x4  }
0x3: {  	s0 =	stileid.u32;
	s1 =	sand.u32 $0x10, s1  }
0x4: {  	s1 =	sor.u32 s0, s1  }
0x5: {  	s6 =	rddreg [dreg:$0x0];
	s4 =	simm.s32 $0x1;
	s2 =	sshll.u32 s1, $0x7  }
0x6: {  	s7 =	simm.s32 $0x2;
	s12 =	simm.s32 $0x0;
	s1 =	ssub.s32 $0x4000, s2  }
0x7: {  	s8 =	simm.s32 $0x20000;
	s13 =	simm.s32 $0x0;
	s3 =	sand.u32 $0xF80, s1  }
0x8: {  	s9 =	simm.s32 $0x0;
	s5 =	sshrl.u32 s1, $0xC;
	p0 =	sne.s32 s3, $0x0  }
.Ltmp0:
0x9: {  	s1 =	rddreg [dreg:$0x2];
	s4 =	simm.s32 @!p0 $0x0;
	(pc) =	sbr.rel .LBB1_1-.Ltmp0, $4  }
0xa: {  	s11 =	simm.s32 $0x0;
	s3 =	rddreg [dreg:$0x1];
	s5 =	sadd.s32 s4, s5  }
0xb: {  	_ =	strace $0x8000004D;
	s4 =	simm.s32 $0x1;
	s5 =	smul.u32 $0x1A, s5  }
0xc: {  	s6 =	sadd.s32 $0x1000, s6;
	s10 =	smov.u32 s2;
	[sflag:s4] =	ssyncpa.u1 $0x0  }
0xd: {  	p0 =	por $0x0, $0x0;
	[sflag:s7] =	ssyncpa.u1 $0x0;
	s7 =	sor.u32 $0x1, s5  }
.LBB1_4:
0xe: {  	s16 =	sshll.u32 s13, $0x3;
	s17 =	sand.u32 $0x78, s13  }
0xf: {  	s30 =	sand.u32 $0xF800, s13;
	s12 =	sshll.u32 s12, $0x10;
	s16 =	sand.u32 $0x3C00, s16  }
0x10: {  	s31 =	sand.u32 $0x7, s13;
	s16 =	sor.u32 s17, s16;
	s17 =	sadd.s32 s3, s30  }
0x11: {  	s13 =	sshll.u32 s31, $0x12;
	s16 =	sshrl.u32 s16, $0x3;
	s12 =	sadd.s32 s12, s17  }
0x12: {  	[tilespmem:s15+$0x0 ss:$0x81] =	vst.msk $0xffff, v0;
	s13 =	sor.u32 $0x400, s13;
	s12 =	sadd.s32 s16, s12  }
0x13: {  	[hbm4b:s12+s13] =	stream.strided.scatter [tilespmem:s14], [sflag:$0x2], $0x1000, s8, s13, $0x20;
	[tilespmem:$0x4040] =	vst v63  }
.LBB1_5:
0x14: {  	s14 =	sadd.s32 $0x1, s9  }
0x15: {  	s12 =	sadd.s32 $0x1000, s10;
	s16 =	smov.u32 s10;
	p2 =	sgt.s32 s14, $0x19  }
0x16: {  	s16 =	smov.u32 @p2 s12  }
0x17: {  	s14 =	simm.s32 @p2 $0x0;
	p2 =	sgt.s32 s16, $0x3FFF  }
0x18: {  	s16 =	smov.u32 @p2 s2;
	p2 =	sne.s32 s11, s7  }
.Ltmp1:
0x19: {  	p1 =	slt.u32 s11, $0x2;
	(pc) =	sbr.rel @!p2 .LBB1_6-.Ltmp1, $4  }
0x1a: {  	s15 =	simm.s32 @!p1 $0x2  }
0x1b: {  	s13 =	smov.u32 s10;
	p0 =	por !p0, !p0;
	_ =	swait.ge @!p1 [sflag:s15], $0x1000  }
0x1c: {  	s12 =	smov.u32 s9;
	[sflag:s15] =	ssyncset.done @!p1 $0x0;
	s9 =	smov.u32 s14  }
0x1d: {  	s11 =	sadd.s32 $0x1, s11;
	[sflag:s15] =	ssyncadd.s32 @!p1 $0xFFFFF000;
	s10 =	smov.u32 s16  }
.LBB1_1:
0x1e: {  	p1 =	sge.u32 s11, s5  }
0x1f: {  	s31 =	sadd.s32 $0xFFFFFFFF, s11;
	s14 =	sxor.u32 @!p1 $0xFFFFFFFF, s11  }
0x20: {  	s15 =	sshll.u32 @!p1 s10, $0x9;
	s16 =	sshll.u32 @!p1 s9, $0x4;
	s17 =	simm.s32 @!p1 $0x1000  }
0x21: {  	s14 =	sshll.u32 @!p1 s14, $0xC;
	s16 =	sand.u32 @!p1 $0x1F0, s16;
	s15 =	sadd.s32 @!p1 s6, s15  }
0x22: {  	s14 =	sand.u32 @!p1 $0x1000, s14;
	s15 =	sadd.s32 @!p1 s16, s15;
	s16 =	simm.s32 @!p1 $0x20  }
0x23: {  	[tilespmem:s14], [sflag:$0x1] =	stream.strided.gather @!p1 [hbm4b:s15+s16], $0x1000, s17, s16, $0x38;
	[tilespmem:$0x4040] =	vst v63  }
0x24: {  	p1 =	sge.u32 s31, s5  }
.Ltmp2:
0x25: {  	_ = 	snop;
	(pc) =	sbr.rel @p1 .LBB1_5-.Ltmp2, $1  }
0x26: {  	_ =	sdelay $0x3  }
0x27: {  	s14 =	simm.s32 $0x1  }
0x28: {  	_ =	swait.ge [sflag:s4], $0x1000;
	s14 =	simm.s32 @!p0 $0x0  }
0x29: {  	[sflag:s4] =	ssyncset.done $0x0;
	s15 =	sshll.u32 s14, $0xC  }
0x2a: {  	[sflag:s4] =	ssyncadd.s32 $0xFFFFF000;
	s18 =	sor.u32 $0x10, s15  }
0x2b: {  	s14 =	smul.u32 $0x4080, s14;
	v1 =	vld [tilespmem:s18+$0x0]  }
0x2c: {  	s30 =	sand.u32 $0x1, s11;
	v0 =	vld [tilespmem:s18+$0xFFFFFFF0]  }
0x2d: {  	s15 =	smul.u32 $0x4080, s30;
	s14 =	sshrl.u32 s14, $0x2  }
0x2e: {  	s16 =	sor.u32 $0x2000, s14  }
0x2f: {  	s31 =	sshrl.u32 s15, $0x2;
	s15 =	sadd.s32 $0x0, s16  }
0x30: {  	s17 =	simm.s32 $0x4;
	s18 =	sadd.s32 $0x20, s18;
	s14 =	sor.u32 $0x2000, s31;
	[tilespmem:s15+$0x810 ss:$0x81] =	vst.msk $0xffff, v1  }
.LBB1_3:
0x31: {  	v1 =	vld [tilespmem:s18+$0x0];
	p1 =	sne.s32 s17, $0x1FC;
	[tilespmem:s15+$0x0 ss:$0x81] =	vst.msk $0xffff, v0;
	s15 =	smov.u32 s17;
	s17 =	sadd.s32 $0x4, s17  }
.Ltmp3:
0x32: {  	v0 =	vld [tilespmem:s18+$0xFFFFFFF0];
	(pc) =	sbr.rel @p1 .LBB1_3-.Ltmp3, $4  }
0x33: {  	_ = 	snop  }
0x34: {  	s15 =	sshra.s32 s15, $0x2  }
0x35: {  	s15 =	sadd.s32 s15, s16  }
0x36: {  	s18 =	sadd.s32 $0x20, s18;
	[tilespmem:s15+$0x810 ss:$0x81] =	vst.msk $0xffff, v1  }
.Ltmp4:
0x37: {  	_ = 	snop;
	(pc) =	sbr.rel .LBB1_4-.Ltmp4, $1  }
0x38: {  	_ =	sdelay $0x3  }
.LBB1_6:
0x39: {  	_ =	sfence.sel $0x180000  }
0x3a: {  	s2 =	simm.s32 $0x1;
	[bflag:$0x0] =	sbarrier.arrive $0xFFFF  }
0x3b: {  	s31 =	simm.s32 $0x2;
	[sflag:s2] =	ssyncpa.u1 $0x1  }
0x3c: {  	[sflag:s31] =	ssyncpa.u1 $0x1  }
0x3d: {  	p0 =	sne.s32 s0, $0x0;
	_ =	strace $0x9000004D  }
0x3e: {  	s0 =	sadd.s32 @!p0 $0x100000, s1;
	[bflag:$0x2] =	sbarrier.arrive $0xFFFF  }
0x3f: {  	[sflag:s0] =	ssyncadd.tile.s32 @!p0 $0x1;
	_ =	shalt  }
.Lfunc_end1:
_tile_overlayer_lowered:
.L_overlay_start_2:
0x40: {  	(tag) =	ssettag $0x2  }
0x41: {  	s0 =	rddreg [dreg:$0x0];
	s2 =	stileid.u32  }
0x42: {  	s1 =	rddreg [dreg:$0x1];
	p0 =	sne.s32 s2, $0x0  }
0x43: {  	s3 =	rddreg [dreg:$0x2];
	[bflag:$0x3] =	sbarrier.arrive $0xFFFF;
	s2 =	simm.s32 @!p0 $0x1C01  }
0x44: {  	[timem:s3], [sflag:s2] =	dma.local @!p0 [hbm:s0], s1  }
0x45: {  	s0 =	simm.s32 @!p0 $0x1  }
0x46: {  	_ =	swait.ge @!p0 [sflag:s0], s1  }
0x47: {  	s1 =	ssub.s32 @!p0 $0x0, s1;
	[sflag:s0] =	ssyncset.done @!p0 $0x0  }
0x48: {  	[sflag:s0] =	ssyncadd.s32 @!p0 s1  }
0x49: {  	[bflag:$0x3] =	sbarrier.arrive $0xFFFF  }
0x4a: {  	_ =	shalt  }

</sc_bundles>
